<compile_context>
chip_gen: v7x
topology: tpu7x:2x2x1
jax: 0.10.2.dev20260603
libtpu: 0.0.44.dev20260713+nightly
codegen_flags: <defaults>
</compile_context>

<pallas_src>
import functools

import jax
import jax.numpy as jnp
from jax import lax
from jax.experimental import pallas as pl
from jax.experimental.pallas import tpu as pltpu
from jax.experimental.pallas import tpu_sc as plsc

NC = 2
NS = 16
NW = NC * NS
CH = 250
DEGW = 8



ZCH = 128


NBUF = 2


def _emit_prop_job(c, s, refs, hbm, NCH, RPT, do_deg):
  (src_v, dst_v, rows_v, zrow_v, ones_v, acc_sh, deg_sh,
   gsems, ssems, dsem) = refs
  (src_hbm, dst_hbm, g_hbm, ones_hbm, zdeg_hbm, out_hbm, deg_hbm) = hbm
  g_tab = g_hbm.at[c]
  NITER = NCH // NBUF
  ZREP = RPT // ZCH
  row0 = s * RPT

  for k in range(ZREP):
    pltpu.async_copy(zrow_v, acc_sh.at[pl.ds(row0 + k * ZCH, ZCH)], dsem)
    if do_deg:
      pltpu.async_copy(zdeg_hbm, deg_sh.at[pl.ds(row0 + k * ZCH, ZCH)], dsem)

  pltpu.sync_copy(src_hbm.at[s], src_v)
  pltpu.sync_copy(dst_hbm.at[s], dst_v)

  def start_gather(k, b):
    pltpu.async_copy(g_tab.at[src_v.at[k]], rows_v.at[b], gsems[b])

  for b in range(NBUF):
    start_gather(b, b)
  if do_deg:
    pltpu.sync_copy(ones_hbm, ones_v)

  for k in range(ZREP):
    pltpu.make_async_copy(zrow_v, acc_sh.at[pl.ds(row0 + k * ZCH, ZCH)],
                          dsem).wait()
    if do_deg:
      pltpu.make_async_copy(zdeg_hbm, deg_sh.at[pl.ds(row0 + k * ZCH, ZCH)],
                            dsem).wait()
  plsc.subcore_barrier()

  def pipe_body(j, carry):
    base = j * NBUF
    for b in range(NBUF):
      k = base + b
      pltpu.make_async_copy(g_tab.at[src_v.at[k]], rows_v.at[b],
                            gsems[b]).wait()
      pltpu.async_copy(rows_v.at[b], acc_sh.at[dst_v.at[k]], ssems[b],
                       add=True)
      if do_deg:
        @pl.when((c == 0) == (k < NCH // 2))
        def _():
          pltpu.async_copy(ones_v, deg_sh.at[dst_v.at[k]], dsem,
                           add=True).wait()
      pltpu.make_async_copy(rows_v.at[b], acc_sh.at[dst_v.at[k]],
                            ssems[b]).wait()

      @pl.when(j < NITER - 1)
      def _():
        start_gather(k + NBUF, b)
    return carry

  lax.fori_loop(0, NITER, pipe_body, 0)
  plsc.subcore_barrier()

  pltpu.sync_copy(acc_sh.at[pl.ds(row0, RPT)],
                  out_hbm.at[c, pl.ds(row0, RPT), :])
  if do_deg:
    pltpu.sync_copy(deg_sh.at[pl.ds(row0, RPT)],
                    deg_hbm.at[c, pl.ds(row0, RPT), :])


def _prop_scratch(NCH, DH, NP):
  return [
      pltpu.VMEM((NCH, CH), jnp.int32),
      pltpu.VMEM((NCH, CH), jnp.int32),
      pltpu.VMEM((NBUF, CH, DH), jnp.float32),
      pltpu.VMEM((ZCH, DH), jnp.float32),
      pltpu.VMEM((CH, DEGW), jnp.float32),
      pltpu.VMEM_SHARED((NP, DH), jnp.float32),
      pltpu.VMEM_SHARED((NP, DEGW), jnp.float32),
  ] + [pltpu.SemaphoreType.DMA] * (2 * NBUF + 1)


def _fill_zrow(zrow_v, DH):
  z16 = jnp.zeros((16,), jnp.float32)

  def fill_z(i, carry):
    for j in range(DH // 16):
      zrow_v[i, pl.ds(j * 16, 16)] = z16
    return carry

  lax.fori_loop(0, ZCH, fill_z, 0)


@functools.lru_cache(maxsize=None)
def _make_prop(NT, NP, D, E, with_deg):
  DH = D // 2
  assert E % (NS * CH) == 0
  NCH = E // (NS * CH)
  assert NCH % NBUF == 0
  assert NP % (NS * ZCH) == 0
  RPT = NP // NS

  mesh = plsc.VectorSubcoreMesh(core_axis_name="c", subcore_axis_name="s")
  out_type = [jax.ShapeDtypeStruct((NC, NP, DH), jnp.float32)]
  if with_deg:
    out_type.append(jax.ShapeDtypeStruct((NC, NP, DEGW), jnp.float32))

  def body(src_hbm, dst_hbm, g_hbm, *rest):
    if with_deg:
      ones_hbm, zdeg_hbm = rest[0], rest[1]
      out_hbm, deg_hbm = rest[2], rest[3]
      scr = rest[4:]
    else:
      ones_hbm = zdeg_hbm = deg_hbm = None
      out_hbm = rest[0]
      scr = rest[1:]
    refs = tuple(scr[:7]) + (scr[7:7 + NBUF], scr[7 + NBUF:7 + 2 * NBUF],
                             scr[7 + 2 * NBUF])
    c = lax.axis_index("c")
    s = lax.axis_index("s")
    _fill_zrow(refs[3], DH)
    _emit_prop_job(c, s, refs,
                   (src_hbm, dst_hbm, g_hbm, ones_hbm, zdeg_hbm, out_hbm,
                    deg_hbm), NCH, RPT, with_deg)

  return pl.kernel(body, out_type=out_type, mesh=mesh,
                   scratch_types=_prop_scratch(NCH, DH, NP),
                   compiler_params=pltpu.CompilerParams(
                       use_tc_tiling_on_sc=False),
                   name="sc_prop_deg" if with_deg else "sc_prop")



@functools.lru_cache(maxsize=None)
def _make_combine(N, D, OUT, BN, split_out):
  assert N % BN == 0

  DH = D // 2
  OH = OUT // 2

  def body(acc_ref, deg_ref, w_ref, b_ref, o_ref):
    deg = deg_ref[0, :, 0:1] + deg_ref[1, :, 0:1]
    scale = 1.0 / jnp.maximum(deg, 1.0)
    a0 = acc_ref[0] * scale
    a1 = acc_ref[1] * scale
    g = jnp.maximum(
        jnp.dot(a0, w_ref[:DH, :], preferred_element_type=jnp.float32)
        + jnp.dot(a1, w_ref[DH:, :], preferred_element_type=jnp.float32)
        + b_ref[...], 0.0)
    if split_out:
      o_ref[0] = g[:, :OH]
      o_ref[1] = g[:, OH:]
    else:
      o_ref[...] = g

  if split_out:
    out_spec = pl.BlockSpec((NC, BN, OH), lambda i: (0, i, 0))
    out_shape = jax.ShapeDtypeStruct((NC, N, OH), jnp.float32)
  else:
    out_spec = pl.BlockSpec((BN, OUT), lambda i: (i, 0))
    out_shape = jax.ShapeDtypeStruct((N, OUT), jnp.float32)

  return pl.pallas_call(
      body,
      grid=(N // BN,),
      in_specs=[
          pl.BlockSpec((NC, BN, DH), lambda i: (0, i, 0)),
          pl.BlockSpec((NC, BN, DEGW), lambda i: (0, i, 0)),
          pl.BlockSpec((D, OUT), lambda i: (0, 0)),
          pl.BlockSpec((1, OUT), lambda i: (0, 0)),
      ],
      out_specs=out_spec,
      out_shape=out_shape,
      name="tc_combine_split" if split_out else "tc_combine",
  )



@functools.lru_cache(maxsize=None)
def _make_gru(N, D, OUT, BN):
  assert N % BN == 0
  DH = D // 2

  def body(acc_ref, deg_ref, w_ref, b_ref, h_ref, wx_ref, bx_ref, wh_ref,
           bh_ref, o_ref):
    deg = deg_ref[0, :, 0:1] + deg_ref[1, :, 0:1]
    scale = 1.0 / jnp.maximum(deg, 1.0)
    a0 = acc_ref[0] * scale
    a1 = acc_ref[1] * scale
    g = jnp.maximum(
        jnp.dot(a0, w_ref[:DH, :], preferred_element_type=jnp.float32)
        + jnp.dot(a1, w_ref[DH:, :], preferred_element_type=jnp.float32)
        + b_ref[...], 0.0)
    h = h_ref[...]
    gate_x = jnp.dot(g, wx_ref[...],
                     preferred_element_type=jnp.float32) + bx_ref[...]
    gate_h = jnp.dot(h, wh_ref[...],
                     preferred_element_type=jnp.float32) + bh_ref[...]
    i_r = gate_x[:, :OUT]
    i_u = gate_x[:, OUT:2 * OUT]
    i_n = gate_x[:, 2 * OUT:]
    h_r = gate_h[:, :OUT]
    h_u = gate_h[:, OUT:2 * OUT]
    h_n = gate_h[:, 2 * OUT:]
    r = jax.nn.sigmoid(i_r + h_r)
    u = jax.nn.sigmoid(i_u + h_u)
    cand = jnp.tanh(i_n + r * h_n)
    o_ref[...] = cand + u * (h - cand)

  return pl.pallas_call(
      body,
      grid=(N // BN,),
      in_specs=[
          pl.BlockSpec((NC, BN, DH), lambda i: (0, i, 0)),
          pl.BlockSpec((NC, BN, DEGW), lambda i: (0, i, 0)),
          pl.BlockSpec((D, OUT), lambda i: (0, 0)),
          pl.BlockSpec((1, OUT), lambda i: (0, 0)),
          pl.BlockSpec((BN, OUT), lambda i: (i, 0)),
          pl.BlockSpec((OUT, 3 * OUT), lambda i: (0, 0)),
          pl.BlockSpec((1, 3 * OUT), lambda i: (0, 0)),
          pl.BlockSpec((OUT, 3 * OUT), lambda i: (0, 0)),
          pl.BlockSpec((1, 3 * OUT), lambda i: (0, 0)),
      ],
      out_specs=pl.BlockSpec((BN, OUT), lambda i: (i, 0)),
      out_shape=jax.ShapeDtypeStruct((N, OUT), jnp.float32),
      name="tc_gru",
  )



def kernel(x_list, adj_list, W_gcn, b_gcn, Wx, bx, Wh, bh):
  T, N, D = x_list.shape
  L, _, OUT = W_gcn.shape
  E = adj_list.shape[2]
  ALIGN = NS * ZCH
  NP = ((N + ALIGN - 1) // ALIGN) * ALIGN
  BN = 1024
  assert NP % BN == 0
  NCH = E // (NS * CH)
  DH = D // 2

  prop_deg = _make_prop(N, NP, D, E, True)
  prop = _make_prop(NP, NP, OUT, E, False)
  combine_split = _make_combine(NP, D, OUT, BN, True)
  gru = _make_gru(NP, D, OUT, BN)

  b_gcn2 = b_gcn.reshape(L, 1, OUT)
  bx2 = bx.reshape(1, 3 * OUT)
  bh2 = bh.reshape(1, 3 * OUT)

  ones_deg = jnp.ones((CH, DEGW), jnp.float32)
  zeros_deg = jnp.zeros((ZCH, DEGW), jnp.float32)
  h = jnp.zeros((NP, OUT), x_list.dtype)
  outs = []

  srcs = [adj_list[t, 0].reshape(NS, NCH, CH) for t in range(T)]
  dsts = [adj_list[t, 1].reshape(NS, NCH, CH) for t in range(T)]

  for t in range(T):
    gs = jnp.stack([x_list[t][:, :DH], x_list[t][:, DH:]], axis=0)
    deg = None
    acc = None
    for l in range(L - 1):
      if l == 0:
        acc, deg = prop_deg(srcs[t], dsts[t], gs, ones_deg, zeros_deg)
      else:
        (acc,) = prop(srcs[t], dsts[t], gs)
      gs = combine_split(acc, deg, W_gcn[l], b_gcn2[l])
    if L == 1:
      acc, deg = prop_deg(srcs[t], dsts[t], gs, ones_deg, zeros_deg)
    else:
      (acc,) = prop(srcs[t], dsts[t], gs)
    h = gru(acc, deg, W_gcn[L - 1], b_gcn2[L - 1], h, Wx, bx2, Wh, bh2)
    outs.append(h[:N])
  return jnp.stack(outs, axis=0)

# --- scband reference (transcript-rebuilt; emitter-appended) ---
"""Pipeline reference for scband-rwtgcn-1443109011968 (READ-ONLY COPY).

The authoritative reference and input builder live on the scoring server;
editing this copy changes nothing except your own understanding.
"""

import jax, jax.numpy as jnp
import numpy as np


def _prop(x, src, dst, n):
    # mean-normalized sparse adjacency propagation: adj @ x
    agg = jax.ops.segment_sum(x[src], dst, num_segments=n)
    deg = jax.ops.segment_sum(jnp.ones((src.shape[0],), x.dtype), dst, num_segments=n)
    return agg / jnp.maximum(deg, 1.0)[:, None]


def _gcgru_cell(x, edge_index, h, W_gcn, b_gcn, Wx, bx, Wh, bh):
    # multi-layer GCN encoder (layer_num layers) followed by GRU gating
    n = x.shape[0]
    src, dst = edge_index[0], edge_index[1]
    g = x
    for l in range(W_gcn.shape[0]):
        g = jax.nn.relu(_prop(g, src, dst, n) @ W_gcn[l] + b_gcn[l])
    gate_x = g @ Wx + bx
    gate_h = h @ Wh + bh
    i_r, i_u, i_n = jnp.split(gate_x, 3, axis=1)
    h_r, h_u, h_n = jnp.split(gate_h, 3, axis=1)
    r = jax.nn.sigmoid(i_r + h_r)
    u = jax.nn.sigmoid(i_u + h_u)
    c = jnp.tanh(i_n + r * h_n)
    return c + u * (h - c)


def setup_inputs(seed: int = 0) -> dict:
    key = jax.random.key(seed)
    T, N, D, E, L, OUT = 3, 10000, 128, 320000, 2, 128
    ks = jax.random.split(key, 8)
    x_list = jax.random.normal(ks[0], (T, N, D), dtype=jnp.float32)
    adj_list = jax.random.randint(ks[1], (T, 2, E), 0, N, dtype=jnp.int32)
    W_gcn = jax.random.normal(ks[2], (L, D, OUT), dtype=jnp.float32) * (1.0 / np.sqrt(D))
    b_gcn = jnp.zeros((L, OUT), dtype=jnp.float32)
    Wx = jax.random.normal(ks[3], (OUT, 3 * OUT), dtype=jnp.float32) * (1.0 / np.sqrt(OUT))
    bx = jnp.zeros((3 * OUT,), dtype=jnp.float32)
    Wh = jax.random.normal(ks[4], (OUT, 3 * OUT), dtype=jnp.float32) * (1.0 / np.sqrt(OUT))
    bh = jnp.zeros((3 * OUT,), dtype=jnp.float32)
    return {"x_list": x_list, "adj_list": adj_list, "W_gcn": W_gcn, "b_gcn": b_gcn,
            "Wx": Wx, "bx": bx, "Wh": Wh, "bh": bh}


def reference(x_list, adj_list, W_gcn, b_gcn, Wx, bx, Wh, bh):
    T, N, _ = x_list.shape
    out_dim = W_gcn.shape[2]
    h = jnp.zeros((N, out_dim), dtype=x_list.dtype)
    outs = []
    for t in range(T):
        h = _gcgru_cell(x_list[t], adj_list[t], h, W_gcn, b_gcn, Wx, bx, Wh, bh)
        outs.append(h)
    return jnp.stack(outs, axis=0)

if __name__ == "__main__":
    import jax
    _d = setup_inputs()
    print(jax.jit(kernel)(*tuple(_d.values())))

</pallas_src>

<mosaic_0001>
#map = affine_map<(d0, d1) -> (0, 0, 0)>
#map1 = affine_map<(d0, d1) -> (0, 0)>
module attributes {stable_mosaic.version = 14 : i64} {
  func.func @sc_prop_deg(%arg0: i32, %arg1: i32, %arg2: memref<16x80x250xi32, #tpu.memory_space<hbm>>, %arg3: memref<16x80x250xi32, #tpu.memory_space<hbm>>, %arg4: memref<2x10000x64xf32, #tpu.memory_space<hbm>>, %arg5: memref<250x8xf32, #tpu.memory_space<hbm>>, %arg6: memref<128x8xf32, #tpu.memory_space<hbm>>, %arg7: memref<2x10240x64xf32, #tpu.memory_space<hbm>>, %arg8: memref<2x10240x8xf32, #tpu.memory_space<hbm>>, %arg9: memref<80x250xi32, #tpu.memory_space<vmem>>, %arg10: memref<80x250xi32, #tpu.memory_space<vmem>>, %arg11: memref<2x250x64xf32, #tpu.memory_space<vmem>>, %arg12: memref<128x64xf32, #tpu.memory_space<vmem>>, %arg13: memref<250x8xf32, #tpu.memory_space<vmem>>, %arg14: memref<10240x64xf32, #tpu.memory_space<vmem_shared>>, %arg15: memref<10240x8xf32, #tpu.memory_space<vmem_shared>>, %arg16: memref<!tpu.dma_semaphore, #tpu.memory_space<semaphore_mem>>, %arg17: memref<!tpu.dma_semaphore, #tpu.memory_space<semaphore_mem>>, %arg18: memref<!tpu.dma_semaphore, #tpu.memory_space<semaphore_mem>>, %arg19: memref<!tpu.dma_semaphore, #tpu.memory_space<semaphore_mem>>, %arg20: memref<!tpu.dma_semaphore, #tpu.memory_space<semaphore_mem>>) attributes {dimension_semantics = [#tpu.dimension_semantics<core_parallel>, #tpu.dimension_semantics<subcore_parallel>], iteration_bounds = array<i64: 2, 16>, scalar_prefetch = 0 : i64, scratch_operands = 12 : i64, tpu.core_type = #tpu.core_type<sc_vector_subcore>, window_params = [{transform_indices = #map}, {transform_indices = #map}, {transform_indices = #map}, {transform_indices = #map1}, {transform_indices = #map1}, {transform_indices = #map}, {transform_indices = #map}]} {
    %broadcast_in_dim3A = arith.constant 0.000000e+00 : f32
    %broadcast_in_dim3A_0 = vector.broadcast %broadcast_in_dim3A : f32 to vector<16xf32>
    %scan3A = arith.constant 0 : i32
    %scan3A_1 = arith.constant 0 : i32
    %scan3A_2 = arith.constant 128 : i32
    %scan3A_3 = arith.addi %scan3A_1, %scan3A_2 : i32
    %scan3A_4 = arith.constant 1 : i32
    scf.for %scan3A_143 = %scan3A_1 to %scan3A_3 step %scan3A_4  : i32 {
      %swap3A = arith.index_cast %scan3A_143 : i32 to index
      %swap3A_144 = arith.constant 0 : index
      %swap3A_145 = tpu.vector_load %arg12[%swap3A, %swap3A_144] {strides = array<i32>} : memref<128x64xf32, #tpu.memory_space<vmem>>, vector<1x16xf32>,
      %swap3A_146 = vector.shape_cast %swap3A_145 : vector<1x16xf32> to vector<16xf32>
      %swap3A_147 = vector.shape_cast %broadcast_in_dim3A_0 : vector<16xf32> to vector<1x16xf32>
      tpu.vector_store %arg12[%swap3A, %swap3A_144], %swap3A_147 {strides = array<i32>} : memref<128x64xf32, #tpu.memory_space<vmem>>, vector<1x16xf32>,
      %swap3A_148 = arith.index_cast %scan3A_143 : i32 to index
      %swap3A_149 = arith.constant 16 : index
      %swap3A_150 = tpu.vector_load %arg12[%swap3A_148, %swap3A_149] {strides = array<i32>} : memref<128x64xf32, #tpu.memory_space<vmem>>, vector<1x16xf32>,
      %swap3A_151 = vector.shape_cast %swap3A_150 : vector<1x16xf32> to vector<16xf32>
      %swap3A_152 = vector.shape_cast %broadcast_in_dim3A_0 : vector<16xf32> to vector<1x16xf32>
      tpu.vector_store %arg12[%swap3A_148, %swap3A_149], %swap3A_152 {strides = array<i32>} : memref<128x64xf32, #tpu.memory_space<vmem>>, vector<1x16xf32>,
      %swap3A_153 = arith.index_cast %scan3A_143 : i32 to index
      %swap3A_154 = arith.constant 32 : index
      %swap3A_155 = tpu.vector_load %arg12[%swap3A_153, %swap3A_154] {strides = array<i32>} : memref<128x64xf32, #tpu.memory_space<vmem>>, vector<1x16xf32>,
      %swap3A_156 = vector.shape_cast %swap3A_155 : vector<1x16xf32> to vector<16xf32>
      %swap3A_157 = vector.shape_cast %broadcast_in_dim3A_0 : vector<16xf32> to vector<1x16xf32>
      tpu.vector_store %arg12[%swap3A_153, %swap3A_154], %swap3A_157 {strides = array<i32>} : memref<128x64xf32, #tpu.memory_space<vmem>>, vector<1x16xf32>,
      %swap3A_158 = arith.index_cast %scan3A_143 : i32 to index
      %swap3A_159 = arith.constant 48 : index
      %swap3A_160 = tpu.vector_load %arg12[%swap3A_158, %swap3A_159] {strides = array<i32>} : memref<128x64xf32, #tpu.memory_space<vmem>>, vector<1x16xf32>,
      %swap3A_161 = vector.shape_cast %swap3A_160 : vector<1x16xf32> to vector<16xf32>
      %swap3A_162 = vector.shape_cast %broadcast_in_dim3A_0 : vector<16xf32> to vector<1x16xf32>
      tpu.vector_store %arg12[%swap3A_158, %swap3A_159], %swap3A_162 {strides = array<i32>} : memref<128x64xf32, #tpu.memory_space<vmem>>, vector<1x16xf32>,
    }
    %scan3A_5 = arith.constant 128 : i32
    %mul3A = arith.constant 640 : i32
    %mul3A_6 = arith.muli %arg1, %mul3A : i32
    %add3A = arith.constant 0 : i32
    %add3A_7 = arith.addi %mul3A_6, %add3A : i32
    %dma_start3A = arith.constant 0 : i32
    %dma_start3A_8 = tpu.memref_slice %arg14[%add3A_7, %dma_start3A] : memref<10240x64xf32, #tpu.memory_space<vmem_shared>> -> memref<128x64xf32, #tpu.memory_space<vmem_shared>>
    %dma_start3A_9 = arith.constant 0 : i32
    %dma_start3A_10 = tpu.memref_slice %arg14[%add3A_7, %dma_start3A_9] : memref<10240x64xf32, #tpu.memory_space<vmem_shared>> -> memref<128x64xf32, #tpu.memory_space<vmem_shared>>
    tpu.enqueue_dma source(%arg12 : memref<128x64xf32, #tpu.memory_space<vmem>>) target(%dma_start3A_10 : memref<128x64xf32, #tpu.memory_space<vmem_shared>>) target_semaphore(%arg20 : memref<!tpu.dma_semaphore, #tpu.memory_space<semaphore_mem>>)
    %add3A_11 = arith.constant 0 : i32
    %add3A_12 = arith.addi %mul3A_6, %add3A_11 : i32
    %dma_start3A_13 = arith.constant 0 : i32
    %dma_start3A_14 = tpu.memref_slice %arg15[%add3A_12, %dma_start3A_13] : memref<10240x8xf32, #tpu.memory_space<vmem_shared>> -> memref<128x8xf32, #tpu.memory_space<vmem_shared>>
    tpu.enqueue_dma source(%arg6 : memref<128x8xf32, #tpu.memory_space<hbm>>) target(%dma_start3A_14 : memref<128x8xf32, #tpu.memory_space<vmem_shared>>) target_semaphore(%arg20 : memref<!tpu.dma_semaphore, #tpu.memory_space<semaphore_mem>>)
    %add3A_15 = arith.constant 128 : i32
    %add3A_16 = arith.addi %mul3A_6, %add3A_15 : i32
    %dma_start3A_17 = arith.constant 0 : i32
    %dma_start3A_18 = tpu.memref_slice %arg14[%add3A_16, %dma_start3A_17] : memref<10240x64xf32, #tpu.memory_space<vmem_shared>> -> memref<128x64xf32, #tpu.memory_space<vmem_shared>>
    %dma_start3A_19 = arith.constant 0 : i32
    %dma_start3A_20 = tpu.memref_slice %arg14[%add3A_16, %dma_start3A_19] : memref<10240x64xf32, #tpu.memory_space<vmem_shared>> -> memref<128x64xf32, #tpu.memory_space<vmem_shared>>
    tpu.enqueue_dma source(%arg12 : memref<128x64xf32, #tpu.memory_space<vmem>>) target(%dma_start3A_20 : memref<128x64xf32, #tpu.memory_space<vmem_shared>>) target_semaphore(%arg20 : memref<!tpu.dma_semaphore, #tpu.memory_space<semaphore_mem>>)
    %add3A_21 = arith.constant 128 : i32
    %add3A_22 = arith.addi %mul3A_6, %add3A_21 : i32
    %dma_start3A_23 = arith.constant 0 : i32
    %dma_start3A_24 = tpu.memref_slice %arg15[%add3A_22, %dma_start3A_23] : memref<10240x8xf32, #tpu.memory_space<vmem_shared>> -> memref<128x8xf32, #tpu.memory_space<vmem_shared>>
    tpu.enqueue_dma source(%arg6 : memref<128x8xf32, #tpu.memory_space<hbm>>) target(%dma_start3A_24 : memref<128x8xf32, #tpu.memory_space<vmem_shared>>) target_semaphore(%arg20 : memref<!tpu.dma_semaphore, #tpu.memory_space<semaphore_mem>>)
    %add3A_25 = arith.constant 256 : i32
    %add3A_26 = arith.addi %mul3A_6, %add3A_25 : i32
    %dma_start3A_27 = arith.constant 0 : i32
    %dma_start3A_28 = tpu.memref_slice %arg14[%add3A_26, %dma_start3A_27] : memref<10240x64xf32, #tpu.memory_space<vmem_shared>> -> memref<128x64xf32, #tpu.memory_space<vmem_shared>>
    %dma_start3A_29 = arith.constant 0 : i32
    %dma_start3A_30 = tpu.memref_slice %arg14[%add3A_26, %dma_start3A_29] : memref<10240x64xf32, #tpu.memory_space<vmem_shared>> -> memref<128x64xf32, #tpu.memory_space<vmem_shared>>
    tpu.enqueue_dma source(%arg12 : memref<128x64xf32, #tpu.memory_space<vmem>>) target(%dma_start3A_30 : memref<128x64xf32, #tpu.memory_space<vmem_shared>>) target_semaphore(%arg20 : memref<!tpu.dma_semaphore, #tpu.memory_space<semaphore_mem>>)
    %add3A_31 = arith.constant 256 : i32
    %add3A_32 = arith.addi %mul3A_6, %add3A_31 : i32
    %dma_start3A_33 = arith.constant 0 : i32
    %dma_start3A_34 = tpu.memref_slice %arg15[%add3A_32, %dma_start3A_33] : memref<10240x8xf32, #tpu.memory_space<vmem_shared>> -> memref<128x8xf32, #tpu.memory_space<vmem_shared>>
    tpu.enqueue_dma source(%arg6 : memref<128x8xf32, #tpu.memory_space<hbm>>) target(%dma_start3A_34 : memref<128x8xf32, #tpu.memory_space<vmem_shared>>) target_semaphore(%arg20 : memref<!tpu.dma_semaphore, #tpu.memory_space<semaphore_mem>>)
    %add3A_35 = arith.constant 384 : i32
    %add3A_36 = arith.addi %mul3A_6, %add3A_35 : i32
    %dma_start3A_37 = arith.constant 0 : i32
    %dma_start3A_38 = tpu.memref_slice %arg14[%add3A_36, %dma_start3A_37] : memref<10240x64xf32, #tpu.memory_space<vmem_shared>> -> memref<128x64xf32, #tpu.memory_space<vmem_shared>>
    %dma_start3A_39 = arith.constant 0 : i32
    %dma_start3A_40 = tpu.memref_slice %arg14[%add3A_36, %dma_start3A_39] : memref<10240x64xf32, #tpu.memory_space<vmem_shared>> -> memref<128x64xf32, #tpu.memory_space<vmem_shared>>
    tpu.enqueue_dma source(%arg12 : memref<128x64xf32, #tpu.memory_space<vmem>>) target(%dma_start3A_40 : memref<128x64xf32, #tpu.memory_space<vmem_shared>>) target_semaphore(%arg20 : memref<!tpu.dma_semaphore, #tpu.memory_space<semaphore_mem>>)
    %add3A_41 = arith.constant 384 : i32
    %add3A_42 = arith.addi %mul3A_6, %add3A_41 : i32
    %dma_start3A_43 = arith.constant 0 : i32
    %dma_start3A_44 = tpu.memref_slice %arg15[%add3A_42, %dma_start3A_43] : memref<10240x8xf32, #tpu.memory_space<vmem_shared>> -> memref<128x8xf32, #tpu.memory_space<vmem_shared>>
    tpu.enqueue_dma source(%arg6 : memref<128x8xf32, #tpu.memory_space<hbm>>) target(%dma_start3A_44 : memref<128x8xf32, #tpu.memory_space<vmem_shared>>) target_semaphore(%arg20 : memref<!tpu.dma_semaphore, #tpu.memory_space<semaphore_mem>>)
    %add3A_45 = arith.constant 512 : i32
    %add3A_46 = arith.addi %mul3A_6, %add3A_45 : i32
    %dma_start3A_47 = arith.constant 0 : i32
    %dma_start3A_48 = tpu.memref_slice %arg14[%add3A_46, %dma_start3A_47] : memref<10240x64xf32, #tpu.memory_space<vmem_shared>> -> memref<128x64xf32, #tpu.memory_space<vmem_shared>>
    %dma_start3A_49 = arith.constant 0 : i32
    %dma_start3A_50 = tpu.memref_slice %arg14[%add3A_46, %dma_start3A_49] : memref<10240x64xf32, #tpu.memory_space<vmem_shared>> -> memref<128x64xf32, #tpu.memory_space<vmem_shared>>
    tpu.enqueue_dma source(%arg12 : memref<128x64xf32, #tpu.memory_space<vmem>>) target(%dma_start3A_50 : memref<128x64xf32, #tpu.memory_space<vmem_shared>>) target_semaphore(%arg20 : memref<!tpu.dma_semaphore, #tpu.memory_space<semaphore_mem>>)
    %add3A_51 = arith.constant 512 : i32
    %add3A_52 = arith.addi %mul3A_6, %add3A_51 : i32
    %dma_start3A_53 = arith.constant 0 : i32
    %dma_start3A_54 = tpu.memref_slice %arg15[%add3A_52, %dma_start3A_53] : memref<10240x8xf32, #tpu.memory_space<vmem_shared>> -> memref<128x8xf32, #tpu.memory_space<vmem_shared>>
    tpu.enqueue_dma source(%arg6 : memref<128x8xf32, #tpu.memory_space<hbm>>) target(%dma_start3A_54 : memref<128x8xf32, #tpu.memory_space<vmem_shared>>) target_semaphore(%arg20 : memref<!tpu.dma_semaphore, #tpu.memory_space<semaphore_mem>>)
    "tpu.region"() ({
      %run_scoped3A = tpu.sem_alloc : memref<!tpu.dma_semaphore, #tpu.memory_space<semaphore_mem>>
      %dma_start3A_143 = arith.constant 0 : i32
      %dma_start3A_144 = arith.constant 0 : i32
      %dma_start3A_145 = tpu.memref_slice %arg2[%arg1, %dma_start3A_143, %dma_start3A_144] : memref<16x80x250xi32, #tpu.memory_space<hbm>> -> memref<1x80x250xi32, #tpu.memory_space<hbm>>
      %dma_start3A_146 = tpu.memref_squeeze %dma_start3A_145 : memref<1x80x250xi32, #tpu.memory_space<hbm>> -> memref<80x250xi32, #tpu.memory_space<hbm>>
      %dma_start3A_147 = arith.constant 0 : i32
      %dma_start3A_148 = arith.constant 0 : i32
      %dma_start3A_149 = tpu.memref_slice %arg2[%arg1, %dma_start3A_147, %dma_start3A_148] : memref<16x80x250xi32, #tpu.memory_space<hbm>> -> memref<1x80x250xi32, #tpu.memory_space<hbm>>
      %dma_start3A_150 = tpu.memref_squeeze %dma_start3A_149 : memref<1x80x250xi32, #tpu.memory_space<hbm>> -> memref<80x250xi32, #tpu.memory_space<hbm>>
      tpu.enqueue_dma source(%dma_start3A_150 : memref<80x250xi32, #tpu.memory_space<hbm>>) target(%arg9 : memref<80x250xi32, #tpu.memory_space<vmem>>) target_semaphore(%run_scoped3A : memref<!tpu.dma_semaphore, #tpu.memory_space<semaphore_mem>>)
      %dma_wait3A_151 = arith.constant 0 : i32
      %dma_wait3A_152 = arith.constant 0 : i32
      %dma_wait3A_153 = tpu.memref_slice %arg2[%arg1, %dma_wait3A_151, %dma_wait3A_152] : memref<16x80x250xi32, #tpu.memory_space<hbm>> -> memref<1x80x250xi32, #tpu.memory_space<hbm>>
      %dma_wait3A_154 = tpu.memref_squeeze %dma_wait3A_153 : memref<1x80x250xi32, #tpu.memory_space<hbm>> -> memref<80x250xi32, #tpu.memory_space<hbm>>
      %dma_wait3A_155 = arith.constant 0 : i32
      %dma_wait3A_156 = arith.constant 0 : i32
      %dma_wait3A_157 = tpu.memref_slice %arg2[%arg1, %dma_wait3A_155, %dma_wait3A_156] : memref<16x80x250xi32, #tpu.memory_space<hbm>> -> memref<1x80x250xi32, #tpu.memory_space<hbm>>
      %dma_wait3A_158 = tpu.memref_squeeze %dma_wait3A_157 : memref<1x80x250xi32, #tpu.memory_space<hbm>> -> memref<80x250xi32, #tpu.memory_space<hbm>>
      tpu.wait_dma2 semaphore(%run_scoped3A : memref<!tpu.dma_semaphore, #tpu.memory_space<semaphore_mem>>) src(%dma_wait3A_158 : memref<80x250xi32, #tpu.memory_space<hbm>>) dst(%arg9 : memref<80x250xi32, #tpu.memory_space<vmem>>)
      tpu.yield
    }) : () -> ()
    "tpu.region"() ({
      %run_scoped3A = tpu.sem_alloc : memref<!tpu.dma_semaphore, #tpu.memory_space<semaphore_mem>>
      %dma_start3A_143 = arith.constant 0 : i32
      %dma_start3A_144 = arith.constant 0 : i32
      %dma_start3A_145 = tpu.memref_slice %arg3[%arg1, %dma_start3A_143, %dma_start3A_144] : memref<16x80x250xi32, #tpu.memory_space<hbm>> -> memref<1x80x250xi32, #tpu.memory_space<hbm>>
      %dma_start3A_146 = tpu.memref_squeeze %dma_start3A_145 : memref<1x80x250xi32, #tpu.memory_space<hbm>> -> memref<80x250xi32, #tpu.memory_space<hbm>>
      %dma_start3A_147 = arith.constant 0 : i32
      %dma_start3A_148 = arith.constant 0 : i32
      %dma_start3A_149 = tpu.memref_slice %arg3[%arg1, %dma_start3A_147, %dma_start3A_148] : memref<16x80x250xi32, #tpu.memory_space<hbm>> -> memref<1x80x250xi32, #tpu.memory_space<hbm>>
      %dma_start3A_150 = tpu.memref_squeeze %dma_start3A_149 : memref<1x80x250xi32, #tpu.memory_space<hbm>> -> memref<80x250xi32, #tpu.memory_space<hbm>>
      tpu.enqueue_dma source(%dma_start3A_150 : memref<80x250xi32, #tpu.memory_space<hbm>>) target(%arg10 : memref<80x250xi32, #tpu.memory_space<vmem>>) target_semaphore(%run_scoped3A : memref<!tpu.dma_semaphore, #tpu.memory_space<semaphore_mem>>)
      %dma_wait3A_151 = arith.constant 0 : i32
      %dma_wait3A_152 = arith.constant 0 : i32
      %dma_wait3A_153 = tpu.memref_slice %arg3[%arg1, %dma_wait3A_151, %dma_wait3A_152] : memref<16x80x250xi32, #tpu.memory_space<hbm>> -> memref<1x80x250xi32, #tpu.memory_space<hbm>>
      %dma_wait3A_154 = tpu.memref_squeeze %dma_wait3A_153 : memref<1x80x250xi32, #tpu.memory_space<hbm>> -> memref<80x250xi32, #tpu.memory_space<hbm>>
      %dma_wait3A_155 = arith.constant 0 : i32
      %dma_wait3A_156 = arith.constant 0 : i32
      %dma_wait3A_157 = tpu.memref_slice %arg3[%arg1, %dma_wait3A_155, %dma_wait3A_156] : memref<16x80x250xi32, #tpu.memory_space<hbm>> -> memref<1x80x250xi32, #tpu.memory_space<hbm>>
      %dma_wait3A_158 = tpu.memref_squeeze %dma_wait3A_157 : memref<1x80x250xi32, #tpu.memory_space<hbm>> -> memref<80x250xi32, #tpu.memory_space<hbm>>
      tpu.wait_dma2 semaphore(%run_scoped3A : memref<!tpu.dma_semaphore, #tpu.memory_space<semaphore_mem>>) src(%dma_wait3A_158 : memref<80x250xi32, #tpu.memory_space<hbm>>) dst(%arg10 : memref<80x250xi32, #tpu.memory_space<vmem>>)
      tpu.yield
    }) : () -> ()
    %dma_start3A_55 = arith.constant 0 : i32
    %dma_start3A_56 = arith.constant 0 : i32
    %dma_start3A_57 = arith.constant 0 : i32
    %dma_start3A_58 = arith.constant 0 : i32
    %dma_start3A_59 = tpu.memref_slice %arg11[%dma_start3A_56, %dma_start3A_57, %dma_start3A_58] : memref<2x250x64xf32, #tpu.memory_space<vmem>> -> memref<1x250x64xf32, #tpu.memory_space<vmem>>
    %dma_start3A_60 = tpu.memref_squeeze %dma_start3A_59 : memref<1x250x64xf32, #tpu.memory_space<vmem>> -> memref<250x64xf32, #tpu.memory_space<vmem>>
    %dma_start3A_61 = arith.constant 0 : i32
    %dma_start3A_62 = tpu.memref_slice %arg9[%dma_start3A_55, %dma_start3A_61] : memref<80x250xi32, #tpu.memory_space<vmem>> -> memref<1x250xi32, #tpu.memory_space<vmem>>
    %dma_start3A_63 = tpu.memref_squeeze %dma_start3A_62 : memref<1x250xi32, #tpu.memory_space<vmem>> -> memref<250xi32, #tpu.memory_space<vmem>>
    %dma_start3A_64 = arith.constant 0 : i32
    %dma_start3A_65 = arith.constant 0 : i32
    %dma_start3A_66 = tpu.memref_slice %arg4[%arg0, %dma_start3A_64, %dma_start3A_65] : memref<2x10000x64xf32, #tpu.memory_space<hbm>> -> memref<1x10000x64xf32, #tpu.memory_space<hbm>>
    %dma_start3A_67 = tpu.memref_squeeze %dma_start3A_66 : memref<1x10000x64xf32, #tpu.memory_space<hbm>> -> memref<10000x64xf32, #tpu.memory_space<hbm>>
    %dma_start3A_68 = arith.constant 0 : i32
    %dma_start3A_69 = arith.constant 0 : i32
    %dma_start3A_70 = tpu.memref_slice %dma_start3A_67[%dma_start3A_68, %dma_start3A_69] : memref<10000x64xf32, #tpu.memory_space<hbm>> -> memref<10000x64xf32, #tpu.memory_space<hbm>>
    tpu.enqueue_indirect_dma source(%dma_start3A_70 : memref<10000x64xf32, #tpu.memory_space<hbm>>) target(%dma_start3A_60 : memref<250x64xf32, #tpu.memory_space<vmem>>) offsets(%dma_start3A_63 : memref<250xi32, #tpu.memory_space<vmem>>) semaphore(%arg16 : memref<!tpu.dma_semaphore, #tpu.memory_space<semaphore_mem>>)
    %dma_start3A_71 = arith.constant 1 : i32
    %dma_start3A_72 = arith.constant 1 : i32
    %dma_start3A_73 = arith.constant 0 : i32
    %dma_start3A_74 = arith.constant 0 : i32
    %dma_start3A_75 = tpu.memref_slice %arg11[%dma_start3A_72, %dma_start3A_73, %dma_start3A_74] : memref<2x250x64xf32, #tpu.memory_space<vmem>> -> memref<1x250x64xf32, #tpu.memory_space<vmem>>
    %dma_start3A_76 = tpu.memref_squeeze %dma_start3A_75 : memref<1x250x64xf32, #tpu.memory_space<vmem>> -> memref<250x64xf32, #tpu.memory_space<vmem>>
    %dma_start3A_77 = arith.constant 0 : i32
    %dma_start3A_78 = tpu.memref_slice %arg9[%dma_start3A_71, %dma_start3A_77] : memref<80x250xi32, #tpu.memory_space<vmem>> -> memref<1x250xi32, #tpu.memory_space<vmem>>
    %dma_start3A_79 = tpu.memref_squeeze %dma_start3A_78 : memref<1x250xi32, #tpu.memory_space<vmem>> -> memref<250xi32, #tpu.memory_space<vmem>>
    %dma_start3A_80 = arith.constant 0 : i32
    %dma_start3A_81 = arith.constant 0 : i32
    %dma_start3A_82 = tpu.memref_slice %arg4[%arg0, %dma_start3A_80, %dma_start3A_81] : memref<2x10000x64xf32, #tpu.memory_space<hbm>> -> memref<1x10000x64xf32, #tpu.memory_space<hbm>>
    %dma_start3A_83 = tpu.memref_squeeze %dma_start3A_82 : memref<1x10000x64xf32, #tpu.memory_space<hbm>> -> memref<10000x64xf32, #tpu.memory_space<hbm>>
    %dma_start3A_84 = arith.constant 0 : i32
    %dma_start3A_85 = arith.constant 0 : i32
    %dma_start3A_86 = tpu.memref_slice %dma_start3A_83[%dma_start3A_84, %dma_start3A_85] : memref<10000x64xf32, #tpu.memory_space<hbm>> -> memref<10000x64xf32, #tpu.memory_space<hbm>>
    tpu.enqueue_indirect_dma source(%dma_start3A_86 : memref<10000x64xf32, #tpu.memory_space<hbm>>) target(%dma_start3A_76 : memref<250x64xf32, #tpu.memory_space<vmem>>) offsets(%dma_start3A_79 : memref<250xi32, #tpu.memory_space<vmem>>) semaphore(%arg17 : memref<!tpu.dma_semaphore, #tpu.memory_space<semaphore_mem>>)
    "tpu.region"() ({
      %run_scoped3A = tpu.sem_alloc : memref<!tpu.dma_semaphore, #tpu.memory_space<semaphore_mem>>
      tpu.enqueue_dma source(%arg5 : memref<250x8xf32, #tpu.memory_space<hbm>>) target(%arg13 : memref<250x8xf32, #tpu.memory_space<vmem>>) target_semaphore(%run_scoped3A : memref<!tpu.dma_semaphore, #tpu.memory_space<semaphore_mem>>)
      tpu.wait_dma2 semaphore(%run_scoped3A : memref<!tpu.dma_semaphore, #tpu.memory_space<semaphore_mem>>) src(%arg5 : memref<250x8xf32, #tpu.memory_space<hbm>>) dst(%arg13 : memref<250x8xf32, #tpu.memory_space<vmem>>)
      tpu.yield
    }) : () -> ()
    %add3A_87 = arith.constant 0 : i32
    %add3A_88 = arith.addi %mul3A_6, %add3A_87 : i32
    %dma_wait3A = arith.constant 0 : i32
    %dma_wait3A_89 = tpu.memref_slice %arg14[%add3A_88, %dma_wait3A] : memref<10240x64xf32, #tpu.memory_space<vmem_shared>> -> memref<128x64xf32, #tpu.memory_space<vmem_shared>>
    %dma_wait3A_90 = arith.constant 0 : i32
    %dma_wait3A_91 = tpu.memref_slice %arg14[%add3A_88, %dma_wait3A_90] : memref<10240x64xf32, #tpu.memory_space<vmem_shared>> -> memref<128x64xf32, #tpu.memory_space<vmem_shared>>
    tpu.wait_dma2 semaphore(%arg20 : memref<!tpu.dma_semaphore, #tpu.memory_space<semaphore_mem>>) src(%arg12 : memref<128x64xf32, #tpu.memory_space<vmem>>) dst(%dma_wait3A_91 : memref<128x64xf32, #tpu.memory_space<vmem_shared>>)
    %add3A_92 = arith.constant 0 : i32
    %add3A_93 = arith.addi %mul3A_6, %add3A_92 : i32
    %dma_wait3A_94 = arith.constant 0 : i32
    %dma_wait3A_95 = tpu.memref_slice %arg15[%add3A_93, %dma_wait3A_94] : memref<10240x8xf32, #tpu.memory_space<vmem_shared>> -> memref<128x8xf32, #tpu.memory_space<vmem_shared>>
    tpu.wait_dma2 semaphore(%arg20 : memref<!tpu.dma_semaphore, #tpu.memory_space<semaphore_mem>>) src(%arg6 : memref<128x8xf32, #tpu.memory_space<hbm>>) dst(%dma_wait3A_95 : memref<128x8xf32, #tpu.memory_space<vmem_shared>>)
    %add3A_96 = arith.constant 128 : i32
    %add3A_97 = arith.addi %mul3A_6, %add3A_96 : i32
    %dma_wait3A_98 = arith.constant 0 : i32
    %dma_wait3A_99 = tpu.memref_slice %arg14[%add3A_97, %dma_wait3A_98] : memref<10240x64xf32, #tpu.memory_space<vmem_shared>> -> memref<128x64xf32, #tpu.memory_space<vmem_shared>>
    %dma_wait3A_100 = arith.constant 0 : i32
    %dma_wait3A_101 = tpu.memref_slice %arg14[%add3A_97, %dma_wait3A_100] : memref<10240x64xf32, #tpu.memory_space<vmem_shared>> -> memref<128x64xf32, #tpu.memory_space<vmem_shared>>
    tpu.wait_dma2 semaphore(%arg20 : memref<!tpu.dma_semaphore, #tpu.memory_space<semaphore_mem>>) src(%arg12 : memref<128x64xf32, #tpu.memory_space<vmem>>) dst(%dma_wait3A_101 : memref<128x64xf32, #tpu.memory_space<vmem_shared>>)
    %add3A_102 = arith.constant 128 : i32
    %add3A_103 = arith.addi %mul3A_6, %add3A_102 : i32
    %dma_wait3A_104 = arith.constant 0 : i32
    %dma_wait3A_105 = tpu.memref_slice %arg15[%add3A_103, %dma_wait3A_104] : memref<10240x8xf32, #tpu.memory_space<vmem_shared>> -> memref<128x8xf32, #tpu.memory_space<vmem_shared>>
    tpu.wait_dma2 semaphore(%arg20 : memref<!tpu.dma_semaphore, #tpu.memory_space<semaphore_mem>>) src(%arg6 : memref<128x8xf32, #tpu.memory_space<hbm>>) dst(%dma_wait3A_105 : memref<128x8xf32, #tpu.memory_space<vmem_shared>>)
    %add3A_106 = arith.constant 256 : i32
    %add3A_107 = arith.addi %mul3A_6, %add3A_106 : i32
    %dma_wait3A_108 = arith.constant 0 : i32
    %dma_wait3A_109 = tpu.memref_slice %arg14[%add3A_107, %dma_wait3A_108] : memref<10240x64xf32, #tpu.memory_space<vmem_shared>> -> memref<128x64xf32, #tpu.memory_space<vmem_shared>>
    %dma_wait3A_110 = arith.constant 0 : i32
    %dma_wait3A_111 = tpu.memref_slice %arg14[%add3A_107, %dma_wait3A_110] : memref<10240x64xf32, #tpu.memory_space<vmem_shared>> -> memref<128x64xf32, #tpu.memory_space<vmem_shared>>
    tpu.wait_dma2 semaphore(%arg20 : memref<!tpu.dma_semaphore, #tpu.memory_space<semaphore_mem>>) src(%arg12 : memref<128x64xf32, #tpu.memory_space<vmem>>) dst(%dma_wait3A_111 : memref<128x64xf32, #tpu.memory_space<vmem_shared>>)
    %add3A_112 = arith.constant 256 : i32
    %add3A_113 = arith.addi %mul3A_6, %add3A_112 : i32
    %dma_wait3A_114 = arith.constant 0 : i32
    %dma_wait3A_115 = tpu.memref_slice %arg15[%add3A_113, %dma_wait3A_114] : memref<10240x8xf32, #tpu.memory_space<vmem_shared>> -> memref<128x8xf32, #tpu.memory_space<vmem_shared>>
    tpu.wait_dma2 semaphore(%arg20 : memref<!tpu.dma_semaphore, #tpu.memory_space<semaphore_mem>>) src(%arg6 : memref<128x8xf32, #tpu.memory_space<hbm>>) dst(%dma_wait3A_115 : memref<128x8xf32, #tpu.memory_space<vmem_shared>>)
    %add3A_116 = arith.constant 384 : i32
    %add3A_117 = arith.addi %mul3A_6, %add3A_116 : i32
    %dma_wait3A_118 = arith.constant 0 : i32
    %dma_wait3A_119 = tpu.memref_slice %arg14[%add3A_117, %dma_wait3A_118] : memref<10240x64xf32, #tpu.memory_space<vmem_shared>> -> memref<128x64xf32, #tpu.memory_space<vmem_shared>>
    %dma_wait3A_120 = arith.constant 0 : i32
    %dma_wait3A_121 = tpu.memref_slice %arg14[%add3A_117, %dma_wait3A_120] : memref<10240x64xf32, #tpu.memory_space<vmem_shared>> -> memref<128x64xf32, #tpu.memory_space<vmem_shared>>
    tpu.wait_dma2 semaphore(%arg20 : memref<!tpu.dma_semaphore, #tpu.memory_space<semaphore_mem>>) src(%arg12 : memref<128x64xf32, #tpu.memory_space<vmem>>) dst(%dma_wait3A_121 : memref<128x64xf32, #tpu.memory_space<vmem_shared>>)
    %add3A_122 = arith.constant 384 : i32
    %add3A_123 = arith.addi %mul3A_6, %add3A_122 : i32
    %dma_wait3A_124 = arith.constant 0 : i32
    %dma_wait3A_125 = tpu.memref_slice %arg15[%add3A_123, %dma_wait3A_124] : memref<10240x8xf32, #tpu.memory_space<vmem_shared>> -> memref<128x8xf32, #tpu.memory_space<vmem_shared>>
    tpu.wait_dma2 semaphore(%arg20 : memref<!tpu.dma_semaphore, #tpu.memory_space<semaphore_mem>>) src(%arg6 : memref<128x8xf32, #tpu.memory_space<hbm>>) dst(%dma_wait3A_125 : memref<128x8xf32, #tpu.memory_space<vmem_shared>>)
    %add3A_126 = arith.constant 512 : i32
    %add3A_127 = arith.addi %mul3A_6, %add3A_126 : i32
    %dma_wait3A_128 = arith.constant 0 : i32
    %dma_wait3A_129 = tpu.memref_slice %arg14[%add3A_127, %dma_wait3A_128] : memref<10240x64xf32, #tpu.memory_space<vmem_shared>> -> memref<128x64xf32, #tpu.memory_space<vmem_shared>>
    %dma_wait3A_130 = arith.constant 0 : i32
    %dma_wait3A_131 = tpu.memref_slice %arg14[%add3A_127, %dma_wait3A_130] : memref<10240x64xf32, #tpu.memory_space<vmem_shared>> -> memref<128x64xf32, #tpu.memory_space<vmem_shared>>
    tpu.wait_dma2 semaphore(%arg20 : memref<!tpu.dma_semaphore, #tpu.memory_space<semaphore_mem>>) src(%arg12 : memref<128x64xf32, #tpu.memory_space<vmem>>) dst(%dma_wait3A_131 : memref<128x64xf32, #tpu.memory_space<vmem_shared>>)
    %add3A_132 = arith.constant 512 : i32
    %add3A_133 = arith.addi %mul3A_6, %add3A_132 : i32
    %dma_wait3A_134 = arith.constant 0 : i32
    %dma_wait3A_135 = tpu.memref_slice %arg15[%add3A_133, %dma_wait3A_134] : memref<10240x8xf32, #tpu.memory_space<vmem_shared>> -> memref<128x8xf32, #tpu.memory_space<vmem_shared>>
    tpu.wait_dma2 semaphore(%arg20 : memref<!tpu.dma_semaphore, #tpu.memory_space<semaphore_mem>>) src(%arg6 : memref<128x8xf32, #tpu.memory_space<hbm>>) dst(%dma_wait3A_135 : memref<128x8xf32, #tpu.memory_space<vmem_shared>>)
    %barrier3A = arith.constant 0 : index
    tpu.barrier barrier_id(%barrier3A)
    %scan3A_136 = arith.constant 0 : i32
    %scan3A_137 = arith.constant 0 : i32
    %scan3A_138 = arith.constant 40 : i32
    %scan3A_139 = arith.addi %scan3A_137, %scan3A_138 : i32
    %scan3A_140 = arith.constant 1 : i32
    scf.for %scan3A_143 = %scan3A_137 to %scan3A_139 step %scan3A_140  : i32 {
      %mul3A_144 = arith.constant 2 : i32
      %mul3A_145 = arith.muli %scan3A_143, %mul3A_144 : i32
      %add3A_146 = arith.constant 0 : i32
      %add3A_147 = arith.addi %mul3A_145, %add3A_146 : i32
      %dma_wait3A_148 = arith.constant 0 : i32
      %dma_wait3A_149 = arith.constant 0 : i32
      %dma_wait3A_150 = arith.constant 0 : i32
      %dma_wait3A_151 = tpu.memref_slice %arg11[%dma_wait3A_148, %dma_wait3A_149, %dma_wait3A_150] : memref<2x250x64xf32, #tpu.memory_space<vmem>> -> memref<1x250x64xf32, #tpu.memory_space<vmem>>
      %dma_wait3A_152 = tpu.memref_squeeze %dma_wait3A_151 : memref<1x250x64xf32, #tpu.memory_space<vmem>> -> memref<250x64xf32, #tpu.memory_space<vmem>>
      %dma_wait3A_153 = arith.constant 0 : i32
      %dma_wait3A_154 = tpu.memref_slice %arg9[%add3A_147, %dma_wait3A_153] : memref<80x250xi32, #tpu.memory_space<vmem>> -> memref<1x250xi32, #tpu.memory_space<vmem>>
      %dma_wait3A_155 = tpu.memref_squeeze %dma_wait3A_154 : memref<1x250xi32, #tpu.memory_space<vmem>> -> memref<250xi32, #tpu.memory_space<vmem>>
      %dma_wait3A_156 = arith.constant 0 : i32
      %dma_wait3A_157 = arith.constant 0 : i32
      %dma_wait3A_158 = tpu.memref_slice %arg4[%arg0, %dma_wait3A_156, %dma_wait3A_157] : memref<2x10000x64xf32, #tpu.memory_space<hbm>> -> memref<1x10000x64xf32, #tpu.memory_space<hbm>>
      %dma_wait3A_159 = tpu.memref_squeeze %dma_wait3A_158 : memref<1x10000x64xf32, #tpu.memory_space<hbm>> -> memref<10000x64xf32, #tpu.memory_space<hbm>>
      %dma_wait3A_160 = arith.constant 0 : i32
      %dma_wait3A_161 = arith.constant 0 : i32
      %dma_wait3A_162 = tpu.memref_slice %dma_wait3A_159[%dma_wait3A_160, %dma_wait3A_161] : memref<10000x64xf32, #tpu.memory_space<hbm>> -> memref<10000x64xf32, #tpu.memory_space<hbm>>
      tpu.wait_indirect_dma semaphore(%arg16 : memref<!tpu.dma_semaphore, #tpu.memory_space<semaphore_mem>>) src(%dma_wait3A_162 : memref<10000x64xf32, #tpu.memory_space<hbm>>) dst(%dma_wait3A_152 : memref<250x64xf32, #tpu.memory_space<vmem>>)
      %dma_start3A_163 = arith.constant 0 : i32
      %dma_start3A_164 = arith.constant 0 : i32
      %dma_start3A_165 = arith.constant 0 : i32
      %dma_start3A_166 = tpu.memref_slice %arg11[%dma_start3A_163, %dma_start3A_164, %dma_start3A_165] : memref<2x250x64xf32, #tpu.memory_space<vmem>> -> memref<1x250x64xf32, #tpu.memory_space<vmem>>
      %dma_start3A_167 = tpu.memref_squeeze %dma_start3A_166 : memref<1x250x64xf32, #tpu.memory_space<vmem>> -> memref<250x64xf32, #tpu.memory_space<vmem>>
      %dma_start3A_168 = arith.constant 0 : i32
      %dma_start3A_169 = tpu.memref_slice %arg10[%add3A_147, %dma_start3A_168] : memref<80x250xi32, #tpu.memory_space<vmem>> -> memref<1x250xi32, #tpu.memory_space<vmem>>
      %dma_start3A_170 = tpu.memref_squeeze %dma_start3A_169 : memref<1x250xi32, #tpu.memory_space<vmem>> -> memref<250xi32, #tpu.memory_space<vmem>>
      %dma_start3A_171 = arith.constant 0 : i32
      %dma_start3A_172 = arith.constant 0 : i32
      %dma_start3A_173 = tpu.memref_slice %arg14[%dma_start3A_171, %dma_start3A_172] : memref<10240x64xf32, #tpu.memory_space<vmem_shared>> -> memref<10240x64xf32, #tpu.memory_space<vmem_shared>>
      tpu.enqueue_indirect_dma source(%dma_start3A_167 : memref<250x64xf32, #tpu.memory_space<vmem>>) target(%dma_start3A_173 : memref<10240x64xf32, #tpu.memory_space<vmem_shared>>) offsets(%dma_start3A_170 : memref<250xi32, #tpu.memory_space<vmem>>) semaphore(%arg18 : memref<!tpu.dma_semaphore, #tpu.memory_space<semaphore_mem>>) {add = true}
      %eq3A = arith.constant 0 : i32
      %eq3A_174 = arith.cmpi eq, %arg0, %eq3A : i32
      %lt3A = arith.constant 40 : i32
      %lt3A_175 = arith.cmpi slt, %add3A_147, %lt3A : i32
      %eq3A_176 = arith.xori %eq3A_174, %lt3A_175 : i1
      %eq3A_177 = arith.constant true
      %eq3A_178 = arith.xori %eq3A_176, %eq3A_177 : i1
      %convert_element_type3A = arith.extui %eq3A_178 : i1 to i32
      %cond3A = arith.constant 0 : i32
      %cond3A_179 = arith.cmpi ne, %convert_element_type3A, %cond3A : i32
      scf.if %cond3A_179 {
        %dma_start3A_250 = arith.constant 0 : i32
        %dma_start3A_251 = tpu.memref_slice %arg10[%add3A_147, %dma_start3A_250] : memref<80x250xi32, #tpu.memory_space<vmem>> -> memref<1x250xi32, #tpu.memory_space<vmem>>
        %dma_start3A_252 = tpu.memref_squeeze %dma_start3A_251 : memref<1x250xi32, #tpu.memory_space<vmem>> -> memref<250xi32, #tpu.memory_space<vmem>>
        %dma_start3A_253 = arith.constant 0 : i32
        %dma_start3A_254 = arith.constant 0 : i32
        %dma_start3A_255 = tpu.memref_slice %arg15[%dma_start3A_253, %dma_start3A_254] : memref<10240x8xf32, #tpu.memory_space<vmem_shared>> -> memref<10240x8xf32, #tpu.memory_space<vmem_shared>>
        tpu.enqueue_indirect_dma source(%arg13 : memref<250x8xf32, #tpu.memory_space<vmem>>) target(%dma_start3A_255 : memref<10240x8xf32, #tpu.memory_space<vmem_shared>>) offsets(%dma_start3A_252 : memref<250xi32, #tpu.memory_space<vmem>>) semaphore(%arg20 : memref<!tpu.dma_semaphore, #tpu.memory_space<semaphore_mem>>) {add = true}
        %dma_wait3A_256 = arith.constant 0 : i32
        %dma_wait3A_257 = tpu.memref_slice %arg10[%add3A_147, %dma_wait3A_256] : memref<80x250xi32, #tpu.memory_space<vmem>> -> memref<1x250xi32, #tpu.memory_space<vmem>>
        %dma_wait3A_258 = tpu.memref_squeeze %dma_wait3A_257 : memref<1x250xi32, #tpu.memory_space<vmem>> -> memref<250xi32, #tpu.memory_space<vmem>>
        %dma_wait3A_259 = arith.constant 0 : i32
        %dma_wait3A_260 = arith.constant 0 : i32
        %dma_wait3A_261 = tpu.memref_slice %arg15[%dma_wait3A_259, %dma_wait3A_260] : memref<10240x8xf32, #tpu.memory_space<vmem_shared>> -> memref<10240x8xf32, #tpu.memory_space<vmem_shared>>
        tpu.wait_indirect_dma semaphore(%arg20 : memref<!tpu.dma_semaphore, #tpu.memory_space<semaphore_mem>>) src(%arg13 : memref<250x8xf32, #tpu.memory_space<vmem>>) dst(%dma_wait3A_261 : memref<10240x8xf32, #tpu.memory_space<vmem_shared>>)
      } else {
      }
      %dma_wait3A_180 = arith.constant 0 : i32
      %dma_wait3A_181 = arith.constant 0 : i32
      %dma_wait3A_182 = arith.constant 0 : i32
      %dma_wait3A_183 = tpu.memref_slice %arg11[%dma_wait3A_180, %dma_wait3A_181, %dma_wait3A_182] : memref<2x250x64xf32, #tpu.memory_space<vmem>> -> memref<1x250x64xf32, #tpu.memory_space<vmem>>
      %dma_wait3A_184 = tpu.memref_squeeze %dma_wait3A_183 : memref<1x250x64xf32, #tpu.memory_space<vmem>> -> memref<250x64xf32, #tpu.memory_space<vmem>>
      %dma_wait3A_185 = arith.constant 0 : i32
      %dma_wait3A_186 = tpu.memref_slice %arg10[%add3A_147, %dma_wait3A_185] : memref<80x250xi32, #tpu.memory_space<vmem>> -> memref<1x250xi32, #tpu.memory_space<vmem>>
      %dma_wait3A_187 = tpu.memref_squeeze %dma_wait3A_186 : memref<1x250xi32, #tpu.memory_space<vmem>> -> memref<250xi32, #tpu.memory_space<vmem>>
      %dma_wait3A_188 = arith.constant 0 : i32
      %dma_wait3A_189 = arith.constant 0 : i32
      %dma_wait3A_190 = tpu.memref_slice %arg14[%dma_wait3A_188, %dma_wait3A_189] : memref<10240x64xf32, #tpu.memory_space<vmem_shared>> -> memref<10240x64xf32, #tpu.memory_space<vmem_shared>>
      tpu.wait_indirect_dma semaphore(%arg18 : memref<!tpu.dma_semaphore, #tpu.memory_space<semaphore_mem>>) src(%dma_wait3A_184 : memref<250x64xf32, #tpu.memory_space<vmem>>) dst(%dma_wait3A_190 : memref<10240x64xf32, #tpu.memory_space<vmem_shared>>)
      %lt3A_191 = arith.constant 39 : i32
      %lt3A_192 = arith.cmpi slt, %scan3A_143, %lt3A_191 : i32
      %convert_element_type3A_193 = arith.extui %lt3A_192 : i1 to i32
      %cond3A_194 = arith.constant 0 : i32
      %cond3A_195 = arith.cmpi ne, %convert_element_type3A_193, %cond3A_194 : i32
      scf.if %cond3A_195 {
        %add3A_250 = arith.constant 2 : i32
        %add3A_251 = arith.addi %add3A_147, %add3A_250 : i32
        %dma_start3A_252 = arith.constant 0 : i32
        %dma_start3A_253 = arith.constant 0 : i32
        %dma_start3A_254 = arith.constant 0 : i32
        %dma_start3A_255 = tpu.memref_slice %arg11[%dma_start3A_252, %dma_start3A_253, %dma_start3A_254] : memref<2x250x64xf32, #tpu.memory_space<vmem>> -> memref<1x250x64xf32, #tpu.memory_space<vmem>>
        %dma_start3A_256 = tpu.memref_squeeze %dma_start3A_255 : memref<1x250x64xf32, #tpu.memory_space<vmem>> -> memref<250x64xf32, #tpu.memory_space<vmem>>
        %dma_start3A_257 = arith.constant 0 : i32
        %dma_start3A_258 = tpu.memref_slice %arg9[%add3A_251, %dma_start3A_257] : memref<80x250xi32, #tpu.memory_space<vmem>> -> memref<1x250xi32, #tpu.memory_space<vmem>>
        %dma_start3A_259 = tpu.memref_squeeze %dma_start3A_258 : memref<1x250xi32, #tpu.memory_space<vmem>> -> memref<250xi32, #tpu.memory_space<vmem>>
        %dma_start3A_260 = arith.constant 0 : i32
        %dma_start3A_261 = arith.constant 0 : i32
        %dma_start3A_262 = tpu.memref_slice %arg4[%arg0, %dma_start3A_260, %dma_start3A_261] : memref<2x10000x64xf32, #tpu.memory_space<hbm>> -> memref<1x10000x64xf32, #tpu.memory_space<hbm>>
        %dma_start3A_263 = tpu.memref_squeeze %dma_start3A_262 : memref<1x10000x64xf32, #tpu.memory_space<hbm>> -> memref<10000x64xf32, #tpu.memory_space<hbm>>
        %dma_start3A_264 = arith.constant 0 : i32
        %dma_start3A_265 = arith.constant 0 : i32
        %dma_start3A_266 = tpu.memref_slice %dma_start3A_263[%dma_start3A_264, %dma_start3A_265] : memref<10000x64xf32, #tpu.memory_space<hbm>> -> memref<10000x64xf32, #tpu.memory_space<hbm>>
        tpu.enqueue_indirect_dma source(%dma_start3A_266 : memref<10000x64xf32, #tpu.memory_space<hbm>>) target(%dma_start3A_256 : memref<250x64xf32, #tpu.memory_space<vmem>>) offsets(%dma_start3A_259 : memref<250xi32, #tpu.memory_space<vmem>>) semaphore(%arg16 : memref<!tpu.dma_semaphore, #tpu.memory_space<semaphore_mem>>)
      } else {
      }
      %add3A_196 = arith.constant 1 : i32
      %add3A_197 = arith.addi %mul3A_145, %add3A_196 : i32
      %dma_wait3A_198 = arith.constant 1 : i32
      %dma_wait3A_199 = arith.constant 0 : i32
      %dma_wait3A_200 = arith.constant 0 : i32
      %dma_wait3A_201 = tpu.memref_slice %arg11[%dma_wait3A_198, %dma_wait3A_199, %dma_wait3A_200] : memref<2x250x64xf32, #tpu.memory_space<vmem>> -> memref<1x250x64xf32, #tpu.memory_space<vmem>>
      %dma_wait3A_202 = tpu.memref_squeeze %dma_wait3A_201 : memref<1x250x64xf32, #tpu.memory_space<vmem>> -> memref<250x64xf32, #tpu.memory_space<vmem>>
      %dma_wait3A_203 = arith.constant 0 : i32
      %dma_wait3A_204 = tpu.memref_slice %arg9[%add3A_197, %dma_wait3A_203] : memref<80x250xi32, #tpu.memory_space<vmem>> -> memref<1x250xi32, #tpu.memory_space<vmem>>
      %dma_wait3A_205 = tpu.memref_squeeze %dma_wait3A_204 : memref<1x250xi32, #tpu.memory_space<vmem>> -> memref<250xi32, #tpu.memory_space<vmem>>
      %dma_wait3A_206 = arith.constant 0 : i32
      %dma_wait3A_207 = arith.constant 0 : i32
      %dma_wait3A_208 = tpu.memref_slice %arg4[%arg0, %dma_wait3A_206, %dma_wait3A_207] : memref<2x10000x64xf32, #tpu.memory_space<hbm>> -> memref<1x10000x64xf32, #tpu.memory_space<hbm>>
      %dma_wait3A_209 = tpu.memref_squeeze %dma_wait3A_208 : memref<1x10000x64xf32, #tpu.memory_space<hbm>> -> memref<10000x64xf32, #tpu.memory_space<hbm>>
      %dma_wait3A_210 = arith.constant 0 : i32
      %dma_wait3A_211 = arith.constant 0 : i32
      %dma_wait3A_212 = tpu.memref_slice %dma_wait3A_209[%dma_wait3A_210, %dma_wait3A_211] : memref<10000x64xf32, #tpu.memory_space<hbm>> -> memref<10000x64xf32, #tpu.memory_space<hbm>>
      tpu.wait_indirect_dma semaphore(%arg17 : memref<!tpu.dma_semaphore, #tpu.memory_space<semaphore_mem>>) src(%dma_wait3A_212 : memref<10000x64xf32, #tpu.memory_space<hbm>>) dst(%dma_wait3A_202 : memref<250x64xf32, #tpu.memory_space<vmem>>)
      %dma_start3A_213 = arith.constant 1 : i32
      %dma_start3A_214 = arith.constant 0 : i32
      %dma_start3A_215 = arith.constant 0 : i32
      %dma_start3A_216 = tpu.memref_slice %arg11[%dma_start3A_213, %dma_start3A_214, %dma_start3A_215] : memref<2x250x64xf32, #tpu.memory_space<vmem>> -> memref<1x250x64xf32, #tpu.memory_space<vmem>>
      %dma_start3A_217 = tpu.memref_squeeze %dma_start3A_216 : memref<1x250x64xf32, #tpu.memory_space<vmem>> -> memref<250x64xf32, #tpu.memory_space<vmem>>
      %dma_start3A_218 = arith.constant 0 : i32
      %dma_start3A_219 = tpu.memref_slice %arg10[%add3A_197, %dma_start3A_218] : memref<80x250xi32, #tpu.memory_space<vmem>> -> memref<1x250xi32, #tpu.memory_space<vmem>>
      %dma_start3A_220 = tpu.memref_squeeze %dma_start3A_219 : memref<1x250xi32, #tpu.memory_space<vmem>> -> memref<250xi32, #tpu.memory_space<vmem>>
      %dma_start3A_221 = arith.constant 0 : i32
      %dma_start3A_222 = arith.constant 0 : i32
      %dma_start3A_223 = tpu.memref_slice %arg14[%dma_start3A_221, %dma_start3A_222] : memref<10240x64xf32, #tpu.memory_space<vmem_shared>> -> memref<10240x64xf32, #tpu.memory_space<vmem_shared>>
      tpu.enqueue_indirect_dma source(%dma_start3A_217 : memref<250x64xf32, #tpu.memory_space<vmem>>) target(%dma_start3A_223 : memref<10240x64xf32, #tpu.memory_space<vmem_shared>>) offsets(%dma_start3A_220 : memref<250xi32, #tpu.memory_space<vmem>>) semaphore(%arg19 : memref<!tpu.dma_semaphore, #tpu.memory_space<semaphore_mem>>) {add = true}
      %eq3A_224 = arith.constant 0 : i32
      %eq3A_225 = arith.cmpi eq, %arg0, %eq3A_224 : i32
      %lt3A_226 = arith.constant 40 : i32
      %lt3A_227 = arith.cmpi slt, %add3A_197, %lt3A_226 : i32
      %eq3A_228 = arith.xori %eq3A_225, %lt3A_227 : i1
      %eq3A_229 = arith.constant true
      %eq3A_230 = arith.xori %eq3A_228, %eq3A_229 : i1
      %convert_element_type3A_231 = arith.extui %eq3A_230 : i1 to i32
      %cond3A_232 = arith.constant 0 : i32
      %cond3A_233 = arith.cmpi ne, %convert_element_type3A_231, %cond3A_232 : i32
      scf.if %cond3A_233 {
        %dma_start3A_250 = arith.constant 0 : i32
        %dma_start3A_251 = tpu.memref_slice %arg10[%add3A_197, %dma_start3A_250] : memref<80x250xi32, #tpu.memory_space<vmem>> -> memref<1x250xi32, #tpu.memory_space<vmem>>
        %dma_start3A_252 = tpu.memref_squeeze %dma_start3A_251 : memref<1x250xi32, #tpu.memory_space<vmem>> -> memref<250xi32, #tpu.memory_space<vmem>>
        %dma_start3A_253 = arith.constant 0 : i32
        %dma_start3A_254 = arith.constant 0 : i32
        %dma_start3A_255 = tpu.memref_slice %arg15[%dma_start3A_253, %dma_start3A_254] : memref<10240x8xf32, #tpu.memory_space<vmem_shared>> -> memref<10240x8xf32, #tpu.memory_space<vmem_shared>>
        tpu.enqueue_indirect_dma source(%arg13 : memref<250x8xf32, #tpu.memory_space<vmem>>) target(%dma_start3A_255 : memref<10240x8xf32, #tpu.memory_space<vmem_shared>>) offsets(%dma_start3A_252 : memref<250xi32, #tpu.memory_space<vmem>>) semaphore(%arg20 : memref<!tpu.dma_semaphore, #tpu.memory_space<semaphore_mem>>) {add = true}
        %dma_wait3A_256 = arith.constant 0 : i32
        %dma_wait3A_257 = tpu.memref_slice %arg10[%add3A_197, %dma_wait3A_256] : memref<80x250xi32, #tpu.memory_space<vmem>> -> memref<1x250xi32, #tpu.memory_space<vmem>>
        %dma_wait3A_258 = tpu.memref_squeeze %dma_wait3A_257 : memref<1x250xi32, #tpu.memory_space<vmem>> -> memref<250xi32, #tpu.memory_space<vmem>>
        %dma_wait3A_259 = arith.constant 0 : i32
        %dma_wait3A_260 = arith.constant 0 : i32
        %dma_wait3A_261 = tpu.memref_slice %arg15[%dma_wait3A_259, %dma_wait3A_260] : memref<10240x8xf32, #tpu.memory_space<vmem_shared>> -> memref<10240x8xf32, #tpu.memory_space<vmem_shared>>
        tpu.wait_indirect_dma semaphore(%arg20 : memref<!tpu.dma_semaphore, #tpu.memory_space<semaphore_mem>>) src(%arg13 : memref<250x8xf32, #tpu.memory_space<vmem>>) dst(%dma_wait3A_261 : memref<10240x8xf32, #tpu.memory_space<vmem_shared>>)
      } else {
      }
      %dma_wait3A_234 = arith.constant 1 : i32
      %dma_wait3A_235 = arith.constant 0 : i32
      %dma_wait3A_236 = arith.constant 0 : i32
      %dma_wait3A_237 = tpu.memref_slice %arg11[%dma_wait3A_234, %dma_wait3A_235, %dma_wait3A_236] : memref<2x250x64xf32, #tpu.memory_space<vmem>> -> memref<1x250x64xf32, #tpu.memory_space<vmem>>
      %dma_wait3A_238 = tpu.memref_squeeze %dma_wait3A_237 : memref<1x250x64xf32, #tpu.memory_space<vmem>> -> memref<250x64xf32, #tpu.memory_space<vmem>>
      %dma_wait3A_239 = arith.constant 0 : i32
      %dma_wait3A_240 = tpu.memref_slice %arg10[%add3A_197, %dma_wait3A_239] : memref<80x250xi32, #tpu.memory_space<vmem>> -> memref<1x250xi32, #tpu.memory_space<vmem>>
      %dma_wait3A_241 = tpu.memref_squeeze %dma_wait3A_240 : memref<1x250xi32, #tpu.memory_space<vmem>> -> memref<250xi32, #tpu.memory_space<vmem>>
      %dma_wait3A_242 = arith.constant 0 : i32
      %dma_wait3A_243 = arith.constant 0 : i32
      %dma_wait3A_244 = tpu.memref_slice %arg14[%dma_wait3A_242, %dma_wait3A_243] : memref<10240x64xf32, #tpu.memory_space<vmem_shared>> -> memref<10240x64xf32, #tpu.memory_space<vmem_shared>>
      tpu.wait_indirect_dma semaphore(%arg19 : memref<!tpu.dma_semaphore, #tpu.memory_space<semaphore_mem>>) src(%dma_wait3A_238 : memref<250x64xf32, #tpu.memory_space<vmem>>) dst(%dma_wait3A_244 : memref<10240x64xf32, #tpu.memory_space<vmem_shared>>)
      %lt3A_245 = arith.constant 39 : i32
      %lt3A_246 = arith.cmpi slt, %scan3A_143, %lt3A_245 : i32
      %convert_element_type3A_247 = arith.extui %lt3A_246 : i1 to i32
      %cond3A_248 = arith.constant 0 : i32
      %cond3A_249 = arith.cmpi ne, %convert_element_type3A_247, %cond3A_248 : i32
      scf.if %cond3A_249 {
        %add3A_250 = arith.constant 2 : i32
        %add3A_251 = arith.addi %add3A_197, %add3A_250 : i32
        %dma_start3A_252 = arith.constant 1 : i32
        %dma_start3A_253 = arith.constant 0 : i32
        %dma_start3A_254 = arith.constant 0 : i32
        %dma_start3A_255 = tpu.memref_slice %arg11[%dma_start3A_252, %dma_start3A_253, %dma_start3A_254] : memref<2x250x64xf32, #tpu.memory_space<vmem>> -> memref<1x250x64xf32, #tpu.memory_space<vmem>>
        %dma_start3A_256 = tpu.memref_squeeze %dma_start3A_255 : memref<1x250x64xf32, #tpu.memory_space<vmem>> -> memref<250x64xf32, #tpu.memory_space<vmem>>
        %dma_start3A_257 = arith.constant 0 : i32
        %dma_start3A_258 = tpu.memref_slice %arg9[%add3A_251, %dma_start3A_257] : memref<80x250xi32, #tpu.memory_space<vmem>> -> memref<1x250xi32, #tpu.memory_space<vmem>>
        %dma_start3A_259 = tpu.memref_squeeze %dma_start3A_258 : memref<1x250xi32, #tpu.memory_space<vmem>> -> memref<250xi32, #tpu.memory_space<vmem>>
        %dma_start3A_260 = arith.constant 0 : i32
        %dma_start3A_261 = arith.constant 0 : i32
        %dma_start3A_262 = tpu.memref_slice %arg4[%arg0, %dma_start3A_260, %dma_start3A_261] : memref<2x10000x64xf32, #tpu.memory_space<hbm>> -> memref<1x10000x64xf32, #tpu.memory_space<hbm>>
        %dma_start3A_263 = tpu.memref_squeeze %dma_start3A_262 : memref<1x10000x64xf32, #tpu.memory_space<hbm>> -> memref<10000x64xf32, #tpu.memory_space<hbm>>
        %dma_start3A_264 = arith.constant 0 : i32
        %dma_start3A_265 = arith.constant 0 : i32
        %dma_start3A_266 = tpu.memref_slice %dma_start3A_263[%dma_start3A_264, %dma_start3A_265] : memref<10000x64xf32, #tpu.memory_space<hbm>> -> memref<10000x64xf32, #tpu.memory_space<hbm>>
        tpu.enqueue_indirect_dma source(%dma_start3A_266 : memref<10000x64xf32, #tpu.memory_space<hbm>>) target(%dma_start3A_256 : memref<250x64xf32, #tpu.memory_space<vmem>>) offsets(%dma_start3A_259 : memref<250xi32, #tpu.memory_space<vmem>>) semaphore(%arg17 : memref<!tpu.dma_semaphore, #tpu.memory_space<semaphore_mem>>)
      } else {
      }
    }
    %scan3A_141 = arith.constant 40 : i32
    %barrier3A_142 = arith.constant 0 : index
    tpu.barrier barrier_id(%barrier3A_142)
    "tpu.region"() ({
      %run_scoped3A = tpu.sem_alloc : memref<!tpu.dma_semaphore, #tpu.memory_space<semaphore_mem>>
      %dma_start3A_143 = arith.constant 0 : i32
      %dma_start3A_144 = tpu.memref_slice %arg7[%arg0, %mul3A_6, %dma_start3A_143] : memref<2x10240x64xf32, #tpu.memory_space<hbm>> -> memref<1x640x64xf32, #tpu.memory_space<hbm>>
      %dma_start3A_145 = tpu.memref_squeeze %dma_start3A_144 : memref<1x640x64xf32, #tpu.memory_space<hbm>> -> memref<640x64xf32, #tpu.memory_space<hbm>>
      %dma_start3A_146 = arith.constant 0 : i32
      %dma_start3A_147 = tpu.memref_slice %arg14[%mul3A_6, %dma_start3A_146] : memref<10240x64xf32, #tpu.memory_space<vmem_shared>> -> memref<640x64xf32, #tpu.memory_space<vmem_shared>>
      tpu.enqueue_dma source(%dma_start3A_147 : memref<640x64xf32, #tpu.memory_space<vmem_shared>>) target(%dma_start3A_145 : memref<640x64xf32, #tpu.memory_space<hbm>>) target_semaphore(%run_scoped3A : memref<!tpu.dma_semaphore, #tpu.memory_space<semaphore_mem>>)
      %dma_wait3A_148 = arith.constant 0 : i32
      %dma_wait3A_149 = tpu.memref_slice %arg7[%arg0, %mul3A_6, %dma_wait3A_148] : memref<2x10240x64xf32, #tpu.memory_space<hbm>> -> memref<1x640x64xf32, #tpu.memory_space<hbm>>
      %dma_wait3A_150 = tpu.memref_squeeze %dma_wait3A_149 : memref<1x640x64xf32, #tpu.memory_space<hbm>> -> memref<640x64xf32, #tpu.memory_space<hbm>>
      %dma_wait3A_151 = arith.constant 0 : i32
      %dma_wait3A_152 = tpu.memref_slice %arg14[%mul3A_6, %dma_wait3A_151] : memref<10240x64xf32, #tpu.memory_space<vmem_shared>> -> memref<640x64xf32, #tpu.memory_space<vmem_shared>>
      tpu.wait_dma2 semaphore(%run_scoped3A : memref<!tpu.dma_semaphore, #tpu.memory_space<semaphore_mem>>) src(%dma_wait3A_152 : memref<640x64xf32, #tpu.memory_space<vmem_shared>>) dst(%dma_wait3A_150 : memref<640x64xf32, #tpu.memory_space<hbm>>)
      tpu.yield
    }) : () -> ()
    "tpu.region"() ({
      %run_scoped3A = tpu.sem_alloc : memref<!tpu.dma_semaphore, #tpu.memory_space<semaphore_mem>>
      %dma_start3A_143 = arith.constant 0 : i32
      %dma_start3A_144 = tpu.memref_slice %arg8[%arg0, %mul3A_6, %dma_start3A_143] : memref<2x10240x8xf32, #tpu.memory_space<hbm>> -> memref<1x640x8xf32, #tpu.memory_space<hbm>>
      %dma_start3A_145 = tpu.memref_squeeze %dma_start3A_144 : memref<1x640x8xf32, #tpu.memory_space<hbm>> -> memref<640x8xf32, #tpu.memory_space<hbm>>
      %dma_start3A_146 = arith.constant 0 : i32
      %dma_start3A_147 = tpu.memref_slice %arg15[%mul3A_6, %dma_start3A_146] : memref<10240x8xf32, #tpu.memory_space<vmem_shared>> -> memref<640x8xf32, #tpu.memory_space<vmem_shared>>
      tpu.enqueue_dma source(%dma_start3A_147 : memref<640x8xf32, #tpu.memory_space<vmem_shared>>) target(%dma_start3A_145 : memref<640x8xf32, #tpu.memory_space<hbm>>) target_semaphore(%run_scoped3A : memref<!tpu.dma_semaphore, #tpu.memory_space<semaphore_mem>>)
      %dma_wait3A_148 = arith.constant 0 : i32
      %dma_wait3A_149 = tpu.memref_slice %arg8[%arg0, %mul3A_6, %dma_wait3A_148] : memref<2x10240x8xf32, #tpu.memory_space<hbm>> -> memref<1x640x8xf32, #tpu.memory_space<hbm>>
      %dma_wait3A_150 = tpu.memref_squeeze %dma_wait3A_149 : memref<1x640x8xf32, #tpu.memory_space<hbm>> -> memref<640x8xf32, #tpu.memory_space<hbm>>
      %dma_wait3A_151 = arith.constant 0 : i32
      %dma_wait3A_152 = tpu.memref_slice %arg15[%mul3A_6, %dma_wait3A_151] : memref<10240x8xf32, #tpu.memory_space<vmem_shared>> -> memref<640x8xf32, #tpu.memory_space<vmem_shared>>
      tpu.wait_dma2 semaphore(%run_scoped3A : memref<!tpu.dma_semaphore, #tpu.memory_space<semaphore_mem>>) src(%dma_wait3A_152 : memref<640x8xf32, #tpu.memory_space<vmem_shared>>) dst(%dma_wait3A_150 : memref<640x8xf32, #tpu.memory_space<hbm>>)
      tpu.yield
    }) : () -> ()
    return
  }
}

#map = affine_map<(d0, d1) -> (0, 0, 0)>
module attributes {stable_mosaic.version = 14 : i64} {
  func.func @sc_prop(%arg0: i32, %arg1: i32, %arg2: memref<16x80x250xi32, #tpu.memory_space<hbm>>, %arg3: memref<16x80x250xi32, #tpu.memory_space<hbm>>, %arg4: memref<2x10240x64xf32, #tpu.memory_space<hbm>>, %arg5: memref<2x10240x64xf32, #tpu.memory_space<hbm>>, %arg6: memref<80x250xi32, #tpu.memory_space<vmem>>, %arg7: memref<80x250xi32, #tpu.memory_space<vmem>>, %arg8: memref<2x250x64xf32, #tpu.memory_space<vmem>>, %arg9: memref<128x64xf32, #tpu.memory_space<vmem>>, %arg10: memref<250x8xf32, #tpu.memory_space<vmem>>, %arg11: memref<10240x64xf32, #tpu.memory_space<vmem_shared>>, %arg12: memref<10240x8xf32, #tpu.memory_space<vmem_shared>>, %arg13: memref<!tpu.dma_semaphore, #tpu.memory_space<semaphore_mem>>, %arg14: memref<!tpu.dma_semaphore, #tpu.memory_space<semaphore_mem>>, %arg15: memref<!tpu.dma_semaphore, #tpu.memory_space<semaphore_mem>>, %arg16: memref<!tpu.dma_semaphore, #tpu.memory_space<semaphore_mem>>, %arg17: memref<!tpu.dma_semaphore, #tpu.memory_space<semaphore_mem>>) attributes {dimension_semantics = [#tpu.dimension_semantics<core_parallel>, #tpu.dimension_semantics<subcore_parallel>], iteration_bounds = array<i64: 2, 16>, scalar_prefetch = 0 : i64, scratch_operands = 12 : i64, tpu.core_type = #tpu.core_type<sc_vector_subcore>, window_params = [{transform_indices = #map}, {transform_indices = #map}, {transform_indices = #map}, {transform_indices = #map}]} {
    %broadcast_in_dim3A = arith.constant 0.000000e+00 : f32
    %broadcast_in_dim3A_0 = vector.broadcast %broadcast_in_dim3A : f32 to vector<16xf32>
    %scan3A = arith.constant 0 : i32
    %scan3A_1 = arith.constant 0 : i32
    %scan3A_2 = arith.constant 128 : i32
    %scan3A_3 = arith.addi %scan3A_1, %scan3A_2 : i32
    %scan3A_4 = arith.constant 1 : i32
    scf.for %scan3A_103 = %scan3A_1 to %scan3A_3 step %scan3A_4  : i32 {
      %swap3A = arith.index_cast %scan3A_103 : i32 to index
      %swap3A_104 = arith.constant 0 : index
      %swap3A_105 = tpu.vector_load %arg9[%swap3A, %swap3A_104] {strides = array<i32>} : memref<128x64xf32, #tpu.memory_space<vmem>>, vector<1x16xf32>,
      %swap3A_106 = vector.shape_cast %swap3A_105 : vector<1x16xf32> to vector<16xf32>
      %swap3A_107 = vector.shape_cast %broadcast_in_dim3A_0 : vector<16xf32> to vector<1x16xf32>
      tpu.vector_store %arg9[%swap3A, %swap3A_104], %swap3A_107 {strides = array<i32>} : memref<128x64xf32, #tpu.memory_space<vmem>>, vector<1x16xf32>,
      %swap3A_108 = arith.index_cast %scan3A_103 : i32 to index
      %swap3A_109 = arith.constant 16 : index
      %swap3A_110 = tpu.vector_load %arg9[%swap3A_108, %swap3A_109] {strides = array<i32>} : memref<128x64xf32, #tpu.memory_space<vmem>>, vector<1x16xf32>,
      %swap3A_111 = vector.shape_cast %swap3A_110 : vector<1x16xf32> to vector<16xf32>
      %swap3A_112 = vector.shape_cast %broadcast_in_dim3A_0 : vector<16xf32> to vector<1x16xf32>
      tpu.vector_store %arg9[%swap3A_108, %swap3A_109], %swap3A_112 {strides = array<i32>} : memref<128x64xf32, #tpu.memory_space<vmem>>, vector<1x16xf32>,
      %swap3A_113 = arith.index_cast %scan3A_103 : i32 to index
      %swap3A_114 = arith.constant 32 : index
      %swap3A_115 = tpu.vector_load %arg9[%swap3A_113, %swap3A_114] {strides = array<i32>} : memref<128x64xf32, #tpu.memory_space<vmem>>, vector<1x16xf32>,
      %swap3A_116 = vector.shape_cast %swap3A_115 : vector<1x16xf32> to vector<16xf32>
      %swap3A_117 = vector.shape_cast %broadcast_in_dim3A_0 : vector<16xf32> to vector<1x16xf32>
      tpu.vector_store %arg9[%swap3A_113, %swap3A_114], %swap3A_117 {strides = array<i32>} : memref<128x64xf32, #tpu.memory_space<vmem>>, vector<1x16xf32>,
      %swap3A_118 = arith.index_cast %scan3A_103 : i32 to index
      %swap3A_119 = arith.constant 48 : index
      %swap3A_120 = tpu.vector_load %arg9[%swap3A_118, %swap3A_119] {strides = array<i32>} : memref<128x64xf32, #tpu.memory_space<vmem>>, vector<1x16xf32>,
      %swap3A_121 = vector.shape_cast %swap3A_120 : vector<1x16xf32> to vector<16xf32>
      %swap3A_122 = vector.shape_cast %broadcast_in_dim3A_0 : vector<16xf32> to vector<1x16xf32>
      tpu.vector_store %arg9[%swap3A_118, %swap3A_119], %swap3A_122 {strides = array<i32>} : memref<128x64xf32, #tpu.memory_space<vmem>>, vector<1x16xf32>,
    }
    %scan3A_5 = arith.constant 128 : i32
    %mul3A = arith.constant 640 : i32
    %mul3A_6 = arith.muli %arg1, %mul3A : i32
    %add3A = arith.constant 0 : i32
    %add3A_7 = arith.addi %mul3A_6, %add3A : i32
    %dma_start3A = arith.constant 0 : i32
    %dma_start3A_8 = tpu.memref_slice %arg11[%add3A_7, %dma_start3A] : memref<10240x64xf32, #tpu.memory_space<vmem_shared>> -> memref<128x64xf32, #tpu.memory_space<vmem_shared>>
    %dma_start3A_9 = arith.constant 0 : i32
    %dma_start3A_10 = tpu.memref_slice %arg11[%add3A_7, %dma_start3A_9] : memref<10240x64xf32, #tpu.memory_space<vmem_shared>> -> memref<128x64xf32, #tpu.memory_space<vmem_shared>>
    tpu.enqueue_dma source(%arg9 : memref<128x64xf32, #tpu.memory_space<vmem>>) target(%dma_start3A_10 : memref<128x64xf32, #tpu.memory_space<vmem_shared>>) target_semaphore(%arg17 : memref<!tpu.dma_semaphore, #tpu.memory_space<semaphore_mem>>)
    %add3A_11 = arith.constant 128 : i32
    %add3A_12 = arith.addi %mul3A_6, %add3A_11 : i32
    %dma_start3A_13 = arith.constant 0 : i32
    %dma_start3A_14 = tpu.memref_slice %arg11[%add3A_12, %dma_start3A_13] : memref<10240x64xf32, #tpu.memory_space<vmem_shared>> -> memref<128x64xf32, #tpu.memory_space<vmem_shared>>
    %dma_start3A_15 = arith.constant 0 : i32
    %dma_start3A_16 = tpu.memref_slice %arg11[%add3A_12, %dma_start3A_15] : memref<10240x64xf32, #tpu.memory_space<vmem_shared>> -> memref<128x64xf32, #tpu.memory_space<vmem_shared>>
    tpu.enqueue_dma source(%arg9 : memref<128x64xf32, #tpu.memory_space<vmem>>) target(%dma_start3A_16 : memref<128x64xf32, #tpu.memory_space<vmem_shared>>) target_semaphore(%arg17 : memref<!tpu.dma_semaphore, #tpu.memory_space<semaphore_mem>>)
    %add3A_17 = arith.constant 256 : i32
    %add3A_18 = arith.addi %mul3A_6, %add3A_17 : i32
    %dma_start3A_19 = arith.constant 0 : i32
    %dma_start3A_20 = tpu.memref_slice %arg11[%add3A_18, %dma_start3A_19] : memref<10240x64xf32, #tpu.memory_space<vmem_shared>> -> memref<128x64xf32, #tpu.memory_space<vmem_shared>>
    %dma_start3A_21 = arith.constant 0 : i32
    %dma_start3A_22 = tpu.memref_slice %arg11[%add3A_18, %dma_start3A_21] : memref<10240x64xf32, #tpu.memory_space<vmem_shared>> -> memref<128x64xf32, #tpu.memory_space<vmem_shared>>
    tpu.enqueue_dma source(%arg9 : memref<128x64xf32, #tpu.memory_space<vmem>>) target(%dma_start3A_22 : memref<128x64xf32, #tpu.memory_space<vmem_shared>>) target_semaphore(%arg17 : memref<!tpu.dma_semaphore, #tpu.memory_space<semaphore_mem>>)
    %add3A_23 = arith.constant 384 : i32
    %add3A_24 = arith.addi %mul3A_6, %add3A_23 : i32
    %dma_start3A_25 = arith.constant 0 : i32
    %dma_start3A_26 = tpu.memref_slice %arg11[%add3A_24, %dma_start3A_25] : memref<10240x64xf32, #tpu.memory_space<vmem_shared>> -> memref<128x64xf32, #tpu.memory_space<vmem_shared>>
    %dma_start3A_27 = arith.constant 0 : i32
    %dma_start3A_28 = tpu.memref_slice %arg11[%add3A_24, %dma_start3A_27] : memref<10240x64xf32, #tpu.memory_space<vmem_shared>> -> memref<128x64xf32, #tpu.memory_space<vmem_shared>>
    tpu.enqueue_dma source(%arg9 : memref<128x64xf32, #tpu.memory_space<vmem>>) target(%dma_start3A_28 : memref<128x64xf32, #tpu.memory_space<vmem_shared>>) target_semaphore(%arg17 : memref<!tpu.dma_semaphore, #tpu.memory_space<semaphore_mem>>)
    %add3A_29 = arith.constant 512 : i32
    %add3A_30 = arith.addi %mul3A_6, %add3A_29 : i32
    %dma_start3A_31 = arith.constant 0 : i32
    %dma_start3A_32 = tpu.memref_slice %arg11[%add3A_30, %dma_start3A_31] : memref<10240x64xf32, #tpu.memory_space<vmem_shared>> -> memref<128x64xf32, #tpu.memory_space<vmem_shared>>
    %dma_start3A_33 = arith.constant 0 : i32
    %dma_start3A_34 = tpu.memref_slice %arg11[%add3A_30, %dma_start3A_33] : memref<10240x64xf32, #tpu.memory_space<vmem_shared>> -> memref<128x64xf32, #tpu.memory_space<vmem_shared>>
    tpu.enqueue_dma source(%arg9 : memref<128x64xf32, #tpu.memory_space<vmem>>) target(%dma_start3A_34 : memref<128x64xf32, #tpu.memory_space<vmem_shared>>) target_semaphore(%arg17 : memref<!tpu.dma_semaphore, #tpu.memory_space<semaphore_mem>>)
    "tpu.region"() ({
      %run_scoped3A = tpu.sem_alloc : memref<!tpu.dma_semaphore, #tpu.memory_space<semaphore_mem>>
      %dma_start3A_103 = arith.constant 0 : i32
      %dma_start3A_104 = arith.constant 0 : i32
      %dma_start3A_105 = tpu.memref_slice %arg2[%arg1, %dma_start3A_103, %dma_start3A_104] : memref<16x80x250xi32, #tpu.memory_space<hbm>> -> memref<1x80x250xi32, #tpu.memory_space<hbm>>
      %dma_start3A_106 = tpu.memref_squeeze %dma_start3A_105 : memref<1x80x250xi32, #tpu.memory_space<hbm>> -> memref<80x250xi32, #tpu.memory_space<hbm>>
      %dma_start3A_107 = arith.constant 0 : i32
      %dma_start3A_108 = arith.constant 0 : i32
      %dma_start3A_109 = tpu.memref_slice %arg2[%arg1, %dma_start3A_107, %dma_start3A_108] : memref<16x80x250xi32, #tpu.memory_space<hbm>> -> memref<1x80x250xi32, #tpu.memory_space<hbm>>
      %dma_start3A_110 = tpu.memref_squeeze %dma_start3A_109 : memref<1x80x250xi32, #tpu.memory_space<hbm>> -> memref<80x250xi32, #tpu.memory_space<hbm>>
      tpu.enqueue_dma source(%dma_start3A_110 : memref<80x250xi32, #tpu.memory_space<hbm>>) target(%arg6 : memref<80x250xi32, #tpu.memory_space<vmem>>) target_semaphore(%run_scoped3A : memref<!tpu.dma_semaphore, #tpu.memory_space<semaphore_mem>>)
      %dma_wait3A_111 = arith.constant 0 : i32
      %dma_wait3A_112 = arith.constant 0 : i32
      %dma_wait3A_113 = tpu.memref_slice %arg2[%arg1, %dma_wait3A_111, %dma_wait3A_112] : memref<16x80x250xi32, #tpu.memory_space<hbm>> -> memref<1x80x250xi32, #tpu.memory_space<hbm>>
      %dma_wait3A_114 = tpu.memref_squeeze %dma_wait3A_113 : memref<1x80x250xi32, #tpu.memory_space<hbm>> -> memref<80x250xi32, #tpu.memory_space<hbm>>
      %dma_wait3A_115 = arith.constant 0 : i32
      %dma_wait3A_116 = arith.constant 0 : i32
      %dma_wait3A_117 = tpu.memref_slice %arg2[%arg1, %dma_wait3A_115, %dma_wait3A_116] : memref<16x80x250xi32, #tpu.memory_space<hbm>> -> memref<1x80x250xi32, #tpu.memory_space<hbm>>
      %dma_wait3A_118 = tpu.memref_squeeze %dma_wait3A_117 : memref<1x80x250xi32, #tpu.memory_space<hbm>> -> memref<80x250xi32, #tpu.memory_space<hbm>>
      tpu.wait_dma2 semaphore(%run_scoped3A : memref<!tpu.dma_semaphore, #tpu.memory_space<semaphore_mem>>) src(%dma_wait3A_118 : memref<80x250xi32, #tpu.memory_space<hbm>>) dst(%arg6 : memref<80x250xi32, #tpu.memory_space<vmem>>)
      tpu.yield
    }) : () -> ()
    "tpu.region"() ({
      %run_scoped3A = tpu.sem_alloc : memref<!tpu.dma_semaphore, #tpu.memory_space<semaphore_mem>>
      %dma_start3A_103 = arith.constant 0 : i32
      %dma_start3A_104 = arith.constant 0 : i32
      %dma_start3A_105 = tpu.memref_slice %arg3[%arg1, %dma_start3A_103, %dma_start3A_104] : memref<16x80x250xi32, #tpu.memory_space<hbm>> -> memref<1x80x250xi32, #tpu.memory_space<hbm>>
      %dma_start3A_106 = tpu.memref_squeeze %dma_start3A_105 : memref<1x80x250xi32, #tpu.memory_space<hbm>> -> memref<80x250xi32, #tpu.memory_space<hbm>>
      %dma_start3A_107 = arith.constant 0 : i32
      %dma_start3A_108 = arith.constant 0 : i32
      %dma_start3A_109 = tpu.memref_slice %arg3[%arg1, %dma_start3A_107, %dma_start3A_108] : memref<16x80x250xi32, #tpu.memory_space<hbm>> -> memref<1x80x250xi32, #tpu.memory_space<hbm>>
      %dma_start3A_110 = tpu.memref_squeeze %dma_start3A_109 : memref<1x80x250xi32, #tpu.memory_space<hbm>> -> memref<80x250xi32, #tpu.memory_space<hbm>>
      tpu.enqueue_dma source(%dma_start3A_110 : memref<80x250xi32, #tpu.memory_space<hbm>>) target(%arg7 : memref<80x250xi32, #tpu.memory_space<vmem>>) target_semaphore(%run_scoped3A : memref<!tpu.dma_semaphore, #tpu.memory_space<semaphore_mem>>)
      %dma_wait3A_111 = arith.constant 0 : i32
      %dma_wait3A_112 = arith.constant 0 : i32
      %dma_wait3A_113 = tpu.memref_slice %arg3[%arg1, %dma_wait3A_111, %dma_wait3A_112] : memref<16x80x250xi32, #tpu.memory_space<hbm>> -> memref<1x80x250xi32, #tpu.memory_space<hbm>>
      %dma_wait3A_114 = tpu.memref_squeeze %dma_wait3A_113 : memref<1x80x250xi32, #tpu.memory_space<hbm>> -> memref<80x250xi32, #tpu.memory_space<hbm>>
      %dma_wait3A_115 = arith.constant 0 : i32
      %dma_wait3A_116 = arith.constant 0 : i32
      %dma_wait3A_117 = tpu.memref_slice %arg3[%arg1, %dma_wait3A_115, %dma_wait3A_116] : memref<16x80x250xi32, #tpu.memory_space<hbm>> -> memref<1x80x250xi32, #tpu.memory_space<hbm>>
      %dma_wait3A_118 = tpu.memref_squeeze %dma_wait3A_117 : memref<1x80x250xi32, #tpu.memory_space<hbm>> -> memref<80x250xi32, #tpu.memory_space<hbm>>
      tpu.wait_dma2 semaphore(%run_scoped3A : memref<!tpu.dma_semaphore, #tpu.memory_space<semaphore_mem>>) src(%dma_wait3A_118 : memref<80x250xi32, #tpu.memory_space<hbm>>) dst(%arg7 : memref<80x250xi32, #tpu.memory_space<vmem>>)
      tpu.yield
    }) : () -> ()
    %dma_start3A_35 = arith.constant 0 : i32
    %dma_start3A_36 = arith.constant 0 : i32
    %dma_start3A_37 = arith.constant 0 : i32
    %dma_start3A_38 = arith.constant 0 : i32
    %dma_start3A_39 = tpu.memref_slice %arg8[%dma_start3A_36, %dma_start3A_37, %dma_start3A_38] : memref<2x250x64xf32, #tpu.memory_space<vmem>> -> memref<1x250x64xf32, #tpu.memory_space<vmem>>
    %dma_start3A_40 = tpu.memref_squeeze %dma_start3A_39 : memref<1x250x64xf32, #tpu.memory_space<vmem>> -> memref<250x64xf32, #tpu.memory_space<vmem>>
    %dma_start3A_41 = arith.constant 0 : i32
    %dma_start3A_42 = tpu.memref_slice %arg6[%dma_start3A_35, %dma_start3A_41] : memref<80x250xi32, #tpu.memory_space<vmem>> -> memref<1x250xi32, #tpu.memory_space<vmem>>
    %dma_start3A_43 = tpu.memref_squeeze %dma_start3A_42 : memref<1x250xi32, #tpu.memory_space<vmem>> -> memref<250xi32, #tpu.memory_space<vmem>>
    %dma_start3A_44 = arith.constant 0 : i32
    %dma_start3A_45 = arith.constant 0 : i32
    %dma_start3A_46 = tpu.memref_slice %arg4[%arg0, %dma_start3A_44, %dma_start3A_45] : memref<2x10240x64xf32, #tpu.memory_space<hbm>> -> memref<1x10240x64xf32, #tpu.memory_space<hbm>>
    %dma_start3A_47 = tpu.memref_squeeze %dma_start3A_46 : memref<1x10240x64xf32, #tpu.memory_space<hbm>> -> memref<10240x64xf32, #tpu.memory_space<hbm>>
    %dma_start3A_48 = arith.constant 0 : i32
    %dma_start3A_49 = arith.constant 0 : i32
    %dma_start3A_50 = tpu.memref_slice %dma_start3A_47[%dma_start3A_48, %dma_start3A_49] : memref<10240x64xf32, #tpu.memory_space<hbm>> -> memref<10240x64xf32, #tpu.memory_space<hbm>>
    tpu.enqueue_indirect_dma source(%dma_start3A_50 : memref<10240x64xf32, #tpu.memory_space<hbm>>) target(%dma_start3A_40 : memref<250x64xf32, #tpu.memory_space<vmem>>) offsets(%dma_start3A_43 : memref<250xi32, #tpu.memory_space<vmem>>) semaphore(%arg13 : memref<!tpu.dma_semaphore, #tpu.memory_space<semaphore_mem>>)
    %dma_start3A_51 = arith.constant 1 : i32
    %dma_start3A_52 = arith.constant 1 : i32
    %dma_start3A_53 = arith.constant 0 : i32
    %dma_start3A_54 = arith.constant 0 : i32
    %dma_start3A_55 = tpu.memref_slice %arg8[%dma_start3A_52, %dma_start3A_53, %dma_start3A_54] : memref<2x250x64xf32, #tpu.memory_space<vmem>> -> memref<1x250x64xf32, #tpu.memory_space<vmem>>
    %dma_start3A_56 = tpu.memref_squeeze %dma_start3A_55 : memref<1x250x64xf32, #tpu.memory_space<vmem>> -> memref<250x64xf32, #tpu.memory_space<vmem>>
    %dma_start3A_57 = arith.constant 0 : i32
    %dma_start3A_58 = tpu.memref_slice %arg6[%dma_start3A_51, %dma_start3A_57] : memref<80x250xi32, #tpu.memory_space<vmem>> -> memref<1x250xi32, #tpu.memory_space<vmem>>
    %dma_start3A_59 = tpu.memref_squeeze %dma_start3A_58 : memref<1x250xi32, #tpu.memory_space<vmem>> -> memref<250xi32, #tpu.memory_space<vmem>>
    %dma_start3A_60 = arith.constant 0 : i32
    %dma_start3A_61 = arith.constant 0 : i32
    %dma_start3A_62 = tpu.memref_slice %arg4[%arg0, %dma_start3A_60, %dma_start3A_61] : memref<2x10240x64xf32, #tpu.memory_space<hbm>> -> memref<1x10240x64xf32, #tpu.memory_space<hbm>>
    %dma_start3A_63 = tpu.memref_squeeze %dma_start3A_62 : memref<1x10240x64xf32, #tpu.memory_space<hbm>> -> memref<10240x64xf32, #tpu.memory_space<hbm>>
    %dma_start3A_64 = arith.constant 0 : i32
    %dma_start3A_65 = arith.constant 0 : i32
    %dma_start3A_66 = tpu.memref_slice %dma_start3A_63[%dma_start3A_64, %dma_start3A_65] : memref<10240x64xf32, #tpu.memory_space<hbm>> -> memref<10240x64xf32, #tpu.memory_space<hbm>>
    tpu.enqueue_indirect_dma source(%dma_start3A_66 : memref<10240x64xf32, #tpu.memory_space<hbm>>) target(%dma_start3A_56 : memref<250x64xf32, #tpu.memory_space<vmem>>) offsets(%dma_start3A_59 : memref<250xi32, #tpu.memory_space<vmem>>) semaphore(%arg14 : memref<!tpu.dma_semaphore, #tpu.memory_space<semaphore_mem>>)
    %add3A_67 = arith.constant 0 : i32
    %add3A_68 = arith.addi %mul3A_6, %add3A_67 : i32
    %dma_wait3A = arith.constant 0 : i32
    %dma_wait3A_69 = tpu.memref_slice %arg11[%add3A_68, %dma_wait3A] : memref<10240x64xf32, #tpu.memory_space<vmem_shared>> -> memref<128x64xf32, #tpu.memory_space<vmem_shared>>
    %dma_wait3A_70 = arith.constant 0 : i32
    %dma_wait3A_71 = tpu.memref_slice %arg11[%add3A_68, %dma_wait3A_70] : memref<10240x64xf32, #tpu.memory_space<vmem_shared>> -> memref<128x64xf32, #tpu.memory_space<vmem_shared>>
    tpu.wait_dma2 semaphore(%arg17 : memref<!tpu.dma_semaphore, #tpu.memory_space<semaphore_mem>>) src(%arg9 : memref<128x64xf32, #tpu.memory_space<vmem>>) dst(%dma_wait3A_71 : memref<128x64xf32, #tpu.memory_space<vmem_shared>>)
    %add3A_72 = arith.constant 128 : i32
    %add3A_73 = arith.addi %mul3A_6, %add3A_72 : i32
    %dma_wait3A_74 = arith.constant 0 : i32
    %dma_wait3A_75 = tpu.memref_slice %arg11[%add3A_73, %dma_wait3A_74] : memref<10240x64xf32, #tpu.memory_space<vmem_shared>> -> memref<128x64xf32, #tpu.memory_space<vmem_shared>>
    %dma_wait3A_76 = arith.constant 0 : i32
    %dma_wait3A_77 = tpu.memref_slice %arg11[%add3A_73, %dma_wait3A_76] : memref<10240x64xf32, #tpu.memory_space<vmem_shared>> -> memref<128x64xf32, #tpu.memory_space<vmem_shared>>
    tpu.wait_dma2 semaphore(%arg17 : memref<!tpu.dma_semaphore, #tpu.memory_space<semaphore_mem>>) src(%arg9 : memref<128x64xf32, #tpu.memory_space<vmem>>) dst(%dma_wait3A_77 : memref<128x64xf32, #tpu.memory_space<vmem_shared>>)
    %add3A_78 = arith.constant 256 : i32
    %add3A_79 = arith.addi %mul3A_6, %add3A_78 : i32
    %dma_wait3A_80 = arith.constant 0 : i32
    %dma_wait3A_81 = tpu.memref_slice %arg11[%add3A_79, %dma_wait3A_80] : memref<10240x64xf32, #tpu.memory_space<vmem_shared>> -> memref<128x64xf32, #tpu.memory_space<vmem_shared>>
    %dma_wait3A_82 = arith.constant 0 : i32
    %dma_wait3A_83 = tpu.memref_slice %arg11[%add3A_79, %dma_wait3A_82] : memref<10240x64xf32, #tpu.memory_space<vmem_shared>> -> memref<128x64xf32, #tpu.memory_space<vmem_shared>>
    tpu.wait_dma2 semaphore(%arg17 : memref<!tpu.dma_semaphore, #tpu.memory_space<semaphore_mem>>) src(%arg9 : memref<128x64xf32, #tpu.memory_space<vmem>>) dst(%dma_wait3A_83 : memref<128x64xf32, #tpu.memory_space<vmem_shared>>)
    %add3A_84 = arith.constant 384 : i32
    %add3A_85 = arith.addi %mul3A_6, %add3A_84 : i32
    %dma_wait3A_86 = arith.constant 0 : i32
    %dma_wait3A_87 = tpu.memref_slice %arg11[%add3A_85, %dma_wait3A_86] : memref<10240x64xf32, #tpu.memory_space<vmem_shared>> -> memref<128x64xf32, #tpu.memory_space<vmem_shared>>
    %dma_wait3A_88 = arith.constant 0 : i32
    %dma_wait3A_89 = tpu.memref_slice %arg11[%add3A_85, %dma_wait3A_88] : memref<10240x64xf32, #tpu.memory_space<vmem_shared>> -> memref<128x64xf32, #tpu.memory_space<vmem_shared>>
    tpu.wait_dma2 semaphore(%arg17 : memref<!tpu.dma_semaphore, #tpu.memory_space<semaphore_mem>>) src(%arg9 : memref<128x64xf32, #tpu.memory_space<vmem>>) dst(%dma_wait3A_89 : memref<128x64xf32, #tpu.memory_space<vmem_shared>>)
    %add3A_90 = arith.constant 512 : i32
    %add3A_91 = arith.addi %mul3A_6, %add3A_90 : i32
    %dma_wait3A_92 = arith.constant 0 : i32
    %dma_wait3A_93 = tpu.memref_slice %arg11[%add3A_91, %dma_wait3A_92] : memref<10240x64xf32, #tpu.memory_space<vmem_shared>> -> memref<128x64xf32, #tpu.memory_space<vmem_shared>>
    %dma_wait3A_94 = arith.constant 0 : i32
    %dma_wait3A_95 = tpu.memref_slice %arg11[%add3A_91, %dma_wait3A_94] : memref<10240x64xf32, #tpu.memory_space<vmem_shared>> -> memref<128x64xf32, #tpu.memory_space<vmem_shared>>
    tpu.wait_dma2 semaphore(%arg17 : memref<!tpu.dma_semaphore, #tpu.memory_space<semaphore_mem>>) src(%arg9 : memref<128x64xf32, #tpu.memory_space<vmem>>) dst(%dma_wait3A_95 : memref<128x64xf32, #tpu.memory_space<vmem_shared>>)
    %barrier3A = arith.constant 0 : index
    tpu.barrier barrier_id(%barrier3A)
    %scan3A_96 = arith.constant 0 : i32
    %scan3A_97 = arith.constant 0 : i32
    %scan3A_98 = arith.constant 40 : i32
    %scan3A_99 = arith.addi %scan3A_97, %scan3A_98 : i32
    %scan3A_100 = arith.constant 1 : i32
    scf.for %scan3A_103 = %scan3A_97 to %scan3A_99 step %scan3A_100  : i32 {
      %mul3A_104 = arith.constant 2 : i32
      %mul3A_105 = arith.muli %scan3A_103, %mul3A_104 : i32
      %add3A_106 = arith.constant 0 : i32
      %add3A_107 = arith.addi %mul3A_105, %add3A_106 : i32
      %dma_wait3A_108 = arith.constant 0 : i32
      %dma_wait3A_109 = arith.constant 0 : i32
      %dma_wait3A_110 = arith.constant 0 : i32
      %dma_wait3A_111 = tpu.memref_slice %arg8[%dma_wait3A_108, %dma_wait3A_109, %dma_wait3A_110] : memref<2x250x64xf32, #tpu.memory_space<vmem>> -> memref<1x250x64xf32, #tpu.memory_space<vmem>>
      %dma_wait3A_112 = tpu.memref_squeeze %dma_wait3A_111 : memref<1x250x64xf32, #tpu.memory_space<vmem>> -> memref<250x64xf32, #tpu.memory_space<vmem>>
      %dma_wait3A_113 = arith.constant 0 : i32
      %dma_wait3A_114 = tpu.memref_slice %arg6[%add3A_107, %dma_wait3A_113] : memref<80x250xi32, #tpu.memory_space<vmem>> -> memref<1x250xi32, #tpu.memory_space<vmem>>
      %dma_wait3A_115 = tpu.memref_squeeze %dma_wait3A_114 : memref<1x250xi32, #tpu.memory_space<vmem>> -> memref<250xi32, #tpu.memory_space<vmem>>
      %dma_wait3A_116 = arith.constant 0 : i32
      %dma_wait3A_117 = arith.constant 0 : i32
      %dma_wait3A_118 = tpu.memref_slice %arg4[%arg0, %dma_wait3A_116, %dma_wait3A_117] : memref<2x10240x64xf32, #tpu.memory_space<hbm>> -> memref<1x10240x64xf32, #tpu.memory_space<hbm>>
      %dma_wait3A_119 = tpu.memref_squeeze %dma_wait3A_118 : memref<1x10240x64xf32, #tpu.memory_space<hbm>> -> memref<10240x64xf32, #tpu.memory_space<hbm>>
      %dma_wait3A_120 = arith.constant 0 : i32
      %dma_wait3A_121 = arith.constant 0 : i32
      %dma_wait3A_122 = tpu.memref_slice %dma_wait3A_119[%dma_wait3A_120, %dma_wait3A_121] : memref<10240x64xf32, #tpu.memory_space<hbm>> -> memref<10240x64xf32, #tpu.memory_space<hbm>>
      tpu.wait_indirect_dma semaphore(%arg13 : memref<!tpu.dma_semaphore, #tpu.memory_space<semaphore_mem>>) src(%dma_wait3A_122 : memref<10240x64xf32, #tpu.memory_space<hbm>>) dst(%dma_wait3A_112 : memref<250x64xf32, #tpu.memory_space<vmem>>)
      %dma_start3A_123 = arith.constant 0 : i32
      %dma_start3A_124 = arith.constant 0 : i32
      %dma_start3A_125 = arith.constant 0 : i32
      %dma_start3A_126 = tpu.memref_slice %arg8[%dma_start3A_123, %dma_start3A_124, %dma_start3A_125] : memref<2x250x64xf32, #tpu.memory_space<vmem>> -> memref<1x250x64xf32, #tpu.memory_space<vmem>>
      %dma_start3A_127 = tpu.memref_squeeze %dma_start3A_126 : memref<1x250x64xf32, #tpu.memory_space<vmem>> -> memref<250x64xf32, #tpu.memory_space<vmem>>
      %dma_start3A_128 = arith.constant 0 : i32
      %dma_start3A_129 = tpu.memref_slice %arg7[%add3A_107, %dma_start3A_128] : memref<80x250xi32, #tpu.memory_space<vmem>> -> memref<1x250xi32, #tpu.memory_space<vmem>>
      %dma_start3A_130 = tpu.memref_squeeze %dma_start3A_129 : memref<1x250xi32, #tpu.memory_space<vmem>> -> memref<250xi32, #tpu.memory_space<vmem>>
      %dma_start3A_131 = arith.constant 0 : i32
      %dma_start3A_132 = arith.constant 0 : i32
      %dma_start3A_133 = tpu.memref_slice %arg11[%dma_start3A_131, %dma_start3A_132] : memref<10240x64xf32, #tpu.memory_space<vmem_shared>> -> memref<10240x64xf32, #tpu.memory_space<vmem_shared>>
      tpu.enqueue_indirect_dma source(%dma_start3A_127 : memref<250x64xf32, #tpu.memory_space<vmem>>) target(%dma_start3A_133 : memref<10240x64xf32, #tpu.memory_space<vmem_shared>>) offsets(%dma_start3A_130 : memref<250xi32, #tpu.memory_space<vmem>>) semaphore(%arg15 : memref<!tpu.dma_semaphore, #tpu.memory_space<semaphore_mem>>) {add = true}
      %dma_wait3A_134 = arith.constant 0 : i32
      %dma_wait3A_135 = arith.constant 0 : i32
      %dma_wait3A_136 = arith.constant 0 : i32
      %dma_wait3A_137 = tpu.memref_slice %arg8[%dma_wait3A_134, %dma_wait3A_135, %dma_wait3A_136] : memref<2x250x64xf32, #tpu.memory_space<vmem>> -> memref<1x250x64xf32, #tpu.memory_space<vmem>>
      %dma_wait3A_138 = tpu.memref_squeeze %dma_wait3A_137 : memref<1x250x64xf32, #tpu.memory_space<vmem>> -> memref<250x64xf32, #tpu.memory_space<vmem>>
      %dma_wait3A_139 = arith.constant 0 : i32
      %dma_wait3A_140 = tpu.memref_slice %arg7[%add3A_107, %dma_wait3A_139] : memref<80x250xi32, #tpu.memory_space<vmem>> -> memref<1x250xi32, #tpu.memory_space<vmem>>
      %dma_wait3A_141 = tpu.memref_squeeze %dma_wait3A_140 : memref<1x250xi32, #tpu.memory_space<vmem>> -> memref<250xi32, #tpu.memory_space<vmem>>
      %dma_wait3A_142 = arith.constant 0 : i32
      %dma_wait3A_143 = arith.constant 0 : i32
      %dma_wait3A_144 = tpu.memref_slice %arg11[%dma_wait3A_142, %dma_wait3A_143] : memref<10240x64xf32, #tpu.memory_space<vmem_shared>> -> memref<10240x64xf32, #tpu.memory_space<vmem_shared>>
      tpu.wait_indirect_dma semaphore(%arg15 : memref<!tpu.dma_semaphore, #tpu.memory_space<semaphore_mem>>) src(%dma_wait3A_138 : memref<250x64xf32, #tpu.memory_space<vmem>>) dst(%dma_wait3A_144 : memref<10240x64xf32, #tpu.memory_space<vmem_shared>>)
      %lt3A = arith.constant 39 : i32
      %lt3A_145 = arith.cmpi slt, %scan3A_103, %lt3A : i32
      %convert_element_type3A = arith.extui %lt3A_145 : i1 to i32
      %cond3A = arith.constant 0 : i32
      %cond3A_146 = arith.cmpi ne, %convert_element_type3A, %cond3A : i32
      scf.if %cond3A_146 {
        %add3A_191 = arith.constant 2 : i32
        %add3A_192 = arith.addi %add3A_107, %add3A_191 : i32
        %dma_start3A_193 = arith.constant 0 : i32
        %dma_start3A_194 = arith.constant 0 : i32
        %dma_start3A_195 = arith.constant 0 : i32
        %dma_start3A_196 = tpu.memref_slice %arg8[%dma_start3A_193, %dma_start3A_194, %dma_start3A_195] : memref<2x250x64xf32, #tpu.memory_space<vmem>> -> memref<1x250x64xf32, #tpu.memory_space<vmem>>
        %dma_start3A_197 = tpu.memref_squeeze %dma_start3A_196 : memref<1x250x64xf32, #tpu.memory_space<vmem>> -> memref<250x64xf32, #tpu.memory_space<vmem>>
        %dma_start3A_198 = arith.constant 0 : i32
        %dma_start3A_199 = tpu.memref_slice %arg6[%add3A_192, %dma_start3A_198] : memref<80x250xi32, #tpu.memory_space<vmem>> -> memref<1x250xi32, #tpu.memory_space<vmem>>
        %dma_start3A_200 = tpu.memref_squeeze %dma_start3A_199 : memref<1x250xi32, #tpu.memory_space<vmem>> -> memref<250xi32, #tpu.memory_space<vmem>>
        %dma_start3A_201 = arith.constant 0 : i32
        %dma_start3A_202 = arith.constant 0 : i32
        %dma_start3A_203 = tpu.memref_slice %arg4[%arg0, %dma_start3A_201, %dma_start3A_202] : memref<2x10240x64xf32, #tpu.memory_space<hbm>> -> memref<1x10240x64xf32, #tpu.memory_space<hbm>>
        %dma_start3A_204 = tpu.memref_squeeze %dma_start3A_203 : memref<1x10240x64xf32, #tpu.memory_space<hbm>> -> memref<10240x64xf32, #tpu.memory_space<hbm>>
        %dma_start3A_205 = arith.constant 0 : i32
        %dma_start3A_206 = arith.constant 0 : i32
        %dma_start3A_207 = tpu.memref_slice %dma_start3A_204[%dma_start3A_205, %dma_start3A_206] : memref<10240x64xf32, #tpu.memory_space<hbm>> -> memref<10240x64xf32, #tpu.memory_space<hbm>>
        tpu.enqueue_indirect_dma source(%dma_start3A_207 : memref<10240x64xf32, #tpu.memory_space<hbm>>) target(%dma_start3A_197 : memref<250x64xf32, #tpu.memory_space<vmem>>) offsets(%dma_start3A_200 : memref<250xi32, #tpu.memory_space<vmem>>) semaphore(%arg13 : memref<!tpu.dma_semaphore, #tpu.memory_space<semaphore_mem>>)
      } else {
      }
      %add3A_147 = arith.constant 1 : i32
      %add3A_148 = arith.addi %mul3A_105, %add3A_147 : i32
      %dma_wait3A_149 = arith.constant 1 : i32
      %dma_wait3A_150 = arith.constant 0 : i32
      %dma_wait3A_151 = arith.constant 0 : i32
      %dma_wait3A_152 = tpu.memref_slice %arg8[%dma_wait3A_149, %dma_wait3A_150, %dma_wait3A_151] : memref<2x250x64xf32, #tpu.memory_space<vmem>> -> memref<1x250x64xf32, #tpu.memory_space<vmem>>
      %dma_wait3A_153 = tpu.memref_squeeze %dma_wait3A_152 : memref<1x250x64xf32, #tpu.memory_space<vmem>> -> memref<250x64xf32, #tpu.memory_space<vmem>>
      %dma_wait3A_154 = arith.constant 0 : i32
      %dma_wait3A_155 = tpu.memref_slice %arg6[%add3A_148, %dma_wait3A_154] : memref<80x250xi32, #tpu.memory_space<vmem>> -> memref<1x250xi32, #tpu.memory_space<vmem>>
      %dma_wait3A_156 = tpu.memref_squeeze %dma_wait3A_155 : memref<1x250xi32, #tpu.memory_space<vmem>> -> memref<250xi32, #tpu.memory_space<vmem>>
      %dma_wait3A_157 = arith.constant 0 : i32
      %dma_wait3A_158 = arith.constant 0 : i32
      %dma_wait3A_159 = tpu.memref_slice %arg4[%arg0, %dma_wait3A_157, %dma_wait3A_158] : memref<2x10240x64xf32, #tpu.memory_space<hbm>> -> memref<1x10240x64xf32, #tpu.memory_space<hbm>>
      %dma_wait3A_160 = tpu.memref_squeeze %dma_wait3A_159 : memref<1x10240x64xf32, #tpu.memory_space<hbm>> -> memref<10240x64xf32, #tpu.memory_space<hbm>>
      %dma_wait3A_161 = arith.constant 0 : i32
      %dma_wait3A_162 = arith.constant 0 : i32
      %dma_wait3A_163 = tpu.memref_slice %dma_wait3A_160[%dma_wait3A_161, %dma_wait3A_162] : memref<10240x64xf32, #tpu.memory_space<hbm>> -> memref<10240x64xf32, #tpu.memory_space<hbm>>
      tpu.wait_indirect_dma semaphore(%arg14 : memref<!tpu.dma_semaphore, #tpu.memory_space<semaphore_mem>>) src(%dma_wait3A_163 : memref<10240x64xf32, #tpu.memory_space<hbm>>) dst(%dma_wait3A_153 : memref<250x64xf32, #tpu.memory_space<vmem>>)
      %dma_start3A_164 = arith.constant 1 : i32
      %dma_start3A_165 = arith.constant 0 : i32
      %dma_start3A_166 = arith.constant 0 : i32
      %dma_start3A_167 = tpu.memref_slice %arg8[%dma_start3A_164, %dma_start3A_165, %dma_start3A_166] : memref<2x250x64xf32, #tpu.memory_space<vmem>> -> memref<1x250x64xf32, #tpu.memory_space<vmem>>
      %dma_start3A_168 = tpu.memref_squeeze %dma_start3A_167 : memref<1x250x64xf32, #tpu.memory_space<vmem>> -> memref<250x64xf32, #tpu.memory_space<vmem>>
      %dma_start3A_169 = arith.constant 0 : i32
      %dma_start3A_170 = tpu.memref_slice %arg7[%add3A_148, %dma_start3A_169] : memref<80x250xi32, #tpu.memory_space<vmem>> -> memref<1x250xi32, #tpu.memory_space<vmem>>
      %dma_start3A_171 = tpu.memref_squeeze %dma_start3A_170 : memref<1x250xi32, #tpu.memory_space<vmem>> -> memref<250xi32, #tpu.memory_space<vmem>>
      %dma_start3A_172 = arith.constant 0 : i32
      %dma_start3A_173 = arith.constant 0 : i32
      %dma_start3A_174 = tpu.memref_slice %arg11[%dma_start3A_172, %dma_start3A_173] : memref<10240x64xf32, #tpu.memory_space<vmem_shared>> -> memref<10240x64xf32, #tpu.memory_space<vmem_shared>>
      tpu.enqueue_indirect_dma source(%dma_start3A_168 : memref<250x64xf32, #tpu.memory_space<vmem>>) target(%dma_start3A_174 : memref<10240x64xf32, #tpu.memory_space<vmem_shared>>) offsets(%dma_start3A_171 : memref<250xi32, #tpu.memory_space<vmem>>) semaphore(%arg16 : memref<!tpu.dma_semaphore, #tpu.memory_space<semaphore_mem>>) {add = true}
      %dma_wait3A_175 = arith.constant 1 : i32
      %dma_wait3A_176 = arith.constant 0 : i32
      %dma_wait3A_177 = arith.constant 0 : i32
      %dma_wait3A_178 = tpu.memref_slice %arg8[%dma_wait3A_175, %dma_wait3A_176, %dma_wait3A_177] : memref<2x250x64xf32, #tpu.memory_space<vmem>> -> memref<1x250x64xf32, #tpu.memory_space<vmem>>
      %dma_wait3A_179 = tpu.memref_squeeze %dma_wait3A_178 : memref<1x250x64xf32, #tpu.memory_space<vmem>> -> memref<250x64xf32, #tpu.memory_space<vmem>>
      %dma_wait3A_180 = arith.constant 0 : i32
      %dma_wait3A_181 = tpu.memref_slice %arg7[%add3A_148, %dma_wait3A_180] : memref<80x250xi32, #tpu.memory_space<vmem>> -> memref<1x250xi32, #tpu.memory_space<vmem>>
      %dma_wait3A_182 = tpu.memref_squeeze %dma_wait3A_181 : memref<1x250xi32, #tpu.memory_space<vmem>> -> memref<250xi32, #tpu.memory_space<vmem>>
      %dma_wait3A_183 = arith.constant 0 : i32
      %dma_wait3A_184 = arith.constant 0 : i32
      %dma_wait3A_185 = tpu.memref_slice %arg11[%dma_wait3A_183, %dma_wait3A_184] : memref<10240x64xf32, #tpu.memory_space<vmem_shared>> -> memref<10240x64xf32, #tpu.memory_space<vmem_shared>>
      tpu.wait_indirect_dma semaphore(%arg16 : memref<!tpu.dma_semaphore, #tpu.memory_space<semaphore_mem>>) src(%dma_wait3A_179 : memref<250x64xf32, #tpu.memory_space<vmem>>) dst(%dma_wait3A_185 : memref<10240x64xf32, #tpu.memory_space<vmem_shared>>)
      %lt3A_186 = arith.constant 39 : i32
      %lt3A_187 = arith.cmpi slt, %scan3A_103, %lt3A_186 : i32
      %convert_element_type3A_188 = arith.extui %lt3A_187 : i1 to i32
      %cond3A_189 = arith.constant 0 : i32
      %cond3A_190 = arith.cmpi ne, %convert_element_type3A_188, %cond3A_189 : i32
      scf.if %cond3A_190 {
        %add3A_191 = arith.constant 2 : i32
        %add3A_192 = arith.addi %add3A_148, %add3A_191 : i32
        %dma_start3A_193 = arith.constant 1 : i32
        %dma_start3A_194 = arith.constant 0 : i32
        %dma_start3A_195 = arith.constant 0 : i32
        %dma_start3A_196 = tpu.memref_slice %arg8[%dma_start3A_193, %dma_start3A_194, %dma_start3A_195] : memref<2x250x64xf32, #tpu.memory_space<vmem>> -> memref<1x250x64xf32, #tpu.memory_space<vmem>>
        %dma_start3A_197 = tpu.memref_squeeze %dma_start3A_196 : memref<1x250x64xf32, #tpu.memory_space<vmem>> -> memref<250x64xf32, #tpu.memory_space<vmem>>
        %dma_start3A_198 = arith.constant 0 : i32
        %dma_start3A_199 = tpu.memref_slice %arg6[%add3A_192, %dma_start3A_198] : memref<80x250xi32, #tpu.memory_space<vmem>> -> memref<1x250xi32, #tpu.memory_space<vmem>>
        %dma_start3A_200 = tpu.memref_squeeze %dma_start3A_199 : memref<1x250xi32, #tpu.memory_space<vmem>> -> memref<250xi32, #tpu.memory_space<vmem>>
        %dma_start3A_201 = arith.constant 0 : i32
        %dma_start3A_202 = arith.constant 0 : i32
        %dma_start3A_203 = tpu.memref_slice %arg4[%arg0, %dma_start3A_201, %dma_start3A_202] : memref<2x10240x64xf32, #tpu.memory_space<hbm>> -> memref<1x10240x64xf32, #tpu.memory_space<hbm>>
        %dma_start3A_204 = tpu.memref_squeeze %dma_start3A_203 : memref<1x10240x64xf32, #tpu.memory_space<hbm>> -> memref<10240x64xf32, #tpu.memory_space<hbm>>
        %dma_start3A_205 = arith.constant 0 : i32
        %dma_start3A_206 = arith.constant 0 : i32
        %dma_start3A_207 = tpu.memref_slice %dma_start3A_204[%dma_start3A_205, %dma_start3A_206] : memref<10240x64xf32, #tpu.memory_space<hbm>> -> memref<10240x64xf32, #tpu.memory_space<hbm>>
        tpu.enqueue_indirect_dma source(%dma_start3A_207 : memref<10240x64xf32, #tpu.memory_space<hbm>>) target(%dma_start3A_197 : memref<250x64xf32, #tpu.memory_space<vmem>>) offsets(%dma_start3A_200 : memref<250xi32, #tpu.memory_space<vmem>>) semaphore(%arg14 : memref<!tpu.dma_semaphore, #tpu.memory_space<semaphore_mem>>)
      } else {
      }
    }
    %scan3A_101 = arith.constant 40 : i32
    %barrier3A_102 = arith.constant 0 : index
    tpu.barrier barrier_id(%barrier3A_102)
    "tpu.region"() ({
      %run_scoped3A = tpu.sem_alloc : memref<!tpu.dma_semaphore, #tpu.memory_space<semaphore_mem>>
      %dma_start3A_103 = arith.constant 0 : i32
      %dma_start3A_104 = tpu.memref_slice %arg5[%arg0, %mul3A_6, %dma_start3A_103] : memref<2x10240x64xf32, #tpu.memory_space<hbm>> -> memref<1x640x64xf32, #tpu.memory_space<hbm>>
      %dma_start3A_105 = tpu.memref_squeeze %dma_start3A_104 : memref<1x640x64xf32, #tpu.memory_space<hbm>> -> memref<640x64xf32, #tpu.memory_space<hbm>>
      %dma_start3A_106 = arith.constant 0 : i32
      %dma_start3A_107 = tpu.memref_slice %arg11[%mul3A_6, %dma_start3A_106] : memref<10240x64xf32, #tpu.memory_space<vmem_shared>> -> memref<640x64xf32, #tpu.memory_space<vmem_shared>>
      tpu.enqueue_dma source(%dma_start3A_107 : memref<640x64xf32, #tpu.memory_space<vmem_shared>>) target(%dma_start3A_105 : memref<640x64xf32, #tpu.memory_space<hbm>>) target_semaphore(%run_scoped3A : memref<!tpu.dma_semaphore, #tpu.memory_space<semaphore_mem>>)
      %dma_wait3A_108 = arith.constant 0 : i32
      %dma_wait3A_109 = tpu.memref_slice %arg5[%arg0, %mul3A_6, %dma_wait3A_108] : memref<2x10240x64xf32, #tpu.memory_space<hbm>> -> memref<1x640x64xf32, #tpu.memory_space<hbm>>
      %dma_wait3A_110 = tpu.memref_squeeze %dma_wait3A_109 : memref<1x640x64xf32, #tpu.memory_space<hbm>> -> memref<640x64xf32, #tpu.memory_space<hbm>>
      %dma_wait3A_111 = arith.constant 0 : i32
      %dma_wait3A_112 = tpu.memref_slice %arg11[%mul3A_6, %dma_wait3A_111] : memref<10240x64xf32, #tpu.memory_space<vmem_shared>> -> memref<640x64xf32, #tpu.memory_space<vmem_shared>>
      tpu.wait_dma2 semaphore(%run_scoped3A : memref<!tpu.dma_semaphore, #tpu.memory_space<semaphore_mem>>) src(%dma_wait3A_112 : memref<640x64xf32, #tpu.memory_space<vmem_shared>>) dst(%dma_wait3A_110 : memref<640x64xf32, #tpu.memory_space<hbm>>)
      tpu.yield
    }) : () -> ()
    return
  }
}

#map = affine_map<(d0, d1) -> (0, 0, 0)>
#map1 = affine_map<(d0, d1) -> (0, 0)>
module attributes {stable_mosaic.version = 14 : i64} {
  func.func @sc_prop_deg(%arg0: i32, %arg1: i32, %arg2: memref<16x80x250xi32, #tpu.memory_space<hbm>>, %arg3: memref<16x80x250xi32, #tpu.memory_space<hbm>>, %arg4: memref<2x10000x64xf32, #tpu.memory_space<hbm>>, %arg5: memref<250x8xf32, #tpu.memory_space<hbm>>, %arg6: memref<128x8xf32, #tpu.memory_space<hbm>>, %arg7: memref<2x10240x64xf32, #tpu.memory_space<hbm>>, %arg8: memref<2x10240x8xf32, #tpu.memory_space<hbm>>, %arg9: memref<80x250xi32, #tpu.memory_space<vmem>>, %arg10: memref<80x250xi32, #tpu.memory_space<vmem>>, %arg11: memref<2x250x64xf32, #tpu.memory_space<vmem>>, %arg12: memref<128x64xf32, #tpu.memory_space<vmem>>, %arg13: memref<250x8xf32, #tpu.memory_space<vmem>>, %arg14: memref<10240x64xf32, #tpu.memory_space<vmem_shared>>, %arg15: memref<10240x8xf32, #tpu.memory_space<vmem_shared>>, %arg16: memref<!tpu.dma_semaphore, #tpu.memory_space<semaphore_mem>>, %arg17: memref<!tpu.dma_semaphore, #tpu.memory_space<semaphore_mem>>, %arg18: memref<!tpu.dma_semaphore, #tpu.memory_space<semaphore_mem>>, %arg19: memref<!tpu.dma_semaphore, #tpu.memory_space<semaphore_mem>>, %arg20: memref<!tpu.dma_semaphore, #tpu.memory_space<semaphore_mem>>) attributes {dimension_semantics = [#tpu.dimension_semantics<core_parallel>, #tpu.dimension_semantics<subcore_parallel>], iteration_bounds = array<i64: 2, 16>, scalar_prefetch = 0 : i64, scratch_operands = 12 : i64, tpu.core_type = #tpu.core_type<sc_vector_subcore>, window_params = [{transform_indices = #map}, {transform_indices = #map}, {transform_indices = #map}, {transform_indices = #map1}, {transform_indices = #map1}, {transform_indices = #map}, {transform_indices = #map}]} {
    %broadcast_in_dim3A = arith.constant 0.000000e+00 : f32
    %broadcast_in_dim3A_0 = vector.broadcast %broadcast_in_dim3A : f32 to vector<16xf32>
    %scan3A = arith.constant 0 : i32
    %scan3A_1 = arith.constant 0 : i32
    %scan3A_2 = arith.constant 128 : i32
    %scan3A_3 = arith.addi %scan3A_1, %scan3A_2 : i32
    %scan3A_4 = arith.constant 1 : i32
    scf.for %scan3A_143 = %scan3A_1 to %scan3A_3 step %scan3A_4  : i32 {
      %swap3A = arith.index_cast %scan3A_143 : i32 to index
      %swap3A_144 = arith.constant 0 : index
      %swap3A_145 = tpu.vector_load %arg12[%swap3A, %swap3A_144] {strides = array<i32>} : memref<128x64xf32, #tpu.memory_space<vmem>>, vector<1x16xf32>,
      %swap3A_146 = vector.shape_cast %swap3A_145 : vector<1x16xf32> to vector<16xf32>
      %swap3A_147 = vector.shape_cast %broadcast_in_dim3A_0 : vector<16xf32> to vector<1x16xf32>
      tpu.vector_store %arg12[%swap3A, %swap3A_144], %swap3A_147 {strides = array<i32>} : memref<128x64xf32, #tpu.memory_space<vmem>>, vector<1x16xf32>,
      %swap3A_148 = arith.index_cast %scan3A_143 : i32 to index
      %swap3A_149 = arith.constant 16 : index
      %swap3A_150 = tpu.vector_load %arg12[%swap3A_148, %swap3A_149] {strides = array<i32>} : memref<128x64xf32, #tpu.memory_space<vmem>>, vector<1x16xf32>,
      %swap3A_151 = vector.shape_cast %swap3A_150 : vector<1x16xf32> to vector<16xf32>
      %swap3A_152 = vector.shape_cast %broadcast_in_dim3A_0 : vector<16xf32> to vector<1x16xf32>
      tpu.vector_store %arg12[%swap3A_148, %swap3A_149], %swap3A_152 {strides = array<i32>} : memref<128x64xf32, #tpu.memory_space<vmem>>, vector<1x16xf32>,
      %swap3A_153 = arith.index_cast %scan3A_143 : i32 to index
      %swap3A_154 = arith.constant 32 : index
      %swap3A_155 = tpu.vector_load %arg12[%swap3A_153, %swap3A_154] {strides = array<i32>} : memref<128x64xf32, #tpu.memory_space<vmem>>, vector<1x16xf32>,
      %swap3A_156 = vector.shape_cast %swap3A_155 : vector<1x16xf32> to vector<16xf32>
      %swap3A_157 = vector.shape_cast %broadcast_in_dim3A_0 : vector<16xf32> to vector<1x16xf32>
      tpu.vector_store %arg12[%swap3A_153, %swap3A_154], %swap3A_157 {strides = array<i32>} : memref<128x64xf32, #tpu.memory_space<vmem>>, vector<1x16xf32>,
      %swap3A_158 = arith.index_cast %scan3A_143 : i32 to index
      %swap3A_159 = arith.constant 48 : index
      %swap3A_160 = tpu.vector_load %arg12[%swap3A_158, %swap3A_159] {strides = array<i32>} : memref<128x64xf32, #tpu.memory_space<vmem>>, vector<1x16xf32>,
      %swap3A_161 = vector.shape_cast %swap3A_160 : vector<1x16xf32> to vector<16xf32>
      %swap3A_162 = vector.shape_cast %broadcast_in_dim3A_0 : vector<16xf32> to vector<1x16xf32>
      tpu.vector_store %arg12[%swap3A_158, %swap3A_159], %swap3A_162 {strides = array<i32>} : memref<128x64xf32, #tpu.memory_space<vmem>>, vector<1x16xf32>,
    }
    %scan3A_5 = arith.constant 128 : i32
    %mul3A = arith.constant 640 : i32
    %mul3A_6 = arith.muli %arg1, %mul3A : i32
    %add3A = arith.constant 0 : i32
    %add3A_7 = arith.addi %mul3A_6, %add3A : i32
    %dma_start3A = arith.constant 0 : i32
    %dma_start3A_8 = tpu.memref_slice %arg14[%add3A_7, %dma_start3A] : memref<10240x64xf32, #tpu.memory_space<vmem_shared>> -> memref<128x64xf32, #tpu.memory_space<vmem_shared>>
    %dma_start3A_9 = arith.constant 0 : i32
    %dma_start3A_10 = tpu.memref_slice %arg14[%add3A_7, %dma_start3A_9] : memref<10240x64xf32, #tpu.memory_space<vmem_shared>> -> memref<128x64xf32, #tpu.memory_space<vmem_shared>>
    tpu.enqueue_dma source(%arg12 : memref<128x64xf32, #tpu.memory_space<vmem>>) target(%dma_start3A_10 : memref<128x64xf32, #tpu.memory_space<vmem_shared>>) target_semaphore(%arg20 : memref<!tpu.dma_semaphore, #tpu.memory_space<semaphore_mem>>)
    %add3A_11 = arith.constant 0 : i32
    %add3A_12 = arith.addi %mul3A_6, %add3A_11 : i32
    %dma_start3A_13 = arith.constant 0 : i32
    %dma_start3A_14 = tpu.memref_slice %arg15[%add3A_12, %dma_start3A_13] : memref<10240x8xf32, #tpu.memory_space<vmem_shared>> -> memref<128x8xf32, #tpu.memory_space<vmem_shared>>
    tpu.enqueue_dma source(%arg6 : memref<128x8xf32, #tpu.memory_space<hbm>>) target(%dma_start3A_14 : memref<128x8xf32, #tpu.memory_space<vmem_shared>>) target_semaphore(%arg20 : memref<!tpu.dma_semaphore, #tpu.memory_space<semaphore_mem>>)
    %add3A_15 = arith.constant 128 : i32
    %add3A_16 = arith.addi %mul3A_6, %add3A_15 : i32
    %dma_start3A_17 = arith.constant 0 : i32
    %dma_start3A_18 = tpu.memref_slice %arg14[%add3A_16, %dma_start3A_17] : memref<10240x64xf32, #tpu.memory_space<vmem_shared>> -> memref<128x64xf32, #tpu.memory_space<vmem_shared>>
    %dma_start3A_19 = arith.constant 0 : i32
    %dma_start3A_20 = tpu.memref_slice %arg14[%add3A_16, %dma_start3A_19] : memref<10240x64xf32, #tpu.memory_space<vmem_shared>> -> memref<128x64xf32, #tpu.memory_space<vmem_shared>>
    tpu.enqueue_dma source(%arg12 : memref<128x64xf32, #tpu.memory_space<vmem>>) target(%dma_start3A_20 : memref<128x64xf32, #tpu.memory_space<vmem_shared>>) target_semaphore(%arg20 : memref<!tpu.dma_semaphore, #tpu.memory_space<semaphore_mem>>)
    %add3A_21 = arith.constant 128 : i32
    %add3A_22 = arith.addi %mul3A_6, %add3A_21 : i32
    %dma_start3A_23 = arith.constant 0 : i32
    %dma_start3A_24 = tpu.memref_slice %arg15[%add3A_22, %dma_start3A_23] : memref<10240x8xf32, #tpu.memory_space<vmem_shared>> -> memref<128x8xf32, #tpu.memory_space<vmem_shared>>
    tpu.enqueue_dma source(%arg6 : memref<128x8xf32, #tpu.memory_space<hbm>>) target(%dma_start3A_24 : memref<128x8xf32, #tpu.memory_space<vmem_shared>>) target_semaphore(%arg20 : memref<!tpu.dma_semaphore, #tpu.memory_space<semaphore_mem>>)
    %add3A_25 = arith.constant 256 : i32
    %add3A_26 = arith.addi %mul3A_6, %add3A_25 : i32
    %dma_start3A_27 = arith.constant 0 : i32
    %dma_start3A_28 = tpu.memref_slice %arg14[%add3A_26, %dma_start3A_27] : memref<10240x64xf32, #tpu.memory_space<vmem_shared>> -> memref<128x64xf32, #tpu.memory_space<vmem_shared>>
    %dma_start3A_29 = arith.constant 0 : i32
    %dma_start3A_30 = tpu.memref_slice %arg14[%add3A_26, %dma_start3A_29] : memref<10240x64xf32, #tpu.memory_space<vmem_shared>> -> memref<128x64xf32, #tpu.memory_space<vmem_shared>>
    tpu.enqueue_dma source(%arg12 : memref<128x64xf32, #tpu.memory_space<vmem>>) target(%dma_start3A_30 : memref<128x64xf32, #tpu.memory_space<vmem_shared>>) target_semaphore(%arg20 : memref<!tpu.dma_semaphore, #tpu.memory_space<semaphore_mem>>)
    %add3A_31 = arith.constant 256 : i32
    %add3A_32 = arith.addi %mul3A_6, %add3A_31 : i32
    %dma_start3A_33 = arith.constant 0 : i32
    %dma_start3A_34 = tpu.memref_slice %arg15[%add3A_32, %dma_start3A_33] : memref<10240x8xf32, #tpu.memory_space<vmem_shared>> -> memref<128x8xf32, #tpu.memory_space<vmem_shared>>
    tpu.enqueue_dma source(%arg6 : memref<128x8xf32, #tpu.memory_space<hbm>>) target(%dma_start3A_34 : memref<128x8xf32, #tpu.memory_space<vmem_shared>>) target_semaphore(%arg20 : memref<!tpu.dma_semaphore, #tpu.memory_space<semaphore_mem>>)
    %add3A_35 = arith.constant 384 : i32
    %add3A_36 = arith.addi %mul3A_6, %add3A_35 : i32
    %dma_start3A_37 = arith.constant 0 : i32
    %dma_start3A_38 = tpu.memref_slice %arg14[%add3A_36, %dma_start3A_37] : memref<10240x64xf32, #tpu.memory_space<vmem_shared>> -> memref<128x64xf32, #tpu.memory_space<vmem_shared>>
    %dma_start3A_39 = arith.constant 0 : i32
    %dma_start3A_40 = tpu.memref_slice %arg14[%add3A_36, %dma_start3A_39] : memref<10240x64xf32, #tpu.memory_space<vmem_shared>> -> memref<128x64xf32, #tpu.memory_space<vmem_shared>>
    tpu.enqueue_dma source(%arg12 : memref<128x64xf32, #tpu.memory_space<vmem>>) target(%dma_start3A_40 : memref<128x64xf32, #tpu.memory_space<vmem_shared>>) target_semaphore(%arg20 : memref<!tpu.dma_semaphore, #tpu.memory_space<semaphore_mem>>)
    %add3A_41 = arith.constant 384 : i32
    %add3A_42 = arith.addi %mul3A_6, %add3A_41 : i32
    %dma_start3A_43 = arith.constant 0 : i32
    %dma_start3A_44 = tpu.memref_slice %arg15[%add3A_42, %dma_start3A_43] : memref<10240x8xf32, #tpu.memory_space<vmem_shared>> -> memref<128x8xf32, #tpu.memory_space<vmem_shared>>
    tpu.enqueue_dma source(%arg6 : memref<128x8xf32, #tpu.memory_space<hbm>>) target(%dma_start3A_44 : memref<128x8xf32, #tpu.memory_space<vmem_shared>>) target_semaphore(%arg20 : memref<!tpu.dma_semaphore, #tpu.memory_space<semaphore_mem>>)
    %add3A_45 = arith.constant 512 : i32
    %add3A_46 = arith.addi %mul3A_6, %add3A_45 : i32
    %dma_start3A_47 = arith.constant 0 : i32
    %dma_start3A_48 = tpu.memref_slice %arg14[%add3A_46, %dma_start3A_47] : memref<10240x64xf32, #tpu.memory_space<vmem_shared>> -> memref<128x64xf32, #tpu.memory_space<vmem_shared>>
    %dma_start3A_49 = arith.constant 0 : i32
    %dma_start3A_50 = tpu.memref_slice %arg14[%add3A_46, %dma_start3A_49] : memref<10240x64xf32, #tpu.memory_space<vmem_shared>> -> memref<128x64xf32, #tpu.memory_space<vmem_shared>>
    tpu.enqueue_dma source(%arg12 : memref<128x64xf32, #tpu.memory_space<vmem>>) target(%dma_start3A_50 : memref<128x64xf32, #tpu.memory_space<vmem_shared>>) target_semaphore(%arg20 : memref<!tpu.dma_semaphore, #tpu.memory_space<semaphore_mem>>)
    %add3A_51 = arith.constant 512 : i32
    %add3A_52 = arith.addi %mul3A_6, %add3A_51 : i32
    %dma_start3A_53 = arith.constant 0 : i32
    %dma_start3A_54 = tpu.memref_slice %arg15[%add3A_52, %dma_start3A_53] : memref<10240x8xf32, #tpu.memory_space<vmem_shared>> -> memref<128x8xf32, #tpu.memory_space<vmem_shared>>
    tpu.enqueue_dma source(%arg6 : memref<128x8xf32, #tpu.memory_space<hbm>>) target(%dma_start3A_54 : memref<128x8xf32, #tpu.memory_space<vmem_shared>>) target_semaphore(%arg20 : memref<!tpu.dma_semaphore, #tpu.memory_space<semaphore_mem>>)
    "tpu.region"() ({
      %run_scoped3A = tpu.sem_alloc : memref<!tpu.dma_semaphore, #tpu.memory_space<semaphore_mem>>
      %dma_start3A_143 = arith.constant 0 : i32
      %dma_start3A_144 = arith.constant 0 : i32
      %dma_start3A_145 = tpu.memref_slice %arg2[%arg1, %dma_start3A_143, %dma_start3A_144] : memref<16x80x250xi32, #tpu.memory_space<hbm>> -> memref<1x80x250xi32, #tpu.memory_space<hbm>>
      %dma_start3A_146 = tpu.memref_squeeze %dma_start3A_145 : memref<1x80x250xi32, #tpu.memory_space<hbm>> -> memref<80x250xi32, #tpu.memory_space<hbm>>
      %dma_start3A_147 = arith.constant 0 : i32
      %dma_start3A_148 = arith.constant 0 : i32
      %dma_start3A_149 = tpu.memref_slice %arg2[%arg1, %dma_start3A_147, %dma_start3A_148] : memref<16x80x250xi32, #tpu.memory_space<hbm>> -> memref<1x80x250xi32, #tpu.memory_space<hbm>>
      %dma_start3A_150 = tpu.memref_squeeze %dma_start3A_149 : memref<1x80x250xi32, #tpu.memory_space<hbm>> -> memref<80x250xi32, #tpu.memory_space<hbm>>
      tpu.enqueue_dma source(%dma_start3A_150 : memref<80x250xi32, #tpu.memory_space<hbm>>) target(%arg9 : memref<80x250xi32, #tpu.memory_space<vmem>>) target_semaphore(%run_scoped3A : memref<!tpu.dma_semaphore, #tpu.memory_space<semaphore_mem>>)
      %dma_wait3A_151 = arith.constant 0 : i32
      %dma_wait3A_152 = arith.constant 0 : i32
      %dma_wait3A_153 = tpu.memref_slice %arg2[%arg1, %dma_wait3A_151, %dma_wait3A_152] : memref<16x80x250xi32, #tpu.memory_space<hbm>> -> memref<1x80x250xi32, #tpu.memory_space<hbm>>
      %dma_wait3A_154 = tpu.memref_squeeze %dma_wait3A_153 : memref<1x80x250xi32, #tpu.memory_space<hbm>> -> memref<80x250xi32, #tpu.memory_space<hbm>>
      %dma_wait3A_155 = arith.constant 0 : i32
      %dma_wait3A_156 = arith.constant 0 : i32
      %dma_wait3A_157 = tpu.memref_slice %arg2[%arg1, %dma_wait3A_155, %dma_wait3A_156] : memref<16x80x250xi32, #tpu.memory_space<hbm>> -> memref<1x80x250xi32, #tpu.memory_space<hbm>>
      %dma_wait3A_158 = tpu.memref_squeeze %dma_wait3A_157 : memref<1x80x250xi32, #tpu.memory_space<hbm>> -> memref<80x250xi32, #tpu.memory_space<hbm>>
      tpu.wait_dma2 semaphore(%run_scoped3A : memref<!tpu.dma_semaphore, #tpu.memory_space<semaphore_mem>>) src(%dma_wait3A_158 : memref<80x250xi32, #tpu.memory_space<hbm>>) dst(%arg9 : memref<80x250xi32, #tpu.memory_space<vmem>>)
      tpu.yield
    }) : () -> ()
    "tpu.region"() ({
      %run_scoped3A = tpu.sem_alloc : memref<!tpu.dma_semaphore, #tpu.memory_space<semaphore_mem>>
      %dma_start3A_143 = arith.constant 0 : i32
      %dma_start3A_144 = arith.constant 0 : i32
      %dma_start3A_145 = tpu.memref_slice %arg3[%arg1, %dma_start3A_143, %dma_start3A_144] : memref<16x80x250xi32, #tpu.memory_space<hbm>> -> memref<1x80x250xi32, #tpu.memory_space<hbm>>
      %dma_start3A_146 = tpu.memref_squeeze %dma_start3A_145 : memref<1x80x250xi32, #tpu.memory_space<hbm>> -> memref<80x250xi32, #tpu.memory_space<hbm>>
      %dma_start3A_147 = arith.constant 0 : i32
      %dma_start3A_148 = arith.constant 0 : i32
      %dma_start3A_149 = tpu.memref_slice %arg3[%arg1, %dma_start3A_147, %dma_start3A_148] : memref<16x80x250xi32, #tpu.memory_space<hbm>> -> memref<1x80x250xi32, #tpu.memory_space<hbm>>
      %dma_start3A_150 = tpu.memref_squeeze %dma_start3A_149 : memref<1x80x250xi32, #tpu.memory_space<hbm>> -> memref<80x250xi32, #tpu.memory_space<hbm>>
      tpu.enqueue_dma source(%dma_start3A_150 : memref<80x250xi32, #tpu.memory_space<hbm>>) target(%arg10 : memref<80x250xi32, #tpu.memory_space<vmem>>) target_semaphore(%run_scoped3A : memref<!tpu.dma_semaphore, #tpu.memory_space<semaphore_mem>>)
      %dma_wait3A_151 = arith.constant 0 : i32
      %dma_wait3A_152 = arith.constant 0 : i32
      %dma_wait3A_153 = tpu.memref_slice %arg3[%arg1, %dma_wait3A_151, %dma_wait3A_152] : memref<16x80x250xi32, #tpu.memory_space<hbm>> -> memref<1x80x250xi32, #tpu.memory_space<hbm>>
      %dma_wait3A_154 = tpu.memref_squeeze %dma_wait3A_153 : memref<1x80x250xi32, #tpu.memory_space<hbm>> -> memref<80x250xi32, #tpu.memory_space<hbm>>
      %dma_wait3A_155 = arith.constant 0 : i32
      %dma_wait3A_156 = arith.constant 0 : i32
      %dma_wait3A_157 = tpu.memref_slice %arg3[%arg1, %dma_wait3A_155, %dma_wait3A_156] : memref<16x80x250xi32, #tpu.memory_space<hbm>> -> memref<1x80x250xi32, #tpu.memory_space<hbm>>
      %dma_wait3A_158 = tpu.memref_squeeze %dma_wait3A_157 : memref<1x80x250xi32, #tpu.memory_space<hbm>> -> memref<80x250xi32, #tpu.memory_space<hbm>>
      tpu.wait_dma2 semaphore(%run_scoped3A : memref<!tpu.dma_semaphore, #tpu.memory_space<semaphore_mem>>) src(%dma_wait3A_158 : memref<80x250xi32, #tpu.memory_space<hbm>>) dst(%arg10 : memref<80x250xi32, #tpu.memory_space<vmem>>)
      tpu.yield
    }) : () -> ()
    %dma_start3A_55 = arith.constant 0 : i32
    %dma_start3A_56 = arith.constant 0 : i32
    %dma_start3A_57 = arith.constant 0 : i32
    %dma_start3A_58 = arith.constant 0 : i32
    %dma_start3A_59 = tpu.memref_slice %arg11[%dma_start3A_56, %dma_start3A_57, %dma_start3A_58] : memref<2x250x64xf32, #tpu.memory_space<vmem>> -> memref<1x250x64xf32, #tpu.memory_space<vmem>>
    %dma_start3A_60 = tpu.memref_squeeze %dma_start3A_59 : memref<1x250x64xf32, #tpu.memory_space<vmem>> -> memref<250x64xf32, #tpu.memory_space<vmem>>
    %dma_start3A_61 = arith.constant 0 : i32
    %dma_start3A_62 = tpu.memref_slice %arg9[%dma_start3A_55, %dma_start3A_61] : memref<80x250xi32, #tpu.memory_space<vmem>> -> memref<1x250xi32, #tpu.memory_space<vmem>>
    %dma_start3A_63 = tpu.memref_squeeze %dma_start3A_62 : memref<1x250xi32, #tpu.memory_space<vmem>> -> memref<250xi32, #tpu.memory_space<vmem>>
    %dma_start3A_64 = arith.constant 0 : i32
    %dma_start3A_65 = arith.constant 0 : i32
    %dma_start3A_66 = tpu.memref_slice %arg4[%arg0, %dma_start3A_64, %dma_start3A_65] : memref<2x10000x64xf32, #tpu.memory_space<hbm>> -> memref<1x10000x64xf32, #tpu.memory_space<hbm>>
    %dma_start3A_67 = tpu.memref_squeeze %dma_start3A_66 : memref<1x10000x64xf32, #tpu.memory_space<hbm>> -> memref<10000x64xf32, #tpu.memory_space<hbm>>
    %dma_start3A_68 = arith.constant 0 : i32
    %dma_start3A_69 = arith.constant 0 : i32
    %dma_start3A_70 = tpu.memref_slice %dma_start3A_67[%dma_start3A_68, %dma_start3A_69] : memref<10000x64xf32, #tpu.memory_space<hbm>> -> memref<10000x64xf32, #tpu.memory_space<hbm>>
    tpu.enqueue_indirect_dma source(%dma_start3A_70 : memref<10000x64xf32, #tpu.memory_space<hbm>>) target(%dma_start3A_60 : memref<250x64xf32, #tpu.memory_space<vmem>>) offsets(%dma_start3A_63 : memref<250xi32, #tpu.memory_space<vmem>>) semaphore(%arg16 : memref<!tpu.dma_semaphore, #tpu.memory_space<semaphore_mem>>)
    %dma_start3A_71 = arith.constant 1 : i32
    %dma_start3A_72 = arith.constant 1 : i32
    %dma_start3A_73 = arith.constant 0 : i32
    %dma_start3A_74 = arith.constant 0 : i32
    %dma_start3A_75 = tpu.memref_slice %arg11[%dma_start3A_72, %dma_start3A_73, %dma_start3A_74] : memref<2x250x64xf32, #tpu.memory_space<vmem>> -> memref<1x250x64xf32, #tpu.memory_space<vmem>>
    %dma_start3A_76 = tpu.memref_squeeze %dma_start3A_75 : memref<1x250x64xf32, #tpu.memory_space<vmem>> -> memref<250x64xf32, #tpu.memory_space<vmem>>
    %dma_start3A_77 = arith.constant 0 : i32
    %dma_start3A_78 = tpu.memref_slice %arg9[%dma_start3A_71, %dma_start3A_77] : memref<80x250xi32, #tpu.memory_space<vmem>> -> memref<1x250xi32, #tpu.memory_space<vmem>>
    %dma_start3A_79 = tpu.memref_squeeze %dma_start3A_78 : memref<1x250xi32, #tpu.memory_space<vmem>> -> memref<250xi32, #tpu.memory_space<vmem>>
    %dma_start3A_80 = arith.constant 0 : i32
    %dma_start3A_81 = arith.constant 0 : i32
    %dma_start3A_82 = tpu.memref_slice %arg4[%arg0, %dma_start3A_80, %dma_start3A_81] : memref<2x10000x64xf32, #tpu.memory_space<hbm>> -> memref<1x10000x64xf32, #tpu.memory_space<hbm>>
    %dma_start3A_83 = tpu.memref_squeeze %dma_start3A_82 : memref<1x10000x64xf32, #tpu.memory_space<hbm>> -> memref<10000x64xf32, #tpu.memory_space<hbm>>
    %dma_start3A_84 = arith.constant 0 : i32
    %dma_start3A_85 = arith.constant 0 : i32
    %dma_start3A_86 = tpu.memref_slice %dma_start3A_83[%dma_start3A_84, %dma_start3A_85] : memref<10000x64xf32, #tpu.memory_space<hbm>> -> memref<10000x64xf32, #tpu.memory_space<hbm>>
    tpu.enqueue_indirect_dma source(%dma_start3A_86 : memref<10000x64xf32, #tpu.memory_space<hbm>>) target(%dma_start3A_76 : memref<250x64xf32, #tpu.memory_space<vmem>>) offsets(%dma_start3A_79 : memref<250xi32, #tpu.memory_space<vmem>>) semaphore(%arg17 : memref<!tpu.dma_semaphore, #tpu.memory_space<semaphore_mem>>)
    "tpu.region"() ({
      %run_scoped3A = tpu.sem_alloc : memref<!tpu.dma_semaphore, #tpu.memory_space<semaphore_mem>>
      tpu.enqueue_dma source(%arg5 : memref<250x8xf32, #tpu.memory_space<hbm>>) target(%arg13 : memref<250x8xf32, #tpu.memory_space<vmem>>) target_semaphore(%run_scoped3A : memref<!tpu.dma_semaphore, #tpu.memory_space<semaphore_mem>>)
      tpu.wait_dma2 semaphore(%run_scoped3A : memref<!tpu.dma_semaphore, #tpu.memory_space<semaphore_mem>>) src(%arg5 : memref<250x8xf32, #tpu.memory_space<hbm>>) dst(%arg13 : memref<250x8xf32, #tpu.memory_space<vmem>>)
      tpu.yield
    }) : () -> ()
    %add3A_87 = arith.constant 0 : i32
    %add3A_88 = arith.addi %mul3A_6, %add3A_87 : i32
    %dma_wait3A = arith.constant 0 : i32
    %dma_wait3A_89 = tpu.memref_slice %arg14[%add3A_88, %dma_wait3A] : memref<10240x64xf32, #tpu.memory_space<vmem_shared>> -> memref<128x64xf32, #tpu.memory_space<vmem_shared>>
    %dma_wait3A_90 = arith.constant 0 : i32
    %dma_wait3A_91 = tpu.memref_slice %arg14[%add3A_88, %dma_wait3A_90] : memref<10240x64xf32, #tpu.memory_space<vmem_shared>> -> memref<128x64xf32, #tpu.memory_space<vmem_shared>>
    tpu.wait_dma2 semaphore(%arg20 : memref<!tpu.dma_semaphore, #tpu.memory_space<semaphore_mem>>) src(%arg12 : memref<128x64xf32, #tpu.memory_space<vmem>>) dst(%dma_wait3A_91 : memref<128x64xf32, #tpu.memory_space<vmem_shared>>)
    %add3A_92 = arith.constant 0 : i32
    %add3A_93 = arith.addi %mul3A_6, %add3A_92 : i32
    %dma_wait3A_94 = arith.constant 0 : i32
    %dma_wait3A_95 = tpu.memref_slice %arg15[%add3A_93, %dma_wait3A_94] : memref<10240x8xf32, #tpu.memory_space<vmem_shared>> -> memref<128x8xf32, #tpu.memory_space<vmem_shared>>
    tpu.wait_dma2 semaphore(%arg20 : memref<!tpu.dma_semaphore, #tpu.memory_space<semaphore_mem>>) src(%arg6 : memref<128x8xf32, #tpu.memory_space<hbm>>) dst(%dma_wait3A_95 : memref<128x8xf32, #tpu.memory_space<vmem_shared>>)
    %add3A_96 = arith.constant 128 : i32
    %add3A_97 = arith.addi %mul3A_6, %add3A_96 : i32
    %dma_wait3A_98 = arith.constant 0 : i32
    %dma_wait3A_99 = tpu.memref_slice %arg14[%add3A_97, %dma_wait3A_98] : memref<10240x64xf32, #tpu.memory_space<vmem_shared>> -> memref<128x64xf32, #tpu.memory_space<vmem_shared>>
    %dma_wait3A_100 = arith.constant 0 : i32
    %dma_wait3A_101 = tpu.memref_slice %arg14[%add3A_97, %dma_wait3A_100] : memref<10240x64xf32, #tpu.memory_space<vmem_shared>> -> memref<128x64xf32, #tpu.memory_space<vmem_shared>>
    tpu.wait_dma2 semaphore(%arg20 : memref<!tpu.dma_semaphore, #tpu.memory_space<semaphore_mem>>) src(%arg12 : memref<128x64xf32, #tpu.memory_space<vmem>>) dst(%dma_wait3A_101 : memref<128x64xf32, #tpu.memory_space<vmem_shared>>)
    %add3A_102 = arith.constant 128 : i32
    %add3A_103 = arith.addi %mul3A_6, %add3A_102 : i32
    %dma_wait3A_104 = arith.constant 0 : i32
    %dma_wait3A_105 = tpu.memref_slice %arg15[%add3A_103, %dma_wait3A_104] : memref<10240x8xf32, #tpu.memory_space<vmem_shared>> -> memref<128x8xf32, #tpu.memory_space<vmem_shared>>
    tpu.wait_dma2 semaphore(%arg20 : memref<!tpu.dma_semaphore, #tpu.memory_space<semaphore_mem>>) src(%arg6 : memref<128x8xf32, #tpu.memory_space<hbm>>) dst(%dma_wait3A_105 : memref<128x8xf32, #tpu.memory_space<vmem_shared>>)
    %add3A_106 = arith.constant 256 : i32
    %add3A_107 = arith.addi %mul3A_6, %add3A_106 : i32
    %dma_wait3A_108 = arith.constant 0 : i32
    %dma_wait3A_109 = tpu.memref_slice %arg14[%add3A_107, %dma_wait3A_108] : memref<10240x64xf32, #tpu.memory_space<vmem_shared>> -> memref<128x64xf32, #tpu.memory_space<vmem_shared>>
    %dma_wait3A_110 = arith.constant 0 : i32
    %dma_wait3A_111 = tpu.memref_slice %arg14[%add3A_107, %dma_wait3A_110] : memref<10240x64xf32, #tpu.memory_space<vmem_shared>> -> memref<128x64xf32, #tpu.memory_space<vmem_shared>>
    tpu.wait_dma2 semaphore(%arg20 : memref<!tpu.dma_semaphore, #tpu.memory_space<semaphore_mem>>) src(%arg12 : memref<128x64xf32, #tpu.memory_space<vmem>>) dst(%dma_wait3A_111 : memref<128x64xf32, #tpu.memory_space<vmem_shared>>)
    %add3A_112 = arith.constant 256 : i32
    %add3A_113 = arith.addi %mul3A_6, %add3A_112 : i32
    %dma_wait3A_114 = arith.constant 0 : i32
    %dma_wait3A_115 = tpu.memref_slice %arg15[%add3A_113, %dma_wait3A_114] : memref<10240x8xf32, #tpu.memory_space<vmem_shared>> -> memref<128x8xf32, #tpu.memory_space<vmem_shared>>
    tpu.wait_dma2 semaphore(%arg20 : memref<!tpu.dma_semaphore, #tpu.memory_space<semaphore_mem>>) src(%arg6 : memref<128x8xf32, #tpu.memory_space<hbm>>) dst(%dma_wait3A_115 : memref<128x8xf32, #tpu.memory_space<vmem_shared>>)
    %add3A_116 = arith.constant 384 : i32
    %add3A_117 = arith.addi %mul3A_6, %add3A_116 : i32
    %dma_wait3A_118 = arith.constant 0 : i32
    %dma_wait3A_119 = tpu.memref_slice %arg14[%add3A_117, %dma_wait3A_118] : memref<10240x64xf32, #tpu.memory_space<vmem_shared>> -> memref<128x64xf32, #tpu.memory_space<vmem_shared>>
    %dma_wait3A_120 = arith.constant 0 : i32
    %dma_wait3A_121 = tpu.memref_slice %arg14[%add3A_117, %dma_wait3A_120] : memref<10240x64xf32, #tpu.memory_space<vmem_shared>> -> memref<128x64xf32, #tpu.memory_space<vmem_shared>>
    tpu.wait_dma2 semaphore(%arg20 : memref<!tpu.dma_semaphore, #tpu.memory_space<semaphore_mem>>) src(%arg12 : memref<128x64xf32, #tpu.memory_space<vmem>>) dst(%dma_wait3A_121 : memref<128x64xf32, #tpu.memory_space<vmem_shared>>)
    %add3A_122 = arith.constant 384 : i32
    %add3A_123 = arith.addi %mul3A_6, %add3A_122 : i32
    %dma_wait3A_124 = arith.constant 0 : i32
    %dma_wait3A_125 = tpu.memref_slice %arg15[%add3A_123, %dma_wait3A_124] : memref<10240x8xf32, #tpu.memory_space<vmem_shared>> -> memref<128x8xf32, #tpu.memory_space<vmem_shared>>
    tpu.wait_dma2 semaphore(%arg20 : memref<!tpu.dma_semaphore, #tpu.memory_space<semaphore_mem>>) src(%arg6 : memref<128x8xf32, #tpu.memory_space<hbm>>) dst(%dma_wait3A_125 : memref<128x8xf32, #tpu.memory_space<vmem_shared>>)
    %add3A_126 = arith.constant 512 : i32
    %add3A_127 = arith.addi %mul3A_6, %add3A_126 : i32
    %dma_wait3A_128 = arith.constant 0 : i32
    %dma_wait3A_129 = tpu.memref_slice %arg14[%add3A_127, %dma_wait3A_128] : memref<10240x64xf32, #tpu.memory_space<vmem_shared>> -> memref<128x64xf32, #tpu.memory_space<vmem_shared>>
    %dma_wait3A_130 = arith.constant 0 : i32
    %dma_wait3A_131 = tpu.memref_slice %arg14[%add3A_127, %dma_wait3A_130] : memref<10240x64xf32, #tpu.memory_space<vmem_shared>> -> memref<128x64xf32, #tpu.memory_space<vmem_shared>>
    tpu.wait_dma2 semaphore(%arg20 : memref<!tpu.dma_semaphore, #tpu.memory_space<semaphore_mem>>) src(%arg12 : memref<128x64xf32, #tpu.memory_space<vmem>>) dst(%dma_wait3A_131 : memref<128x64xf32, #tpu.memory_space<vmem_shared>>)
    %add3A_132 = arith.constant 512 : i32
    %add3A_133 = arith.addi %mul3A_6, %add3A_132 : i32
    %dma_wait3A_134 = arith.constant 0 : i32
    %dma_wait3A_135 = tpu.memref_slice %arg15[%add3A_133, %dma_wait3A_134] : memref<10240x8xf32, #tpu.memory_space<vmem_shared>> -> memref<128x8xf32, #tpu.memory_space<vmem_shared>>
    tpu.wait_dma2 semaphore(%arg20 : memref<!tpu.dma_semaphore, #tpu.memory_space<semaphore_mem>>) src(%arg6 : memref<128x8xf32, #tpu.memory_space<hbm>>) dst(%dma_wait3A_135 : memref<128x8xf32, #tpu.memory_space<vmem_shared>>)
    %barrier3A = arith.constant 0 : index
    tpu.barrier barrier_id(%barrier3A)
    %scan3A_136 = arith.constant 0 : i32
    %scan3A_137 = arith.constant 0 : i32
    %scan3A_138 = arith.constant 40 : i32
    %scan3A_139 = arith.addi %scan3A_137, %scan3A_138 : i32
    %scan3A_140 = arith.constant 1 : i32
    scf.for %scan3A_143 = %scan3A_137 to %scan3A_139 step %scan3A_140  : i32 {
      %mul3A_144 = arith.constant 2 : i32
      %mul3A_145 = arith.muli %scan3A_143, %mul3A_144 : i32
      %add3A_146 = arith.constant 0 : i32
      %add3A_147 = arith.addi %mul3A_145, %add3A_146 : i32
      %dma_wait3A_148 = arith.constant 0 : i32
      %dma_wait3A_149 = arith.constant 0 : i32
      %dma_wait3A_150 = arith.constant 0 : i32
      %dma_wait3A_151 = tpu.memref_slice %arg11[%dma_wait3A_148, %dma_wait3A_149, %dma_wait3A_150] : memref<2x250x64xf32, #tpu.memory_space<vmem>> -> memref<1x250x64xf32, #tpu.memory_space<vmem>>
      %dma_wait3A_152 = tpu.memref_squeeze %dma_wait3A_151 : memref<1x250x64xf32, #tpu.memory_space<vmem>> -> memref<250x64xf32, #tpu.memory_space<vmem>>
      %dma_wait3A_153 = arith.constant 0 : i32
      %dma_wait3A_154 = tpu.memref_slice %arg9[%add3A_147, %dma_wait3A_153] : memref<80x250xi32, #tpu.memory_space<vmem>> -> memref<1x250xi32, #tpu.memory_space<vmem>>
      %dma_wait3A_155 = tpu.memref_squeeze %dma_wait3A_154 : memref<1x250xi32, #tpu.memory_space<vmem>> -> memref<250xi32, #tpu.memory_space<vmem>>
      %dma_wait3A_156 = arith.constant 0 : i32
      %dma_wait3A_157 = arith.constant 0 : i32
      %dma_wait3A_158 = tpu.memref_slice %arg4[%arg0, %dma_wait3A_156, %dma_wait3A_157] : memref<2x10000x64xf32, #tpu.memory_space<hbm>> -> memref<1x10000x64xf32, #tpu.memory_space<hbm>>
      %dma_wait3A_159 = tpu.memref_squeeze %dma_wait3A_158 : memref<1x10000x64xf32, #tpu.memory_space<hbm>> -> memref<10000x64xf32, #tpu.memory_space<hbm>>
      %dma_wait3A_160 = arith.constant 0 : i32
      %dma_wait3A_161 = arith.constant 0 : i32
      %dma_wait3A_162 = tpu.memref_slice %dma_wait3A_159[%dma_wait3A_160, %dma_wait3A_161] : memref<10000x64xf32, #tpu.memory_space<hbm>> -> memref<10000x64xf32, #tpu.memory_space<hbm>>
      tpu.wait_indirect_dma semaphore(%arg16 : memref<!tpu.dma_semaphore, #tpu.memory_space<semaphore_mem>>) src(%dma_wait3A_162 : memref<10000x64xf32, #tpu.memory_space<hbm>>) dst(%dma_wait3A_152 : memref<250x64xf32, #tpu.memory_space<vmem>>)
      %dma_start3A_163 = arith.constant 0 : i32
      %dma_start3A_164 = arith.constant 0 : i32
      %dma_start3A_165 = arith.constant 0 : i32
      %dma_start3A_166 = tpu.memref_slice %arg11[%dma_start3A_163, %dma_start3A_164, %dma_start3A_165] : memref<2x250x64xf32, #tpu.memory_space<vmem>> -> memref<1x250x64xf32, #tpu.memory_space<vmem>>
      %dma_start3A_167 = tpu.memref_squeeze %dma_start3A_166 : memref<1x250x64xf32, #tpu.memory_space<vmem>> -> memref<250x64xf32, #tpu.memory_space<vmem>>
      %dma_start3A_168 = arith.constant 0 : i32
      %dma_start3A_169 = tpu.memref_slice %arg10[%add3A_147, %dma_start3A_168] : memref<80x250xi32, #tpu.memory_space<vmem>> -> memref<1x250xi32, #tpu.memory_space<vmem>>
      %dma_start3A_170 = tpu.memref_squeeze %dma_start3A_169 : memref<1x250xi32, #tpu.memory_space<vmem>> -> memref<250xi32, #tpu.memory_space<vmem>>
      %dma_start3A_171 = arith.constant 0 : i32
      %dma_start3A_172 = arith.constant 0 : i32
      %dma_start3A_173 = tpu.memref_slice %arg14[%dma_start3A_171, %dma_start3A_172] : memref<10240x64xf32, #tpu.memory_space<vmem_shared>> -> memref<10240x64xf32, #tpu.memory_space<vmem_shared>>
      tpu.enqueue_indirect_dma source(%dma_start3A_167 : memref<250x64xf32, #tpu.memory_space<vmem>>) target(%dma_start3A_173 : memref<10240x64xf32, #tpu.memory_space<vmem_shared>>) offsets(%dma_start3A_170 : memref<250xi32, #tpu.memory_space<vmem>>) semaphore(%arg18 : memref<!tpu.dma_semaphore, #tpu.memory_space<semaphore_mem>>) {add = true}
      %eq3A = arith.constant 0 : i32
      %eq3A_174 = arith.cmpi eq, %arg0, %eq3A : i32
      %lt3A = arith.constant 40 : i32
      %lt3A_175 = arith.cmpi slt, %add3A_147, %lt3A : i32
      %eq3A_176 = arith.xori %eq3A_174, %lt3A_175 : i1
      %eq3A_177 = arith.constant true
      %eq3A_178 = arith.xori %eq3A_176, %eq3A_177 : i1
      %convert_element_type3A = arith.extui %eq3A_178 : i1 to i32
      %cond3A = arith.constant 0 : i32
      %cond3A_179 = arith.cmpi ne, %convert_element_type3A, %cond3A : i32
      scf.if %cond3A_179 {
        %dma_start3A_250 = arith.constant 0 : i32
        %dma_start3A_251 = tpu.memref_slice %arg10[%add3A_147, %dma_start3A_250] : memref<80x250xi32, #tpu.memory_space<vmem>> -> memref<1x250xi32, #tpu.memory_space<vmem>>
        %dma_start3A_252 = tpu.memref_squeeze %dma_start3A_251 : memref<1x250xi32, #tpu.memory_space<vmem>> -> memref<250xi32, #tpu.memory_space<vmem>>
        %dma_start3A_253 = arith.constant 0 : i32
        %dma_start3A_254 = arith.constant 0 : i32
        %dma_start3A_255 = tpu.memref_slice %arg15[%dma_start3A_253, %dma_start3A_254] : memref<10240x8xf32, #tpu.memory_space<vmem_shared>> -> memref<10240x8xf32, #tpu.memory_space<vmem_shared>>
        tpu.enqueue_indirect_dma source(%arg13 : memref<250x8xf32, #tpu.memory_space<vmem>>) target(%dma_start3A_255 : memref<10240x8xf32, #tpu.memory_space<vmem_shared>>) offsets(%dma_start3A_252 : memref<250xi32, #tpu.memory_space<vmem>>) semaphore(%arg20 : memref<!tpu.dma_semaphore, #tpu.memory_space<semaphore_mem>>) {add = true}
        %dma_wait3A_256 = arith.constant 0 : i32
        %dma_wait3A_257 = tpu.memref_slice %arg10[%add3A_147, %dma_wait3A_256] : memref<80x250xi32, #tpu.memory_space<vmem>> -> memref<1x250xi32, #tpu.memory_space<vmem>>
        %dma_wait3A_258 = tpu.memref_squeeze %dma_wait3A_257 : memref<1x250xi32, #tpu.memory_space<vmem>> -> memref<250xi32, #tpu.memory_space<vmem>>
        %dma_wait3A_259 = arith.constant 0 : i32
        %dma_wait3A_260 = arith.constant 0 : i32
        %dma_wait3A_261 = tpu.memref_slice %arg15[%dma_wait3A_259, %dma_wait3A_260] : memref<10240x8xf32, #tpu.memory_space<vmem_shared>> -> memref<10240x8xf32, #tpu.memory_space<vmem_shared>>
        tpu.wait_indirect_dma semaphore(%arg20 : memref<!tpu.dma_semaphore, #tpu.memory_space<semaphore_mem>>) src(%arg13 : memref<250x8xf32, #tpu.memory_space<vmem>>) dst(%dma_wait3A_261 : memref<10240x8xf32, #tpu.memory_space<vmem_shared>>)
      } else {
      }
      %dma_wait3A_180 = arith.constant 0 : i32
      %dma_wait3A_181 = arith.constant 0 : i32
      %dma_wait3A_182 = arith.constant 0 : i32
      %dma_wait3A_183 = tpu.memref_slice %arg11[%dma_wait3A_180, %dma_wait3A_181, %dma_wait3A_182] : memref<2x250x64xf32, #tpu.memory_space<vmem>> -> memref<1x250x64xf32, #tpu.memory_space<vmem>>
      %dma_wait3A_184 = tpu.memref_squeeze %dma_wait3A_183 : memref<1x250x64xf32, #tpu.memory_space<vmem>> -> memref<250x64xf32, #tpu.memory_space<vmem>>
      %dma_wait3A_185 = arith.constant 0 : i32
      %dma_wait3A_186 = tpu.memref_slice %arg10[%add3A_147, %dma_wait3A_185] : memref<80x250xi32, #tpu.memory_space<vmem>> -> memref<1x250xi32, #tpu.memory_space<vmem>>
      %dma_wait3A_187 = tpu.memref_squeeze %dma_wait3A_186 : memref<1x250xi32, #tpu.memory_space<vmem>> -> memref<250xi32, #tpu.memory_space<vmem>>
      %dma_wait3A_188 = arith.constant 0 : i32
      %dma_wait3A_189 = arith.constant 0 : i32
      %dma_wait3A_190 = tpu.memref_slice %arg14[%dma_wait3A_188, %dma_wait3A_189] : memref<10240x64xf32, #tpu.memory_space<vmem_shared>> -> memref<10240x64xf32, #tpu.memory_space<vmem_shared>>
      tpu.wait_indirect_dma semaphore(%arg18 : memref<!tpu.dma_semaphore, #tpu.memory_space<semaphore_mem>>) src(%dma_wait3A_184 : memref<250x64xf32, #tpu.memory_space<vmem>>) dst(%dma_wait3A_190 : memref<10240x64xf32, #tpu.memory_space<vmem_shared>>)
      %lt3A_191 = arith.constant 39 : i32
      %lt3A_192 = arith.cmpi slt, %scan3A_143, %lt3A_191 : i32
      %convert_element_type3A_193 = arith.extui %lt3A_192 : i1 to i32
      %cond3A_194 = arith.constant 0 : i32
      %cond3A_195 = arith.cmpi ne, %convert_element_type3A_193, %cond3A_194 : i32
      scf.if %cond3A_195 {
        %add3A_250 = arith.constant 2 : i32
        %add3A_251 = arith.addi %add3A_147, %add3A_250 : i32
        %dma_start3A_252 = arith.constant 0 : i32
        %dma_start3A_253 = arith.constant 0 : i32
        %dma_start3A_254 = arith.constant 0 : i32
        %dma_start3A_255 = tpu.memref_slice %arg11[%dma_start3A_252, %dma_start3A_253, %dma_start3A_254] : memref<2x250x64xf32, #tpu.memory_space<vmem>> -> memref<1x250x64xf32, #tpu.memory_space<vmem>>
        %dma_start3A_256 = tpu.memref_squeeze %dma_start3A_255 : memref<1x250x64xf32, #tpu.memory_space<vmem>> -> memref<250x64xf32, #tpu.memory_space<vmem>>
        %dma_start3A_257 = arith.constant 0 : i32
        %dma_start3A_258 = tpu.memref_slice %arg9[%add3A_251, %dma_start3A_257] : memref<80x250xi32, #tpu.memory_space<vmem>> -> memref<1x250xi32, #tpu.memory_space<vmem>>
        %dma_start3A_259 = tpu.memref_squeeze %dma_start3A_258 : memref<1x250xi32, #tpu.memory_space<vmem>> -> memref<250xi32, #tpu.memory_space<vmem>>
        %dma_start3A_260 = arith.constant 0 : i32
        %dma_start3A_261 = arith.constant 0 : i32
        %dma_start3A_262 = tpu.memref_slice %arg4[%arg0, %dma_start3A_260, %dma_start3A_261] : memref<2x10000x64xf32, #tpu.memory_space<hbm>> -> memref<1x10000x64xf32, #tpu.memory_space<hbm>>
        %dma_start3A_263 = tpu.memref_squeeze %dma_start3A_262 : memref<1x10000x64xf32, #tpu.memory_space<hbm>> -> memref<10000x64xf32, #tpu.memory_space<hbm>>
        %dma_start3A_264 = arith.constant 0 : i32
        %dma_start3A_265 = arith.constant 0 : i32
        %dma_start3A_266 = tpu.memref_slice %dma_start3A_263[%dma_start3A_264, %dma_start3A_265] : memref<10000x64xf32, #tpu.memory_space<hbm>> -> memref<10000x64xf32, #tpu.memory_space<hbm>>
        tpu.enqueue_indirect_dma source(%dma_start3A_266 : memref<10000x64xf32, #tpu.memory_space<hbm>>) target(%dma_start3A_256 : memref<250x64xf32, #tpu.memory_space<vmem>>) offsets(%dma_start3A_259 : memref<250xi32, #tpu.memory_space<vmem>>) semaphore(%arg16 : memref<!tpu.dma_semaphore, #tpu.memory_space<semaphore_mem>>)
      } else {
      }
      %add3A_196 = arith.constant 1 : i32
      %add3A_197 = arith.addi %mul3A_145, %add3A_196 : i32
      %dma_wait3A_198 = arith.constant 1 : i32
      %dma_wait3A_199 = arith.constant 0 : i32
      %dma_wait3A_200 = arith.constant 0 : i32
      %dma_wait3A_201 = tpu.memref_slice %arg11[%dma_wait3A_198, %dma_wait3A_199, %dma_wait3A_200] : memref<2x250x64xf32, #tpu.memory_space<vmem>> -> memref<1x250x64xf32, #tpu.memory_space<vmem>>
      %dma_wait3A_202 = tpu.memref_squeeze %dma_wait3A_201 : memref<1x250x64xf32, #tpu.memory_space<vmem>> -> memref<250x64xf32, #tpu.memory_space<vmem>>
      %dma_wait3A_203 = arith.constant 0 : i32
      %dma_wait3A_204 = tpu.memref_slice %arg9[%add3A_197, %dma_wait3A_203] : memref<80x250xi32, #tpu.memory_space<vmem>> -> memref<1x250xi32, #tpu.memory_space<vmem>>
      %dma_wait3A_205 = tpu.memref_squeeze %dma_wait3A_204 : memref<1x250xi32, #tpu.memory_space<vmem>> -> memref<250xi32, #tpu.memory_space<vmem>>
      %dma_wait3A_206 = arith.constant 0 : i32
      %dma_wait3A_207 = arith.constant 0 : i32
      %dma_wait3A_208 = tpu.memref_slice %arg4[%arg0, %dma_wait3A_206, %dma_wait3A_207] : memref<2x10000x64xf32, #tpu.memory_space<hbm>> -> memref<1x10000x64xf32, #tpu.memory_space<hbm>>
      %dma_wait3A_209 = tpu.memref_squeeze %dma_wait3A_208 : memref<1x10000x64xf32, #tpu.memory_space<hbm>> -> memref<10000x64xf32, #tpu.memory_space<hbm>>
      %dma_wait3A_210 = arith.constant 0 : i32
      %dma_wait3A_211 = arith.constant 0 : i32
      %dma_wait3A_212 = tpu.memref_slice %dma_wait3A_209[%dma_wait3A_210, %dma_wait3A_211] : memref<10000x64xf32, #tpu.memory_space<hbm>> -> memref<10000x64xf32, #tpu.memory_space<hbm>>
      tpu.wait_indirect_dma semaphore(%arg17 : memref<!tpu.dma_semaphore, #tpu.memory_space<semaphore_mem>>) src(%dma_wait3A_212 : memref<10000x64xf32, #tpu.memory_space<hbm>>) dst(%dma_wait3A_202 : memref<250x64xf32, #tpu.memory_space<vmem>>)
      %dma_start3A_213 = arith.constant 1 : i32
      %dma_start3A_214 = arith.constant 0 : i32
      %dma_start3A_215 = arith.constant 0 : i32
      %dma_start3A_216 = tpu.memref_slice %arg11[%dma_start3A_213, %dma_start3A_214, %dma_start3A_215] : memref<2x250x64xf32, #tpu.memory_space<vmem>> -> memref<1x250x64xf32, #tpu.memory_space<vmem>>
      %dma_start3A_217 = tpu.memref_squeeze %dma_start3A_216 : memref<1x250x64xf32, #tpu.memory_space<vmem>> -> memref<250x64xf32, #tpu.memory_space<vmem>>
      %dma_start3A_218 = arith.constant 0 : i32
      %dma_start3A_219 = tpu.memref_slice %arg10[%add3A_197, %dma_start3A_218] : memref<80x250xi32, #tpu.memory_space<vmem>> -> memref<1x250xi32, #tpu.memory_space<vmem>>
      %dma_start3A_220 = tpu.memref_squeeze %dma_start3A_219 : memref<1x250xi32, #tpu.memory_space<vmem>> -> memref<250xi32, #tpu.memory_space<vmem>>
      %dma_start3A_221 = arith.constant 0 : i32
      %dma_start3A_222 = arith.constant 0 : i32
      %dma_start3A_223 = tpu.memref_slice %arg14[%dma_start3A_221, %dma_start3A_222] : memref<10240x64xf32, #tpu.memory_space<vmem_shared>> -> memref<10240x64xf32, #tpu.memory_space<vmem_shared>>
      tpu.enqueue_indirect_dma source(%dma_start3A_217 : memref<250x64xf32, #tpu.memory_space<vmem>>) target(%dma_start3A_223 : memref<10240x64xf32, #tpu.memory_space<vmem_shared>>) offsets(%dma_start3A_220 : memref<250xi32, #tpu.memory_space<vmem>>) semaphore(%arg19 : memref<!tpu.dma_semaphore, #tpu.memory_space<semaphore_mem>>) {add = true}
      %eq3A_224 = arith.constant 0 : i32
      %eq3A_225 = arith.cmpi eq, %arg0, %eq3A_224 : i32
      %lt3A_226 = arith.constant 40 : i32
      %lt3A_227 = arith.cmpi slt, %add3A_197, %lt3A_226 : i32
      %eq3A_228 = arith.xori %eq3A_225, %lt3A_227 : i1
      %eq3A_229 = arith.constant true
      %eq3A_230 = arith.xori %eq3A_228, %eq3A_229 : i1
      %convert_element_type3A_231 = arith.extui %eq3A_230 : i1 to i32
      %cond3A_232 = arith.constant 0 : i32
      %cond3A_233 = arith.cmpi ne, %convert_element_type3A_231, %cond3A_232 : i32
      scf.if %cond3A_233 {
        %dma_start3A_250 = arith.constant 0 : i32
        %dma_start3A_251 = tpu.memref_slice %arg10[%add3A_197, %dma_start3A_250] : memref<80x250xi32, #tpu.memory_space<vmem>> -> memref<1x250xi32, #tpu.memory_space<vmem>>
        %dma_start3A_252 = tpu.memref_squeeze %dma_start3A_251 : memref<1x250xi32, #tpu.memory_space<vmem>> -> memref<250xi32, #tpu.memory_space<vmem>>
        %dma_start3A_253 = arith.constant 0 : i32
        %dma_start3A_254 = arith.constant 0 : i32
        %dma_start3A_255 = tpu.memref_slice %arg15[%dma_start3A_253, %dma_start3A_254] : memref<10240x8xf32, #tpu.memory_space<vmem_shared>> -> memref<10240x8xf32, #tpu.memory_space<vmem_shared>>
        tpu.enqueue_indirect_dma source(%arg13 : memref<250x8xf32, #tpu.memory_space<vmem>>) target(%dma_start3A_255 : memref<10240x8xf32, #tpu.memory_space<vmem_shared>>) offsets(%dma_start3A_252 : memref<250xi32, #tpu.memory_space<vmem>>) semaphore(%arg20 : memref<!tpu.dma_semaphore, #tpu.memory_space<semaphore_mem>>) {add = true}
        %dma_wait3A_256 = arith.constant 0 : i32
        %dma_wait3A_257 = tpu.memref_slice %arg10[%add3A_197, %dma_wait3A_256] : memref<80x250xi32, #tpu.memory_space<vmem>> -> memref<1x250xi32, #tpu.memory_space<vmem>>
        %dma_wait3A_258 = tpu.memref_squeeze %dma_wait3A_257 : memref<1x250xi32, #tpu.memory_space<vmem>> -> memref<250xi32, #tpu.memory_space<vmem>>
        %dma_wait3A_259 = arith.constant 0 : i32
        %dma_wait3A_260 = arith.constant 0 : i32
        %dma_wait3A_261 = tpu.memref_slice %arg15[%dma_wait3A_259, %dma_wait3A_260] : memref<10240x8xf32, #tpu.memory_space<vmem_shared>> -> memref<10240x8xf32, #tpu.memory_space<vmem_shared>>
        tpu.wait_indirect_dma semaphore(%arg20 : memref<!tpu.dma_semaphore, #tpu.memory_space<semaphore_mem>>) src(%arg13 : memref<250x8xf32, #tpu.memory_space<vmem>>) dst(%dma_wait3A_261 : memref<10240x8xf32, #tpu.memory_space<vmem_shared>>)
      } else {
      }
      %dma_wait3A_234 = arith.constant 1 : i32
      %dma_wait3A_235 = arith.constant 0 : i32
      %dma_wait3A_236 = arith.constant 0 : i32
      %dma_wait3A_237 = tpu.memref_slice %arg11[%dma_wait3A_234, %dma_wait3A_235, %dma_wait3A_236] : memref<2x250x64xf32, #tpu.memory_space<vmem>> -> memref<1x250x64xf32, #tpu.memory_space<vmem>>
      %dma_wait3A_238 = tpu.memref_squeeze %dma_wait3A_237 : memref<1x250x64xf32, #tpu.memory_space<vmem>> -> memref<250x64xf32, #tpu.memory_space<vmem>>
      %dma_wait3A_239 = arith.constant 0 : i32
      %dma_wait3A_240 = tpu.memref_slice %arg10[%add3A_197, %dma_wait3A_239] : memref<80x250xi32, #tpu.memory_space<vmem>> -> memref<1x250xi32, #tpu.memory_space<vmem>>
      %dma_wait3A_241 = tpu.memref_squeeze %dma_wait3A_240 : memref<1x250xi32, #tpu.memory_space<vmem>> -> memref<250xi32, #tpu.memory_space<vmem>>
      %dma_wait3A_242 = arith.constant 0 : i32
      %dma_wait3A_243 = arith.constant 0 : i32
      %dma_wait3A_244 = tpu.memref_slice %arg14[%dma_wait3A_242, %dma_wait3A_243] : memref<10240x64xf32, #tpu.memory_space<vmem_shared>> -> memref<10240x64xf32, #tpu.memory_space<vmem_shared>>
      tpu.wait_indirect_dma semaphore(%arg19 : memref<!tpu.dma_semaphore, #tpu.memory_space<semaphore_mem>>) src(%dma_wait3A_238 : memref<250x64xf32, #tpu.memory_space<vmem>>) dst(%dma_wait3A_244 : memref<10240x64xf32, #tpu.memory_space<vmem_shared>>)
      %lt3A_245 = arith.constant 39 : i32
      %lt3A_246 = arith.cmpi slt, %scan3A_143, %lt3A_245 : i32
      %convert_element_type3A_247 = arith.extui %lt3A_246 : i1 to i32
      %cond3A_248 = arith.constant 0 : i32
      %cond3A_249 = arith.cmpi ne, %convert_element_type3A_247, %cond3A_248 : i32
      scf.if %cond3A_249 {
        %add3A_250 = arith.constant 2 : i32
        %add3A_251 = arith.addi %add3A_197, %add3A_250 : i32
        %dma_start3A_252 = arith.constant 1 : i32
        %dma_start3A_253 = arith.constant 0 : i32
        %dma_start3A_254 = arith.constant 0 : i32
        %dma_start3A_255 = tpu.memref_slice %arg11[%dma_start3A_252, %dma_start3A_253, %dma_start3A_254] : memref<2x250x64xf32, #tpu.memory_space<vmem>> -> memref<1x250x64xf32, #tpu.memory_space<vmem>>
        %dma_start3A_256 = tpu.memref_squeeze %dma_start3A_255 : memref<1x250x64xf32, #tpu.memory_space<vmem>> -> memref<250x64xf32, #tpu.memory_space<vmem>>
        %dma_start3A_257 = arith.constant 0 : i32
        %dma_start3A_258 = tpu.memref_slice %arg9[%add3A_251, %dma_start3A_257] : memref<80x250xi32, #tpu.memory_space<vmem>> -> memref<1x250xi32, #tpu.memory_space<vmem>>
        %dma_start3A_259 = tpu.memref_squeeze %dma_start3A_258 : memref<1x250xi32, #tpu.memory_space<vmem>> -> memref<250xi32, #tpu.memory_space<vmem>>
        %dma_start3A_260 = arith.constant 0 : i32
        %dma_start3A_261 = arith.constant 0 : i32
        %dma_start3A_262 = tpu.memref_slice %arg4[%arg0, %dma_start3A_260, %dma_start3A_261] : memref<2x10000x64xf32, #tpu.memory_space<hbm>> -> memref<1x10000x64xf32, #tpu.memory_space<hbm>>
        %dma_start3A_263 = tpu.memref_squeeze %dma_start3A_262 : memref<1x10000x64xf32, #tpu.memory_space<hbm>> -> memref<10000x64xf32, #tpu.memory_space<hbm>>
        %dma_start3A_264 = arith.constant 0 : i32
        %dma_start3A_265 = arith.constant 0 : i32
        %dma_start3A_266 = tpu.memref_slice %dma_start3A_263[%dma_start3A_264, %dma_start3A_265] : memref<10000x64xf32, #tpu.memory_space<hbm>> -> memref<10000x64xf32, #tpu.memory_space<hbm>>
        tpu.enqueue_indirect_dma source(%dma_start3A_266 : memref<10000x64xf32, #tpu.memory_space<hbm>>) target(%dma_start3A_256 : memref<250x64xf32, #tpu.memory_space<vmem>>) offsets(%dma_start3A_259 : memref<250xi32, #tpu.memory_space<vmem>>) semaphore(%arg17 : memref<!tpu.dma_semaphore, #tpu.memory_space<semaphore_mem>>)
      } else {
      }
    }
    %scan3A_141 = arith.constant 40 : i32
    %barrier3A_142 = arith.constant 0 : index
    tpu.barrier barrier_id(%barrier3A_142)
    "tpu.region"() ({
      %run_scoped3A = tpu.sem_alloc : memref<!tpu.dma_semaphore, #tpu.memory_space<semaphore_mem>>
      %dma_start3A_143 = arith.constant 0 : i32
      %dma_start3A_144 = tpu.memref_slice %arg7[%arg0, %mul3A_6, %dma_start3A_143] : memref<2x10240x64xf32, #tpu.memory_space<hbm>> -> memref<1x640x64xf32, #tpu.memory_space<hbm>>
      %dma_start3A_145 = tpu.memref_squeeze %dma_start3A_144 : memref<1x640x64xf32, #tpu.memory_space<hbm>> -> memref<640x64xf32, #tpu.memory_space<hbm>>
      %dma_start3A_146 = arith.constant 0 : i32
      %dma_start3A_147 = tpu.memref_slice %arg14[%mul3A_6, %dma_start3A_146] : memref<10240x64xf32, #tpu.memory_space<vmem_shared>> -> memref<640x64xf32, #tpu.memory_space<vmem_shared>>
      tpu.enqueue_dma source(%dma_start3A_147 : memref<640x64xf32, #tpu.memory_space<vmem_shared>>) target(%dma_start3A_145 : memref<640x64xf32, #tpu.memory_space<hbm>>) target_semaphore(%run_scoped3A : memref<!tpu.dma_semaphore, #tpu.memory_space<semaphore_mem>>)
      %dma_wait3A_148 = arith.constant 0 : i32
      %dma_wait3A_149 = tpu.memref_slice %arg7[%arg0, %mul3A_6, %dma_wait3A_148] : memref<2x10240x64xf32, #tpu.memory_space<hbm>> -> memref<1x640x64xf32, #tpu.memory_space<hbm>>
      %dma_wait3A_150 = tpu.memref_squeeze %dma_wait3A_149 : memref<1x640x64xf32, #tpu.memory_space<hbm>> -> memref<640x64xf32, #tpu.memory_space<hbm>>
      %dma_wait3A_151 = arith.constant 0 : i32
      %dma_wait3A_152 = tpu.memref_slice %arg14[%mul3A_6, %dma_wait3A_151] : memref<10240x64xf32, #tpu.memory_space<vmem_shared>> -> memref<640x64xf32, #tpu.memory_space<vmem_shared>>
      tpu.wait_dma2 semaphore(%run_scoped3A : memref<!tpu.dma_semaphore, #tpu.memory_space<semaphore_mem>>) src(%dma_wait3A_152 : memref<640x64xf32, #tpu.memory_space<vmem_shared>>) dst(%dma_wait3A_150 : memref<640x64xf32, #tpu.memory_space<hbm>>)
      tpu.yield
    }) : () -> ()
    "tpu.region"() ({
      %run_scoped3A = tpu.sem_alloc : memref<!tpu.dma_semaphore, #tpu.memory_space<semaphore_mem>>
      %dma_start3A_143 = arith.constant 0 : i32
      %dma_start3A_144 = tpu.memref_slice %arg8[%arg0, %mul3A_6, %dma_start3A_143] : memref<2x10240x8xf32, #tpu.memory_space<hbm>> -> memref<1x640x8xf32, #tpu.memory_space<hbm>>
      %dma_start3A_145 = tpu.memref_squeeze %dma_start3A_144 : memref<1x640x8xf32, #tpu.memory_space<hbm>> -> memref<640x8xf32, #tpu.memory_space<hbm>>
      %dma_start3A_146 = arith.constant 0 : i32
      %dma_start3A_147 = tpu.memref_slice %arg15[%mul3A_6, %dma_start3A_146] : memref<10240x8xf32, #tpu.memory_space<vmem_shared>> -> memref<640x8xf32, #tpu.memory_space<vmem_shared>>
      tpu.enqueue_dma source(%dma_start3A_147 : memref<640x8xf32, #tpu.memory_space<vmem_shared>>) target(%dma_start3A_145 : memref<640x8xf32, #tpu.memory_space<hbm>>) target_semaphore(%run_scoped3A : memref<!tpu.dma_semaphore, #tpu.memory_space<semaphore_mem>>)
      %dma_wait3A_148 = arith.constant 0 : i32
      %dma_wait3A_149 = tpu.memref_slice %arg8[%arg0, %mul3A_6, %dma_wait3A_148] : memref<2x10240x8xf32, #tpu.memory_space<hbm>> -> memref<1x640x8xf32, #tpu.memory_space<hbm>>
      %dma_wait3A_150 = tpu.memref_squeeze %dma_wait3A_149 : memref<1x640x8xf32, #tpu.memory_space<hbm>> -> memref<640x8xf32, #tpu.memory_space<hbm>>
      %dma_wait3A_151 = arith.constant 0 : i32
      %dma_wait3A_152 = tpu.memref_slice %arg15[%mul3A_6, %dma_wait3A_151] : memref<10240x8xf32, #tpu.memory_space<vmem_shared>> -> memref<640x8xf32, #tpu.memory_space<vmem_shared>>
      tpu.wait_dma2 semaphore(%run_scoped3A : memref<!tpu.dma_semaphore, #tpu.memory_space<semaphore_mem>>) src(%dma_wait3A_152 : memref<640x8xf32, #tpu.memory_space<vmem_shared>>) dst(%dma_wait3A_150 : memref<640x8xf32, #tpu.memory_space<hbm>>)
      tpu.yield
    }) : () -> ()
    return
  }
}

#map = affine_map<(d0, d1) -> (0, 0, 0)>
#map1 = affine_map<(d0, d1) -> (0, 0)>
module attributes {stable_mosaic.version = 14 : i64} {
  func.func @sc_prop_deg(%arg0: i32, %arg1: i32, %arg2: memref<16x80x250xi32, #tpu.memory_space<hbm>>, %arg3: memref<16x80x250xi32, #tpu.memory_space<hbm>>, %arg4: memref<2x10000x64xf32, #tpu.memory_space<hbm>>, %arg5: memref<250x8xf32, #tpu.memory_space<hbm>>, %arg6: memref<128x8xf32, #tpu.memory_space<hbm>>, %arg7: memref<2x10240x64xf32, #tpu.memory_space<hbm>>, %arg8: memref<2x10240x8xf32, #tpu.memory_space<hbm>>, %arg9: memref<80x250xi32, #tpu.memory_space<vmem>>, %arg10: memref<80x250xi32, #tpu.memory_space<vmem>>, %arg11: memref<2x250x64xf32, #tpu.memory_space<vmem>>, %arg12: memref<128x64xf32, #tpu.memory_space<vmem>>, %arg13: memref<250x8xf32, #tpu.memory_space<vmem>>, %arg14: memref<10240x64xf32, #tpu.memory_space<vmem_shared>>, %arg15: memref<10240x8xf32, #tpu.memory_space<vmem_shared>>, %arg16: memref<!tpu.dma_semaphore, #tpu.memory_space<semaphore_mem>>, %arg17: memref<!tpu.dma_semaphore, #tpu.memory_space<semaphore_mem>>, %arg18: memref<!tpu.dma_semaphore, #tpu.memory_space<semaphore_mem>>, %arg19: memref<!tpu.dma_semaphore, #tpu.memory_space<semaphore_mem>>, %arg20: memref<!tpu.dma_semaphore, #tpu.memory_space<semaphore_mem>>) attributes {dimension_semantics = [#tpu.dimension_semantics<core_parallel>, #tpu.dimension_semantics<subcore_parallel>], iteration_bounds = array<i64: 2, 16>, scalar_prefetch = 0 : i64, scratch_operands = 12 : i64, tpu.core_type = #tpu.core_type<sc_vector_subcore>, window_params = [{transform_indices = #map}, {transform_indices = #map}, {transform_indices = #map}, {transform_indices = #map1}, {transform_indices = #map1}, {transform_indices = #map}, {transform_indices = #map}]} {
    %broadcast_in_dim3A = arith.constant 0.000000e+00 : f32
    %broadcast_in_dim3A_0 = vector.broadcast %broadcast_in_dim3A : f32 to vector<16xf32>
    %scan3A = arith.constant 0 : i32
    %scan3A_1 = arith.constant 0 : i32
    %scan3A_2 = arith.constant 128 : i32
    %scan3A_3 = arith.addi %scan3A_1, %scan3A_2 : i32
    %scan3A_4 = arith.constant 1 : i32
    scf.for %scan3A_143 = %scan3A_1 to %scan3A_3 step %scan3A_4  : i32 {
      %swap3A = arith.index_cast %scan3A_143 : i32 to index
      %swap3A_144 = arith.constant 0 : index
      %swap3A_145 = tpu.vector_load %arg12[%swap3A, %swap3A_144] {strides = array<i32>} : memref<128x64xf32, #tpu.memory_space<vmem>>, vector<1x16xf32>,
      %swap3A_146 = vector.shape_cast %swap3A_145 : vector<1x16xf32> to vector<16xf32>
      %swap3A_147 = vector.shape_cast %broadcast_in_dim3A_0 : vector<16xf32> to vector<1x16xf32>
      tpu.vector_store %arg12[%swap3A, %swap3A_144], %swap3A_147 {strides = array<i32>} : memref<128x64xf32, #tpu.memory_space<vmem>>, vector<1x16xf32>,
      %swap3A_148 = arith.index_cast %scan3A_143 : i32 to index
      %swap3A_149 = arith.constant 16 : index
      %swap3A_150 = tpu.vector_load %arg12[%swap3A_148, %swap3A_149] {strides = array<i32>} : memref<128x64xf32, #tpu.memory_space<vmem>>, vector<1x16xf32>,
      %swap3A_151 = vector.shape_cast %swap3A_150 : vector<1x16xf32> to vector<16xf32>
      %swap3A_152 = vector.shape_cast %broadcast_in_dim3A_0 : vector<16xf32> to vector<1x16xf32>
      tpu.vector_store %arg12[%swap3A_148, %swap3A_149], %swap3A_152 {strides = array<i32>} : memref<128x64xf32, #tpu.memory_space<vmem>>, vector<1x16xf32>,
      %swap3A_153 = arith.index_cast %scan3A_143 : i32 to index
      %swap3A_154 = arith.constant 32 : index
      %swap3A_155 = tpu.vector_load %arg12[%swap3A_153, %swap3A_154] {strides = array<i32>} : memref<128x64xf32, #tpu.memory_space<vmem>>, vector<1x16xf32>,
      %swap3A_156 = vector.shape_cast %swap3A_155 : vector<1x16xf32> to vector<16xf32>
      %swap3A_157 = vector.shape_cast %broadcast_in_dim3A_0 : vector<16xf32> to vector<1x16xf32>
      tpu.vector_store %arg12[%swap3A_153, %swap3A_154], %swap3A_157 {strides = array<i32>} : memref<128x64xf32, #tpu.memory_space<vmem>>, vector<1x16xf32>,
      %swap3A_158 = arith.index_cast %scan3A_143 : i32 to index
      %swap3A_159 = arith.constant 48 : index
      %swap3A_160 = tpu.vector_load %arg12[%swap3A_158, %swap3A_159] {strides = array<i32>} : memref<128x64xf32, #tpu.memory_space<vmem>>, vector<1x16xf32>,
      %swap3A_161 = vector.shape_cast %swap3A_160 : vector<1x16xf32> to vector<16xf32>
      %swap3A_162 = vector.shape_cast %broadcast_in_dim3A_0 : vector<16xf32> to vector<1x16xf32>
      tpu.vector_store %arg12[%swap3A_158, %swap3A_159], %swap3A_162 {strides = array<i32>} : memref<128x64xf32, #tpu.memory_space<vmem>>, vector<1x16xf32>,
    }
    %scan3A_5 = arith.constant 128 : i32
    %mul3A = arith.constant 640 : i32
    %mul3A_6 = arith.muli %arg1, %mul3A : i32
    %add3A = arith.constant 0 : i32
    %add3A_7 = arith.addi %mul3A_6, %add3A : i32
    %dma_start3A = arith.constant 0 : i32
    %dma_start3A_8 = tpu.memref_slice %arg14[%add3A_7, %dma_start3A] : memref<10240x64xf32, #tpu.memory_space<vmem_shared>> -> memref<128x64xf32, #tpu.memory_space<vmem_shared>>
    %dma_start3A_9 = arith.constant 0 : i32
    %dma_start3A_10 = tpu.memref_slice %arg14[%add3A_7, %dma_start3A_9] : memref<10240x64xf32, #tpu.memory_space<vmem_shared>> -> memref<128x64xf32, #tpu.memory_space<vmem_shared>>
    tpu.enqueue_dma source(%arg12 : memref<128x64xf32, #tpu.memory_space<vmem>>) target(%dma_start3A_10 : memref<128x64xf32, #tpu.memory_space<vmem_shared>>) target_semaphore(%arg20 : memref<!tpu.dma_semaphore, #tpu.memory_space<semaphore_mem>>)
    %add3A_11 = arith.constant 0 : i32
    %add3A_12 = arith.addi %mul3A_6, %add3A_11 : i32
    %dma_start3A_13 = arith.constant 0 : i32
    %dma_start3A_14 = tpu.memref_slice %arg15[%add3A_12, %dma_start3A_13] : memref<10240x8xf32, #tpu.memory_space<vmem_shared>> -> memref<128x8xf32, #tpu.memory_space<vmem_shared>>
    tpu.enqueue_dma source(%arg6 : memref<128x8xf32, #tpu.memory_space<hbm>>) target(%dma_start3A_14 : memref<128x8xf32, #tpu.memory_space<vmem_shared>>) target_semaphore(%arg20 : memref<!tpu.dma_semaphore, #tpu.memory_space<semaphore_mem>>)
    %add3A_15 = arith.constant 128 : i32
    %add3A_16 = arith.addi %mul3A_6, %add3A_15 : i32
    %dma_start3A_17 = arith.constant 0 : i32
    %dma_start3A_18 = tpu.memref_slice %arg14[%add3A_16, %dma_start3A_17] : memref<10240x64xf32, #tpu.memory_space<vmem_shared>> -> memref<128x64xf32, #tpu.memory_space<vmem_shared>>
    %dma_start3A_19 = arith.constant 0 : i32
    %dma_start3A_20 = tpu.memref_slice %arg14[%add3A_16, %dma_start3A_19] : memref<10240x64xf32, #tpu.memory_space<vmem_shared>> -> memref<128x64xf32, #tpu.memory_space<vmem_shared>>
    tpu.enqueue_dma source(%arg12 : memref<128x64xf32, #tpu.memory_space<vmem>>) target(%dma_start3A_20 : memref<128x64xf32, #tpu.memory_space<vmem_shared>>) target_semaphore(%arg20 : memref<!tpu.dma_semaphore, #tpu.memory_space<semaphore_mem>>)
    %add3A_21 = arith.constant 128 : i32
    %add3A_22 = arith.addi %mul3A_6, %add3A_21 : i32
    %dma_start3A_23 = arith.constant 0 : i32
    %dma_start3A_24 = tpu.memref_slice %arg15[%add3A_22, %dma_start3A_23] : memref<10240x8xf32, #tpu.memory_space<vmem_shared>> -> memref<128x8xf32, #tpu.memory_space<vmem_shared>>
    tpu.enqueue_dma source(%arg6 : memref<128x8xf32, #tpu.memory_space<hbm>>) target(%dma_start3A_24 : memref<128x8xf32, #tpu.memory_space<vmem_shared>>) target_semaphore(%arg20 : memref<!tpu.dma_semaphore, #tpu.memory_space<semaphore_mem>>)
    %add3A_25 = arith.constant 256 : i32
    %add3A_26 = arith.addi %mul3A_6, %add3A_25 : i32
    %dma_start3A_27 = arith.constant 0 : i32
    %dma_start3A_28 = tpu.memref_slice %arg14[%add3A_26, %dma_start3A_27] : memref<10240x64xf32, #tpu.memory_space<vmem_shared>> -> memref<128x64xf32, #tpu.memory_space<vmem_shared>>
    %dma_start3A_29 = arith.constant 0 : i32
    %dma_start3A_30 = tpu.memref_slice %arg14[%add3A_26, %dma_start3A_29] : memref<10240x64xf32, #tpu.memory_space<vmem_shared>> -> memref<128x64xf32, #tpu.memory_space<vmem_shared>>
    tpu.enqueue_dma source(%arg12 : memref<128x64xf32, #tpu.memory_space<vmem>>) target(%dma_start3A_30 : memref<128x64xf32, #tpu.memory_space<vmem_shared>>) target_semaphore(%arg20 : memref<!tpu.dma_semaphore, #tpu.memory_space<semaphore_mem>>)
    %add3A_31 = arith.constant 256 : i32
    %add3A_32 = arith.addi %mul3A_6, %add3A_31 : i32
    %dma_start3A_33 = arith.constant 0 : i32
    %dma_start3A_34 = tpu.memref_slice %arg15[%add3A_32, %dma_start3A_33] : memref<10240x8xf32, #tpu.memory_space<vmem_shared>> -> memref<128x8xf32, #tpu.memory_space<vmem_shared>>
    tpu.enqueue_dma source(%arg6 : memref<128x8xf32, #tpu.memory_space<hbm>>) target(%dma_start3A_34 : memref<128x8xf32, #tpu.memory_space<vmem_shared>>) target_semaphore(%arg20 : memref<!tpu.dma_semaphore, #tpu.memory_space<semaphore_mem>>)
    %add3A_35 = arith.constant 384 : i32
    %add3A_36 = arith.addi %mul3A_6, %add3A_35 : i32
    %dma_start3A_37 = arith.constant 0 : i32
    %dma_start3A_38 = tpu.memref_slice %arg14[%add3A_36, %dma_start3A_37] : memref<10240x64xf32, #tpu.memory_space<vmem_shared>> -> memref<128x64xf32, #tpu.memory_space<vmem_shared>>
    %dma_start3A_39 = arith.constant 0 : i32
    %dma_start3A_40 = tpu.memref_slice %arg14[%add3A_36, %dma_start3A_39] : memref<10240x64xf32, #tpu.memory_space<vmem_shared>> -> memref<128x64xf32, #tpu.memory_space<vmem_shared>>
    tpu.enqueue_dma source(%arg12 : memref<128x64xf32, #tpu.memory_space<vmem>>) target(%dma_start3A_40 : memref<128x64xf32, #tpu.memory_space<vmem_shared>>) target_semaphore(%arg20 : memref<!tpu.dma_semaphore, #tpu.memory_space<semaphore_mem>>)
    %add3A_41 = arith.constant 384 : i32
    %add3A_42 = arith.addi %mul3A_6, %add3A_41 : i32
    %dma_start3A_43 = arith.constant 0 : i32
    %dma_start3A_44 = tpu.memref_slice %arg15[%add3A_42, %dma_start3A_43] : memref<10240x8xf32, #tpu.memory_space<vmem_shared>> -> memref<128x8xf32, #tpu.memory_space<vmem_shared>>
    tpu.enqueue_dma source(%arg6 : memref<128x8xf32, #tpu.memory_space<hbm>>) target(%dma_start3A_44 : memref<128x8xf32, #tpu.memory_space<vmem_shared>>) target_semaphore(%arg20 : memref<!tpu.dma_semaphore, #tpu.memory_space<semaphore_mem>>)
    %add3A_45 = arith.constant 512 : i32
    %add3A_46 = arith.addi %mul3A_6, %add3A_45 : i32
    %dma_start3A_47 = arith.constant 0 : i32
    %dma_start3A_48 = tpu.memref_slice %arg14[%add3A_46, %dma_start3A_47] : memref<10240x64xf32, #tpu.memory_space<vmem_shared>> -> memref<128x64xf32, #tpu.memory_space<vmem_shared>>
    %dma_start3A_49 = arith.constant 0 : i32
    %dma_start3A_50 = tpu.memref_slice %arg14[%add3A_46, %dma_start3A_49] : memref<10240x64xf32, #tpu.memory_space<vmem_shared>> -> memref<128x64xf32, #tpu.memory_space<vmem_shared>>
    tpu.enqueue_dma source(%arg12 : memref<128x64xf32, #tpu.memory_space<vmem>>) target(%dma_start3A_50 : memref<128x64xf32, #tpu.memory_space<vmem_shared>>) target_semaphore(%arg20 : memref<!tpu.dma_semaphore, #tpu.memory_space<semaphore_mem>>)
    %add3A_51 = arith.constant 512 : i32
    %add3A_52 = arith.addi %mul3A_6, %add3A_51 : i32
    %dma_start3A_53 = arith.constant 0 : i32
    %dma_start3A_54 = tpu.memref_slice %arg15[%add3A_52, %dma_start3A_53] : memref<10240x8xf32, #tpu.memory_space<vmem_shared>> -> memref<128x8xf32, #tpu.memory_space<vmem_shared>>
    tpu.enqueue_dma source(%arg6 : memref<128x8xf32, #tpu.memory_space<hbm>>) target(%dma_start3A_54 : memref<128x8xf32, #tpu.memory_space<vmem_shared>>) target_semaphore(%arg20 : memref<!tpu.dma_semaphore, #tpu.memory_space<semaphore_mem>>)
    "tpu.region"() ({
      %run_scoped3A = tpu.sem_alloc : memref<!tpu.dma_semaphore, #tpu.memory_space<semaphore_mem>>
      %dma_start3A_143 = arith.constant 0 : i32
      %dma_start3A_144 = arith.constant 0 : i32
      %dma_start3A_145 = tpu.memref_slice %arg2[%arg1, %dma_start3A_143, %dma_start3A_144] : memref<16x80x250xi32, #tpu.memory_space<hbm>> -> memref<1x80x250xi32, #tpu.memory_space<hbm>>
      %dma_start3A_146 = tpu.memref_squeeze %dma_start3A_145 : memref<1x80x250xi32, #tpu.memory_space<hbm>> -> memref<80x250xi32, #tpu.memory_space<hbm>>
      %dma_start3A_147 = arith.constant 0 : i32
      %dma_start3A_148 = arith.constant 0 : i32
      %dma_start3A_149 = tpu.memref_slice %arg2[%arg1, %dma_start3A_147, %dma_start3A_148] : memref<16x80x250xi32, #tpu.memory_space<hbm>> -> memref<1x80x250xi32, #tpu.memory_space<hbm>>
      %dma_start3A_150 = tpu.memref_squeeze %dma_start3A_149 : memref<1x80x250xi32, #tpu.memory_space<hbm>> -> memref<80x250xi32, #tpu.memory_space<hbm>>
      tpu.enqueue_dma source(%dma_start3A_150 : memref<80x250xi32, #tpu.memory_space<hbm>>) target(%arg9 : memref<80x250xi32, #tpu.memory_space<vmem>>) target_semaphore(%run_scoped3A : memref<!tpu.dma_semaphore, #tpu.memory_space<semaphore_mem>>)
      %dma_wait3A_151 = arith.constant 0 : i32
      %dma_wait3A_152 = arith.constant 0 : i32
      %dma_wait3A_153 = tpu.memref_slice %arg2[%arg1, %dma_wait3A_151, %dma_wait3A_152] : memref<16x80x250xi32, #tpu.memory_space<hbm>> -> memref<1x80x250xi32, #tpu.memory_space<hbm>>
      %dma_wait3A_154 = tpu.memref_squeeze %dma_wait3A_153 : memref<1x80x250xi32, #tpu.memory_space<hbm>> -> memref<80x250xi32, #tpu.memory_space<hbm>>
      %dma_wait3A_155 = arith.constant 0 : i32
      %dma_wait3A_156 = arith.constant 0 : i32
      %dma_wait3A_157 = tpu.memref_slice %arg2[%arg1, %dma_wait3A_155, %dma_wait3A_156] : memref<16x80x250xi32, #tpu.memory_space<hbm>> -> memref<1x80x250xi32, #tpu.memory_space<hbm>>
      %dma_wait3A_158 = tpu.memref_squeeze %dma_wait3A_157 : memref<1x80x250xi32, #tpu.memory_space<hbm>> -> memref<80x250xi32, #tpu.memory_space<hbm>>
      tpu.wait_dma2 semaphore(%run_scoped3A : memref<!tpu.dma_semaphore, #tpu.memory_space<semaphore_mem>>) src(%dma_wait3A_158 : memref<80x250xi32, #tpu.memory_space<hbm>>) dst(%arg9 : memref<80x250xi32, #tpu.memory_space<vmem>>)
      tpu.yield
    }) : () -> ()
    "tpu.region"() ({
      %run_scoped3A = tpu.sem_alloc : memref<!tpu.dma_semaphore, #tpu.memory_space<semaphore_mem>>
      %dma_start3A_143 = arith.constant 0 : i32
      %dma_start3A_144 = arith.constant 0 : i32
      %dma_start3A_145 = tpu.memref_slice %arg3[%arg1, %dma_start3A_143, %dma_start3A_144] : memref<16x80x250xi32, #tpu.memory_space<hbm>> -> memref<1x80x250xi32, #tpu.memory_space<hbm>>
      %dma_start3A_146 = tpu.memref_squeeze %dma_start3A_145 : memref<1x80x250xi32, #tpu.memory_space<hbm>> -> memref<80x250xi32, #tpu.memory_space<hbm>>
      %dma_start3A_147 = arith.constant 0 : i32
      %dma_start3A_148 = arith.constant 0 : i32
      %dma_start3A_149 = tpu.memref_slice %arg3[%arg1, %dma_start3A_147, %dma_start3A_148] : memref<16x80x250xi32, #tpu.memory_space<hbm>> -> memref<1x80x250xi32, #tpu.memory_space<hbm>>
      %dma_start3A_150 = tpu.memref_squeeze %dma_start3A_149 : memref<1x80x250xi32, #tpu.memory_space<hbm>> -> memref<80x250xi32, #tpu.memory_space<hbm>>
      tpu.enqueue_dma source(%dma_start3A_150 : memref<80x250xi32, #tpu.memory_space<hbm>>) target(%arg10 : memref<80x250xi32, #tpu.memory_space<vmem>>) target_semaphore(%run_scoped3A : memref<!tpu.dma_semaphore, #tpu.memory_space<semaphore_mem>>)
      %dma_wait3A_151 = arith.constant 0 : i32
      %dma_wait3A_152 = arith.constant 0 : i32
      %dma_wait3A_153 = tpu.memref_slice %arg3[%arg1, %dma_wait3A_151, %dma_wait3A_152] : memref<16x80x250xi32, #tpu.memory_space<hbm>> -> memref<1x80x250xi32, #tpu.memory_space<hbm>>
      %dma_wait3A_154 = tpu.memref_squeeze %dma_wait3A_153 : memref<1x80x250xi32, #tpu.memory_space<hbm>> -> memref<80x250xi32, #tpu.memory_space<hbm>>
      %dma_wait3A_155 = arith.constant 0 : i32
      %dma_wait3A_156 = arith.constant 0 : i32
      %dma_wait3A_157 = tpu.memref_slice %arg3[%arg1, %dma_wait3A_155, %dma_wait3A_156] : memref<16x80x250xi32, #tpu.memory_space<hbm>> -> memref<1x80x250xi32, #tpu.memory_space<hbm>>
      %dma_wait3A_158 = tpu.memref_squeeze %dma_wait3A_157 : memref<1x80x250xi32, #tpu.memory_space<hbm>> -> memref<80x250xi32, #tpu.memory_space<hbm>>
      tpu.wait_dma2 semaphore(%run_scoped3A : memref<!tpu.dma_semaphore, #tpu.memory_space<semaphore_mem>>) src(%dma_wait3A_158 : memref<80x250xi32, #tpu.memory_space<hbm>>) dst(%arg10 : memref<80x250xi32, #tpu.memory_space<vmem>>)
      tpu.yield
    }) : () -> ()
    %dma_start3A_55 = arith.constant 0 : i32
    %dma_start3A_56 = arith.constant 0 : i32
    %dma_start3A_57 = arith.constant 0 : i32
    %dma_start3A_58 = arith.constant 0 : i32
    %dma_start3A_59 = tpu.memref_slice %arg11[%dma_start3A_56, %dma_start3A_57, %dma_start3A_58] : memref<2x250x64xf32, #tpu.memory_space<vmem>> -> memref<1x250x64xf32, #tpu.memory_space<vmem>>
    %dma_start3A_60 = tpu.memref_squeeze %dma_start3A_59 : memref<1x250x64xf32, #tpu.memory_space<vmem>> -> memref<250x64xf32, #tpu.memory_space<vmem>>
    %dma_start3A_61 = arith.constant 0 : i32
    %dma_start3A_62 = tpu.memref_slice %arg9[%dma_start3A_55, %dma_start3A_61] : memref<80x250xi32, #tpu.memory_space<vmem>> -> memref<1x250xi32, #tpu.memory_space<vmem>>
    %dma_start3A_63 = tpu.memref_squeeze %dma_start3A_62 : memref<1x250xi32, #tpu.memory_space<vmem>> -> memref<250xi32, #tpu.memory_space<vmem>>
    %dma_start3A_64 = arith.constant 0 : i32
    %dma_start3A_65 = arith.constant 0 : i32
    %dma_start3A_66 = tpu.memref_slice %arg4[%arg0, %dma_start3A_64, %dma_start3A_65] : memref<2x10000x64xf32, #tpu.memory_space<hbm>> -> memref<1x10000x64xf32, #tpu.memory_space<hbm>>
    %dma_start3A_67 = tpu.memref_squeeze %dma_start3A_66 : memref<1x10000x64xf32, #tpu.memory_space<hbm>> -> memref<10000x64xf32, #tpu.memory_space<hbm>>
    %dma_start3A_68 = arith.constant 0 : i32
    %dma_start3A_69 = arith.constant 0 : i32
    %dma_start3A_70 = tpu.memref_slice %dma_start3A_67[%dma_start3A_68, %dma_start3A_69] : memref<10000x64xf32, #tpu.memory_space<hbm>> -> memref<10000x64xf32, #tpu.memory_space<hbm>>
    tpu.enqueue_indirect_dma source(%dma_start3A_70 : memref<10000x64xf32, #tpu.memory_space<hbm>>) target(%dma_start3A_60 : memref<250x64xf32, #tpu.memory_space<vmem>>) offsets(%dma_start3A_63 : memref<250xi32, #tpu.memory_space<vmem>>) semaphore(%arg16 : memref<!tpu.dma_semaphore, #tpu.memory_space<semaphore_mem>>)
    %dma_start3A_71 = arith.constant 1 : i32
    %dma_start3A_72 = arith.constant 1 : i32
    %dma_start3A_73 = arith.constant 0 : i32
    %dma_start3A_74 = arith.constant 0 : i32
    %dma_start3A_75 = tpu.memref_slice %arg11[%dma_start3A_72, %dma_start3A_73, %dma_start3A_74] : memref<2x250x64xf32, #tpu.memory_space<vmem>> -> memref<1x250x64xf32, #tpu.memory_space<vmem>>
    %dma_start3A_76 = tpu.memref_squeeze %dma_start3A_75 : memref<1x250x64xf32, #tpu.memory_space<vmem>> -> memref<250x64xf32, #tpu.memory_space<vmem>>
    %dma_start3A_77 = arith.constant 0 : i32
    %dma_start3A_78 = tpu.memref_slice %arg9[%dma_start3A_71, %dma_start3A_77] : memref<80x250xi32, #tpu.memory_space<vmem>> -> memref<1x250xi32, #tpu.memory_space<vmem>>
    %dma_start3A_79 = tpu.memref_squeeze %dma_start3A_78 : memref<1x250xi32, #tpu.memory_space<vmem>> -> memref<250xi32, #tpu.memory_space<vmem>>
    %dma_start3A_80 = arith.constant 0 : i32
    %dma_start3A_81 = arith.constant 0 : i32
    %dma_start3A_82 = tpu.memref_slice %arg4[%arg0, %dma_start3A_80, %dma_start3A_81] : memref<2x10000x64xf32, #tpu.memory_space<hbm>> -> memref<1x10000x64xf32, #tpu.memory_space<hbm>>
    %dma_start3A_83 = tpu.memref_squeeze %dma_start3A_82 : memref<1x10000x64xf32, #tpu.memory_space<hbm>> -> memref<10000x64xf32, #tpu.memory_space<hbm>>
    %dma_start3A_84 = arith.constant 0 : i32
    %dma_start3A_85 = arith.constant 0 : i32
    %dma_start3A_86 = tpu.memref_slice %dma_start3A_83[%dma_start3A_84, %dma_start3A_85] : memref<10000x64xf32, #tpu.memory_space<hbm>> -> memref<10000x64xf32, #tpu.memory_space<hbm>>
    tpu.enqueue_indirect_dma source(%dma_start3A_86 : memref<10000x64xf32, #tpu.memory_space<hbm>>) target(%dma_start3A_76 : memref<250x64xf32, #tpu.memory_space<vmem>>) offsets(%dma_start3A_79 : memref<250xi32, #tpu.memory_space<vmem>>) semaphore(%arg17 : memref<!tpu.dma_semaphore, #tpu.memory_space<semaphore_mem>>)
    "tpu.region"() ({
      %run_scoped3A = tpu.sem_alloc : memref<!tpu.dma_semaphore, #tpu.memory_space<semaphore_mem>>
      tpu.enqueue_dma source(%arg5 : memref<250x8xf32, #tpu.memory_space<hbm>>) target(%arg13 : memref<250x8xf32, #tpu.memory_space<vmem>>) target_semaphore(%run_scoped3A : memref<!tpu.dma_semaphore, #tpu.memory_space<semaphore_mem>>)
      tpu.wait_dma2 semaphore(%run_scoped3A : memref<!tpu.dma_semaphore, #tpu.memory_space<semaphore_mem>>) src(%arg5 : memref<250x8xf32, #tpu.memory_space<hbm>>) dst(%arg13 : memref<250x8xf32, #tpu.memory_space<vmem>>)
      tpu.yield
    }) : () -> ()
    %add3A_87 = arith.constant 0 : i32
    %add3A_88 = arith.addi %mul3A_6, %add3A_87 : i32
    %dma_wait3A = arith.constant 0 : i32
    %dma_wait3A_89 = tpu.memref_slice %arg14[%add3A_88, %dma_wait3A] : memref<10240x64xf32, #tpu.memory_space<vmem_shared>> -> memref<128x64xf32, #tpu.memory_space<vmem_shared>>
    %dma_wait3A_90 = arith.constant 0 : i32
    %dma_wait3A_91 = tpu.memref_slice %arg14[%add3A_88, %dma_wait3A_90] : memref<10240x64xf32, #tpu.memory_space<vmem_shared>> -> memref<128x64xf32, #tpu.memory_space<vmem_shared>>
    tpu.wait_dma2 semaphore(%arg20 : memref<!tpu.dma_semaphore, #tpu.memory_space<semaphore_mem>>) src(%arg12 : memref<128x64xf32, #tpu.memory_space<vmem>>) dst(%dma_wait3A_91 : memref<128x64xf32, #tpu.memory_space<vmem_shared>>)
    %add3A_92 = arith.constant 0 : i32
    %add3A_93 = arith.addi %mul3A_6, %add3A_92 : i32
    %dma_wait3A_94 = arith.constant 0 : i32
    %dma_wait3A_95 = tpu.memref_slice %arg15[%add3A_93, %dma_wait3A_94] : memref<10240x8xf32, #tpu.memory_space<vmem_shared>> -> memref<128x8xf32, #tpu.memory_space<vmem_shared>>
    tpu.wait_dma2 semaphore(%arg20 : memref<!tpu.dma_semaphore, #tpu.memory_space<semaphore_mem>>) src(%arg6 : memref<128x8xf32, #tpu.memory_space<hbm>>) dst(%dma_wait3A_95 : memref<128x8xf32, #tpu.memory_space<vmem_shared>>)
    %add3A_96 = arith.constant 128 : i32
    %add3A_97 = arith.addi %mul3A_6, %add3A_96 : i32
    %dma_wait3A_98 = arith.constant 0 : i32
    %dma_wait3A_99 = tpu.memref_slice %arg14[%add3A_97, %dma_wait3A_98] : memref<10240x64xf32, #tpu.memory_space<vmem_shared>> -> memref<128x64xf32, #tpu.memory_space<vmem_shared>>
    %dma_wait3A_100 = arith.constant 0 : i32
    %dma_wait3A_101 = tpu.memref_slice %arg14[%add3A_97, %dma_wait3A_100] : memref<10240x64xf32, #tpu.memory_space<vmem_shared>> -> memref<128x64xf32, #tpu.memory_space<vmem_shared>>
    tpu.wait_dma2 semaphore(%arg20 : memref<!tpu.dma_semaphore, #tpu.memory_space<semaphore_mem>>) src(%arg12 : memref<128x64xf32, #tpu.memory_space<vmem>>) dst(%dma_wait3A_101 : memref<128x64xf32, #tpu.memory_space<vmem_shared>>)
    %add3A_102 = arith.constant 128 : i32
    %add3A_103 = arith.addi %mul3A_6, %add3A_102 : i32
    %dma_wait3A_104 = arith.constant 0 : i32
    %dma_wait3A_105 = tpu.memref_slice %arg15[%add3A_103, %dma_wait3A_104] : memref<10240x8xf32, #tpu.memory_space<vmem_shared>> -> memref<128x8xf32, #tpu.memory_space<vmem_shared>>
    tpu.wait_dma2 semaphore(%arg20 : memref<!tpu.dma_semaphore, #tpu.memory_space<semaphore_mem>>) src(%arg6 : memref<128x8xf32, #tpu.memory_space<hbm>>) dst(%dma_wait3A_105 : memref<128x8xf32, #tpu.memory_space<vmem_shared>>)
    %add3A_106 = arith.constant 256 : i32
    %add3A_107 = arith.addi %mul3A_6, %add3A_106 : i32
    %dma_wait3A_108 = arith.constant 0 : i32
    %dma_wait3A_109 = tpu.memref_slice %arg14[%add3A_107, %dma_wait3A_108] : memref<10240x64xf32, #tpu.memory_space<vmem_shared>> -> memref<128x64xf32, #tpu.memory_space<vmem_shared>>
    %dma_wait3A_110 = arith.constant 0 : i32
    %dma_wait3A_111 = tpu.memref_slice %arg14[%add3A_107, %dma_wait3A_110] : memref<10240x64xf32, #tpu.memory_space<vmem_shared>> -> memref<128x64xf32, #tpu.memory_space<vmem_shared>>
    tpu.wait_dma2 semaphore(%arg20 : memref<!tpu.dma_semaphore, #tpu.memory_space<semaphore_mem>>) src(%arg12 : memref<128x64xf32, #tpu.memory_space<vmem>>) dst(%dma_wait3A_111 : memref<128x64xf32, #tpu.memory_space<vmem_shared>>)
    %add3A_112 = arith.constant 256 : i32
    %add3A_113 = arith.addi %mul3A_6, %add3A_112 : i32
    %dma_wait3A_114 = arith.constant 0 : i32
    %dma_wait3A_115 = tpu.memref_slice %arg15[%add3A_113, %dma_wait3A_114] : memref<10240x8xf32, #tpu.memory_space<vmem_shared>> -> memref<128x8xf32, #tpu.memory_space<vmem_shared>>
    tpu.wait_dma2 semaphore(%arg20 : memref<!tpu.dma_semaphore, #tpu.memory_space<semaphore_mem>>) src(%arg6 : memref<128x8xf32, #tpu.memory_space<hbm>>) dst(%dma_wait3A_115 : memref<128x8xf32, #tpu.memory_space<vmem_shared>>)
    %add3A_116 = arith.constant 384 : i32
    %add3A_117 = arith.addi %mul3A_6, %add3A_116 : i32
    %dma_wait3A_118 = arith.constant 0 : i32
    %dma_wait3A_119 = tpu.memref_slice %arg14[%add3A_117, %dma_wait3A_118] : memref<10240x64xf32, #tpu.memory_space<vmem_shared>> -> memref<128x64xf32, #tpu.memory_space<vmem_shared>>
    %dma_wait3A_120 = arith.constant 0 : i32
    %dma_wait3A_121 = tpu.memref_slice %arg14[%add3A_117, %dma_wait3A_120] : memref<10240x64xf32, #tpu.memory_space<vmem_shared>> -> memref<128x64xf32, #tpu.memory_space<vmem_shared>>
    tpu.wait_dma2 semaphore(%arg20 : memref<!tpu.dma_semaphore, #tpu.memory_space<semaphore_mem>>) src(%arg12 : memref<128x64xf32, #tpu.memory_space<vmem>>) dst(%dma_wait3A_121 : memref<128x64xf32, #tpu.memory_space<vmem_shared>>)
    %add3A_122 = arith.constant 384 : i32
    %add3A_123 = arith.addi %mul3A_6, %add3A_122 : i32
    %dma_wait3A_124 = arith.constant 0 : i32
    %dma_wait3A_125 = tpu.memref_slice %arg15[%add3A_123, %dma_wait3A_124] : memref<10240x8xf32, #tpu.memory_space<vmem_shared>> -> memref<128x8xf32, #tpu.memory_space<vmem_shared>>
    tpu.wait_dma2 semaphore(%arg20 : memref<!tpu.dma_semaphore, #tpu.memory_space<semaphore_mem>>) src(%arg6 : memref<128x8xf32, #tpu.memory_space<hbm>>) dst(%dma_wait3A_125 : memref<128x8xf32, #tpu.memory_space<vmem_shared>>)
    %add3A_126 = arith.constant 512 : i32
    %add3A_127 = arith.addi %mul3A_6, %add3A_126 : i32
    %dma_wait3A_128 = arith.constant 0 : i32
    %dma_wait3A_129 = tpu.memref_slice %arg14[%add3A_127, %dma_wait3A_128] : memref<10240x64xf32, #tpu.memory_space<vmem_shared>> -> memref<128x64xf32, #tpu.memory_space<vmem_shared>>
    %dma_wait3A_130 = arith.constant 0 : i32
    %dma_wait3A_131 = tpu.memref_slice %arg14[%add3A_127, %dma_wait3A_130] : memref<10240x64xf32, #tpu.memory_space<vmem_shared>> -> memref<128x64xf32, #tpu.memory_space<vmem_shared>>
    tpu.wait_dma2 semaphore(%arg20 : memref<!tpu.dma_semaphore, #tpu.memory_space<semaphore_mem>>) src(%arg12 : memref<128x64xf32, #tpu.memory_space<vmem>>) dst(%dma_wait3A_131 : memref<128x64xf32, #tpu.memory_space<vmem_shared>>)
    %add3A_132 = arith.constant 512 : i32
    %add3A_133 = arith.addi %mul3A_6, %add3A_132 : i32
    %dma_wait3A_134 = arith.constant 0 : i32
    %dma_wait3A_135 = tpu.memref_slice %arg15[%add3A_133, %dma_wait3A_134] : memref<10240x8xf32, #tpu.memory_space<vmem_shared>> -> memref<128x8xf32, #tpu.memory_space<vmem_shared>>
    tpu.wait_dma2 semaphore(%arg20 : memref<!tpu.dma_semaphore, #tpu.memory_space<semaphore_mem>>) src(%arg6 : memref<128x8xf32, #tpu.memory_space<hbm>>) dst(%dma_wait3A_135 : memref<128x8xf32, #tpu.memory_space<vmem_shared>>)
    %barrier3A = arith.constant 0 : index
    tpu.barrier barrier_id(%barrier3A)
    %scan3A_136 = arith.constant 0 : i32
    %scan3A_137 = arith.constant 0 : i32
    %scan3A_138 = arith.constant 40 : i32
    %scan3A_139 = arith.addi %scan3A_137, %scan3A_138 : i32
    %scan3A_140 = arith.constant 1 : i32
    scf.for %scan3A_143 = %scan3A_137 to %scan3A_139 step %scan3A_140  : i32 {
      %mul3A_144 = arith.constant 2 : i32
      %mul3A_145 = arith.muli %scan3A_143, %mul3A_144 : i32
      %add3A_146 = arith.constant 0 : i32
      %add3A_147 = arith.addi %mul3A_145, %add3A_146 : i32
      %dma_wait3A_148 = arith.constant 0 : i32
      %dma_wait3A_149 = arith.constant 0 : i32
      %dma_wait3A_150 = arith.constant 0 : i32
      %dma_wait3A_151 = tpu.memref_slice %arg11[%dma_wait3A_148, %dma_wait3A_149, %dma_wait3A_150] : memref<2x250x64xf32, #tpu.memory_space<vmem>> -> memref<1x250x64xf32, #tpu.memory_space<vmem>>
      %dma_wait3A_152 = tpu.memref_squeeze %dma_wait3A_151 : memref<1x250x64xf32, #tpu.memory_space<vmem>> -> memref<250x64xf32, #tpu.memory_space<vmem>>
      %dma_wait3A_153 = arith.constant 0 : i32
      %dma_wait3A_154 = tpu.memref_slice %arg9[%add3A_147, %dma_wait3A_153] : memref<80x250xi32, #tpu.memory_space<vmem>> -> memref<1x250xi32, #tpu.memory_space<vmem>>
      %dma_wait3A_155 = tpu.memref_squeeze %dma_wait3A_154 : memref<1x250xi32, #tpu.memory_space<vmem>> -> memref<250xi32, #tpu.memory_space<vmem>>
      %dma_wait3A_156 = arith.constant 0 : i32
      %dma_wait3A_157 = arith.constant 0 : i32
      %dma_wait3A_158 = tpu.memref_slice %arg4[%arg0, %dma_wait3A_156, %dma_wait3A_157] : memref<2x10000x64xf32, #tpu.memory_space<hbm>> -> memref<1x10000x64xf32, #tpu.memory_space<hbm>>
      %dma_wait3A_159 = tpu.memref_squeeze %dma_wait3A_158 : memref<1x10000x64xf32, #tpu.memory_space<hbm>> -> memref<10000x64xf32, #tpu.memory_space<hbm>>
      %dma_wait3A_160 = arith.constant 0 : i32
      %dma_wait3A_161 = arith.constant 0 : i32
      %dma_wait3A_162 = tpu.memref_slice %dma_wait3A_159[%dma_wait3A_160, %dma_wait3A_161] : memref<10000x64xf32, #tpu.memory_space<hbm>> -> memref<10000x64xf32, #tpu.memory_space<hbm>>
      tpu.wait_indirect_dma semaphore(%arg16 : memref<!tpu.dma_semaphore, #tpu.memory_space<semaphore_mem>>) src(%dma_wait3A_162 : memref<10000x64xf32, #tpu.memory_space<hbm>>) dst(%dma_wait3A_152 : memref<250x64xf32, #tpu.memory_space<vmem>>)
      %dma_start3A_163 = arith.constant 0 : i32
      %dma_start3A_164 = arith.constant 0 : i32
      %dma_start3A_165 = arith.constant 0 : i32
      %dma_start3A_166 = tpu.memref_slice %arg11[%dma_start3A_163, %dma_start3A_164, %dma_start3A_165] : memref<2x250x64xf32, #tpu.memory_space<vmem>> -> memref<1x250x64xf32, #tpu.memory_space<vmem>>
      %dma_start3A_167 = tpu.memref_squeeze %dma_start3A_166 : memref<1x250x64xf32, #tpu.memory_space<vmem>> -> memref<250x64xf32, #tpu.memory_space<vmem>>
      %dma_start3A_168 = arith.constant 0 : i32
      %dma_start3A_169 = tpu.memref_slice %arg10[%add3A_147, %dma_start3A_168] : memref<80x250xi32, #tpu.memory_space<vmem>> -> memref<1x250xi32, #tpu.memory_space<vmem>>
      %dma_start3A_170 = tpu.memref_squeeze %dma_start3A_169 : memref<1x250xi32, #tpu.memory_space<vmem>> -> memref<250xi32, #tpu.memory_space<vmem>>
      %dma_start3A_171 = arith.constant 0 : i32
      %dma_start3A_172 = arith.constant 0 : i32
      %dma_start3A_173 = tpu.memref_slice %arg14[%dma_start3A_171, %dma_start3A_172] : memref<10240x64xf32, #tpu.memory_space<vmem_shared>> -> memref<10240x64xf32, #tpu.memory_space<vmem_shared>>
      tpu.enqueue_indirect_dma source(%dma_start3A_167 : memref<250x64xf32, #tpu.memory_space<vmem>>) target(%dma_start3A_173 : memref<10240x64xf32, #tpu.memory_space<vmem_shared>>) offsets(%dma_start3A_170 : memref<250xi32, #tpu.memory_space<vmem>>) semaphore(%arg18 : memref<!tpu.dma_semaphore, #tpu.memory_space<semaphore_mem>>) {add = true}
      %eq3A = arith.constant 0 : i32
      %eq3A_174 = arith.cmpi eq, %arg0, %eq3A : i32
      %lt3A = arith.constant 40 : i32
      %lt3A_175 = arith.cmpi slt, %add3A_147, %lt3A : i32
      %eq3A_176 = arith.xori %eq3A_174, %lt3A_175 : i1
      %eq3A_177 = arith.constant true
      %eq3A_178 = arith.xori %eq3A_176, %eq3A_177 : i1
      %convert_element_type3A = arith.extui %eq3A_178 : i1 to i32
      %cond3A = arith.constant 0 : i32
      %cond3A_179 = arith.cmpi ne, %convert_element_type3A, %cond3A : i32
      scf.if %cond3A_179 {
        %dma_start3A_250 = arith.constant 0 : i32
        %dma_start3A_251 = tpu.memref_slice %arg10[%add3A_147, %dma_start3A_250] : memref<80x250xi32, #tpu.memory_space<vmem>> -> memref<1x250xi32, #tpu.memory_space<vmem>>
        %dma_start3A_252 = tpu.memref_squeeze %dma_start3A_251 : memref<1x250xi32, #tpu.memory_space<vmem>> -> memref<250xi32, #tpu.memory_space<vmem>>
        %dma_start3A_253 = arith.constant 0 : i32
        %dma_start3A_254 = arith.constant 0 : i32
        %dma_start3A_255 = tpu.memref_slice %arg15[%dma_start3A_253, %dma_start3A_254] : memref<10240x8xf32, #tpu.memory_space<vmem_shared>> -> memref<10240x8xf32, #tpu.memory_space<vmem_shared>>
        tpu.enqueue_indirect_dma source(%arg13 : memref<250x8xf32, #tpu.memory_space<vmem>>) target(%dma_start3A_255 : memref<10240x8xf32, #tpu.memory_space<vmem_shared>>) offsets(%dma_start3A_252 : memref<250xi32, #tpu.memory_space<vmem>>) semaphore(%arg20 : memref<!tpu.dma_semaphore, #tpu.memory_space<semaphore_mem>>) {add = true}
        %dma_wait3A_256 = arith.constant 0 : i32
        %dma_wait3A_257 = tpu.memref_slice %arg10[%add3A_147, %dma_wait3A_256] : memref<80x250xi32, #tpu.memory_space<vmem>> -> memref<1x250xi32, #tpu.memory_space<vmem>>
        %dma_wait3A_258 = tpu.memref_squeeze %dma_wait3A_257 : memref<1x250xi32, #tpu.memory_space<vmem>> -> memref<250xi32, #tpu.memory_space<vmem>>
        %dma_wait3A_259 = arith.constant 0 : i32
        %dma_wait3A_260 = arith.constant 0 : i32
        %dma_wait3A_261 = tpu.memref_slice %arg15[%dma_wait3A_259, %dma_wait3A_260] : memref<10240x8xf32, #tpu.memory_space<vmem_shared>> -> memref<10240x8xf32, #tpu.memory_space<vmem_shared>>
        tpu.wait_indirect_dma semaphore(%arg20 : memref<!tpu.dma_semaphore, #tpu.memory_space<semaphore_mem>>) src(%arg13 : memref<250x8xf32, #tpu.memory_space<vmem>>) dst(%dma_wait3A_261 : memref<10240x8xf32, #tpu.memory_space<vmem_shared>>)
      } else {
      }
      %dma_wait3A_180 = arith.constant 0 : i32
      %dma_wait3A_181 = arith.constant 0 : i32
      %dma_wait3A_182 = arith.constant 0 : i32
      %dma_wait3A_183 = tpu.memref_slice %arg11[%dma_wait3A_180, %dma_wait3A_181, %dma_wait3A_182] : memref<2x250x64xf32, #tpu.memory_space<vmem>> -> memref<1x250x64xf32, #tpu.memory_space<vmem>>
      %dma_wait3A_184 = tpu.memref_squeeze %dma_wait3A_183 : memref<1x250x64xf32, #tpu.memory_space<vmem>> -> memref<250x64xf32, #tpu.memory_space<vmem>>
      %dma_wait3A_185 = arith.constant 0 : i32
      %dma_wait3A_186 = tpu.memref_slice %arg10[%add3A_147, %dma_wait3A_185] : memref<80x250xi32, #tpu.memory_space<vmem>> -> memref<1x250xi32, #tpu.memory_space<vmem>>
      %dma_wait3A_187 = tpu.memref_squeeze %dma_wait3A_186 : memref<1x250xi32, #tpu.memory_space<vmem>> -> memref<250xi32, #tpu.memory_space<vmem>>
      %dma_wait3A_188 = arith.constant 0 : i32
      %dma_wait3A_189 = arith.constant 0 : i32
      %dma_wait3A_190 = tpu.memref_slice %arg14[%dma_wait3A_188, %dma_wait3A_189] : memref<10240x64xf32, #tpu.memory_space<vmem_shared>> -> memref<10240x64xf32, #tpu.memory_space<vmem_shared>>
      tpu.wait_indirect_dma semaphore(%arg18 : memref<!tpu.dma_semaphore, #tpu.memory_space<semaphore_mem>>) src(%dma_wait3A_184 : memref<250x64xf32, #tpu.memory_space<vmem>>) dst(%dma_wait3A_190 : memref<10240x64xf32, #tpu.memory_space<vmem_shared>>)
      %lt3A_191 = arith.constant 39 : i32
      %lt3A_192 = arith.cmpi slt, %scan3A_143, %lt3A_191 : i32
      %convert_element_type3A_193 = arith.extui %lt3A_192 : i1 to i32
      %cond3A_194 = arith.constant 0 : i32
      %cond3A_195 = arith.cmpi ne, %convert_element_type3A_193, %cond3A_194 : i32
      scf.if %cond3A_195 {
        %add3A_250 = arith.constant 2 : i32
        %add3A_251 = arith.addi %add3A_147, %add3A_250 : i32
        %dma_start3A_252 = arith.constant 0 : i32
        %dma_start3A_253 = arith.constant 0 : i32
        %dma_start3A_254 = arith.constant 0 : i32
        %dma_start3A_255 = tpu.memref_slice %arg11[%dma_start3A_252, %dma_start3A_253, %dma_start3A_254] : memref<2x250x64xf32, #tpu.memory_space<vmem>> -> memref<1x250x64xf32, #tpu.memory_space<vmem>>
        %dma_start3A_256 = tpu.memref_squeeze %dma_start3A_255 : memref<1x250x64xf32, #tpu.memory_space<vmem>> -> memref<250x64xf32, #tpu.memory_space<vmem>>
        %dma_start3A_257 = arith.constant 0 : i32
        %dma_start3A_258 = tpu.memref_slice %arg9[%add3A_251, %dma_start3A_257] : memref<80x250xi32, #tpu.memory_space<vmem>> -> memref<1x250xi32, #tpu.memory_space<vmem>>
        %dma_start3A_259 = tpu.memref_squeeze %dma_start3A_258 : memref<1x250xi32, #tpu.memory_space<vmem>> -> memref<250xi32, #tpu.memory_space<vmem>>
        %dma_start3A_260 = arith.constant 0 : i32
        %dma_start3A_261 = arith.constant 0 : i32
        %dma_start3A_262 = tpu.memref_slice %arg4[%arg0, %dma_start3A_260, %dma_start3A_261] : memref<2x10000x64xf32, #tpu.memory_space<hbm>> -> memref<1x10000x64xf32, #tpu.memory_space<hbm>>
        %dma_start3A_263 = tpu.memref_squeeze %dma_start3A_262 : memref<1x10000x64xf32, #tpu.memory_space<hbm>> -> memref<10000x64xf32, #tpu.memory_space<hbm>>
        %dma_start3A_264 = arith.constant 0 : i32
        %dma_start3A_265 = arith.constant 0 : i32
        %dma_start3A_266 = tpu.memref_slice %dma_start3A_263[%dma_start3A_264, %dma_start3A_265] : memref<10000x64xf32, #tpu.memory_space<hbm>> -> memref<10000x64xf32, #tpu.memory_space<hbm>>
        tpu.enqueue_indirect_dma source(%dma_start3A_266 : memref<10000x64xf32, #tpu.memory_space<hbm>>) target(%dma_start3A_256 : memref<250x64xf32, #tpu.memory_space<vmem>>) offsets(%dma_start3A_259 : memref<250xi32, #tpu.memory_space<vmem>>) semaphore(%arg16 : memref<!tpu.dma_semaphore, #tpu.memory_space<semaphore_mem>>)
      } else {
      }
      %add3A_196 = arith.constant 1 : i32
      %add3A_197 = arith.addi %mul3A_145, %add3A_196 : i32
      %dma_wait3A_198 = arith.constant 1 : i32
      %dma_wait3A_199 = arith.constant 0 : i32
      %dma_wait3A_200 = arith.constant 0 : i32
      %dma_wait3A_201 = tpu.memref_slice %arg11[%dma_wait3A_198, %dma_wait3A_199, %dma_wait3A_200] : memref<2x250x64xf32, #tpu.memory_space<vmem>> -> memref<1x250x64xf32, #tpu.memory_space<vmem>>
      %dma_wait3A_202 = tpu.memref_squeeze %dma_wait3A_201 : memref<1x250x64xf32, #tpu.memory_space<vmem>> -> memref<250x64xf32, #tpu.memory_space<vmem>>
      %dma_wait3A_203 = arith.constant 0 : i32
      %dma_wait3A_204 = tpu.memref_slice %arg9[%add3A_197, %dma_wait3A_203] : memref<80x250xi32, #tpu.memory_space<vmem>> -> memref<1x250xi32, #tpu.memory_space<vmem>>
      %dma_wait3A_205 = tpu.memref_squeeze %dma_wait3A_204 : memref<1x250xi32, #tpu.memory_space<vmem>> -> memref<250xi32, #tpu.memory_space<vmem>>
      %dma_wait3A_206 = arith.constant 0 : i32
      %dma_wait3A_207 = arith.constant 0 : i32
      %dma_wait3A_208 = tpu.memref_slice %arg4[%arg0, %dma_wait3A_206, %dma_wait3A_207] : memref<2x10000x64xf32, #tpu.memory_space<hbm>> -> memref<1x10000x64xf32, #tpu.memory_space<hbm>>
      %dma_wait3A_209 = tpu.memref_squeeze %dma_wait3A_208 : memref<1x10000x64xf32, #tpu.memory_space<hbm>> -> memref<10000x64xf32, #tpu.memory_space<hbm>>
      %dma_wait3A_210 = arith.constant 0 : i32
      %dma_wait3A_211 = arith.constant 0 : i32
      %dma_wait3A_212 = tpu.memref_slice %dma_wait3A_209[%dma_wait3A_210, %dma_wait3A_211] : memref<10000x64xf32, #tpu.memory_space<hbm>> -> memref<10000x64xf32, #tpu.memory_space<hbm>>
      tpu.wait_indirect_dma semaphore(%arg17 : memref<!tpu.dma_semaphore, #tpu.memory_space<semaphore_mem>>) src(%dma_wait3A_212 : memref<10000x64xf32, #tpu.memory_space<hbm>>) dst(%dma_wait3A_202 : memref<250x64xf32, #tpu.memory_space<vmem>>)
      %dma_start3A_213 = arith.constant 1 : i32
      %dma_start3A_214 = arith.constant 0 : i32
      %dma_start3A_215 = arith.constant 0 : i32
      %dma_start3A_216 = tpu.memref_slice %arg11[%dma_start3A_213, %dma_start3A_214, %dma_start3A_215] : memref<2x250x64xf32, #tpu.memory_space<vmem>> -> memref<1x250x64xf32, #tpu.memory_space<vmem>>
      %dma_start3A_217 = tpu.memref_squeeze %dma_start3A_216 : memref<1x250x64xf32, #tpu.memory_space<vmem>> -> memref<250x64xf32, #tpu.memory_space<vmem>>
      %dma_start3A_218 = arith.constant 0 : i32
      %dma_start3A_219 = tpu.memref_slice %arg10[%add3A_197, %dma_start3A_218] : memref<80x250xi32, #tpu.memory_space<vmem>> -> memref<1x250xi32, #tpu.memory_space<vmem>>
      %dma_start3A_220 = tpu.memref_squeeze %dma_start3A_219 : memref<1x250xi32, #tpu.memory_space<vmem>> -> memref<250xi32, #tpu.memory_space<vmem>>
      %dma_start3A_221 = arith.constant 0 : i32
      %dma_start3A_222 = arith.constant 0 : i32
      %dma_start3A_223 = tpu.memref_slice %arg14[%dma_start3A_221, %dma_start3A_222] : memref<10240x64xf32, #tpu.memory_space<vmem_shared>> -> memref<10240x64xf32, #tpu.memory_space<vmem_shared>>
      tpu.enqueue_indirect_dma source(%dma_start3A_217 : memref<250x64xf32, #tpu.memory_space<vmem>>) target(%dma_start3A_223 : memref<10240x64xf32, #tpu.memory_space<vmem_shared>>) offsets(%dma_start3A_220 : memref<250xi32, #tpu.memory_space<vmem>>) semaphore(%arg19 : memref<!tpu.dma_semaphore, #tpu.memory_space<semaphore_mem>>) {add = true}
      %eq3A_224 = arith.constant 0 : i32
      %eq3A_225 = arith.cmpi eq, %arg0, %eq3A_224 : i32
      %lt3A_226 = arith.constant 40 : i32
      %lt3A_227 = arith.cmpi slt, %add3A_197, %lt3A_226 : i32
      %eq3A_228 = arith.xori %eq3A_225, %lt3A_227 : i1
      %eq3A_229 = arith.constant true
      %eq3A_230 = arith.xori %eq3A_228, %eq3A_229 : i1
      %convert_element_type3A_231 = arith.extui %eq3A_230 : i1 to i32
      %cond3A_232 = arith.constant 0 : i32
      %cond3A_233 = arith.cmpi ne, %convert_element_type3A_231, %cond3A_232 : i32
      scf.if %cond3A_233 {
        %dma_start3A_250 = arith.constant 0 : i32
        %dma_start3A_251 = tpu.memref_slice %arg10[%add3A_197, %dma_start3A_250] : memref<80x250xi32, #tpu.memory_space<vmem>> -> memref<1x250xi32, #tpu.memory_space<vmem>>
        %dma_start3A_252 = tpu.memref_squeeze %dma_start3A_251 : memref<1x250xi32, #tpu.memory_space<vmem>> -> memref<250xi32, #tpu.memory_space<vmem>>
        %dma_start3A_253 = arith.constant 0 : i32
        %dma_start3A_254 = arith.constant 0 : i32
        %dma_start3A_255 = tpu.memref_slice %arg15[%dma_start3A_253, %dma_start3A_254] : memref<10240x8xf32, #tpu.memory_space<vmem_shared>> -> memref<10240x8xf32, #tpu.memory_space<vmem_shared>>
        tpu.enqueue_indirect_dma source(%arg13 : memref<250x8xf32, #tpu.memory_space<vmem>>) target(%dma_start3A_255 : memref<10240x8xf32, #tpu.memory_space<vmem_shared>>) offsets(%dma_start3A_252 : memref<250xi32, #tpu.memory_space<vmem>>) semaphore(%arg20 : memref<!tpu.dma_semaphore, #tpu.memory_space<semaphore_mem>>) {add = true}
        %dma_wait3A_256 = arith.constant 0 : i32
        %dma_wait3A_257 = tpu.memref_slice %arg10[%add3A_197, %dma_wait3A_256] : memref<80x250xi32, #tpu.memory_space<vmem>> -> memref<1x250xi32, #tpu.memory_space<vmem>>
        %dma_wait3A_258 = tpu.memref_squeeze %dma_wait3A_257 : memref<1x250xi32, #tpu.memory_space<vmem>> -> memref<250xi32, #tpu.memory_space<vmem>>
        %dma_wait3A_259 = arith.constant 0 : i32
        %dma_wait3A_260 = arith.constant 0 : i32
        %dma_wait3A_261 = tpu.memref_slice %arg15[%dma_wait3A_259, %dma_wait3A_260] : memref<10240x8xf32, #tpu.memory_space<vmem_shared>> -> memref<10240x8xf32, #tpu.memory_space<vmem_shared>>
        tpu.wait_indirect_dma semaphore(%arg20 : memref<!tpu.dma_semaphore, #tpu.memory_space<semaphore_mem>>) src(%arg13 : memref<250x8xf32, #tpu.memory_space<vmem>>) dst(%dma_wait3A_261 : memref<10240x8xf32, #tpu.memory_space<vmem_shared>>)
      } else {
      }
      %dma_wait3A_234 = arith.constant 1 : i32
      %dma_wait3A_235 = arith.constant 0 : i32
      %dma_wait3A_236 = arith.constant 0 : i32
      %dma_wait3A_237 = tpu.memref_slice %arg11[%dma_wait3A_234, %dma_wait3A_235, %dma_wait3A_236] : memref<2x250x64xf32, #tpu.memory_space<vmem>> -> memref<1x250x64xf32, #tpu.memory_space<vmem>>
      %dma_wait3A_238 = tpu.memref_squeeze %dma_wait3A_237 : memref<1x250x64xf32, #tpu.memory_space<vmem>> -> memref<250x64xf32, #tpu.memory_space<vmem>>
      %dma_wait3A_239 = arith.constant 0 : i32
      %dma_wait3A_240 = tpu.memref_slice %arg10[%add3A_197, %dma_wait3A_239] : memref<80x250xi32, #tpu.memory_space<vmem>> -> memref<1x250xi32, #tpu.memory_space<vmem>>
      %dma_wait3A_241 = tpu.memref_squeeze %dma_wait3A_240 : memref<1x250xi32, #tpu.memory_space<vmem>> -> memref<250xi32, #tpu.memory_space<vmem>>
      %dma_wait3A_242 = arith.constant 0 : i32
      %dma_wait3A_243 = arith.constant 0 : i32
      %dma_wait3A_244 = tpu.memref_slice %arg14[%dma_wait3A_242, %dma_wait3A_243] : memref<10240x64xf32, #tpu.memory_space<vmem_shared>> -> memref<10240x64xf32, #tpu.memory_space<vmem_shared>>
      tpu.wait_indirect_dma semaphore(%arg19 : memref<!tpu.dma_semaphore, #tpu.memory_space<semaphore_mem>>) src(%dma_wait3A_238 : memref<250x64xf32, #tpu.memory_space<vmem>>) dst(%dma_wait3A_244 : memref<10240x64xf32, #tpu.memory_space<vmem_shared>>)
      %lt3A_245 = arith.constant 39 : i32
      %lt3A_246 = arith.cmpi slt, %scan3A_143, %lt3A_245 : i32
      %convert_element_type3A_247 = arith.extui %lt3A_246 : i1 to i32
      %cond3A_248 = arith.constant 0 : i32
      %cond3A_249 = arith.cmpi ne, %convert_element_type3A_247, %cond3A_248 : i32
      scf.if %cond3A_249 {
        %add3A_250 = arith.constant 2 : i32
        %add3A_251 = arith.addi %add3A_197, %add3A_250 : i32
        %dma_start3A_252 = arith.constant 1 : i32
        %dma_start3A_253 = arith.constant 0 : i32
        %dma_start3A_254 = arith.constant 0 : i32
        %dma_start3A_255 = tpu.memref_slice %arg11[%dma_start3A_252, %dma_start3A_253, %dma_start3A_254] : memref<2x250x64xf32, #tpu.memory_space<vmem>> -> memref<1x250x64xf32, #tpu.memory_space<vmem>>
        %dma_start3A_256 = tpu.memref_squeeze %dma_start3A_255 : memref<1x250x64xf32, #tpu.memory_space<vmem>> -> memref<250x64xf32, #tpu.memory_space<vmem>>
        %dma_start3A_257 = arith.constant 0 : i32
        %dma_start3A_258 = tpu.memref_slice %arg9[%add3A_251, %dma_start3A_257] : memref<80x250xi32, #tpu.memory_space<vmem>> -> memref<1x250xi32, #tpu.memory_space<vmem>>
        %dma_start3A_259 = tpu.memref_squeeze %dma_start3A_258 : memref<1x250xi32, #tpu.memory_space<vmem>> -> memref<250xi32, #tpu.memory_space<vmem>>
        %dma_start3A_260 = arith.constant 0 : i32
        %dma_start3A_261 = arith.constant 0 : i32
        %dma_start3A_262 = tpu.memref_slice %arg4[%arg0, %dma_start3A_260, %dma_start3A_261] : memref<2x10000x64xf32, #tpu.memory_space<hbm>> -> memref<1x10000x64xf32, #tpu.memory_space<hbm>>
        %dma_start3A_263 = tpu.memref_squeeze %dma_start3A_262 : memref<1x10000x64xf32, #tpu.memory_space<hbm>> -> memref<10000x64xf32, #tpu.memory_space<hbm>>
        %dma_start3A_264 = arith.constant 0 : i32
        %dma_start3A_265 = arith.constant 0 : i32
        %dma_start3A_266 = tpu.memref_slice %dma_start3A_263[%dma_start3A_264, %dma_start3A_265] : memref<10000x64xf32, #tpu.memory_space<hbm>> -> memref<10000x64xf32, #tpu.memory_space<hbm>>
        tpu.enqueue_indirect_dma source(%dma_start3A_266 : memref<10000x64xf32, #tpu.memory_space<hbm>>) target(%dma_start3A_256 : memref<250x64xf32, #tpu.memory_space<vmem>>) offsets(%dma_start3A_259 : memref<250xi32, #tpu.memory_space<vmem>>) semaphore(%arg17 : memref<!tpu.dma_semaphore, #tpu.memory_space<semaphore_mem>>)
      } else {
      }
    }
    %scan3A_141 = arith.constant 40 : i32
    %barrier3A_142 = arith.constant 0 : index
    tpu.barrier barrier_id(%barrier3A_142)
    "tpu.region"() ({
      %run_scoped3A = tpu.sem_alloc : memref<!tpu.dma_semaphore, #tpu.memory_space<semaphore_mem>>
      %dma_start3A_143 = arith.constant 0 : i32
      %dma_start3A_144 = tpu.memref_slice %arg7[%arg0, %mul3A_6, %dma_start3A_143] : memref<2x10240x64xf32, #tpu.memory_space<hbm>> -> memref<1x640x64xf32, #tpu.memory_space<hbm>>
      %dma_start3A_145 = tpu.memref_squeeze %dma_start3A_144 : memref<1x640x64xf32, #tpu.memory_space<hbm>> -> memref<640x64xf32, #tpu.memory_space<hbm>>
      %dma_start3A_146 = arith.constant 0 : i32
      %dma_start3A_147 = tpu.memref_slice %arg14[%mul3A_6, %dma_start3A_146] : memref<10240x64xf32, #tpu.memory_space<vmem_shared>> -> memref<640x64xf32, #tpu.memory_space<vmem_shared>>
      tpu.enqueue_dma source(%dma_start3A_147 : memref<640x64xf32, #tpu.memory_space<vmem_shared>>) target(%dma_start3A_145 : memref<640x64xf32, #tpu.memory_space<hbm>>) target_semaphore(%run_scoped3A : memref<!tpu.dma_semaphore, #tpu.memory_space<semaphore_mem>>)
      %dma_wait3A_148 = arith.constant 0 : i32
      %dma_wait3A_149 = tpu.memref_slice %arg7[%arg0, %mul3A_6, %dma_wait3A_148] : memref<2x10240x64xf32, #tpu.memory_space<hbm>> -> memref<1x640x64xf32, #tpu.memory_space<hbm>>
      %dma_wait3A_150 = tpu.memref_squeeze %dma_wait3A_149 : memref<1x640x64xf32, #tpu.memory_space<hbm>> -> memref<640x64xf32, #tpu.memory_space<hbm>>
      %dma_wait3A_151 = arith.constant 0 : i32
      %dma_wait3A_152 = tpu.memref_slice %arg14[%mul3A_6, %dma_wait3A_151] : memref<10240x64xf32, #tpu.memory_space<vmem_shared>> -> memref<640x64xf32, #tpu.memory_space<vmem_shared>>
      tpu.wait_dma2 semaphore(%run_scoped3A : memref<!tpu.dma_semaphore, #tpu.memory_space<semaphore_mem>>) src(%dma_wait3A_152 : memref<640x64xf32, #tpu.memory_space<vmem_shared>>) dst(%dma_wait3A_150 : memref<640x64xf32, #tpu.memory_space<hbm>>)
      tpu.yield
    }) : () -> ()
    "tpu.region"() ({
      %run_scoped3A = tpu.sem_alloc : memref<!tpu.dma_semaphore, #tpu.memory_space<semaphore_mem>>
      %dma_start3A_143 = arith.constant 0 : i32
      %dma_start3A_144 = tpu.memref_slice %arg8[%arg0, %mul3A_6, %dma_start3A_143] : memref<2x10240x8xf32, #tpu.memory_space<hbm>> -> memref<1x640x8xf32, #tpu.memory_space<hbm>>
      %dma_start3A_145 = tpu.memref_squeeze %dma_start3A_144 : memref<1x640x8xf32, #tpu.memory_space<hbm>> -> memref<640x8xf32, #tpu.memory_space<hbm>>
      %dma_start3A_146 = arith.constant 0 : i32
      %dma_start3A_147 = tpu.memref_slice %arg15[%mul3A_6, %dma_start3A_146] : memref<10240x8xf32, #tpu.memory_space<vmem_shared>> -> memref<640x8xf32, #tpu.memory_space<vmem_shared>>
      tpu.enqueue_dma source(%dma_start3A_147 : memref<640x8xf32, #tpu.memory_space<vmem_shared>>) target(%dma_start3A_145 : memref<640x8xf32, #tpu.memory_space<hbm>>) target_semaphore(%run_scoped3A : memref<!tpu.dma_semaphore, #tpu.memory_space<semaphore_mem>>)
      %dma_wait3A_148 = arith.constant 0 : i32
      %dma_wait3A_149 = tpu.memref_slice %arg8[%arg0, %mul3A_6, %dma_wait3A_148] : memref<2x10240x8xf32, #tpu.memory_space<hbm>> -> memref<1x640x8xf32, #tpu.memory_space<hbm>>
      %dma_wait3A_150 = tpu.memref_squeeze %dma_wait3A_149 : memref<1x640x8xf32, #tpu.memory_space<hbm>> -> memref<640x8xf32, #tpu.memory_space<hbm>>
      %dma_wait3A_151 = arith.constant 0 : i32
      %dma_wait3A_152 = tpu.memref_slice %arg15[%mul3A_6, %dma_wait3A_151] : memref<10240x8xf32, #tpu.memory_space<vmem_shared>> -> memref<640x8xf32, #tpu.memory_space<vmem_shared>>
      tpu.wait_dma2 semaphore(%run_scoped3A : memref<!tpu.dma_semaphore, #tpu.memory_space<semaphore_mem>>) src(%dma_wait3A_152 : memref<640x8xf32, #tpu.memory_space<vmem_shared>>) dst(%dma_wait3A_150 : memref<640x8xf32, #tpu.memory_space<hbm>>)
      tpu.yield
    }) : () -> ()
    return
  }
}

#map = affine_map<(d0, d1) -> (0, 0, 0)>
module attributes {stable_mosaic.version = 14 : i64} {
  func.func @sc_prop(%arg0: i32, %arg1: i32, %arg2: memref<16x80x250xi32, #tpu.memory_space<hbm>>, %arg3: memref<16x80x250xi32, #tpu.memory_space<hbm>>, %arg4: memref<2x10240x64xf32, #tpu.memory_space<hbm>>, %arg5: memref<2x10240x64xf32, #tpu.memory_space<hbm>>, %arg6: memref<80x250xi32, #tpu.memory_space<vmem>>, %arg7: memref<80x250xi32, #tpu.memory_space<vmem>>, %arg8: memref<2x250x64xf32, #tpu.memory_space<vmem>>, %arg9: memref<128x64xf32, #tpu.memory_space<vmem>>, %arg10: memref<250x8xf32, #tpu.memory_space<vmem>>, %arg11: memref<10240x64xf32, #tpu.memory_space<vmem_shared>>, %arg12: memref<10240x8xf32, #tpu.memory_space<vmem_shared>>, %arg13: memref<!tpu.dma_semaphore, #tpu.memory_space<semaphore_mem>>, %arg14: memref<!tpu.dma_semaphore, #tpu.memory_space<semaphore_mem>>, %arg15: memref<!tpu.dma_semaphore, #tpu.memory_space<semaphore_mem>>, %arg16: memref<!tpu.dma_semaphore, #tpu.memory_space<semaphore_mem>>, %arg17: memref<!tpu.dma_semaphore, #tpu.memory_space<semaphore_mem>>) attributes {dimension_semantics = [#tpu.dimension_semantics<core_parallel>, #tpu.dimension_semantics<subcore_parallel>], iteration_bounds = array<i64: 2, 16>, scalar_prefetch = 0 : i64, scratch_operands = 12 : i64, tpu.core_type = #tpu.core_type<sc_vector_subcore>, window_params = [{transform_indices = #map}, {transform_indices = #map}, {transform_indices = #map}, {transform_indices = #map}]} {
    %broadcast_in_dim3A = arith.constant 0.000000e+00 : f32
    %broadcast_in_dim3A_0 = vector.broadcast %broadcast_in_dim3A : f32 to vector<16xf32>
    %scan3A = arith.constant 0 : i32
    %scan3A_1 = arith.constant 0 : i32
    %scan3A_2 = arith.constant 128 : i32
    %scan3A_3 = arith.addi %scan3A_1, %scan3A_2 : i32
    %scan3A_4 = arith.constant 1 : i32
    scf.for %scan3A_103 = %scan3A_1 to %scan3A_3 step %scan3A_4  : i32 {
      %swap3A = arith.index_cast %scan3A_103 : i32 to index
      %swap3A_104 = arith.constant 0 : index
      %swap3A_105 = tpu.vector_load %arg9[%swap3A, %swap3A_104] {strides = array<i32>} : memref<128x64xf32, #tpu.memory_space<vmem>>, vector<1x16xf32>,
      %swap3A_106 = vector.shape_cast %swap3A_105 : vector<1x16xf32> to vector<16xf32>
      %swap3A_107 = vector.shape_cast %broadcast_in_dim3A_0 : vector<16xf32> to vector<1x16xf32>
      tpu.vector_store %arg9[%swap3A, %swap3A_104], %swap3A_107 {strides = array<i32>} : memref<128x64xf32, #tpu.memory_space<vmem>>, vector<1x16xf32>,
      %swap3A_108 = arith.index_cast %scan3A_103 : i32 to index
      %swap3A_109 = arith.constant 16 : index
      %swap3A_110 = tpu.vector_load %arg9[%swap3A_108, %swap3A_109] {strides = array<i32>} : memref<128x64xf32, #tpu.memory_space<vmem>>, vector<1x16xf32>,
      %swap3A_111 = vector.shape_cast %swap3A_110 : vector<1x16xf32> to vector<16xf32>
      %swap3A_112 = vector.shape_cast %broadcast_in_dim3A_0 : vector<16xf32> to vector<1x16xf32>
      tpu.vector_store %arg9[%swap3A_108, %swap3A_109], %swap3A_112 {strides = array<i32>} : memref<128x64xf32, #tpu.memory_space<vmem>>, vector<1x16xf32>,
      %swap3A_113 = arith.index_cast %scan3A_103 : i32 to index
      %swap3A_114 = arith.constant 32 : index
      %swap3A_115 = tpu.vector_load %arg9[%swap3A_113, %swap3A_114] {strides = array<i32>} : memref<128x64xf32, #tpu.memory_space<vmem>>, vector<1x16xf32>,
      %swap3A_116 = vector.shape_cast %swap3A_115 : vector<1x16xf32> to vector<16xf32>
      %swap3A_117 = vector.shape_cast %broadcast_in_dim3A_0 : vector<16xf32> to vector<1x16xf32>
      tpu.vector_store %arg9[%swap3A_113, %swap3A_114], %swap3A_117 {strides = array<i32>} : memref<128x64xf32, #tpu.memory_space<vmem>>, vector<1x16xf32>,
      %swap3A_118 = arith.index_cast %scan3A_103 : i32 to index
      %swap3A_119 = arith.constant 48 : index
      %swap3A_120 = tpu.vector_load %arg9[%swap3A_118, %swap3A_119] {strides = array<i32>} : memref<128x64xf32, #tpu.memory_space<vmem>>, vector<1x16xf32>,
      %swap3A_121 = vector.shape_cast %swap3A_120 : vector<1x16xf32> to vector<16xf32>
      %swap3A_122 = vector.shape_cast %broadcast_in_dim3A_0 : vector<16xf32> to vector<1x16xf32>
      tpu.vector_store %arg9[%swap3A_118, %swap3A_119], %swap3A_122 {strides = array<i32>} : memref<128x64xf32, #tpu.memory_space<vmem>>, vector<1x16xf32>,
    }
    %scan3A_5 = arith.constant 128 : i32
    %mul3A = arith.constant 640 : i32
    %mul3A_6 = arith.muli %arg1, %mul3A : i32
    %add3A = arith.constant 0 : i32
    %add3A_7 = arith.addi %mul3A_6, %add3A : i32
    %dma_start3A = arith.constant 0 : i32
    %dma_start3A_8 = tpu.memref_slice %arg11[%add3A_7, %dma_start3A] : memref<10240x64xf32, #tpu.memory_space<vmem_shared>> -> memref<128x64xf32, #tpu.memory_space<vmem_shared>>
    %dma_start3A_9 = arith.constant 0 : i32
    %dma_start3A_10 = tpu.memref_slice %arg11[%add3A_7, %dma_start3A_9] : memref<10240x64xf32, #tpu.memory_space<vmem_shared>> -> memref<128x64xf32, #tpu.memory_space<vmem_shared>>
    tpu.enqueue_dma source(%arg9 : memref<128x64xf32, #tpu.memory_space<vmem>>) target(%dma_start3A_10 : memref<128x64xf32, #tpu.memory_space<vmem_shared>>) target_semaphore(%arg17 : memref<!tpu.dma_semaphore, #tpu.memory_space<semaphore_mem>>)
    %add3A_11 = arith.constant 128 : i32
    %add3A_12 = arith.addi %mul3A_6, %add3A_11 : i32
    %dma_start3A_13 = arith.constant 0 : i32
    %dma_start3A_14 = tpu.memref_slice %arg11[%add3A_12, %dma_start3A_13] : memref<10240x64xf32, #tpu.memory_space<vmem_shared>> -> memref<128x64xf32, #tpu.memory_space<vmem_shared>>
    %dma_start3A_15 = arith.constant 0 : i32
    %dma_start3A_16 = tpu.memref_slice %arg11[%add3A_12, %dma_start3A_15] : memref<10240x64xf32, #tpu.memory_space<vmem_shared>> -> memref<128x64xf32, #tpu.memory_space<vmem_shared>>
    tpu.enqueue_dma source(%arg9 : memref<128x64xf32, #tpu.memory_space<vmem>>) target(%dma_start3A_16 : memref<128x64xf32, #tpu.memory_space<vmem_shared>>) target_semaphore(%arg17 : memref<!tpu.dma_semaphore, #tpu.memory_space<semaphore_mem>>)
    %add3A_17 = arith.constant 256 : i32
    %add3A_18 = arith.addi %mul3A_6, %add3A_17 : i32
    %dma_start3A_19 = arith.constant 0 : i32
    %dma_start3A_20 = tpu.memref_slice %arg11[%add3A_18, %dma_start3A_19] : memref<10240x64xf32, #tpu.memory_space<vmem_shared>> -> memref<128x64xf32, #tpu.memory_space<vmem_shared>>
    %dma_start3A_21 = arith.constant 0 : i32
    %dma_start3A_22 = tpu.memref_slice %arg11[%add3A_18, %dma_start3A_21] : memref<10240x64xf32, #tpu.memory_space<vmem_shared>> -> memref<128x64xf32, #tpu.memory_space<vmem_shared>>
    tpu.enqueue_dma source(%arg9 : memref<128x64xf32, #tpu.memory_space<vmem>>) target(%dma_start3A_22 : memref<128x64xf32, #tpu.memory_space<vmem_shared>>) target_semaphore(%arg17 : memref<!tpu.dma_semaphore, #tpu.memory_space<semaphore_mem>>)
    %add3A_23 = arith.constant 384 : i32
    %add3A_24 = arith.addi %mul3A_6, %add3A_23 : i32
    %dma_start3A_25 = arith.constant 0 : i32
    %dma_start3A_26 = tpu.memref_slice %arg11[%add3A_24, %dma_start3A_25] : memref<10240x64xf32, #tpu.memory_space<vmem_shared>> -> memref<128x64xf32, #tpu.memory_space<vmem_shared>>
    %dma_start3A_27 = arith.constant 0 : i32
    %dma_start3A_28 = tpu.memref_slice %arg11[%add3A_24, %dma_start3A_27] : memref<10240x64xf32, #tpu.memory_space<vmem_shared>> -> memref<128x64xf32, #tpu.memory_space<vmem_shared>>
    tpu.enqueue_dma source(%arg9 : memref<128x64xf32, #tpu.memory_space<vmem>>) target(%dma_start3A_28 : memref<128x64xf32, #tpu.memory_space<vmem_shared>>) target_semaphore(%arg17 : memref<!tpu.dma_semaphore, #tpu.memory_space<semaphore_mem>>)
    %add3A_29 = arith.constant 512 : i32
    %add3A_30 = arith.addi %mul3A_6, %add3A_29 : i32
    %dma_start3A_31 = arith.constant 0 : i32
    %dma_start3A_32 = tpu.memref_slice %arg11[%add3A_30, %dma_start3A_31] : memref<10240x64xf32, #tpu.memory_space<vmem_shared>> -> memref<128x64xf32, #tpu.memory_space<vmem_shared>>
    %dma_start3A_33 = arith.constant 0 : i32
    %dma_start3A_34 = tpu.memref_slice %arg11[%add3A_30, %dma_start3A_33] : memref<10240x64xf32, #tpu.memory_space<vmem_shared>> -> memref<128x64xf32, #tpu.memory_space<vmem_shared>>
    tpu.enqueue_dma source(%arg9 : memref<128x64xf32, #tpu.memory_space<vmem>>) target(%dma_start3A_34 : memref<128x64xf32, #tpu.memory_space<vmem_shared>>) target_semaphore(%arg17 : memref<!tpu.dma_semaphore, #tpu.memory_space<semaphore_mem>>)
    "tpu.region"() ({
      %run_scoped3A = tpu.sem_alloc : memref<!tpu.dma_semaphore, #tpu.memory_space<semaphore_mem>>
      %dma_start3A_103 = arith.constant 0 : i32
      %dma_start3A_104 = arith.constant 0 : i32
      %dma_start3A_105 = tpu.memref_slice %arg2[%arg1, %dma_start3A_103, %dma_start3A_104] : memref<16x80x250xi32, #tpu.memory_space<hbm>> -> memref<1x80x250xi32, #tpu.memory_space<hbm>>
      %dma_start3A_106 = tpu.memref_squeeze %dma_start3A_105 : memref<1x80x250xi32, #tpu.memory_space<hbm>> -> memref<80x250xi32, #tpu.memory_space<hbm>>
      %dma_start3A_107 = arith.constant 0 : i32
      %dma_start3A_108 = arith.constant 0 : i32
      %dma_start3A_109 = tpu.memref_slice %arg2[%arg1, %dma_start3A_107, %dma_start3A_108] : memref<16x80x250xi32, #tpu.memory_space<hbm>> -> memref<1x80x250xi32, #tpu.memory_space<hbm>>
      %dma_start3A_110 = tpu.memref_squeeze %dma_start3A_109 : memref<1x80x250xi32, #tpu.memory_space<hbm>> -> memref<80x250xi32, #tpu.memory_space<hbm>>
      tpu.enqueue_dma source(%dma_start3A_110 : memref<80x250xi32, #tpu.memory_space<hbm>>) target(%arg6 : memref<80x250xi32, #tpu.memory_space<vmem>>) target_semaphore(%run_scoped3A : memref<!tpu.dma_semaphore, #tpu.memory_space<semaphore_mem>>)
      %dma_wait3A_111 = arith.constant 0 : i32
      %dma_wait3A_112 = arith.constant 0 : i32
      %dma_wait3A_113 = tpu.memref_slice %arg2[%arg1, %dma_wait3A_111, %dma_wait3A_112] : memref<16x80x250xi32, #tpu.memory_space<hbm>> -> memref<1x80x250xi32, #tpu.memory_space<hbm>>
      %dma_wait3A_114 = tpu.memref_squeeze %dma_wait3A_113 : memref<1x80x250xi32, #tpu.memory_space<hbm>> -> memref<80x250xi32, #tpu.memory_space<hbm>>
      %dma_wait3A_115 = arith.constant 0 : i32
      %dma_wait3A_116 = arith.constant 0 : i32
      %dma_wait3A_117 = tpu.memref_slice %arg2[%arg1, %dma_wait3A_115, %dma_wait3A_116] : memref<16x80x250xi32, #tpu.memory_space<hbm>> -> memref<1x80x250xi32, #tpu.memory_space<hbm>>
      %dma_wait3A_118 = tpu.memref_squeeze %dma_wait3A_117 : memref<1x80x250xi32, #tpu.memory_space<hbm>> -> memref<80x250xi32, #tpu.memory_space<hbm>>
      tpu.wait_dma2 semaphore(%run_scoped3A : memref<!tpu.dma_semaphore, #tpu.memory_space<semaphore_mem>>) src(%dma_wait3A_118 : memref<80x250xi32, #tpu.memory_space<hbm>>) dst(%arg6 : memref<80x250xi32, #tpu.memory_space<vmem>>)
      tpu.yield
    }) : () -> ()
    "tpu.region"() ({
      %run_scoped3A = tpu.sem_alloc : memref<!tpu.dma_semaphore, #tpu.memory_space<semaphore_mem>>
      %dma_start3A_103 = arith.constant 0 : i32
      %dma_start3A_104 = arith.constant 0 : i32
      %dma_start3A_105 = tpu.memref_slice %arg3[%arg1, %dma_start3A_103, %dma_start3A_104] : memref<16x80x250xi32, #tpu.memory_space<hbm>> -> memref<1x80x250xi32, #tpu.memory_space<hbm>>
      %dma_start3A_106 = tpu.memref_squeeze %dma_start3A_105 : memref<1x80x250xi32, #tpu.memory_space<hbm>> -> memref<80x250xi32, #tpu.memory_space<hbm>>
      %dma_start3A_107 = arith.constant 0 : i32
      %dma_start3A_108 = arith.constant 0 : i32
      %dma_start3A_109 = tpu.memref_slice %arg3[%arg1, %dma_start3A_107, %dma_start3A_108] : memref<16x80x250xi32, #tpu.memory_space<hbm>> -> memref<1x80x250xi32, #tpu.memory_space<hbm>>
      %dma_start3A_110 = tpu.memref_squeeze %dma_start3A_109 : memref<1x80x250xi32, #tpu.memory_space<hbm>> -> memref<80x250xi32, #tpu.memory_space<hbm>>
      tpu.enqueue_dma source(%dma_start3A_110 : memref<80x250xi32, #tpu.memory_space<hbm>>) target(%arg7 : memref<80x250xi32, #tpu.memory_space<vmem>>) target_semaphore(%run_scoped3A : memref<!tpu.dma_semaphore, #tpu.memory_space<semaphore_mem>>)
      %dma_wait3A_111 = arith.constant 0 : i32
      %dma_wait3A_112 = arith.constant 0 : i32
      %dma_wait3A_113 = tpu.memref_slice %arg3[%arg1, %dma_wait3A_111, %dma_wait3A_112] : memref<16x80x250xi32, #tpu.memory_space<hbm>> -> memref<1x80x250xi32, #tpu.memory_space<hbm>>
      %dma_wait3A_114 = tpu.memref_squeeze %dma_wait3A_113 : memref<1x80x250xi32, #tpu.memory_space<hbm>> -> memref<80x250xi32, #tpu.memory_space<hbm>>
      %dma_wait3A_115 = arith.constant 0 : i32
      %dma_wait3A_116 = arith.constant 0 : i32
      %dma_wait3A_117 = tpu.memref_slice %arg3[%arg1, %dma_wait3A_115, %dma_wait3A_116] : memref<16x80x250xi32, #tpu.memory_space<hbm>> -> memref<1x80x250xi32, #tpu.memory_space<hbm>>
      %dma_wait3A_118 = tpu.memref_squeeze %dma_wait3A_117 : memref<1x80x250xi32, #tpu.memory_space<hbm>> -> memref<80x250xi32, #tpu.memory_space<hbm>>
      tpu.wait_dma2 semaphore(%run_scoped3A : memref<!tpu.dma_semaphore, #tpu.memory_space<semaphore_mem>>) src(%dma_wait3A_118 : memref<80x250xi32, #tpu.memory_space<hbm>>) dst(%arg7 : memref<80x250xi32, #tpu.memory_space<vmem>>)
      tpu.yield
    }) : () -> ()
    %dma_start3A_35 = arith.constant 0 : i32
    %dma_start3A_36 = arith.constant 0 : i32
    %dma_start3A_37 = arith.constant 0 : i32
    %dma_start3A_38 = arith.constant 0 : i32
    %dma_start3A_39 = tpu.memref_slice %arg8[%dma_start3A_36, %dma_start3A_37, %dma_start3A_38] : memref<2x250x64xf32, #tpu.memory_space<vmem>> -> memref<1x250x64xf32, #tpu.memory_space<vmem>>
    %dma_start3A_40 = tpu.memref_squeeze %dma_start3A_39 : memref<1x250x64xf32, #tpu.memory_space<vmem>> -> memref<250x64xf32, #tpu.memory_space<vmem>>
    %dma_start3A_41 = arith.constant 0 : i32
    %dma_start3A_42 = tpu.memref_slice %arg6[%dma_start3A_35, %dma_start3A_41] : memref<80x250xi32, #tpu.memory_space<vmem>> -> memref<1x250xi32, #tpu.memory_space<vmem>>
    %dma_start3A_43 = tpu.memref_squeeze %dma_start3A_42 : memref<1x250xi32, #tpu.memory_space<vmem>> -> memref<250xi32, #tpu.memory_space<vmem>>
    %dma_start3A_44 = arith.constant 0 : i32
    %dma_start3A_45 = arith.constant 0 : i32
    %dma_start3A_46 = tpu.memref_slice %arg4[%arg0, %dma_start3A_44, %dma_start3A_45] : memref<2x10240x64xf32, #tpu.memory_space<hbm>> -> memref<1x10240x64xf32, #tpu.memory_space<hbm>>
    %dma_start3A_47 = tpu.memref_squeeze %dma_start3A_46 : memref<1x10240x64xf32, #tpu.memory_space<hbm>> -> memref<10240x64xf32, #tpu.memory_space<hbm>>
    %dma_start3A_48 = arith.constant 0 : i32
    %dma_start3A_49 = arith.constant 0 : i32
    %dma_start3A_50 = tpu.memref_slice %dma_start3A_47[%dma_start3A_48, %dma_start3A_49] : memref<10240x64xf32, #tpu.memory_space<hbm>> -> memref<10240x64xf32, #tpu.memory_space<hbm>>
    tpu.enqueue_indirect_dma source(%dma_start3A_50 : memref<10240x64xf32, #tpu.memory_space<hbm>>) target(%dma_start3A_40 : memref<250x64xf32, #tpu.memory_space<vmem>>) offsets(%dma_start3A_43 : memref<250xi32, #tpu.memory_space<vmem>>) semaphore(%arg13 : memref<!tpu.dma_semaphore, #tpu.memory_space<semaphore_mem>>)
    %dma_start3A_51 = arith.constant 1 : i32
    %dma_start3A_52 = arith.constant 1 : i32
    %dma_start3A_53 = arith.constant 0 : i32
    %dma_start3A_54 = arith.constant 0 : i32
    %dma_start3A_55 = tpu.memref_slice %arg8[%dma_start3A_52, %dma_start3A_53, %dma_start3A_54] : memref<2x250x64xf32, #tpu.memory_space<vmem>> -> memref<1x250x64xf32, #tpu.memory_space<vmem>>
    %dma_start3A_56 = tpu.memref_squeeze %dma_start3A_55 : memref<1x250x64xf32, #tpu.memory_space<vmem>> -> memref<250x64xf32, #tpu.memory_space<vmem>>
    %dma_start3A_57 = arith.constant 0 : i32
    %dma_start3A_58 = tpu.memref_slice %arg6[%dma_start3A_51, %dma_start3A_57] : memref<80x250xi32, #tpu.memory_space<vmem>> -> memref<1x250xi32, #tpu.memory_space<vmem>>
    %dma_start3A_59 = tpu.memref_squeeze %dma_start3A_58 : memref<1x250xi32, #tpu.memory_space<vmem>> -> memref<250xi32, #tpu.memory_space<vmem>>
    %dma_start3A_60 = arith.constant 0 : i32
    %dma_start3A_61 = arith.constant 0 : i32
    %dma_start3A_62 = tpu.memref_slice %arg4[%arg0, %dma_start3A_60, %dma_start3A_61] : memref<2x10240x64xf32, #tpu.memory_space<hbm>> -> memref<1x10240x64xf32, #tpu.memory_space<hbm>>
    %dma_start3A_63 = tpu.memref_squeeze %dma_start3A_62 : memref<1x10240x64xf32, #tpu.memory_space<hbm>> -> memref<10240x64xf32, #tpu.memory_space<hbm>>
    %dma_start3A_64 = arith.constant 0 : i32
    %dma_start3A_65 = arith.constant 0 : i32
    %dma_start3A_66 = tpu.memref_slice %dma_start3A_63[%dma_start3A_64, %dma_start3A_65] : memref<10240x64xf32, #tpu.memory_space<hbm>> -> memref<10240x64xf32, #tpu.memory_space<hbm>>
    tpu.enqueue_indirect_dma source(%dma_start3A_66 : memref<10240x64xf32, #tpu.memory_space<hbm>>) target(%dma_start3A_56 : memref<250x64xf32, #tpu.memory_space<vmem>>) offsets(%dma_start3A_59 : memref<250xi32, #tpu.memory_space<vmem>>) semaphore(%arg14 : memref<!tpu.dma_semaphore, #tpu.memory_space<semaphore_mem>>)
    %add3A_67 = arith.constant 0 : i32
    %add3A_68 = arith.addi %mul3A_6, %add3A_67 : i32
    %dma_wait3A = arith.constant 0 : i32
    %dma_wait3A_69 = tpu.memref_slice %arg11[%add3A_68, %dma_wait3A] : memref<10240x64xf32, #tpu.memory_space<vmem_shared>> -> memref<128x64xf32, #tpu.memory_space<vmem_shared>>
    %dma_wait3A_70 = arith.constant 0 : i32
    %dma_wait3A_71 = tpu.memref_slice %arg11[%add3A_68, %dma_wait3A_70] : memref<10240x64xf32, #tpu.memory_space<vmem_shared>> -> memref<128x64xf32, #tpu.memory_space<vmem_shared>>
    tpu.wait_dma2 semaphore(%arg17 : memref<!tpu.dma_semaphore, #tpu.memory_space<semaphore_mem>>) src(%arg9 : memref<128x64xf32, #tpu.memory_space<vmem>>) dst(%dma_wait3A_71 : memref<128x64xf32, #tpu.memory_space<vmem_shared>>)
    %add3A_72 = arith.constant 128 : i32
    %add3A_73 = arith.addi %mul3A_6, %add3A_72 : i32
    %dma_wait3A_74 = arith.constant 0 : i32
    %dma_wait3A_75 = tpu.memref_slice %arg11[%add3A_73, %dma_wait3A_74] : memref<10240x64xf32, #tpu.memory_space<vmem_shared>> -> memref<128x64xf32, #tpu.memory_space<vmem_shared>>
    %dma_wait3A_76 = arith.constant 0 : i32
    %dma_wait3A_77 = tpu.memref_slice %arg11[%add3A_73, %dma_wait3A_76] : memref<10240x64xf32, #tpu.memory_space<vmem_shared>> -> memref<128x64xf32, #tpu.memory_space<vmem_shared>>
    tpu.wait_dma2 semaphore(%arg17 : memref<!tpu.dma_semaphore, #tpu.memory_space<semaphore_mem>>) src(%arg9 : memref<128x64xf32, #tpu.memory_space<vmem>>) dst(%dma_wait3A_77 : memref<128x64xf32, #tpu.memory_space<vmem_shared>>)
    %add3A_78 = arith.constant 256 : i32
    %add3A_79 = arith.addi %mul3A_6, %add3A_78 : i32
    %dma_wait3A_80 = arith.constant 0 : i32
    %dma_wait3A_81 = tpu.memref_slice %arg11[%add3A_79, %dma_wait3A_80] : memref<10240x64xf32, #tpu.memory_space<vmem_shared>> -> memref<128x64xf32, #tpu.memory_space<vmem_shared>>
    %dma_wait3A_82 = arith.constant 0 : i32
    %dma_wait3A_83 = tpu.memref_slice %arg11[%add3A_79, %dma_wait3A_82] : memref<10240x64xf32, #tpu.memory_space<vmem_shared>> -> memref<128x64xf32, #tpu.memory_space<vmem_shared>>
    tpu.wait_dma2 semaphore(%arg17 : memref<!tpu.dma_semaphore, #tpu.memory_space<semaphore_mem>>) src(%arg9 : memref<128x64xf32, #tpu.memory_space<vmem>>) dst(%dma_wait3A_83 : memref<128x64xf32, #tpu.memory_space<vmem_shared>>)
    %add3A_84 = arith.constant 384 : i32
    %add3A_85 = arith.addi %mul3A_6, %add3A_84 : i32
    %dma_wait3A_86 = arith.constant 0 : i32
    %dma_wait3A_87 = tpu.memref_slice %arg11[%add3A_85, %dma_wait3A_86] : memref<10240x64xf32, #tpu.memory_space<vmem_shared>> -> memref<128x64xf32, #tpu.memory_space<vmem_shared>>
    %dma_wait3A_88 = arith.constant 0 : i32
    %dma_wait3A_89 = tpu.memref_slice %arg11[%add3A_85, %dma_wait3A_88] : memref<10240x64xf32, #tpu.memory_space<vmem_shared>> -> memref<128x64xf32, #tpu.memory_space<vmem_shared>>
    tpu.wait_dma2 semaphore(%arg17 : memref<!tpu.dma_semaphore, #tpu.memory_space<semaphore_mem>>) src(%arg9 : memref<128x64xf32, #tpu.memory_space<vmem>>) dst(%dma_wait3A_89 : memref<128x64xf32, #tpu.memory_space<vmem_shared>>)
    %add3A_90 = arith.constant 512 : i32
    %add3A_91 = arith.addi %mul3A_6, %add3A_90 : i32
    %dma_wait3A_92 = arith.constant 0 : i32
    %dma_wait3A_93 = tpu.memref_slice %arg11[%add3A_91, %dma_wait3A_92] : memref<10240x64xf32, #tpu.memory_space<vmem_shared>> -> memref<128x64xf32, #tpu.memory_space<vmem_shared>>
    %dma_wait3A_94 = arith.constant 0 : i32
    %dma_wait3A_95 = tpu.memref_slice %arg11[%add3A_91, %dma_wait3A_94] : memref<10240x64xf32, #tpu.memory_space<vmem_shared>> -> memref<128x64xf32, #tpu.memory_space<vmem_shared>>
    tpu.wait_dma2 semaphore(%arg17 : memref<!tpu.dma_semaphore, #tpu.memory_space<semaphore_mem>>) src(%arg9 : memref<128x64xf32, #tpu.memory_space<vmem>>) dst(%dma_wait3A_95 : memref<128x64xf32, #tpu.memory_space<vmem_shared>>)
    %barrier3A = arith.constant 0 : index
    tpu.barrier barrier_id(%barrier3A)
    %scan3A_96 = arith.constant 0 : i32
    %scan3A_97 = arith.constant 0 : i32
    %scan3A_98 = arith.constant 40 : i32
    %scan3A_99 = arith.addi %scan3A_97, %scan3A_98 : i32
    %scan3A_100 = arith.constant 1 : i32
    scf.for %scan3A_103 = %scan3A_97 to %scan3A_99 step %scan3A_100  : i32 {
      %mul3A_104 = arith.constant 2 : i32
      %mul3A_105 = arith.muli %scan3A_103, %mul3A_104 : i32
      %add3A_106 = arith.constant 0 : i32
      %add3A_107 = arith.addi %mul3A_105, %add3A_106 : i32
      %dma_wait3A_108 = arith.constant 0 : i32
      %dma_wait3A_109 = arith.constant 0 : i32
      %dma_wait3A_110 = arith.constant 0 : i32
      %dma_wait3A_111 = tpu.memref_slice %arg8[%dma_wait3A_108, %dma_wait3A_109, %dma_wait3A_110] : memref<2x250x64xf32, #tpu.memory_space<vmem>> -> memref<1x250x64xf32, #tpu.memory_space<vmem>>
      %dma_wait3A_112 = tpu.memref_squeeze %dma_wait3A_111 : memref<1x250x64xf32, #tpu.memory_space<vmem>> -> memref<250x64xf32, #tpu.memory_space<vmem>>
      %dma_wait3A_113 = arith.constant 0 : i32
      %dma_wait3A_114 = tpu.memref_slice %arg6[%add3A_107, %dma_wait3A_113] : memref<80x250xi32, #tpu.memory_space<vmem>> -> memref<1x250xi32, #tpu.memory_space<vmem>>
      %dma_wait3A_115 = tpu.memref_squeeze %dma_wait3A_114 : memref<1x250xi32, #tpu.memory_space<vmem>> -> memref<250xi32, #tpu.memory_space<vmem>>
      %dma_wait3A_116 = arith.constant 0 : i32
      %dma_wait3A_117 = arith.constant 0 : i32
      %dma_wait3A_118 = tpu.memref_slice %arg4[%arg0, %dma_wait3A_116, %dma_wait3A_117] : memref<2x10240x64xf32, #tpu.memory_space<hbm>> -> memref<1x10240x64xf32, #tpu.memory_space<hbm>>
      %dma_wait3A_119 = tpu.memref_squeeze %dma_wait3A_118 : memref<1x10240x64xf32, #tpu.memory_space<hbm>> -> memref<10240x64xf32, #tpu.memory_space<hbm>>
      %dma_wait3A_120 = arith.constant 0 : i32
      %dma_wait3A_121 = arith.constant 0 : i32
      %dma_wait3A_122 = tpu.memref_slice %dma_wait3A_119[%dma_wait3A_120, %dma_wait3A_121] : memref<10240x64xf32, #tpu.memory_space<hbm>> -> memref<10240x64xf32, #tpu.memory_space<hbm>>
      tpu.wait_indirect_dma semaphore(%arg13 : memref<!tpu.dma_semaphore, #tpu.memory_space<semaphore_mem>>) src(%dma_wait3A_122 : memref<10240x64xf32, #tpu.memory_space<hbm>>) dst(%dma_wait3A_112 : memref<250x64xf32, #tpu.memory_space<vmem>>)
      %dma_start3A_123 = arith.constant 0 : i32
      %dma_start3A_124 = arith.constant 0 : i32
      %dma_start3A_125 = arith.constant 0 : i32
      %dma_start3A_126 = tpu.memref_slice %arg8[%dma_start3A_123, %dma_start3A_124, %dma_start3A_125] : memref<2x250x64xf32, #tpu.memory_space<vmem>> -> memref<1x250x64xf32, #tpu.memory_space<vmem>>
      %dma_start3A_127 = tpu.memref_squeeze %dma_start3A_126 : memref<1x250x64xf32, #tpu.memory_space<vmem>> -> memref<250x64xf32, #tpu.memory_space<vmem>>
      %dma_start3A_128 = arith.constant 0 : i32
      %dma_start3A_129 = tpu.memref_slice %arg7[%add3A_107, %dma_start3A_128] : memref<80x250xi32, #tpu.memory_space<vmem>> -> memref<1x250xi32, #tpu.memory_space<vmem>>
      %dma_start3A_130 = tpu.memref_squeeze %dma_start3A_129 : memref<1x250xi32, #tpu.memory_space<vmem>> -> memref<250xi32, #tpu.memory_space<vmem>>
      %dma_start3A_131 = arith.constant 0 : i32
      %dma_start3A_132 = arith.constant 0 : i32
      %dma_start3A_133 = tpu.memref_slice %arg11[%dma_start3A_131, %dma_start3A_132] : memref<10240x64xf32, #tpu.memory_space<vmem_shared>> -> memref<10240x64xf32, #tpu.memory_space<vmem_shared>>
      tpu.enqueue_indirect_dma source(%dma_start3A_127 : memref<250x64xf32, #tpu.memory_space<vmem>>) target(%dma_start3A_133 : memref<10240x64xf32, #tpu.memory_space<vmem_shared>>) offsets(%dma_start3A_130 : memref<250xi32, #tpu.memory_space<vmem>>) semaphore(%arg15 : memref<!tpu.dma_semaphore, #tpu.memory_space<semaphore_mem>>) {add = true}
      %dma_wait3A_134 = arith.constant 0 : i32
      %dma_wait3A_135 = arith.constant 0 : i32
      %dma_wait3A_136 = arith.constant 0 : i32
      %dma_wait3A_137 = tpu.memref_slice %arg8[%dma_wait3A_134, %dma_wait3A_135, %dma_wait3A_136] : memref<2x250x64xf32, #tpu.memory_space<vmem>> -> memref<1x250x64xf32, #tpu.memory_space<vmem>>
      %dma_wait3A_138 = tpu.memref_squeeze %dma_wait3A_137 : memref<1x250x64xf32, #tpu.memory_space<vmem>> -> memref<250x64xf32, #tpu.memory_space<vmem>>
      %dma_wait3A_139 = arith.constant 0 : i32
      %dma_wait3A_140 = tpu.memref_slice %arg7[%add3A_107, %dma_wait3A_139] : memref<80x250xi32, #tpu.memory_space<vmem>> -> memref<1x250xi32, #tpu.memory_space<vmem>>
      %dma_wait3A_141 = tpu.memref_squeeze %dma_wait3A_140 : memref<1x250xi32, #tpu.memory_space<vmem>> -> memref<250xi32, #tpu.memory_space<vmem>>
      %dma_wait3A_142 = arith.constant 0 : i32
      %dma_wait3A_143 = arith.constant 0 : i32
      %dma_wait3A_144 = tpu.memref_slice %arg11[%dma_wait3A_142, %dma_wait3A_143] : memref<10240x64xf32, #tpu.memory_space<vmem_shared>> -> memref<10240x64xf32, #tpu.memory_space<vmem_shared>>
      tpu.wait_indirect_dma semaphore(%arg15 : memref<!tpu.dma_semaphore, #tpu.memory_space<semaphore_mem>>) src(%dma_wait3A_138 : memref<250x64xf32, #tpu.memory_space<vmem>>) dst(%dma_wait3A_144 : memref<10240x64xf32, #tpu.memory_space<vmem_shared>>)
      %lt3A = arith.constant 39 : i32
      %lt3A_145 = arith.cmpi slt, %scan3A_103, %lt3A : i32
      %convert_element_type3A = arith.extui %lt3A_145 : i1 to i32
      %cond3A = arith.constant 0 : i32
      %cond3A_146 = arith.cmpi ne, %convert_element_type3A, %cond3A : i32
      scf.if %cond3A_146 {
        %add3A_191 = arith.constant 2 : i32
        %add3A_192 = arith.addi %add3A_107, %add3A_191 : i32
        %dma_start3A_193 = arith.constant 0 : i32
        %dma_start3A_194 = arith.constant 0 : i32
        %dma_start3A_195 = arith.constant 0 : i32
        %dma_start3A_196 = tpu.memref_slice %arg8[%dma_start3A_193, %dma_start3A_194, %dma_start3A_195] : memref<2x250x64xf32, #tpu.memory_space<vmem>> -> memref<1x250x64xf32, #tpu.memory_space<vmem>>
        %dma_start3A_197 = tpu.memref_squeeze %dma_start3A_196 : memref<1x250x64xf32, #tpu.memory_space<vmem>> -> memref<250x64xf32, #tpu.memory_space<vmem>>
        %dma_start3A_198 = arith.constant 0 : i32
        %dma_start3A_199 = tpu.memref_slice %arg6[%add3A_192, %dma_start3A_198] : memref<80x250xi32, #tpu.memory_space<vmem>> -> memref<1x250xi32, #tpu.memory_space<vmem>>
        %dma_start3A_200 = tpu.memref_squeeze %dma_start3A_199 : memref<1x250xi32, #tpu.memory_space<vmem>> -> memref<250xi32, #tpu.memory_space<vmem>>
        %dma_start3A_201 = arith.constant 0 : i32
        %dma_start3A_202 = arith.constant 0 : i32
        %dma_start3A_203 = tpu.memref_slice %arg4[%arg0, %dma_start3A_201, %dma_start3A_202] : memref<2x10240x64xf32, #tpu.memory_space<hbm>> -> memref<1x10240x64xf32, #tpu.memory_space<hbm>>
        %dma_start3A_204 = tpu.memref_squeeze %dma_start3A_203 : memref<1x10240x64xf32, #tpu.memory_space<hbm>> -> memref<10240x64xf32, #tpu.memory_space<hbm>>
        %dma_start3A_205 = arith.constant 0 : i32
        %dma_start3A_206 = arith.constant 0 : i32
        %dma_start3A_207 = tpu.memref_slice %dma_start3A_204[%dma_start3A_205, %dma_start3A_206] : memref<10240x64xf32, #tpu.memory_space<hbm>> -> memref<10240x64xf32, #tpu.memory_space<hbm>>
        tpu.enqueue_indirect_dma source(%dma_start3A_207 : memref<10240x64xf32, #tpu.memory_space<hbm>>) target(%dma_start3A_197 : memref<250x64xf32, #tpu.memory_space<vmem>>) offsets(%dma_start3A_200 : memref<250xi32, #tpu.memory_space<vmem>>) semaphore(%arg13 : memref<!tpu.dma_semaphore, #tpu.memory_space<semaphore_mem>>)
      } else {
      }
      %add3A_147 = arith.constant 1 : i32
      %add3A_148 = arith.addi %mul3A_105, %add3A_147 : i32
      %dma_wait3A_149 = arith.constant 1 : i32
      %dma_wait3A_150 = arith.constant 0 : i32
      %dma_wait3A_151 = arith.constant 0 : i32
      %dma_wait3A_152 = tpu.memref_slice %arg8[%dma_wait3A_149, %dma_wait3A_150, %dma_wait3A_151] : memref<2x250x64xf32, #tpu.memory_space<vmem>> -> memref<1x250x64xf32, #tpu.memory_space<vmem>>
      %dma_wait3A_153 = tpu.memref_squeeze %dma_wait3A_152 : memref<1x250x64xf32, #tpu.memory_space<vmem>> -> memref<250x64xf32, #tpu.memory_space<vmem>>
      %dma_wait3A_154 = arith.constant 0 : i32
      %dma_wait3A_155 = tpu.memref_slice %arg6[%add3A_148, %dma_wait3A_154] : memref<80x250xi32, #tpu.memory_space<vmem>> -> memref<1x250xi32, #tpu.memory_space<vmem>>
      %dma_wait3A_156 = tpu.memref_squeeze %dma_wait3A_155 : memref<1x250xi32, #tpu.memory_space<vmem>> -> memref<250xi32, #tpu.memory_space<vmem>>
      %dma_wait3A_157 = arith.constant 0 : i32
      %dma_wait3A_158 = arith.constant 0 : i32
      %dma_wait3A_159 = tpu.memref_slice %arg4[%arg0, %dma_wait3A_157, %dma_wait3A_158] : memref<2x10240x64xf32, #tpu.memory_space<hbm>> -> memref<1x10240x64xf32, #tpu.memory_space<hbm>>
      %dma_wait3A_160 = tpu.memref_squeeze %dma_wait3A_159 : memref<1x10240x64xf32, #tpu.memory_space<hbm>> -> memref<10240x64xf32, #tpu.memory_space<hbm>>
      %dma_wait3A_161 = arith.constant 0 : i32
      %dma_wait3A_162 = arith.constant 0 : i32
      %dma_wait3A_163 = tpu.memref_slice %dma_wait3A_160[%dma_wait3A_161, %dma_wait3A_162] : memref<10240x64xf32, #tpu.memory_space<hbm>> -> memref<10240x64xf32, #tpu.memory_space<hbm>>
      tpu.wait_indirect_dma semaphore(%arg14 : memref<!tpu.dma_semaphore, #tpu.memory_space<semaphore_mem>>) src(%dma_wait3A_163 : memref<10240x64xf32, #tpu.memory_space<hbm>>) dst(%dma_wait3A_153 : memref<250x64xf32, #tpu.memory_space<vmem>>)
      %dma_start3A_164 = arith.constant 1 : i32
      %dma_start3A_165 = arith.constant 0 : i32
      %dma_start3A_166 = arith.constant 0 : i32
      %dma_start3A_167 = tpu.memref_slice %arg8[%dma_start3A_164, %dma_start3A_165, %dma_start3A_166] : memref<2x250x64xf32, #tpu.memory_space<vmem>> -> memref<1x250x64xf32, #tpu.memory_space<vmem>>
      %dma_start3A_168 = tpu.memref_squeeze %dma_start3A_167 : memref<1x250x64xf32, #tpu.memory_space<vmem>> -> memref<250x64xf32, #tpu.memory_space<vmem>>
      %dma_start3A_169 = arith.constant 0 : i32
      %dma_start3A_170 = tpu.memref_slice %arg7[%add3A_148, %dma_start3A_169] : memref<80x250xi32, #tpu.memory_space<vmem>> -> memref<1x250xi32, #tpu.memory_space<vmem>>
      %dma_start3A_171 = tpu.memref_squeeze %dma_start3A_170 : memref<1x250xi32, #tpu.memory_space<vmem>> -> memref<250xi32, #tpu.memory_space<vmem>>
      %dma_start3A_172 = arith.constant 0 : i32
      %dma_start3A_173 = arith.constant 0 : i32
      %dma_start3A_174 = tpu.memref_slice %arg11[%dma_start3A_172, %dma_start3A_173] : memref<10240x64xf32, #tpu.memory_space<vmem_shared>> -> memref<10240x64xf32, #tpu.memory_space<vmem_shared>>
      tpu.enqueue_indirect_dma source(%dma_start3A_168 : memref<250x64xf32, #tpu.memory_space<vmem>>) target(%dma_start3A_174 : memref<10240x64xf32, #tpu.memory_space<vmem_shared>>) offsets(%dma_start3A_171 : memref<250xi32, #tpu.memory_space<vmem>>) semaphore(%arg16 : memref<!tpu.dma_semaphore, #tpu.memory_space<semaphore_mem>>) {add = true}
      %dma_wait3A_175 = arith.constant 1 : i32
      %dma_wait3A_176 = arith.constant 0 : i32
      %dma_wait3A_177 = arith.constant 0 : i32
      %dma_wait3A_178 = tpu.memref_slice %arg8[%dma_wait3A_175, %dma_wait3A_176, %dma_wait3A_177] : memref<2x250x64xf32, #tpu.memory_space<vmem>> -> memref<1x250x64xf32, #tpu.memory_space<vmem>>
      %dma_wait3A_179 = tpu.memref_squeeze %dma_wait3A_178 : memref<1x250x64xf32, #tpu.memory_space<vmem>> -> memref<250x64xf32, #tpu.memory_space<vmem>>
      %dma_wait3A_180 = arith.constant 0 : i32
      %dma_wait3A_181 = tpu.memref_slice %arg7[%add3A_148, %dma_wait3A_180] : memref<80x250xi32, #tpu.memory_space<vmem>> -> memref<1x250xi32, #tpu.memory_space<vmem>>
      %dma_wait3A_182 = tpu.memref_squeeze %dma_wait3A_181 : memref<1x250xi32, #tpu.memory_space<vmem>> -> memref<250xi32, #tpu.memory_space<vmem>>
      %dma_wait3A_183 = arith.constant 0 : i32
      %dma_wait3A_184 = arith.constant 0 : i32
      %dma_wait3A_185 = tpu.memref_slice %arg11[%dma_wait3A_183, %dma_wait3A_184] : memref<10240x64xf32, #tpu.memory_space<vmem_shared>> -> memref<10240x64xf32, #tpu.memory_space<vmem_shared>>
      tpu.wait_indirect_dma semaphore(%arg16 : memref<!tpu.dma_semaphore, #tpu.memory_space<semaphore_mem>>) src(%dma_wait3A_179 : memref<250x64xf32, #tpu.memory_space<vmem>>) dst(%dma_wait3A_185 : memref<10240x64xf32, #tpu.memory_space<vmem_shared>>)
      %lt3A_186 = arith.constant 39 : i32
      %lt3A_187 = arith.cmpi slt, %scan3A_103, %lt3A_186 : i32
      %convert_element_type3A_188 = arith.extui %lt3A_187 : i1 to i32
      %cond3A_189 = arith.constant 0 : i32
      %cond3A_190 = arith.cmpi ne, %convert_element_type3A_188, %cond3A_189 : i32
      scf.if %cond3A_190 {
        %add3A_191 = arith.constant 2 : i32
        %add3A_192 = arith.addi %add3A_148, %add3A_191 : i32
        %dma_start3A_193 = arith.constant 1 : i32
        %dma_start3A_194 = arith.constant 0 : i32
        %dma_start3A_195 = arith.constant 0 : i32
        %dma_start3A_196 = tpu.memref_slice %arg8[%dma_start3A_193, %dma_start3A_194, %dma_start3A_195] : memref<2x250x64xf32, #tpu.memory_space<vmem>> -> memref<1x250x64xf32, #tpu.memory_space<vmem>>
        %dma_start3A_197 = tpu.memref_squeeze %dma_start3A_196 : memref<1x250x64xf32, #tpu.memory_space<vmem>> -> memref<250x64xf32, #tpu.memory_space<vmem>>
        %dma_start3A_198 = arith.constant 0 : i32
        %dma_start3A_199 = tpu.memref_slice %arg6[%add3A_192, %dma_start3A_198] : memref<80x250xi32, #tpu.memory_space<vmem>> -> memref<1x250xi32, #tpu.memory_space<vmem>>
        %dma_start3A_200 = tpu.memref_squeeze %dma_start3A_199 : memref<1x250xi32, #tpu.memory_space<vmem>> -> memref<250xi32, #tpu.memory_space<vmem>>
        %dma_start3A_201 = arith.constant 0 : i32
        %dma_start3A_202 = arith.constant 0 : i32
        %dma_start3A_203 = tpu.memref_slice %arg4[%arg0, %dma_start3A_201, %dma_start3A_202] : memref<2x10240x64xf32, #tpu.memory_space<hbm>> -> memref<1x10240x64xf32, #tpu.memory_space<hbm>>
        %dma_start3A_204 = tpu.memref_squeeze %dma_start3A_203 : memref<1x10240x64xf32, #tpu.memory_space<hbm>> -> memref<10240x64xf32, #tpu.memory_space<hbm>>
        %dma_start3A_205 = arith.constant 0 : i32
        %dma_start3A_206 = arith.constant 0 : i32
        %dma_start3A_207 = tpu.memref_slice %dma_start3A_204[%dma_start3A_205, %dma_start3A_206] : memref<10240x64xf32, #tpu.memory_space<hbm>> -> memref<10240x64xf32, #tpu.memory_space<hbm>>
        tpu.enqueue_indirect_dma source(%dma_start3A_207 : memref<10240x64xf32, #tpu.memory_space<hbm>>) target(%dma_start3A_197 : memref<250x64xf32, #tpu.memory_space<vmem>>) offsets(%dma_start3A_200 : memref<250xi32, #tpu.memory_space<vmem>>) semaphore(%arg14 : memref<!tpu.dma_semaphore, #tpu.memory_space<semaphore_mem>>)
      } else {
      }
    }
    %scan3A_101 = arith.constant 40 : i32
    %barrier3A_102 = arith.constant 0 : index
    tpu.barrier barrier_id(%barrier3A_102)
    "tpu.region"() ({
      %run_scoped3A = tpu.sem_alloc : memref<!tpu.dma_semaphore, #tpu.memory_space<semaphore_mem>>
      %dma_start3A_103 = arith.constant 0 : i32
      %dma_start3A_104 = tpu.memref_slice %arg5[%arg0, %mul3A_6, %dma_start3A_103] : memref<2x10240x64xf32, #tpu.memory_space<hbm>> -> memref<1x640x64xf32, #tpu.memory_space<hbm>>
      %dma_start3A_105 = tpu.memref_squeeze %dma_start3A_104 : memref<1x640x64xf32, #tpu.memory_space<hbm>> -> memref<640x64xf32, #tpu.memory_space<hbm>>
      %dma_start3A_106 = arith.constant 0 : i32
      %dma_start3A_107 = tpu.memref_slice %arg11[%mul3A_6, %dma_start3A_106] : memref<10240x64xf32, #tpu.memory_space<vmem_shared>> -> memref<640x64xf32, #tpu.memory_space<vmem_shared>>
      tpu.enqueue_dma source(%dma_start3A_107 : memref<640x64xf32, #tpu.memory_space<vmem_shared>>) target(%dma_start3A_105 : memref<640x64xf32, #tpu.memory_space<hbm>>) target_semaphore(%run_scoped3A : memref<!tpu.dma_semaphore, #tpu.memory_space<semaphore_mem>>)
      %dma_wait3A_108 = arith.constant 0 : i32
      %dma_wait3A_109 = tpu.memref_slice %arg5[%arg0, %mul3A_6, %dma_wait3A_108] : memref<2x10240x64xf32, #tpu.memory_space<hbm>> -> memref<1x640x64xf32, #tpu.memory_space<hbm>>
      %dma_wait3A_110 = tpu.memref_squeeze %dma_wait3A_109 : memref<1x640x64xf32, #tpu.memory_space<hbm>> -> memref<640x64xf32, #tpu.memory_space<hbm>>
      %dma_wait3A_111 = arith.constant 0 : i32
      %dma_wait3A_112 = tpu.memref_slice %arg11[%mul3A_6, %dma_wait3A_111] : memref<10240x64xf32, #tpu.memory_space<vmem_shared>> -> memref<640x64xf32, #tpu.memory_space<vmem_shared>>
      tpu.wait_dma2 semaphore(%run_scoped3A : memref<!tpu.dma_semaphore, #tpu.memory_space<semaphore_mem>>) src(%dma_wait3A_112 : memref<640x64xf32, #tpu.memory_space<vmem_shared>>) dst(%dma_wait3A_110 : memref<640x64xf32, #tpu.memory_space<hbm>>)
      tpu.yield
    }) : () -> ()
    return
  }
}

#map = affine_map<(d0, d1) -> (0, 0, 0)>
module attributes {stable_mosaic.version = 14 : i64} {
  func.func @sc_prop(%arg0: i32, %arg1: i32, %arg2: memref<16x80x250xi32, #tpu.memory_space<hbm>>, %arg3: memref<16x80x250xi32, #tpu.memory_space<hbm>>, %arg4: memref<2x10240x64xf32, #tpu.memory_space<hbm>>, %arg5: memref<2x10240x64xf32, #tpu.memory_space<hbm>>, %arg6: memref<80x250xi32, #tpu.memory_space<vmem>>, %arg7: memref<80x250xi32, #tpu.memory_space<vmem>>, %arg8: memref<2x250x64xf32, #tpu.memory_space<vmem>>, %arg9: memref<128x64xf32, #tpu.memory_space<vmem>>, %arg10: memref<250x8xf32, #tpu.memory_space<vmem>>, %arg11: memref<10240x64xf32, #tpu.memory_space<vmem_shared>>, %arg12: memref<10240x8xf32, #tpu.memory_space<vmem_shared>>, %arg13: memref<!tpu.dma_semaphore, #tpu.memory_space<semaphore_mem>>, %arg14: memref<!tpu.dma_semaphore, #tpu.memory_space<semaphore_mem>>, %arg15: memref<!tpu.dma_semaphore, #tpu.memory_space<semaphore_mem>>, %arg16: memref<!tpu.dma_semaphore, #tpu.memory_space<semaphore_mem>>, %arg17: memref<!tpu.dma_semaphore, #tpu.memory_space<semaphore_mem>>) attributes {dimension_semantics = [#tpu.dimension_semantics<core_parallel>, #tpu.dimension_semantics<subcore_parallel>], iteration_bounds = array<i64: 2, 16>, scalar_prefetch = 0 : i64, scratch_operands = 12 : i64, tpu.core_type = #tpu.core_type<sc_vector_subcore>, window_params = [{transform_indices = #map}, {transform_indices = #map}, {transform_indices = #map}, {transform_indices = #map}]} {
    %broadcast_in_dim3A = arith.constant 0.000000e+00 : f32
    %broadcast_in_dim3A_0 = vector.broadcast %broadcast_in_dim3A : f32 to vector<16xf32>
    %scan3A = arith.constant 0 : i32
    %scan3A_1 = arith.constant 0 : i32
    %scan3A_2 = arith.constant 128 : i32
    %scan3A_3 = arith.addi %scan3A_1, %scan3A_2 : i32
    %scan3A_4 = arith.constant 1 : i32
    scf.for %scan3A_103 = %scan3A_1 to %scan3A_3 step %scan3A_4  : i32 {
      %swap3A = arith.index_cast %scan3A_103 : i32 to index
      %swap3A_104 = arith.constant 0 : index
      %swap3A_105 = tpu.vector_load %arg9[%swap3A, %swap3A_104] {strides = array<i32>} : memref<128x64xf32, #tpu.memory_space<vmem>>, vector<1x16xf32>,
      %swap3A_106 = vector.shape_cast %swap3A_105 : vector<1x16xf32> to vector<16xf32>
      %swap3A_107 = vector.shape_cast %broadcast_in_dim3A_0 : vector<16xf32> to vector<1x16xf32>
      tpu.vector_store %arg9[%swap3A, %swap3A_104], %swap3A_107 {strides = array<i32>} : memref<128x64xf32, #tpu.memory_space<vmem>>, vector<1x16xf32>,
      %swap3A_108 = arith.index_cast %scan3A_103 : i32 to index
      %swap3A_109 = arith.constant 16 : index
      %swap3A_110 = tpu.vector_load %arg9[%swap3A_108, %swap3A_109] {strides = array<i32>} : memref<128x64xf32, #tpu.memory_space<vmem>>, vector<1x16xf32>,
      %swap3A_111 = vector.shape_cast %swap3A_110 : vector<1x16xf32> to vector<16xf32>
      %swap3A_112 = vector.shape_cast %broadcast_in_dim3A_0 : vector<16xf32> to vector<1x16xf32>
      tpu.vector_store %arg9[%swap3A_108, %swap3A_109], %swap3A_112 {strides = array<i32>} : memref<128x64xf32, #tpu.memory_space<vmem>>, vector<1x16xf32>,
      %swap3A_113 = arith.index_cast %scan3A_103 : i32 to index
      %swap3A_114 = arith.constant 32 : index
      %swap3A_115 = tpu.vector_load %arg9[%swap3A_113, %swap3A_114] {strides = array<i32>} : memref<128x64xf32, #tpu.memory_space<vmem>>, vector<1x16xf32>,
      %swap3A_116 = vector.shape_cast %swap3A_115 : vector<1x16xf32> to vector<16xf32>
      %swap3A_117 = vector.shape_cast %broadcast_in_dim3A_0 : vector<16xf32> to vector<1x16xf32>
      tpu.vector_store %arg9[%swap3A_113, %swap3A_114], %swap3A_117 {strides = array<i32>} : memref<128x64xf32, #tpu.memory_space<vmem>>, vector<1x16xf32>,
      %swap3A_118 = arith.index_cast %scan3A_103 : i32 to index
      %swap3A_119 = arith.constant 48 : index
      %swap3A_120 = tpu.vector_load %arg9[%swap3A_118, %swap3A_119] {strides = array<i32>} : memref<128x64xf32, #tpu.memory_space<vmem>>, vector<1x16xf32>,
      %swap3A_121 = vector.shape_cast %swap3A_120 : vector<1x16xf32> to vector<16xf32>
      %swap3A_122 = vector.shape_cast %broadcast_in_dim3A_0 : vector<16xf32> to vector<1x16xf32>
      tpu.vector_store %arg9[%swap3A_118, %swap3A_119], %swap3A_122 {strides = array<i32>} : memref<128x64xf32, #tpu.memory_space<vmem>>, vector<1x16xf32>,
    }
    %scan3A_5 = arith.constant 128 : i32
    %mul3A = arith.constant 640 : i32
    %mul3A_6 = arith.muli %arg1, %mul3A : i32
    %add3A = arith.constant 0 : i32
    %add3A_7 = arith.addi %mul3A_6, %add3A : i32
    %dma_start3A = arith.constant 0 : i32
    %dma_start3A_8 = tpu.memref_slice %arg11[%add3A_7, %dma_start3A] : memref<10240x64xf32, #tpu.memory_space<vmem_shared>> -> memref<128x64xf32, #tpu.memory_space<vmem_shared>>
    %dma_start3A_9 = arith.constant 0 : i32
    %dma_start3A_10 = tpu.memref_slice %arg11[%add3A_7, %dma_start3A_9] : memref<10240x64xf32, #tpu.memory_space<vmem_shared>> -> memref<128x64xf32, #tpu.memory_space<vmem_shared>>
    tpu.enqueue_dma source(%arg9 : memref<128x64xf32, #tpu.memory_space<vmem>>) target(%dma_start3A_10 : memref<128x64xf32, #tpu.memory_space<vmem_shared>>) target_semaphore(%arg17 : memref<!tpu.dma_semaphore, #tpu.memory_space<semaphore_mem>>)
    %add3A_11 = arith.constant 128 : i32
    %add3A_12 = arith.addi %mul3A_6, %add3A_11 : i32
    %dma_start3A_13 = arith.constant 0 : i32
    %dma_start3A_14 = tpu.memref_slice %arg11[%add3A_12, %dma_start3A_13] : memref<10240x64xf32, #tpu.memory_space<vmem_shared>> -> memref<128x64xf32, #tpu.memory_space<vmem_shared>>
    %dma_start3A_15 = arith.constant 0 : i32
    %dma_start3A_16 = tpu.memref_slice %arg11[%add3A_12, %dma_start3A_15] : memref<10240x64xf32, #tpu.memory_space<vmem_shared>> -> memref<128x64xf32, #tpu.memory_space<vmem_shared>>
    tpu.enqueue_dma source(%arg9 : memref<128x64xf32, #tpu.memory_space<vmem>>) target(%dma_start3A_16 : memref<128x64xf32, #tpu.memory_space<vmem_shared>>) target_semaphore(%arg17 : memref<!tpu.dma_semaphore, #tpu.memory_space<semaphore_mem>>)
    %add3A_17 = arith.constant 256 : i32
    %add3A_18 = arith.addi %mul3A_6, %add3A_17 : i32
    %dma_start3A_19 = arith.constant 0 : i32
    %dma_start3A_20 = tpu.memref_slice %arg11[%add3A_18, %dma_start3A_19] : memref<10240x64xf32, #tpu.memory_space<vmem_shared>> -> memref<128x64xf32, #tpu.memory_space<vmem_shared>>
    %dma_start3A_21 = arith.constant 0 : i32
    %dma_start3A_22 = tpu.memref_slice %arg11[%add3A_18, %dma_start3A_21] : memref<10240x64xf32, #tpu.memory_space<vmem_shared>> -> memref<128x64xf32, #tpu.memory_space<vmem_shared>>
    tpu.enqueue_dma source(%arg9 : memref<128x64xf32, #tpu.memory_space<vmem>>) target(%dma_start3A_22 : memref<128x64xf32, #tpu.memory_space<vmem_shared>>) target_semaphore(%arg17 : memref<!tpu.dma_semaphore, #tpu.memory_space<semaphore_mem>>)
    %add3A_23 = arith.constant 384 : i32
    %add3A_24 = arith.addi %mul3A_6, %add3A_23 : i32
    %dma_start3A_25 = arith.constant 0 : i32
    %dma_start3A_26 = tpu.memref_slice %arg11[%add3A_24, %dma_start3A_25] : memref<10240x64xf32, #tpu.memory_space<vmem_shared>> -> memref<128x64xf32, #tpu.memory_space<vmem_shared>>
    %dma_start3A_27 = arith.constant 0 : i32
    %dma_start3A_28 = tpu.memref_slice %arg11[%add3A_24, %dma_start3A_27] : memref<10240x64xf32, #tpu.memory_space<vmem_shared>> -> memref<128x64xf32, #tpu.memory_space<vmem_shared>>
    tpu.enqueue_dma source(%arg9 : memref<128x64xf32, #tpu.memory_space<vmem>>) target(%dma_start3A_28 : memref<128x64xf32, #tpu.memory_space<vmem_shared>>) target_semaphore(%arg17 : memref<!tpu.dma_semaphore, #tpu.memory_space<semaphore_mem>>)
    %add3A_29 = arith.constant 512 : i32
    %add3A_30 = arith.addi %mul3A_6, %add3A_29 : i32
    %dma_start3A_31 = arith.constant 0 : i32
    %dma_start3A_32 = tpu.memref_slice %arg11[%add3A_30, %dma_start3A_31] : memref<10240x64xf32, #tpu.memory_space<vmem_shared>> -> memref<128x64xf32, #tpu.memory_space<vmem_shared>>
    %dma_start3A_33 = arith.constant 0 : i32
    %dma_start3A_34 = tpu.memref_slice %arg11[%add3A_30, %dma_start3A_33] : memref<10240x64xf32, #tpu.memory_space<vmem_shared>> -> memref<128x64xf32, #tpu.memory_space<vmem_shared>>
    tpu.enqueue_dma source(%arg9 : memref<128x64xf32, #tpu.memory_space<vmem>>) target(%dma_start3A_34 : memref<128x64xf32, #tpu.memory_space<vmem_shared>>) target_semaphore(%arg17 : memref<!tpu.dma_semaphore, #tpu.memory_space<semaphore_mem>>)
    "tpu.region"() ({
      %run_scoped3A = tpu.sem_alloc : memref<!tpu.dma_semaphore, #tpu.memory_space<semaphore_mem>>
      %dma_start3A_103 = arith.constant 0 : i32
      %dma_start3A_104 = arith.constant 0 : i32
      %dma_start3A_105 = tpu.memref_slice %arg2[%arg1, %dma_start3A_103, %dma_start3A_104] : memref<16x80x250xi32, #tpu.memory_space<hbm>> -> memref<1x80x250xi32, #tpu.memory_space<hbm>>
      %dma_start3A_106 = tpu.memref_squeeze %dma_start3A_105 : memref<1x80x250xi32, #tpu.memory_space<hbm>> -> memref<80x250xi32, #tpu.memory_space<hbm>>
      %dma_start3A_107 = arith.constant 0 : i32
      %dma_start3A_108 = arith.constant 0 : i32
      %dma_start3A_109 = tpu.memref_slice %arg2[%arg1, %dma_start3A_107, %dma_start3A_108] : memref<16x80x250xi32, #tpu.memory_space<hbm>> -> memref<1x80x250xi32, #tpu.memory_space<hbm>>
      %dma_start3A_110 = tpu.memref_squeeze %dma_start3A_109 : memref<1x80x250xi32, #tpu.memory_space<hbm>> -> memref<80x250xi32, #tpu.memory_space<hbm>>
      tpu.enqueue_dma source(%dma_start3A_110 : memref<80x250xi32, #tpu.memory_space<hbm>>) target(%arg6 : memref<80x250xi32, #tpu.memory_space<vmem>>) target_semaphore(%run_scoped3A : memref<!tpu.dma_semaphore, #tpu.memory_space<semaphore_mem>>)
      %dma_wait3A_111 = arith.constant 0 : i32
      %dma_wait3A_112 = arith.constant 0 : i32
      %dma_wait3A_113 = tpu.memref_slice %arg2[%arg1, %dma_wait3A_111, %dma_wait3A_112] : memref<16x80x250xi32, #tpu.memory_space<hbm>> -> memref<1x80x250xi32, #tpu.memory_space<hbm>>
      %dma_wait3A_114 = tpu.memref_squeeze %dma_wait3A_113 : memref<1x80x250xi32, #tpu.memory_space<hbm>> -> memref<80x250xi32, #tpu.memory_space<hbm>>
      %dma_wait3A_115 = arith.constant 0 : i32
      %dma_wait3A_116 = arith.constant 0 : i32
      %dma_wait3A_117 = tpu.memref_slice %arg2[%arg1, %dma_wait3A_115, %dma_wait3A_116] : memref<16x80x250xi32, #tpu.memory_space<hbm>> -> memref<1x80x250xi32, #tpu.memory_space<hbm>>
      %dma_wait3A_118 = tpu.memref_squeeze %dma_wait3A_117 : memref<1x80x250xi32, #tpu.memory_space<hbm>> -> memref<80x250xi32, #tpu.memory_space<hbm>>
      tpu.wait_dma2 semaphore(%run_scoped3A : memref<!tpu.dma_semaphore, #tpu.memory_space<semaphore_mem>>) src(%dma_wait3A_118 : memref<80x250xi32, #tpu.memory_space<hbm>>) dst(%arg6 : memref<80x250xi32, #tpu.memory_space<vmem>>)
      tpu.yield
    }) : () -> ()
    "tpu.region"() ({
      %run_scoped3A = tpu.sem_alloc : memref<!tpu.dma_semaphore, #tpu.memory_space<semaphore_mem>>
      %dma_start3A_103 = arith.constant 0 : i32
      %dma_start3A_104 = arith.constant 0 : i32
      %dma_start3A_105 = tpu.memref_slice %arg3[%arg1, %dma_start3A_103, %dma_start3A_104] : memref<16x80x250xi32, #tpu.memory_space<hbm>> -> memref<1x80x250xi32, #tpu.memory_space<hbm>>
      %dma_start3A_106 = tpu.memref_squeeze %dma_start3A_105 : memref<1x80x250xi32, #tpu.memory_space<hbm>> -> memref<80x250xi32, #tpu.memory_space<hbm>>
      %dma_start3A_107 = arith.constant 0 : i32
      %dma_start3A_108 = arith.constant 0 : i32
      %dma_start3A_109 = tpu.memref_slice %arg3[%arg1, %dma_start3A_107, %dma_start3A_108] : memref<16x80x250xi32, #tpu.memory_space<hbm>> -> memref<1x80x250xi32, #tpu.memory_space<hbm>>
      %dma_start3A_110 = tpu.memref_squeeze %dma_start3A_109 : memref<1x80x250xi32, #tpu.memory_space<hbm>> -> memref<80x250xi32, #tpu.memory_space<hbm>>
      tpu.enqueue_dma source(%dma_start3A_110 : memref<80x250xi32, #tpu.memory_space<hbm>>) target(%arg7 : memref<80x250xi32, #tpu.memory_space<vmem>>) target_semaphore(%run_scoped3A : memref<!tpu.dma_semaphore, #tpu.memory_space<semaphore_mem>>)
      %dma_wait3A_111 = arith.constant 0 : i32
      %dma_wait3A_112 = arith.constant 0 : i32
      %dma_wait3A_113 = tpu.memref_slice %arg3[%arg1, %dma_wait3A_111, %dma_wait3A_112] : memref<16x80x250xi32, #tpu.memory_space<hbm>> -> memref<1x80x250xi32, #tpu.memory_space<hbm>>
      %dma_wait3A_114 = tpu.memref_squeeze %dma_wait3A_113 : memref<1x80x250xi32, #tpu.memory_space<hbm>> -> memref<80x250xi32, #tpu.memory_space<hbm>>
      %dma_wait3A_115 = arith.constant 0 : i32
      %dma_wait3A_116 = arith.constant 0 : i32
      %dma_wait3A_117 = tpu.memref_slice %arg3[%arg1, %dma_wait3A_115, %dma_wait3A_116] : memref<16x80x250xi32, #tpu.memory_space<hbm>> -> memref<1x80x250xi32, #tpu.memory_space<hbm>>
      %dma_wait3A_118 = tpu.memref_squeeze %dma_wait3A_117 : memref<1x80x250xi32, #tpu.memory_space<hbm>> -> memref<80x250xi32, #tpu.memory_space<hbm>>
      tpu.wait_dma2 semaphore(%run_scoped3A : memref<!tpu.dma_semaphore, #tpu.memory_space<semaphore_mem>>) src(%dma_wait3A_118 : memref<80x250xi32, #tpu.memory_space<hbm>>) dst(%arg7 : memref<80x250xi32, #tpu.memory_space<vmem>>)
      tpu.yield
    }) : () -> ()
    %dma_start3A_35 = arith.constant 0 : i32
    %dma_start3A_36 = arith.constant 0 : i32
    %dma_start3A_37 = arith.constant 0 : i32
    %dma_start3A_38 = arith.constant 0 : i32
    %dma_start3A_39 = tpu.memref_slice %arg8[%dma_start3A_36, %dma_start3A_37, %dma_start3A_38] : memref<2x250x64xf32, #tpu.memory_space<vmem>> -> memref<1x250x64xf32, #tpu.memory_space<vmem>>
    %dma_start3A_40 = tpu.memref_squeeze %dma_start3A_39 : memref<1x250x64xf32, #tpu.memory_space<vmem>> -> memref<250x64xf32, #tpu.memory_space<vmem>>
    %dma_start3A_41 = arith.constant 0 : i32
    %dma_start3A_42 = tpu.memref_slice %arg6[%dma_start3A_35, %dma_start3A_41] : memref<80x250xi32, #tpu.memory_space<vmem>> -> memref<1x250xi32, #tpu.memory_space<vmem>>
    %dma_start3A_43 = tpu.memref_squeeze %dma_start3A_42 : memref<1x250xi32, #tpu.memory_space<vmem>> -> memref<250xi32, #tpu.memory_space<vmem>>
    %dma_start3A_44 = arith.constant 0 : i32
    %dma_start3A_45 = arith.constant 0 : i32
    %dma_start3A_46 = tpu.memref_slice %arg4[%arg0, %dma_start3A_44, %dma_start3A_45] : memref<2x10240x64xf32, #tpu.memory_space<hbm>> -> memref<1x10240x64xf32, #tpu.memory_space<hbm>>
    %dma_start3A_47 = tpu.memref_squeeze %dma_start3A_46 : memref<1x10240x64xf32, #tpu.memory_space<hbm>> -> memref<10240x64xf32, #tpu.memory_space<hbm>>
    %dma_start3A_48 = arith.constant 0 : i32
    %dma_start3A_49 = arith.constant 0 : i32
    %dma_start3A_50 = tpu.memref_slice %dma_start3A_47[%dma_start3A_48, %dma_start3A_49] : memref<10240x64xf32, #tpu.memory_space<hbm>> -> memref<10240x64xf32, #tpu.memory_space<hbm>>
    tpu.enqueue_indirect_dma source(%dma_start3A_50 : memref<10240x64xf32, #tpu.memory_space<hbm>>) target(%dma_start3A_40 : memref<250x64xf32, #tpu.memory_space<vmem>>) offsets(%dma_start3A_43 : memref<250xi32, #tpu.memory_space<vmem>>) semaphore(%arg13 : memref<!tpu.dma_semaphore, #tpu.memory_space<semaphore_mem>>)
    %dma_start3A_51 = arith.constant 1 : i32
    %dma_start3A_52 = arith.constant 1 : i32
    %dma_start3A_53 = arith.constant 0 : i32
    %dma_start3A_54 = arith.constant 0 : i32
    %dma_start3A_55 = tpu.memref_slice %arg8[%dma_start3A_52, %dma_start3A_53, %dma_start3A_54] : memref<2x250x64xf32, #tpu.memory_space<vmem>> -> memref<1x250x64xf32, #tpu.memory_space<vmem>>
    %dma_start3A_56 = tpu.memref_squeeze %dma_start3A_55 : memref<1x250x64xf32, #tpu.memory_space<vmem>> -> memref<250x64xf32, #tpu.memory_space<vmem>>
    %dma_start3A_57 = arith.constant 0 : i32
    %dma_start3A_58 = tpu.memref_slice %arg6[%dma_start3A_51, %dma_start3A_57] : memref<80x250xi32, #tpu.memory_space<vmem>> -> memref<1x250xi32, #tpu.memory_space<vmem>>
    %dma_start3A_59 = tpu.memref_squeeze %dma_start3A_58 : memref<1x250xi32, #tpu.memory_space<vmem>> -> memref<250xi32, #tpu.memory_space<vmem>>
    %dma_start3A_60 = arith.constant 0 : i32
    %dma_start3A_61 = arith.constant 0 : i32
    %dma_start3A_62 = tpu.memref_slice %arg4[%arg0, %dma_start3A_60, %dma_start3A_61] : memref<2x10240x64xf32, #tpu.memory_space<hbm>> -> memref<1x10240x64xf32, #tpu.memory_space<hbm>>
    %dma_start3A_63 = tpu.memref_squeeze %dma_start3A_62 : memref<1x10240x64xf32, #tpu.memory_space<hbm>> -> memref<10240x64xf32, #tpu.memory_space<hbm>>
    %dma_start3A_64 = arith.constant 0 : i32
    %dma_start3A_65 = arith.constant 0 : i32
    %dma_start3A_66 = tpu.memref_slice %dma_start3A_63[%dma_start3A_64, %dma_start3A_65] : memref<10240x64xf32, #tpu.memory_space<hbm>> -> memref<10240x64xf32, #tpu.memory_space<hbm>>
    tpu.enqueue_indirect_dma source(%dma_start3A_66 : memref<10240x64xf32, #tpu.memory_space<hbm>>) target(%dma_start3A_56 : memref<250x64xf32, #tpu.memory_space<vmem>>) offsets(%dma_start3A_59 : memref<250xi32, #tpu.memory_space<vmem>>) semaphore(%arg14 : memref<!tpu.dma_semaphore, #tpu.memory_space<semaphore_mem>>)
    %add3A_67 = arith.constant 0 : i32
    %add3A_68 = arith.addi %mul3A_6, %add3A_67 : i32
    %dma_wait3A = arith.constant 0 : i32
    %dma_wait3A_69 = tpu.memref_slice %arg11[%add3A_68, %dma_wait3A] : memref<10240x64xf32, #tpu.memory_space<vmem_shared>> -> memref<128x64xf32, #tpu.memory_space<vmem_shared>>
    %dma_wait3A_70 = arith.constant 0 : i32
    %dma_wait3A_71 = tpu.memref_slice %arg11[%add3A_68, %dma_wait3A_70] : memref<10240x64xf32, #tpu.memory_space<vmem_shared>> -> memref<128x64xf32, #tpu.memory_space<vmem_shared>>
    tpu.wait_dma2 semaphore(%arg17 : memref<!tpu.dma_semaphore, #tpu.memory_space<semaphore_mem>>) src(%arg9 : memref<128x64xf32, #tpu.memory_space<vmem>>) dst(%dma_wait3A_71 : memref<128x64xf32, #tpu.memory_space<vmem_shared>>)
    %add3A_72 = arith.constant 128 : i32
    %add3A_73 = arith.addi %mul3A_6, %add3A_72 : i32
    %dma_wait3A_74 = arith.constant 0 : i32
    %dma_wait3A_75 = tpu.memref_slice %arg11[%add3A_73, %dma_wait3A_74] : memref<10240x64xf32, #tpu.memory_space<vmem_shared>> -> memref<128x64xf32, #tpu.memory_space<vmem_shared>>
    %dma_wait3A_76 = arith.constant 0 : i32
    %dma_wait3A_77 = tpu.memref_slice %arg11[%add3A_73, %dma_wait3A_76] : memref<10240x64xf32, #tpu.memory_space<vmem_shared>> -> memref<128x64xf32, #tpu.memory_space<vmem_shared>>
    tpu.wait_dma2 semaphore(%arg17 : memref<!tpu.dma_semaphore, #tpu.memory_space<semaphore_mem>>) src(%arg9 : memref<128x64xf32, #tpu.memory_space<vmem>>) dst(%dma_wait3A_77 : memref<128x64xf32, #tpu.memory_space<vmem_shared>>)
    %add3A_78 = arith.constant 256 : i32
    %add3A_79 = arith.addi %mul3A_6, %add3A_78 : i32
    %dma_wait3A_80 = arith.constant 0 : i32
    %dma_wait3A_81 = tpu.memref_slice %arg11[%add3A_79, %dma_wait3A_80] : memref<10240x64xf32, #tpu.memory_space<vmem_shared>> -> memref<128x64xf32, #tpu.memory_space<vmem_shared>>
    %dma_wait3A_82 = arith.constant 0 : i32
    %dma_wait3A_83 = tpu.memref_slice %arg11[%add3A_79, %dma_wait3A_82] : memref<10240x64xf32, #tpu.memory_space<vmem_shared>> -> memref<128x64xf32, #tpu.memory_space<vmem_shared>>
    tpu.wait_dma2 semaphore(%arg17 : memref<!tpu.dma_semaphore, #tpu.memory_space<semaphore_mem>>) src(%arg9 : memref<128x64xf32, #tpu.memory_space<vmem>>) dst(%dma_wait3A_83 : memref<128x64xf32, #tpu.memory_space<vmem_shared>>)
    %add3A_84 = arith.constant 384 : i32
    %add3A_85 = arith.addi %mul3A_6, %add3A_84 : i32
    %dma_wait3A_86 = arith.constant 0 : i32
    %dma_wait3A_87 = tpu.memref_slice %arg11[%add3A_85, %dma_wait3A_86] : memref<10240x64xf32, #tpu.memory_space<vmem_shared>> -> memref<128x64xf32, #tpu.memory_space<vmem_shared>>
    %dma_wait3A_88 = arith.constant 0 : i32
    %dma_wait3A_89 = tpu.memref_slice %arg11[%add3A_85, %dma_wait3A_88] : memref<10240x64xf32, #tpu.memory_space<vmem_shared>> -> memref<128x64xf32, #tpu.memory_space<vmem_shared>>
    tpu.wait_dma2 semaphore(%arg17 : memref<!tpu.dma_semaphore, #tpu.memory_space<semaphore_mem>>) src(%arg9 : memref<128x64xf32, #tpu.memory_space<vmem>>) dst(%dma_wait3A_89 : memref<128x64xf32, #tpu.memory_space<vmem_shared>>)
    %add3A_90 = arith.constant 512 : i32
    %add3A_91 = arith.addi %mul3A_6, %add3A_90 : i32
    %dma_wait3A_92 = arith.constant 0 : i32
    %dma_wait3A_93 = tpu.memref_slice %arg11[%add3A_91, %dma_wait3A_92] : memref<10240x64xf32, #tpu.memory_space<vmem_shared>> -> memref<128x64xf32, #tpu.memory_space<vmem_shared>>
    %dma_wait3A_94 = arith.constant 0 : i32
    %dma_wait3A_95 = tpu.memref_slice %arg11[%add3A_91, %dma_wait3A_94] : memref<10240x64xf32, #tpu.memory_space<vmem_shared>> -> memref<128x64xf32, #tpu.memory_space<vmem_shared>>
    tpu.wait_dma2 semaphore(%arg17 : memref<!tpu.dma_semaphore, #tpu.memory_space<semaphore_mem>>) src(%arg9 : memref<128x64xf32, #tpu.memory_space<vmem>>) dst(%dma_wait3A_95 : memref<128x64xf32, #tpu.memory_space<vmem_shared>>)
    %barrier3A = arith.constant 0 : index
    tpu.barrier barrier_id(%barrier3A)
    %scan3A_96 = arith.constant 0 : i32
    %scan3A_97 = arith.constant 0 : i32
    %scan3A_98 = arith.constant 40 : i32
    %scan3A_99 = arith.addi %scan3A_97, %scan3A_98 : i32
    %scan3A_100 = arith.constant 1 : i32
    scf.for %scan3A_103 = %scan3A_97 to %scan3A_99 step %scan3A_100  : i32 {
      %mul3A_104 = arith.constant 2 : i32
      %mul3A_105 = arith.muli %scan3A_103, %mul3A_104 : i32
      %add3A_106 = arith.constant 0 : i32
      %add3A_107 = arith.addi %mul3A_105, %add3A_106 : i32
      %dma_wait3A_108 = arith.constant 0 : i32
      %dma_wait3A_109 = arith.constant 0 : i32
      %dma_wait3A_110 = arith.constant 0 : i32
      %dma_wait3A_111 = tpu.memref_slice %arg8[%dma_wait3A_108, %dma_wait3A_109, %dma_wait3A_110] : memref<2x250x64xf32, #tpu.memory_space<vmem>> -> memref<1x250x64xf32, #tpu.memory_space<vmem>>
      %dma_wait3A_112 = tpu.memref_squeeze %dma_wait3A_111 : memref<1x250x64xf32, #tpu.memory_space<vmem>> -> memref<250x64xf32, #tpu.memory_space<vmem>>
      %dma_wait3A_113 = arith.constant 0 : i32
      %dma_wait3A_114 = tpu.memref_slice %arg6[%add3A_107, %dma_wait3A_113] : memref<80x250xi32, #tpu.memory_space<vmem>> -> memref<1x250xi32, #tpu.memory_space<vmem>>
      %dma_wait3A_115 = tpu.memref_squeeze %dma_wait3A_114 : memref<1x250xi32, #tpu.memory_space<vmem>> -> memref<250xi32, #tpu.memory_space<vmem>>
      %dma_wait3A_116 = arith.constant 0 : i32
      %dma_wait3A_117 = arith.constant 0 : i32
      %dma_wait3A_118 = tpu.memref_slice %arg4[%arg0, %dma_wait3A_116, %dma_wait3A_117] : memref<2x10240x64xf32, #tpu.memory_space<hbm>> -> memref<1x10240x64xf32, #tpu.memory_space<hbm>>
      %dma_wait3A_119 = tpu.memref_squeeze %dma_wait3A_118 : memref<1x10240x64xf32, #tpu.memory_space<hbm>> -> memref<10240x64xf32, #tpu.memory_space<hbm>>
      %dma_wait3A_120 = arith.constant 0 : i32
      %dma_wait3A_121 = arith.constant 0 : i32
      %dma_wait3A_122 = tpu.memref_slice %dma_wait3A_119[%dma_wait3A_120, %dma_wait3A_121] : memref<10240x64xf32, #tpu.memory_space<hbm>> -> memref<10240x64xf32, #tpu.memory_space<hbm>>
      tpu.wait_indirect_dma semaphore(%arg13 : memref<!tpu.dma_semaphore, #tpu.memory_space<semaphore_mem>>) src(%dma_wait3A_122 : memref<10240x64xf32, #tpu.memory_space<hbm>>) dst(%dma_wait3A_112 : memref<250x64xf32, #tpu.memory_space<vmem>>)
      %dma_start3A_123 = arith.constant 0 : i32
      %dma_start3A_124 = arith.constant 0 : i32
      %dma_start3A_125 = arith.constant 0 : i32
      %dma_start3A_126 = tpu.memref_slice %arg8[%dma_start3A_123, %dma_start3A_124, %dma_start3A_125] : memref<2x250x64xf32, #tpu.memory_space<vmem>> -> memref<1x250x64xf32, #tpu.memory_space<vmem>>
      %dma_start3A_127 = tpu.memref_squeeze %dma_start3A_126 : memref<1x250x64xf32, #tpu.memory_space<vmem>> -> memref<250x64xf32, #tpu.memory_space<vmem>>
      %dma_start3A_128 = arith.constant 0 : i32
      %dma_start3A_129 = tpu.memref_slice %arg7[%add3A_107, %dma_start3A_128] : memref<80x250xi32, #tpu.memory_space<vmem>> -> memref<1x250xi32, #tpu.memory_space<vmem>>
      %dma_start3A_130 = tpu.memref_squeeze %dma_start3A_129 : memref<1x250xi32, #tpu.memory_space<vmem>> -> memref<250xi32, #tpu.memory_space<vmem>>
      %dma_start3A_131 = arith.constant 0 : i32
      %dma_start3A_132 = arith.constant 0 : i32
      %dma_start3A_133 = tpu.memref_slice %arg11[%dma_start3A_131, %dma_start3A_132] : memref<10240x64xf32, #tpu.memory_space<vmem_shared>> -> memref<10240x64xf32, #tpu.memory_space<vmem_shared>>
      tpu.enqueue_indirect_dma source(%dma_start3A_127 : memref<250x64xf32, #tpu.memory_space<vmem>>) target(%dma_start3A_133 : memref<10240x64xf32, #tpu.memory_space<vmem_shared>>) offsets(%dma_start3A_130 : memref<250xi32, #tpu.memory_space<vmem>>) semaphore(%arg15 : memref<!tpu.dma_semaphore, #tpu.memory_space<semaphore_mem>>) {add = true}
      %dma_wait3A_134 = arith.constant 0 : i32
      %dma_wait3A_135 = arith.constant 0 : i32
      %dma_wait3A_136 = arith.constant 0 : i32
      %dma_wait3A_137 = tpu.memref_slice %arg8[%dma_wait3A_134, %dma_wait3A_135, %dma_wait3A_136] : memref<2x250x64xf32, #tpu.memory_space<vmem>> -> memref<1x250x64xf32, #tpu.memory_space<vmem>>
      %dma_wait3A_138 = tpu.memref_squeeze %dma_wait3A_137 : memref<1x250x64xf32, #tpu.memory_space<vmem>> -> memref<250x64xf32, #tpu.memory_space<vmem>>
      %dma_wait3A_139 = arith.constant 0 : i32
      %dma_wait3A_140 = tpu.memref_slice %arg7[%add3A_107, %dma_wait3A_139] : memref<80x250xi32, #tpu.memory_space<vmem>> -> memref<1x250xi32, #tpu.memory_space<vmem>>
      %dma_wait3A_141 = tpu.memref_squeeze %dma_wait3A_140 : memref<1x250xi32, #tpu.memory_space<vmem>> -> memref<250xi32, #tpu.memory_space<vmem>>
      %dma_wait3A_142 = arith.constant 0 : i32
      %dma_wait3A_143 = arith.constant 0 : i32
      %dma_wait3A_144 = tpu.memref_slice %arg11[%dma_wait3A_142, %dma_wait3A_143] : memref<10240x64xf32, #tpu.memory_space<vmem_shared>> -> memref<10240x64xf32, #tpu.memory_space<vmem_shared>>
      tpu.wait_indirect_dma semaphore(%arg15 : memref<!tpu.dma_semaphore, #tpu.memory_space<semaphore_mem>>) src(%dma_wait3A_138 : memref<250x64xf32, #tpu.memory_space<vmem>>) dst(%dma_wait3A_144 : memref<10240x64xf32, #tpu.memory_space<vmem_shared>>)
      %lt3A = arith.constant 39 : i32
      %lt3A_145 = arith.cmpi slt, %scan3A_103, %lt3A : i32
      %convert_element_type3A = arith.extui %lt3A_145 : i1 to i32
      %cond3A = arith.constant 0 : i32
      %cond3A_146 = arith.cmpi ne, %convert_element_type3A, %cond3A : i32
      scf.if %cond3A_146 {
        %add3A_191 = arith.constant 2 : i32
        %add3A_192 = arith.addi %add3A_107, %add3A_191 : i32
        %dma_start3A_193 = arith.constant 0 : i32
        %dma_start3A_194 = arith.constant 0 : i32
        %dma_start3A_195 = arith.constant 0 : i32
        %dma_start3A_196 = tpu.memref_slice %arg8[%dma_start3A_193, %dma_start3A_194, %dma_start3A_195] : memref<2x250x64xf32, #tpu.memory_space<vmem>> -> memref<1x250x64xf32, #tpu.memory_space<vmem>>
        %dma_start3A_197 = tpu.memref_squeeze %dma_start3A_196 : memref<1x250x64xf32, #tpu.memory_space<vmem>> -> memref<250x64xf32, #tpu.memory_space<vmem>>
        %dma_start3A_198 = arith.constant 0 : i32
        %dma_start3A_199 = tpu.memref_slice %arg6[%add3A_192, %dma_start3A_198] : memref<80x250xi32, #tpu.memory_space<vmem>> -> memref<1x250xi32, #tpu.memory_space<vmem>>
        %dma_start3A_200 = tpu.memref_squeeze %dma_start3A_199 : memref<1x250xi32, #tpu.memory_space<vmem>> -> memref<250xi32, #tpu.memory_space<vmem>>
        %dma_start3A_201 = arith.constant 0 : i32
        %dma_start3A_202 = arith.constant 0 : i32
        %dma_start3A_203 = tpu.memref_slice %arg4[%arg0, %dma_start3A_201, %dma_start3A_202] : memref<2x10240x64xf32, #tpu.memory_space<hbm>> -> memref<1x10240x64xf32, #tpu.memory_space<hbm>>
        %dma_start3A_204 = tpu.memref_squeeze %dma_start3A_203 : memref<1x10240x64xf32, #tpu.memory_space<hbm>> -> memref<10240x64xf32, #tpu.memory_space<hbm>>
        %dma_start3A_205 = arith.constant 0 : i32
        %dma_start3A_206 = arith.constant 0 : i32
        %dma_start3A_207 = tpu.memref_slice %dma_start3A_204[%dma_start3A_205, %dma_start3A_206] : memref<10240x64xf32, #tpu.memory_space<hbm>> -> memref<10240x64xf32, #tpu.memory_space<hbm>>
        tpu.enqueue_indirect_dma source(%dma_start3A_207 : memref<10240x64xf32, #tpu.memory_space<hbm>>) target(%dma_start3A_197 : memref<250x64xf32, #tpu.memory_space<vmem>>) offsets(%dma_start3A_200 : memref<250xi32, #tpu.memory_space<vmem>>) semaphore(%arg13 : memref<!tpu.dma_semaphore, #tpu.memory_space<semaphore_mem>>)
      } else {
      }
      %add3A_147 = arith.constant 1 : i32
      %add3A_148 = arith.addi %mul3A_105, %add3A_147 : i32
      %dma_wait3A_149 = arith.constant 1 : i32
      %dma_wait3A_150 = arith.constant 0 : i32
      %dma_wait3A_151 = arith.constant 0 : i32
      %dma_wait3A_152 = tpu.memref_slice %arg8[%dma_wait3A_149, %dma_wait3A_150, %dma_wait3A_151] : memref<2x250x64xf32, #tpu.memory_space<vmem>> -> memref<1x250x64xf32, #tpu.memory_space<vmem>>
      %dma_wait3A_153 = tpu.memref_squeeze %dma_wait3A_152 : memref<1x250x64xf32, #tpu.memory_space<vmem>> -> memref<250x64xf32, #tpu.memory_space<vmem>>
      %dma_wait3A_154 = arith.constant 0 : i32
      %dma_wait3A_155 = tpu.memref_slice %arg6[%add3A_148, %dma_wait3A_154] : memref<80x250xi32, #tpu.memory_space<vmem>> -> memref<1x250xi32, #tpu.memory_space<vmem>>
      %dma_wait3A_156 = tpu.memref_squeeze %dma_wait3A_155 : memref<1x250xi32, #tpu.memory_space<vmem>> -> memref<250xi32, #tpu.memory_space<vmem>>
      %dma_wait3A_157 = arith.constant 0 : i32
      %dma_wait3A_158 = arith.constant 0 : i32
      %dma_wait3A_159 = tpu.memref_slice %arg4[%arg0, %dma_wait3A_157, %dma_wait3A_158] : memref<2x10240x64xf32, #tpu.memory_space<hbm>> -> memref<1x10240x64xf32, #tpu.memory_space<hbm>>
      %dma_wait3A_160 = tpu.memref_squeeze %dma_wait3A_159 : memref<1x10240x64xf32, #tpu.memory_space<hbm>> -> memref<10240x64xf32, #tpu.memory_space<hbm>>
      %dma_wait3A_161 = arith.constant 0 : i32
      %dma_wait3A_162 = arith.constant 0 : i32
      %dma_wait3A_163 = tpu.memref_slice %dma_wait3A_160[%dma_wait3A_161, %dma_wait3A_162] : memref<10240x64xf32, #tpu.memory_space<hbm>> -> memref<10240x64xf32, #tpu.memory_space<hbm>>
      tpu.wait_indirect_dma semaphore(%arg14 : memref<!tpu.dma_semaphore, #tpu.memory_space<semaphore_mem>>) src(%dma_wait3A_163 : memref<10240x64xf32, #tpu.memory_space<hbm>>) dst(%dma_wait3A_153 : memref<250x64xf32, #tpu.memory_space<vmem>>)
      %dma_start3A_164 = arith.constant 1 : i32
      %dma_start3A_165 = arith.constant 0 : i32
      %dma_start3A_166 = arith.constant 0 : i32
      %dma_start3A_167 = tpu.memref_slice %arg8[%dma_start3A_164, %dma_start3A_165, %dma_start3A_166] : memref<2x250x64xf32, #tpu.memory_space<vmem>> -> memref<1x250x64xf32, #tpu.memory_space<vmem>>
      %dma_start3A_168 = tpu.memref_squeeze %dma_start3A_167 : memref<1x250x64xf32, #tpu.memory_space<vmem>> -> memref<250x64xf32, #tpu.memory_space<vmem>>
      %dma_start3A_169 = arith.constant 0 : i32
      %dma_start3A_170 = tpu.memref_slice %arg7[%add3A_148, %dma_start3A_169] : memref<80x250xi32, #tpu.memory_space<vmem>> -> memref<1x250xi32, #tpu.memory_space<vmem>>
      %dma_start3A_171 = tpu.memref_squeeze %dma_start3A_170 : memref<1x250xi32, #tpu.memory_space<vmem>> -> memref<250xi32, #tpu.memory_space<vmem>>
      %dma_start3A_172 = arith.constant 0 : i32
      %dma_start3A_173 = arith.constant 0 : i32
      %dma_start3A_174 = tpu.memref_slice %arg11[%dma_start3A_172, %dma_start3A_173] : memref<10240x64xf32, #tpu.memory_space<vmem_shared>> -> memref<10240x64xf32, #tpu.memory_space<vmem_shared>>
      tpu.enqueue_indirect_dma source(%dma_start3A_168 : memref<250x64xf32, #tpu.memory_space<vmem>>) target(%dma_start3A_174 : memref<10240x64xf32, #tpu.memory_space<vmem_shared>>) offsets(%dma_start3A_171 : memref<250xi32, #tpu.memory_space<vmem>>) semaphore(%arg16 : memref<!tpu.dma_semaphore, #tpu.memory_space<semaphore_mem>>) {add = true}
      %dma_wait3A_175 = arith.constant 1 : i32
      %dma_wait3A_176 = arith.constant 0 : i32
      %dma_wait3A_177 = arith.constant 0 : i32
      %dma_wait3A_178 = tpu.memref_slice %arg8[%dma_wait3A_175, %dma_wait3A_176, %dma_wait3A_177] : memref<2x250x64xf32, #tpu.memory_space<vmem>> -> memref<1x250x64xf32, #tpu.memory_space<vmem>>
      %dma_wait3A_179 = tpu.memref_squeeze %dma_wait3A_178 : memref<1x250x64xf32, #tpu.memory_space<vmem>> -> memref<250x64xf32, #tpu.memory_space<vmem>>
      %dma_wait3A_180 = arith.constant 0 : i32
      %dma_wait3A_181 = tpu.memref_slice %arg7[%add3A_148, %dma_wait3A_180] : memref<80x250xi32, #tpu.memory_space<vmem>> -> memref<1x250xi32, #tpu.memory_space<vmem>>
      %dma_wait3A_182 = tpu.memref_squeeze %dma_wait3A_181 : memref<1x250xi32, #tpu.memory_space<vmem>> -> memref<250xi32, #tpu.memory_space<vmem>>
      %dma_wait3A_183 = arith.constant 0 : i32
      %dma_wait3A_184 = arith.constant 0 : i32
      %dma_wait3A_185 = tpu.memref_slice %arg11[%dma_wait3A_183, %dma_wait3A_184] : memref<10240x64xf32, #tpu.memory_space<vmem_shared>> -> memref<10240x64xf32, #tpu.memory_space<vmem_shared>>
      tpu.wait_indirect_dma semaphore(%arg16 : memref<!tpu.dma_semaphore, #tpu.memory_space<semaphore_mem>>) src(%dma_wait3A_179 : memref<250x64xf32, #tpu.memory_space<vmem>>) dst(%dma_wait3A_185 : memref<10240x64xf32, #tpu.memory_space<vmem_shared>>)
      %lt3A_186 = arith.constant 39 : i32
      %lt3A_187 = arith.cmpi slt, %scan3A_103, %lt3A_186 : i32
      %convert_element_type3A_188 = arith.extui %lt3A_187 : i1 to i32
      %cond3A_189 = arith.constant 0 : i32
      %cond3A_190 = arith.cmpi ne, %convert_element_type3A_188, %cond3A_189 : i32
      scf.if %cond3A_190 {
        %add3A_191 = arith.constant 2 : i32
        %add3A_192 = arith.addi %add3A_148, %add3A_191 : i32
        %dma_start3A_193 = arith.constant 1 : i32
        %dma_start3A_194 = arith.constant 0 : i32
        %dma_start3A_195 = arith.constant 0 : i32
        %dma_start3A_196 = tpu.memref_slice %arg8[%dma_start3A_193, %dma_start3A_194, %dma_start3A_195] : memref<2x250x64xf32, #tpu.memory_space<vmem>> -> memref<1x250x64xf32, #tpu.memory_space<vmem>>
        %dma_start3A_197 = tpu.memref_squeeze %dma_start3A_196 : memref<1x250x64xf32, #tpu.memory_space<vmem>> -> memref<250x64xf32, #tpu.memory_space<vmem>>
        %dma_start3A_198 = arith.constant 0 : i32
        %dma_start3A_199 = tpu.memref_slice %arg6[%add3A_192, %dma_start3A_198] : memref<80x250xi32, #tpu.memory_space<vmem>> -> memref<1x250xi32, #tpu.memory_space<vmem>>
        %dma_start3A_200 = tpu.memref_squeeze %dma_start3A_199 : memref<1x250xi32, #tpu.memory_space<vmem>> -> memref<250xi32, #tpu.memory_space<vmem>>
        %dma_start3A_201 = arith.constant 0 : i32
        %dma_start3A_202 = arith.constant 0 : i32
        %dma_start3A_203 = tpu.memref_slice %arg4[%arg0, %dma_start3A_201, %dma_start3A_202] : memref<2x10240x64xf32, #tpu.memory_space<hbm>> -> memref<1x10240x64xf32, #tpu.memory_space<hbm>>
        %dma_start3A_204 = tpu.memref_squeeze %dma_start3A_203 : memref<1x10240x64xf32, #tpu.memory_space<hbm>> -> memref<10240x64xf32, #tpu.memory_space<hbm>>
        %dma_start3A_205 = arith.constant 0 : i32
        %dma_start3A_206 = arith.constant 0 : i32
        %dma_start3A_207 = tpu.memref_slice %dma_start3A_204[%dma_start3A_205, %dma_start3A_206] : memref<10240x64xf32, #tpu.memory_space<hbm>> -> memref<10240x64xf32, #tpu.memory_space<hbm>>
        tpu.enqueue_indirect_dma source(%dma_start3A_207 : memref<10240x64xf32, #tpu.memory_space<hbm>>) target(%dma_start3A_197 : memref<250x64xf32, #tpu.memory_space<vmem>>) offsets(%dma_start3A_200 : memref<250xi32, #tpu.memory_space<vmem>>) semaphore(%arg14 : memref<!tpu.dma_semaphore, #tpu.memory_space<semaphore_mem>>)
      } else {
      }
    }
    %scan3A_101 = arith.constant 40 : i32
    %barrier3A_102 = arith.constant 0 : index
    tpu.barrier barrier_id(%barrier3A_102)
    "tpu.region"() ({
      %run_scoped3A = tpu.sem_alloc : memref<!tpu.dma_semaphore, #tpu.memory_space<semaphore_mem>>
      %dma_start3A_103 = arith.constant 0 : i32
      %dma_start3A_104 = tpu.memref_slice %arg5[%arg0, %mul3A_6, %dma_start3A_103] : memref<2x10240x64xf32, #tpu.memory_space<hbm>> -> memref<1x640x64xf32, #tpu.memory_space<hbm>>
      %dma_start3A_105 = tpu.memref_squeeze %dma_start3A_104 : memref<1x640x64xf32, #tpu.memory_space<hbm>> -> memref<640x64xf32, #tpu.memory_space<hbm>>
      %dma_start3A_106 = arith.constant 0 : i32
      %dma_start3A_107 = tpu.memref_slice %arg11[%mul3A_6, %dma_start3A_106] : memref<10240x64xf32, #tpu.memory_space<vmem_shared>> -> memref<640x64xf32, #tpu.memory_space<vmem_shared>>
      tpu.enqueue_dma source(%dma_start3A_107 : memref<640x64xf32, #tpu.memory_space<vmem_shared>>) target(%dma_start3A_105 : memref<640x64xf32, #tpu.memory_space<hbm>>) target_semaphore(%run_scoped3A : memref<!tpu.dma_semaphore, #tpu.memory_space<semaphore_mem>>)
      %dma_wait3A_108 = arith.constant 0 : i32
      %dma_wait3A_109 = tpu.memref_slice %arg5[%arg0, %mul3A_6, %dma_wait3A_108] : memref<2x10240x64xf32, #tpu.memory_space<hbm>> -> memref<1x640x64xf32, #tpu.memory_space<hbm>>
      %dma_wait3A_110 = tpu.memref_squeeze %dma_wait3A_109 : memref<1x640x64xf32, #tpu.memory_space<hbm>> -> memref<640x64xf32, #tpu.memory_space<hbm>>
      %dma_wait3A_111 = arith.constant 0 : i32
      %dma_wait3A_112 = tpu.memref_slice %arg11[%mul3A_6, %dma_wait3A_111] : memref<10240x64xf32, #tpu.memory_space<vmem_shared>> -> memref<640x64xf32, #tpu.memory_space<vmem_shared>>
      tpu.wait_dma2 semaphore(%run_scoped3A : memref<!tpu.dma_semaphore, #tpu.memory_space<semaphore_mem>>) src(%dma_wait3A_112 : memref<640x64xf32, #tpu.memory_space<vmem_shared>>) dst(%dma_wait3A_110 : memref<640x64xf32, #tpu.memory_space<hbm>>)
      tpu.yield
    }) : () -> ()
    return
  }
}

module attributes {stable_mosaic.version = 14 : i64} {
  func.func @tc_combine_split(%arg0: i32, %arg1: memref<2x1024x64xf32, #tpu.memory_space<vmem>>, %arg2: memref<2x1024x8xf32, #tpu.memory_space<vmem>>, %arg3: memref<128x128xf32, #tpu.memory_space<vmem>>, %arg4: memref<1x128xf32, #tpu.memory_space<vmem>>, %arg5: memref<2x1024x64xf32, #tpu.memory_space<vmem>>) attributes {dimension_semantics = [#tpu.dimension_semantics<arbitrary>], iteration_bounds = array<i64: 10>, scalar_prefetch = 0 : i64, scratch_operands = 0 : i64, tpu.core_type = #tpu.core_type<tc>, window_params = [{transform_indices = @transform_0, window_bounds = array<i64: 2, 1024, 64>}, {transform_indices = @transform_1, window_bounds = array<i64: 2, 1024, 8>}, {pipeline_mode = #tpu.pipeline_mode<synchronous>, transform_indices = @transform_2, window_bounds = array<i64: 128, 128>}, {pipeline_mode = #tpu.pipeline_mode<synchronous>, transform_indices = @transform_3, window_bounds = array<i64: 1, 128>}, {transform_indices = @transform_4, window_bounds = array<i64: 2, 1024, 64>}]} {
    %get3A = arith.constant 0 : index
    %get3A_0 = arith.constant 0 : index
    %get3A_1 = arith.constant 0 : index
    %get3A_2 = vector.load %arg2[%get3A, %get3A_0, %get3A_1] : memref<2x1024x8xf32, #tpu.memory_space<vmem>>, vector<1x1024x1xf32>
    %get3A_3 = vector.shape_cast %get3A_2 : vector<1x1024x1xf32> to vector<1024x1xf32>
    %get3A_4 = arith.constant 1 : index
    %get3A_5 = arith.constant 0 : index
    %get3A_6 = arith.constant 0 : index
    %get3A_7 = vector.load %arg2[%get3A_4, %get3A_5, %get3A_6] : memref<2x1024x8xf32, #tpu.memory_space<vmem>>, vector<1x1024x1xf32>
    %get3A_8 = vector.shape_cast %get3A_7 : vector<1x1024x1xf32> to vector<1024x1xf32>
    %add3A = arith.addf %get3A_3, %get3A_8 : vector<1024x1xf32>
    %max3A = arith.constant 1.000000e+00 : f32
    %max3A_9 = vector.broadcast %max3A : f32 to vector<1024x1xf32>
    %max3A_10 = arith.maximumf %add3A, %max3A_9 : vector<1024x1xf32>
    %div3A = arith.constant 1.000000e+00 : f32
    %div3A_11 = vector.broadcast %div3A : f32 to vector<1024x1xf32>
    %div3A_12 = arith.divf %div3A_11, %max3A_10 : vector<1024x1xf32>
    %get3A_13 = arith.constant 0 : index
    %get3A_14 = arith.constant 0 : index
    %get3A_15 = arith.constant 0 : index
    %get3A_16 = vector.load %arg1[%get3A_13, %get3A_14, %get3A_15] : memref<2x1024x64xf32, #tpu.memory_space<vmem>>, vector<1x1024x64xf32>
    %get3A_17 = vector.shape_cast %get3A_16 : vector<1x1024x64xf32> to vector<1024x64xf32>
    %mul3A = vector.broadcast %div3A_12 : vector<1024x1xf32> to vector<1024x64xf32>
    %mul3A_18 = arith.mulf %get3A_17, %mul3A : vector<1024x64xf32>
    %get3A_19 = arith.constant 1 : index
    %get3A_20 = arith.constant 0 : index
    %get3A_21 = arith.constant 0 : index
    %get3A_22 = vector.load %arg1[%get3A_19, %get3A_20, %get3A_21] : memref<2x1024x64xf32, #tpu.memory_space<vmem>>, vector<1x1024x64xf32>
    %get3A_23 = vector.shape_cast %get3A_22 : vector<1x1024x64xf32> to vector<1024x64xf32>
    %mul3A_24 = vector.broadcast %div3A_12 : vector<1024x1xf32> to vector<1024x64xf32>
    %mul3A_25 = arith.mulf %get3A_23, %mul3A_24 : vector<1024x64xf32>
    %get3A_26 = arith.constant 0 : index
    %get3A_27 = arith.constant 0 : index
    %get3A_28 = vector.load %arg3[%get3A_26, %get3A_27] : memref<128x128xf32, #tpu.memory_space<vmem>>, vector<64x128xf32>
    %dot_general3A = arith.constant dense<0.000000e+00> : vector<1024x128xf32>
    %dot_general3A_29 = tpu.matmul %mul3A_18, %get3A_28, %dot_general3A {dimension_numbers = #tpu.dot_dimension_numbers<[1], [0], [0], [1], [0, 0, 1, 1], [], []>, transpose_lhs_hint = false} : vector<1024x64xf32>, vector<64x128xf32>, vector<1024x128xf32> -> vector<1024x128xf32>
    %get3A_30 = arith.constant 64 : index
    %get3A_31 = arith.constant 0 : index
    %get3A_32 = vector.load %arg3[%get3A_30, %get3A_31] : memref<128x128xf32, #tpu.memory_space<vmem>>, vector<64x128xf32>
    %dot_general3A_33 = arith.constant dense<0.000000e+00> : vector<1024x128xf32>
    %dot_general3A_34 = tpu.matmul %mul3A_25, %get3A_32, %dot_general3A_33 {dimension_numbers = #tpu.dot_dimension_numbers<[1], [0], [0], [1], [0, 0, 1, 1], [], []>, transpose_lhs_hint = false} : vector<1024x64xf32>, vector<64x128xf32>, vector<1024x128xf32> -> vector<1024x128xf32>
    %add3A_35 = arith.addf %dot_general3A_29, %dot_general3A_34 : vector<1024x128xf32>
    %get3A_36 = arith.constant 0 : index
    %get3A_37 = arith.constant 0 : index
    %get3A_38 = vector.load %arg4[%get3A_36, %get3A_37] : memref<1x128xf32, #tpu.memory_space<vmem>>, vector<1x128xf32>
    %add3A_39 = vector.broadcast %get3A_38 : vector<1x128xf32> to vector<1024x128xf32>
    %add3A_40 = arith.addf %add3A_35, %add3A_39 : vector<1024x128xf32>
    %max3A_41 = arith.constant 0.000000e+00 : f32
    %max3A_42 = vector.broadcast %max3A_41 : f32 to vector<1024x128xf32>
    %max3A_43 = arith.maximumf %add3A_40, %max3A_42 : vector<1024x128xf32>
    %slice3A = vector.extract_strided_slice %max3A_43 {offsets = [0, 0], sizes = [1024, 64], strides = [1, 1]} : vector<1024x128xf32> to vector<1024x64xf32>
    %swap3A = arith.constant 0 : index
    %swap3A_44 = arith.constant 0 : index
    %swap3A_45 = arith.constant 0 : index
    %swap3A_46 = vector.load %arg5[%swap3A, %swap3A_44, %swap3A_45] : memref<2x1024x64xf32, #tpu.memory_space<vmem>>, vector<1x1024x64xf32>
    %swap3A_47 = vector.shape_cast %swap3A_46 : vector<1x1024x64xf32> to vector<1024x64xf32>
    %swap3A_48 = vector.shape_cast %slice3A : vector<1024x64xf32> to vector<1x1024x64xf32>
    tpu.vector_store %arg5[%swap3A, %swap3A_44, %swap3A_45], %swap3A_48 {strides = array<i32>} : memref<2x1024x64xf32, #tpu.memory_space<vmem>>, vector<1x1024x64xf32>,
    %slice3A_49 = vector.extract_strided_slice %max3A_43 {offsets = [0, 64], sizes = [1024, 64], strides = [1, 1]} : vector<1024x128xf32> to vector<1024x64xf32>
    %swap3A_50 = arith.constant 1 : index
    %swap3A_51 = arith.constant 0 : index
    %swap3A_52 = arith.constant 0 : index
    %swap3A_53 = vector.load %arg5[%swap3A_50, %swap3A_51, %swap3A_52] : memref<2x1024x64xf32, #tpu.memory_space<vmem>>, vector<1x1024x64xf32>
    %swap3A_54 = vector.shape_cast %swap3A_53 : vector<1x1024x64xf32> to vector<1024x64xf32>
    %swap3A_55 = vector.shape_cast %slice3A_49 : vector<1024x64xf32> to vector<1x1024x64xf32>
    tpu.vector_store %arg5[%swap3A_50, %swap3A_51, %swap3A_52], %swap3A_55 {strides = array<i32>} : memref<2x1024x64xf32, #tpu.memory_space<vmem>>, vector<1x1024x64xf32>,
    return
  }
  func.func @transform_0(%arg0: i32) -> (i32, i32, i32) {
    %c0_i32 = arith.constant 0 : i32
    %c0_i32_0 = arith.constant 0 : i32
    %c0_i32_1 = arith.constant 0 : i32
    return %c0_i32, %arg0, %c0_i32_0 : i32, i32, i32
  }
  func.func @transform_1(%arg0: i32) -> (i32, i32, i32) {
    %c0_i32 = arith.constant 0 : i32
    %c0_i32_0 = arith.constant 0 : i32
    %c0_i32_1 = arith.constant 0 : i32
    return %c0_i32, %arg0, %c0_i32_0 : i32, i32, i32
  }
  func.func @transform_2(%arg0: i32) -> (i32, i32) {
    %c0_i32 = arith.constant 0 : i32
    %c0_i32_0 = arith.constant 0 : i32
    %c0_i32_1 = arith.constant 0 : i32
    return %c0_i32, %c0_i32_0 : i32, i32
  }
  func.func @transform_3(%arg0: i32) -> (i32, i32) {
    %c0_i32 = arith.constant 0 : i32
    %c0_i32_0 = arith.constant 0 : i32
    %c0_i32_1 = arith.constant 0 : i32
    return %c0_i32, %c0_i32_0 : i32, i32
  }
  func.func @transform_4(%arg0: i32) -> (i32, i32, i32) {
    %c0_i32 = arith.constant 0 : i32
    %c0_i32_0 = arith.constant 0 : i32
    %c0_i32_1 = arith.constant 0 : i32
    return %c0_i32, %arg0, %c0_i32_0 : i32, i32, i32
  }
}

module attributes {stable_mosaic.version = 14 : i64} {
  func.func @tc_gru(%arg0: i32, %arg1: memref<2x1024x64xf32, #tpu.memory_space<vmem>>, %arg2: memref<2x1024x8xf32, #tpu.memory_space<vmem>>, %arg3: memref<128x128xf32, #tpu.memory_space<vmem>>, %arg4: memref<1x128xf32, #tpu.memory_space<vmem>>, %arg5: memref<1024x128xf32, #tpu.memory_space<vmem>>, %arg6: memref<128x384xf32, #tpu.memory_space<vmem>>, %arg7: memref<1x384xf32, #tpu.memory_space<vmem>>, %arg8: memref<128x384xf32, #tpu.memory_space<vmem>>, %arg9: memref<1x384xf32, #tpu.memory_space<vmem>>, %arg10: memref<1024x128xf32, #tpu.memory_space<vmem>>) attributes {dimension_semantics = [#tpu.dimension_semantics<arbitrary>], iteration_bounds = array<i64: 10>, scalar_prefetch = 0 : i64, scratch_operands = 0 : i64, tpu.core_type = #tpu.core_type<tc>, window_params = [{transform_indices = @transform_0, window_bounds = array<i64: 2, 1024, 64>}, {transform_indices = @transform_1, window_bounds = array<i64: 2, 1024, 8>}, {pipeline_mode = #tpu.pipeline_mode<synchronous>, transform_indices = @transform_2, window_bounds = array<i64: 128, 128>}, {pipeline_mode = #tpu.pipeline_mode<synchronous>, transform_indices = @transform_3, window_bounds = array<i64: 1, 128>}, {transform_indices = @transform_4, window_bounds = array<i64: 1024, 128>}, {pipeline_mode = #tpu.pipeline_mode<synchronous>, transform_indices = @transform_5, window_bounds = array<i64: 128, 384>}, {pipeline_mode = #tpu.pipeline_mode<synchronous>, transform_indices = @transform_6, window_bounds = array<i64: 1, 384>}, {pipeline_mode = #tpu.pipeline_mode<synchronous>, transform_indices = @transform_7, window_bounds = array<i64: 128, 384>}, {pipeline_mode = #tpu.pipeline_mode<synchronous>, transform_indices = @transform_8, window_bounds = array<i64: 1, 384>}, {transform_indices = @transform_9, window_bounds = array<i64: 1024, 128>}]} {
    %get3A = arith.constant 0 : index
    %get3A_0 = arith.constant 0 : index
    %get3A_1 = arith.constant 0 : index
    %get3A_2 = vector.load %arg2[%get3A, %get3A_0, %get3A_1] : memref<2x1024x8xf32, #tpu.memory_space<vmem>>, vector<1x1024x1xf32>
    %get3A_3 = vector.shape_cast %get3A_2 : vector<1x1024x1xf32> to vector<1024x1xf32>
    %get3A_4 = arith.constant 1 : index
    %get3A_5 = arith.constant 0 : index
    %get3A_6 = arith.constant 0 : index
    %get3A_7 = vector.load %arg2[%get3A_4, %get3A_5, %get3A_6] : memref<2x1024x8xf32, #tpu.memory_space<vmem>>, vector<1x1024x1xf32>
    %get3A_8 = vector.shape_cast %get3A_7 : vector<1x1024x1xf32> to vector<1024x1xf32>
    %add3A = arith.addf %get3A_3, %get3A_8 : vector<1024x1xf32>
    %max3A = arith.constant 1.000000e+00 : f32
    %max3A_9 = vector.broadcast %max3A : f32 to vector<1024x1xf32>
    %max3A_10 = arith.maximumf %add3A, %max3A_9 : vector<1024x1xf32>
    %div3A = arith.constant 1.000000e+00 : f32
    %div3A_11 = vector.broadcast %div3A : f32 to vector<1024x1xf32>
    %div3A_12 = arith.divf %div3A_11, %max3A_10 : vector<1024x1xf32>
    %get3A_13 = arith.constant 0 : index
    %get3A_14 = arith.constant 0 : index
    %get3A_15 = arith.constant 0 : index
    %get3A_16 = vector.load %arg1[%get3A_13, %get3A_14, %get3A_15] : memref<2x1024x64xf32, #tpu.memory_space<vmem>>, vector<1x1024x64xf32>
    %get3A_17 = vector.shape_cast %get3A_16 : vector<1x1024x64xf32> to vector<1024x64xf32>
    %mul3A = vector.broadcast %div3A_12 : vector<1024x1xf32> to vector<1024x64xf32>
    %mul3A_18 = arith.mulf %get3A_17, %mul3A : vector<1024x64xf32>
    %get3A_19 = arith.constant 1 : index
    %get3A_20 = arith.constant 0 : index
    %get3A_21 = arith.constant 0 : index
    %get3A_22 = vector.load %arg1[%get3A_19, %get3A_20, %get3A_21] : memref<2x1024x64xf32, #tpu.memory_space<vmem>>, vector<1x1024x64xf32>
    %get3A_23 = vector.shape_cast %get3A_22 : vector<1x1024x64xf32> to vector<1024x64xf32>
    %mul3A_24 = vector.broadcast %div3A_12 : vector<1024x1xf32> to vector<1024x64xf32>
    %mul3A_25 = arith.mulf %get3A_23, %mul3A_24 : vector<1024x64xf32>
    %get3A_26 = arith.constant 0 : index
    %get3A_27 = arith.constant 0 : index
    %get3A_28 = vector.load %arg3[%get3A_26, %get3A_27] : memref<128x128xf32, #tpu.memory_space<vmem>>, vector<64x128xf32>
    %dot_general3A = arith.constant dense<0.000000e+00> : vector<1024x128xf32>
    %dot_general3A_29 = tpu.matmul %mul3A_18, %get3A_28, %dot_general3A {dimension_numbers = #tpu.dot_dimension_numbers<[1], [0], [0], [1], [0, 0, 1, 1], [], []>, transpose_lhs_hint = false} : vector<1024x64xf32>, vector<64x128xf32>, vector<1024x128xf32> -> vector<1024x128xf32>
    %get3A_30 = arith.constant 64 : index
    %get3A_31 = arith.constant 0 : index
    %get3A_32 = vector.load %arg3[%get3A_30, %get3A_31] : memref<128x128xf32, #tpu.memory_space<vmem>>, vector<64x128xf32>
    %dot_general3A_33 = arith.constant dense<0.000000e+00> : vector<1024x128xf32>
    %dot_general3A_34 = tpu.matmul %mul3A_25, %get3A_32, %dot_general3A_33 {dimension_numbers = #tpu.dot_dimension_numbers<[1], [0], [0], [1], [0, 0, 1, 1], [], []>, transpose_lhs_hint = false} : vector<1024x64xf32>, vector<64x128xf32>, vector<1024x128xf32> -> vector<1024x128xf32>
    %add3A_35 = arith.addf %dot_general3A_29, %dot_general3A_34 : vector<1024x128xf32>
    %get3A_36 = arith.constant 0 : index
    %get3A_37 = arith.constant 0 : index
    %get3A_38 = vector.load %arg4[%get3A_36, %get3A_37] : memref<1x128xf32, #tpu.memory_space<vmem>>, vector<1x128xf32>
    %add3A_39 = vector.broadcast %get3A_38 : vector<1x128xf32> to vector<1024x128xf32>
    %add3A_40 = arith.addf %add3A_35, %add3A_39 : vector<1024x128xf32>
    %max3A_41 = arith.constant 0.000000e+00 : f32
    %max3A_42 = vector.broadcast %max3A_41 : f32 to vector<1024x128xf32>
    %max3A_43 = arith.maximumf %add3A_40, %max3A_42 : vector<1024x128xf32>
    %get3A_44 = arith.constant 0 : index
    %get3A_45 = arith.constant 0 : index
    %get3A_46 = vector.load %arg5[%get3A_44, %get3A_45] : memref<1024x128xf32, #tpu.memory_space<vmem>>, vector<1024x128xf32>
    %get3A_47 = arith.constant 0 : index
    %get3A_48 = arith.constant 0 : index
    %get3A_49 = vector.load %arg6[%get3A_47, %get3A_48] : memref<128x384xf32, #tpu.memory_space<vmem>>, vector<128x384xf32>
    %dot_general3A_50 = arith.constant dense<0.000000e+00> : vector<1024x384xf32>
    %dot_general3A_51 = tpu.matmul %max3A_43, %get3A_49, %dot_general3A_50 {dimension_numbers = #tpu.dot_dimension_numbers<[1], [0], [0], [1], [0, 0, 1, 1], [], []>, transpose_lhs_hint = false} : vector<1024x128xf32>, vector<128x384xf32>, vector<1024x384xf32> -> vector<1024x384xf32>
    %get3A_52 = arith.constant 0 : index
    %get3A_53 = arith.constant 0 : index
    %get3A_54 = vector.load %arg7[%get3A_52, %get3A_53] : memref<1x384xf32, #tpu.memory_space<vmem>>, vector<1x384xf32>
    %add3A_55 = vector.broadcast %get3A_54 : vector<1x384xf32> to vector<1024x384xf32>
    %add3A_56 = arith.addf %dot_general3A_51, %add3A_55 : vector<1024x384xf32>
    %get3A_57 = arith.constant 0 : index
    %get3A_58 = arith.constant 0 : index
    %get3A_59 = vector.load %arg8[%get3A_57, %get3A_58] : memref<128x384xf32, #tpu.memory_space<vmem>>, vector<128x384xf32>
    %dot_general3A_60 = arith.constant dense<0.000000e+00> : vector<1024x384xf32>
    %dot_general3A_61 = tpu.matmul %get3A_46, %get3A_59, %dot_general3A_60 {dimension_numbers = #tpu.dot_dimension_numbers<[1], [0], [0], [1], [0, 0, 1, 1], [], []>, transpose_lhs_hint = false} : vector<1024x128xf32>, vector<128x384xf32>, vector<1024x384xf32> -> vector<1024x384xf32>
    %get3A_62 = arith.constant 0 : index
    %get3A_63 = arith.constant 0 : index
    %get3A_64 = vector.load %arg9[%get3A_62, %get3A_63] : memref<1x384xf32, #tpu.memory_space<vmem>>, vector<1x384xf32>
    %add3A_65 = vector.broadcast %get3A_64 : vector<1x384xf32> to vector<1024x384xf32>
    %add3A_66 = arith.addf %dot_general3A_61, %add3A_65 : vector<1024x384xf32>
    %slice3A = vector.extract_strided_slice %add3A_56 {offsets = [0, 0], sizes = [1024, 128], strides = [1, 1]} : vector<1024x384xf32> to vector<1024x128xf32>
    %slice3A_67 = vector.extract_strided_slice %add3A_56 {offsets = [0, 128], sizes = [1024, 128], strides = [1, 1]} : vector<1024x384xf32> to vector<1024x128xf32>
    %slice3A_68 = vector.extract_strided_slice %add3A_56 {offsets = [0, 256], sizes = [1024, 128], strides = [1, 1]} : vector<1024x384xf32> to vector<1024x128xf32>
    %slice3A_69 = vector.extract_strided_slice %add3A_66 {offsets = [0, 0], sizes = [1024, 128], strides = [1, 1]} : vector<1024x384xf32> to vector<1024x128xf32>
    %slice3A_70 = vector.extract_strided_slice %add3A_66 {offsets = [0, 128], sizes = [1024, 128], strides = [1, 1]} : vector<1024x384xf32> to vector<1024x128xf32>
    %slice3A_71 = vector.extract_strided_slice %add3A_66 {offsets = [0, 256], sizes = [1024, 128], strides = [1, 1]} : vector<1024x384xf32> to vector<1024x128xf32>
    %add3A_72 = arith.addf %slice3A, %slice3A_69 : vector<1024x128xf32>
    %logistic3A = arith.negf %add3A_72 : vector<1024x128xf32>
    %logistic3A_73 = math.exp %logistic3A : vector<1024x128xf32>
    %logistic3A_74 = arith.constant 1.000000e+00 : f32
    %logistic3A_75 = vector.broadcast %logistic3A_74 : f32 to vector<1024x128xf32>
    %logistic3A_76 = arith.addf %logistic3A_75, %logistic3A_73 : vector<1024x128xf32>
    %logistic3A_77 = arith.divf %logistic3A_75, %logistic3A_76 : vector<1024x128xf32>
    %add3A_78 = arith.addf %slice3A_67, %slice3A_70 : vector<1024x128xf32>
    %logistic3A_79 = arith.negf %add3A_78 : vector<1024x128xf32>
    %logistic3A_80 = math.exp %logistic3A_79 : vector<1024x128xf32>
    %logistic3A_81 = arith.constant 1.000000e+00 : f32
    %logistic3A_82 = vector.broadcast %logistic3A_81 : f32 to vector<1024x128xf32>
    %logistic3A_83 = arith.addf %logistic3A_82, %logistic3A_80 : vector<1024x128xf32>
    %logistic3A_84 = arith.divf %logistic3A_82, %logistic3A_83 : vector<1024x128xf32>
    %mul3A_85 = arith.mulf %logistic3A_77, %slice3A_71 : vector<1024x128xf32>
    %add3A_86 = arith.addf %slice3A_68, %mul3A_85 : vector<1024x128xf32>
    %tanh3A = math.tanh %add3A_86 : vector<1024x128xf32>
    %sub3A = arith.subf %get3A_46, %tanh3A : vector<1024x128xf32>
    %mul3A_87 = arith.mulf %logistic3A_84, %sub3A : vector<1024x128xf32>
    %add3A_88 = arith.addf %tanh3A, %mul3A_87 : vector<1024x128xf32>
    %swap3A = arith.constant 0 : index
    %swap3A_89 = arith.constant 0 : index
    %swap3A_90 = vector.load %arg10[%swap3A, %swap3A_89] : memref<1024x128xf32, #tpu.memory_space<vmem>>, vector<1024x128xf32>
    tpu.vector_store %arg10[%swap3A, %swap3A_89], %add3A_88 {strides = array<i32>} : memref<1024x128xf32, #tpu.memory_space<vmem>>, vector<1024x128xf32>,
    return
  }
  func.func @transform_0(%arg0: i32) -> (i32, i32, i32) {
    %c0_i32 = arith.constant 0 : i32
    %c0_i32_0 = arith.constant 0 : i32
    %c0_i32_1 = arith.constant 0 : i32
    return %c0_i32, %arg0, %c0_i32_0 : i32, i32, i32
  }
  func.func @transform_1(%arg0: i32) -> (i32, i32, i32) {
    %c0_i32 = arith.constant 0 : i32
    %c0_i32_0 = arith.constant 0 : i32
    %c0_i32_1 = arith.constant 0 : i32
    return %c0_i32, %arg0, %c0_i32_0 : i32, i32, i32
  }
  func.func @transform_2(%arg0: i32) -> (i32, i32) {
    %c0_i32 = arith.constant 0 : i32
    %c0_i32_0 = arith.constant 0 : i32
    %c0_i32_1 = arith.constant 0 : i32
    return %c0_i32, %c0_i32_0 : i32, i32
  }
  func.func @transform_3(%arg0: i32) -> (i32, i32) {
    %c0_i32 = arith.constant 0 : i32
    %c0_i32_0 = arith.constant 0 : i32
    %c0_i32_1 = arith.constant 0 : i32
    return %c0_i32, %c0_i32_0 : i32, i32
  }
  func.func @transform_4(%arg0: i32) -> (i32, i32) {
    %c0_i32 = arith.constant 0 : i32
    %c0_i32_0 = arith.constant 0 : i32
    return %arg0, %c0_i32 : i32, i32
  }
  func.func @transform_5(%arg0: i32) -> (i32, i32) {
    %c0_i32 = arith.constant 0 : i32
    %c0_i32_0 = arith.constant 0 : i32
    %c0_i32_1 = arith.constant 0 : i32
    return %c0_i32, %c0_i32_0 : i32, i32
  }
  func.func @transform_6(%arg0: i32) -> (i32, i32) {
    %c0_i32 = arith.constant 0 : i32
    %c0_i32_0 = arith.constant 0 : i32
    %c0_i32_1 = arith.constant 0 : i32
    return %c0_i32, %c0_i32_0 : i32, i32
  }
  func.func @transform_7(%arg0: i32) -> (i32, i32) {
    %c0_i32 = arith.constant 0 : i32
    %c0_i32_0 = arith.constant 0 : i32
    %c0_i32_1 = arith.constant 0 : i32
    return %c0_i32, %c0_i32_0 : i32, i32
  }
  func.func @transform_8(%arg0: i32) -> (i32, i32) {
    %c0_i32 = arith.constant 0 : i32
    %c0_i32_0 = arith.constant 0 : i32
    %c0_i32_1 = arith.constant 0 : i32
    return %c0_i32, %c0_i32_0 : i32, i32
  }
  func.func @transform_9(%arg0: i32) -> (i32, i32) {
    %c0_i32 = arith.constant 0 : i32
    %c0_i32_0 = arith.constant 0 : i32
    return %arg0, %c0_i32 : i32, i32
  }
}

</mosaic_0001>

<sc_bundles>
// kernel: sc_prop.11.cloned.1.call-start
scs
__scs_entry_jumppad:
0x0: {  	(pc) =	sbr.rel $0x88, $3  }
0x1: {  	(tag) =	ssettag $0x0;
	lr =	simm.s32 $0x1  }
0x2: {  	[smem:$0x3F99] =	sst lr;
	_ =	strace $0xD0000000  }
0x3: {  	_ = 	snop  }
0x4: {  	_ = 	snop  }
0x5: {  	_ = 	snop  }
0x6: {  	_ = 	snop  }
0x7: {  	_ = 	snop  }
__scs_overlays_trampoline_lowered:
0x8: {  	[smem:$0x3FA8] =	sst s0  }
0x9: {  	[smem:$0x3FA9] =	sst s1  }
0xa: {  	[smem:$0x3FAA] =	sst s2  }
0xb: {  	[smem:$0x3FAB] =	sst s3  }
0xc: {  	[smem:$0x3FAC] =	sst s4  }
0xd: {  	[smem:$0x3FAD] =	sst s5  }
0xe: {  	[smem:$0x3FAE] =	sst s6  }
0xf: {  	[smem:$0x3FAF] =	sst s7  }
0x10: {  	[smem:$0x3FB0] =	sst s8  }
0x11: {  	[smem:$0x3FB1] =	sst s9;
	s0 =	simm.s32 @!p0 $0x0  }
0x12: {  	s1 =	sld [smem:$0x3F97];
	s0 =	simm.s32 @p0 $0x1  }
0x13: {  	[smem:$0x3FB2] =	sst s0;
	s0 =	simm.s32 @!p1 $0x0  }
0x14: {  	s2 =	sld [smem:$0x3F96];
	s0 =	simm.s32 @p1 $0x1  }
0x15: {  	[smem:$0x3FB3] =	sst s0;
	s0 =	simm.s32 @!p2 $0x0  }
0x16: {  	s3 =	sld [smem:$0x3FDB];
	s0 =	simm.s32 @p2 $0x1  }
0x17: {  	s4 =	simm.s32 $0x1BF5;
	[smem:$0x3FB5] =	sst s0  }
0x18: {  	s0 =	sld [smem:$0x3F98];
	_ =	swait.ge [sflag:s4], $0x0  }
0x19: {  	s7 =	sld [smem:$0x3F99]  }
0x1a: {  	s8 =	sadd.s32 $0xFFFFE003, lr  }
0x1b: {  	s9 =	sadd.s32 $0xFFFFFEF7, lr;
	s5 =	simm.s32 $0xFFFFFFFF;
	p2 =	slt.u32 s8, $0xFFFFF086  }
0x1c: {  	p1 =	slt.u32 s9, $0xF7A;
	s5 =	simm.s32 @!p2 $0x0  }
0x1d: {  	s5 =	simm.s32 @p1 $0x1;
	p0 =	seq.s32 s7, s2  }
0x1e: {  	s7 =	smul.u32 @!p0 $0xF7A, s2;
	p2 =	seq.s32 @!p0 s5, $0x0  }
0x1f: {  	s9 =	smul.u32 $0xF7A, s1;
	s8 =	simm.s32 @!p0 $0x1BF5;
	p2 =	por !p2, p0  }
0x20: {  	[sflag:s8] =	ssyncset.s32 @!p0 $0xFFFFF086;
	s6 =	sadd.s32 @!p0 s3, s7;
	s7 =	simm.s32 @!p0 $0x108  }
0x21: {  	s3 =	sadd.s32 s3, s9;
	s6 =	sadd.s32 @!p0 $0x88, s6;
	s7 =	simm.s32 @p2 $0x1082  }
0x22: {  	[simem:s7], [sflag:s8] =	dma.local @!p0 [hbm:s6], $0xF7A  }
0x23: {  	s9 =	sor.u32 $0xD0000000, s2;
	s6 =	simm.s32 $0x108;
	_ =	swait.ge @!p0 [sflag:s8], $0x0  }
0x24: {  	s3 =	sadd.s32 $0x88, s3;
	s6 =	simm.s32 @!p1 $0x1082;
	[sflag:s4] =	ssyncset.s32 $0xFFFFF086  }
0x25: {  	[simem:s6], [sflag:s4] =	dma.local [hbm:s3], $0xF7A  }
0x26: {  	[smem:$0x3F99] =	sst s1;
	(tag) =	ssettag s2;
	_ =	strace s9  }
0x27: {  	s1 =	sld [smem:$0x3FA9]  }
0x28: {  	s2 =	sld [smem:$0x3FAA]  }
0x29: {  	s4 =	sld [smem:$0x3FAC]  }
0x2a: {  	p0 =	seq.s32 s5, $0x0;
	s5 =	sld [smem:$0x3FAD]  }
0x2b: {  	s6 =	sld [smem:$0x3FAE]  }
0x2c: {  	s7 =	sld [smem:$0x3FAF]  }
0x2d: {  	s3 =	simm.s32 $0x108;
	s8 =	sld [smem:$0x3FB0]  }
0x2e: {  	s3 =	simm.s32 @!p0 $0x1082;
	s9 =	sld [smem:$0x3FB1]  }
0x2f: {  	lr =	sadd.s32 s0, s3;
	s0 =	sld [smem:$0x3FA8]  }
0x30: {  	s3 =	sld [smem:$0x3FAB]  }
0x31: {  	[smem:$0x3FB4] =	sst s10  }
0x32: {  	s10 =	sld [smem:$0x3FB2];
	_ =	sdelay $0x3  }
0x33: {  	p0 =	seq.s32 s10, $0x1;
	s10 =	sld [smem:$0x3FB4];
	_ =	sdelay $0x3  }
0x34: {  	[smem:$0x3FB4] =	sst s10  }
0x35: {  	s10 =	sld [smem:$0x3FB3];
	_ =	sdelay $0x3  }
0x36: {  	p1 =	seq.s32 s10, $0x1;
	s10 =	sld [smem:$0x3FB4];
	_ =	sdelay $0x3  }
0x37: {  	[smem:$0x3FB4] =	sst s10  }
0x38: {  	s10 =	sld [smem:$0x3FB5]  }
0x39: {  	_ = 	snop;
	(pc) =	sbr.ind lr, $3  }
0x3a: {  	_ = 	snop  }
0x3b: {  	_ = 	snop  }
0x3c: {  	p2 =	seq.s32 s10, $0x1;
	s10 =	sld [smem:$0x3FB4]  }
0x3d: {  	_ =	shalt  }
0x3e: {  	_ =	shalt  }
0x3f: {  	_ =	shalt  }
0x40: {  	_ =	shalt  }
0x41: {  	_ =	shalt  }
0x42: {  	_ =	shalt  }
0x43: {  	_ =	shalt  }
0x44: {  	_ =	shalt  }
0x45: {  	_ =	shalt  }
0x46: {  	_ =	shalt  }
0x47: {  	_ =	shalt  }
0x48: {  	_ =	shalt  }
0x49: {  	_ =	shalt  }
0x4a: {  	_ =	shalt  }
0x4b: {  	_ =	shalt  }
0x4c: {  	_ =	shalt  }
0x4d: {  	_ =	shalt  }
0x4e: {  	_ =	shalt  }
0x4f: {  	_ =	shalt  }
0x50: {  	_ =	shalt  }
0x51: {  	_ =	shalt  }
0x52: {  	_ =	shalt  }
0x53: {  	_ =	shalt  }
0x54: {  	_ =	shalt  }
0x55: {  	_ =	shalt  }
0x56: {  	_ =	shalt  }
0x57: {  	_ =	shalt  }
0x58: {  	_ =	shalt  }
0x59: {  	_ =	shalt  }
0x5a: {  	_ =	shalt  }
0x5b: {  	_ =	shalt  }
0x5c: {  	_ =	shalt  }
0x5d: {  	_ =	shalt  }
0x5e: {  	_ =	shalt  }
0x5f: {  	_ =	shalt  }
0x60: {  	_ =	shalt  }
0x61: {  	_ =	shalt  }
0x62: {  	_ =	shalt  }
0x63: {  	_ =	shalt  }
0x64: {  	_ =	shalt  }
0x65: {  	_ =	shalt  }
0x66: {  	_ =	shalt  }
0x67: {  	_ =	shalt  }
0x68: {  	_ =	shalt  }
0x69: {  	_ =	shalt  }
0x6a: {  	_ =	shalt  }
0x6b: {  	_ =	shalt  }
0x6c: {  	_ =	shalt  }
0x6d: {  	_ =	shalt  }
0x6e: {  	_ =	shalt  }
0x6f: {  	_ =	shalt  }
0x70: {  	_ =	shalt  }
0x71: {  	_ =	shalt  }
0x72: {  	_ =	shalt  }
0x73: {  	_ =	shalt  }
0x74: {  	_ =	shalt  }
0x75: {  	_ =	shalt  }
0x76: {  	_ =	shalt  }
0x77: {  	_ =	shalt  }
0x78: {  	_ =	shalt  }
0x79: {  	_ =	shalt  }
0x7a: {  	_ =	shalt  }
0x7b: {  	_ =	shalt  }
0x7c: {  	_ =	shalt  }
0x7d: {  	_ =	shalt  }
0x7e: {  	_ =	shalt  }
0x7f: {  	_ =	shalt  }
0x80: {  	_ =	shalt  }
0x81: {  	_ =	shalt  }
0x82: {  	_ =	shalt  }
0x83: {  	_ =	shalt  }
0x84: {  	_ =	shalt  }
0x85: {  	_ =	shalt  }
0x86: {  	_ =	shalt  }
0x87: {  	_ =	shalt  }
.Lfunc_end0:
.L_simem_size_0:
called_computation.5_lowered:
.L_overlay_start_0:
0x88: {  	s2 =	sld [smem:$0x3FD9]  }
0x89: {  	s3 =	sld [smem:$0x3FFE];
	_ =	sdelay $0x1  }
0x8a: {  	s1 =	srdreg.scid  }
0x8b: {  	s0 =	sand.u32 $0x1, s1  }
0x8c: {  	s17 =	sshll.u32 s0, $0xA;
	s2 =	sadd.s32 s3, s2  }
0x8d: {  	s2 =	sadd.s32 s2, s17  }
0x8e: {  	[smem:$0x3FC0] =	sst s2  }
0x8f: {  	_ = 	snop  }
0x90: {  	(tm) =	ssettm $0x1  }
0x91: {  	s18 =	sld [smem:$0x3FFB];
	_ =	sdelay $0x3  }
0x92: {  	_ =	strace s18  }
0x93: {  	s2 =	sld [smem:$0x3FFC];
	_ =	sdelay $0x3  }
0x94: {  	_ =	strace s2  }
0x95: {  	s2 =	sld [smem:$0x3FFD];
	_ =	sdelay $0x3  }
0x96: {  	_ =	strace s2  }
0x97: {  	_ =	strace $0x8FFFFFFF  }
0x98: {  	s19 =	sld [smem:$0x3FDB];
	_ =	sdelay $0x1  }
0x99: {  	s20 =	simm.s32 $_scs_section_size  }
0x9a: {  	s4 =	simm.s32 $_size__tile_overlayer_lowered;
	s5 =	simm.s32 $_tile_overlayer_lowered  }
0x9b: {  	s6 =	simm.s32 $0x1BFF;
	s21 =	sshll.u32 s5, $0x1;
	s3 =	sadd.s32 s20, s19  }
0x9c: {  	s22 =	simm.s32 $0x0;
	s4 =	sshll.u32 s4, $0x1;
	s5 =	sadd.s32 s21, s3  }
0x9d: {  	[timem:s22], [sflag:s6] =	dma.local [hbm:s5], s4  }
0x9e: {  	_ =	swait.ge [sflag:s6], s4  }
0x9f: {  	s4 =	ssub.s32 $0x0, s4;
	[sflag:s6] =	ssyncset.done $0x0  }
0xa0: {  	[sflag:s6] =	ssyncadd.s32 s4;
	_ =	sdelay $0x1  }
0xa1: {  	s23 =	simm.s32 $0x1B8B  }
0xa2: {  	_ =	swait.ge [sflag:s23], $0x1  }
0xa3: {  	[sflag:s23] =	ssyncset.done $0x0  }
0xa4: {  	[sflag:s23] =	ssyncadd.s32 $0xFFFFFFFF  }
0xa5: {  	s4 =	sld [smem:$0x0]  }
0xa6: {  	s5 =	sand.u32 $0xFFFFFFFE, s1  }
0xa7: {  	p0 =	sne.s32 s1, s5  }
0xa8: {  	s5 =	sshll.u32 @p0 s5, $0xE  }
0xa9: {  	s5 =	sadd.s32 @p0 $0x11B8D, s5;
	s6 =	sshll.u32 @p0 s4, $0x11  }
0xaa: {  	s5 =	sor.u32 @p0 s6, s5  }
0xab: {  	[sflag:s5] =	ssyncadd.remote.s32 @p0 $0x1;
	_ =	sdelay $0x1  }
0xac: {  	s5 =	simm.s32 @p0 $0x1B8D  }
0xad: {  	_ =	swait.eq @p0 [sflag:s5], $0x1  }
0xae: {  	[sflag:s5] =	ssyncadd.s32 @p0 $0xFFFFFFFF  }
0xaf: {  	s6 =	sshll.u32 @!p0 s1, $0xE  }
0xb0: {  	s6 =	sor.u32 @!p0 $0x4000, s6;
	s5 =	simm.s32 @!p0 $0x1B8D  }
0xb1: {  	s4 =	sshll.u32 @!p0 s4, $0x11;
	s6 =	sadd.s32 @!p0 $0x11B8D, s6;
	_ =	swait.eq @!p0 [sflag:s5], $0x1  }
0xb2: {  	s4 =	sor.u32 @!p0 s4, s6;
	[sflag:s5] =	ssyncadd.s32 @!p0 $0xFFFFFFFF  }
0xb3: {  	s25 =	simm.s32 $0x1B8E;
	s24 =	sld [smem:$0x3FFE];
	[sflag:s4] =	ssyncadd.remote.s32 @!p0 $0x1  }
0xb4: {  	s26 =	simm.s32 $execute0_lowered;
	[smem:$0x3FD2] =	sst s25  }
0xb5: {  	s5 =	sshll.u32 s26, $0x1;
	_ =	strace $0x80000055;
	[dreg:$0x1] =	wrdreg $0xFFFFFFFF  }
0xb6: {  	s28 =	simm.s32 $_size_execute0_lowered;
	s3 =	sadd.s32 s3, s5;
	[dreg:$0x0] =	wrdreg $0x0  }
0xb7: {  	s5 =	sshll.u32 s28, $0x1;
	[dreg:$0x2] =	wrdreg s3  }
0xb8: {  	[dreg:$0x3] =	wrdreg s5  }
0xb9: {  	[dreg:$0x4] =	wrdreg $0xC0  }
0xba: {  	_ =	task [dreg:s22], $0x5FFFF  }
0xbb: {  	[dreg:$0x1] =	wrdreg $0xFFFFFFFF  }
0xbc: {  	[dreg:$0x0] =	wrdreg $0x60  }
0xbd: {  	[dreg:$0x2] =	wrdreg s24  }
0xbe: {  	[dreg:$0x3] =	wrdreg $0x13D000  }
0xbf: {  	[dreg:$0x4] =	wrdreg $0xA  }
0xc0: {  	_ =	task.clear_ibuf [dreg:s22], $0x5FFFF;
	_ =	strace $0x90000055  }
0xc1: {  	s29 =	simm.s32 $0xA;
	_ =	strace $0x80000057  }
0xc2: {  	_ =	swait.ge [sflag:s29], $0x1  }
0xc3: {  	[sflag:s29] =	ssyncadd.s32 $0xFFFFFFFF  }
0xc4: {  	_ =	strace $0x90000057  }
0xc5: {  	_ =	sfence  }
0xc6: {  	s30 =	sld [smem:$0x0];
	_ =	sdelay $0x2  }
0xc7: {  	s31 =	sshll.u32 s1, $0xD;
	s1 =	sshrl.u32 s1, $0x2  }
0xc8: {  	s4 =	sand.u32 $0x4000, s31;
	s1 =	sadd.s32 s1, s30  }
0xc9: {  	s0 =	sor.u32 s4, s0;
	s1 =	sshll.u32 s1, $0x11  }
0xca: {  	s0 =	sor.u32 s1, s0  }
0xcb: {  	s0 =	sadd.s32 $0x8F2B, s0  }
0xcc: {  	[sflag:s0] =	ssyncadd.remote.s32 $0x1  }
0xcd: {  	_ =	sfence.sel $0xFFFF  }
0xce: {  	[dreg:$0x0] =	wrdreg $0xFFFFFFFF;
	(pc) =	sbr.abs _section_cstart, $3  }
0xcf: {  	[dreg:$0x1] =	wrdreg $0xFFFFFFFF  }
0xd0: {  	_ =	task.clear_ibuf [dreg:s22], $0x2FFFF;
	_ =	strace $0x9FFFFFFF  }
0xd1: {  	(tm) =	ssettm $0x7FFFFFFF  }
tec
execute0_lowered:
.L_overlay_start_1:
0x0: {  	(tag) =	ssettag $0x1  }
0x1: {  	s4 =	rddreg [dreg:$0x0]  }
0x2: {  	s2 =	rddreg [dreg:$0x1]  }
0x3: {  	s0 =	rddreg [dreg:$0x2]  }
0x4: {  	s1 =	stileid.u32;
	s5 =	srdreg.scid;
	s3 =	simm.s32 $0x0  }
0x5: {  	s14 =	simm.s32 $0x11D00;
	s15 =	simm.s32 $0x6;
	s16 =	simm.s32 $0x5000  }
0x6: {  	s17 =	simm.s32 $0xFA;
	s18 =	simm.s32 $0xA000;
	s19 =	simm.s32 $0x100  }
0x7: {  	s20 =	simm.s32 $0xDE80;
	s21 =	simm.s32 $0x5;
	s22 =	simm.s32 $0x1  }
0x8: {  	s23 =	simm.s32 $0x3;
	s24 =	simm.s32 $0x2;
	s6 =	smul.u32 $0xA00, s1  }
0x9: {  	s25 =	simm.s32 $0x4;
	s26 =	simm.s32 $0x9E00;
	s8 =	smul.u32 $0xA000, s1  }
0xa: {  	s28 =	simm.s32 $0x9F00;
	s5 =	sand.u32 $0x1, s5;
	s9 =	smul.u32 $0x28000, s1  }
0xb: {  	[smem:$0x7FF] =	sst s3;
	s7 =	smul.u32 $0xA0000, s5;
	s5 =	ssub.s32 $0x2, s5  }
0xc: {  	_ =	strace $0x80000056;
	s10 =	sadd.s32 s6, s4;
	s31 =	sshrl.u32 s5, $0x1  }
0xd: {  	s9 =	sshrl.u32 s9, $0x2;
	s29 =	sshrl.u32 s7, $0x3;
	s30 =	sadd.s32 s8, s7  }
0xe: {  	s13 =	ssub.s32 s5, s31;
	s9 =	sadd.s32 s9, s2;
	s11 =	sadd.s32 s29, s4  }
0xf: {  	s6 =	sshrl.u32 s30, $0x3;
	s5 =	sadd.s32 $0x2000, s9;
	s7 =	sadd.s32 $0x6000, s9  }
0x10: {  	s13 =	smax.u32 s13, $0x1;
	s12 =	sadd.s32 s6, s4;
	s4 =	sadd.s32 s8, s2  }
0x11: {  	s6 =	sadd.s32 $0x4000, s9;
	s8 =	sadd.s32 $0x8000, s9;
	s9 =	sadd.s32 $0x2F200, s10  }
0x12: {  	v0 =	vimm.f32 $0.0e+00;
	s10 =	sadd.s32 $0x39200, s10;
	s11 =	sadd.s32 $0xC4200, s11;
	s12 =	sadd.s32 $0xEC200, s12  }
.LBB2_1:
0x13: {  	s30 =	simm.s32 $0x100;
	s29 =	simm.s32 $0x0  }
.LBB2_2:
0x14: {  	p0 =	sne.s32 s30, $0x7F00;
	[tilespmem:s29+$0x11D30] =	vst v0;
	s31 =	smov.u32 s30;
	s30 =	sadd.s32 $0x100, s30  }
.Ltmp0:
0x15: {  	[tilespmem:s29+$0x11D20] =	vst v0;
	(pc) =	sbr.rel @p0 .LBB2_2-.Ltmp0, $3  }
0x16: {  	[tilespmem:s29+$0x11D00] =	vst v0  }
0x17: {  	[tilespmem:s29+$0x11D10] =	vst v0;
	_ =	sdelay $0x1  }
0x18: {  	s29 =	sshra.s32 s31, $0x2  }
0x19: {  	[tilespmem:s29+$0x11D30] =	vst v0  }
0x1a: {  	[tilespmem:s29+$0x11D20] =	vst v0  }
0x1b: {  	[tilespmem:s29+$0x11D00] =	vst v0  }
0x1c: {  	[tilespmem:s29+$0x11D10] =	vst v0  }
0x1d: {  	[spmem:s4] =	stream.linear.scatter [tilespmem:s14], [sflag:$0x5], $0x2000, $0x38;
	[tilespmem:$0x1DD00] =	vst v63  }
0x1e: {  	_ = 	snop  }
0x1f: {  	[spmem:s5] =	stream.linear.scatter [tilespmem:s14], [sflag:$0x5], $0x2000, $0x38;
	[tilespmem:$0x1DD00] =	vst v63  }
0x20: {  	_ = 	snop  }
0x21: {  	[spmem:s6] =	stream.linear.scatter [tilespmem:s14], [sflag:$0x5], $0x2000, $0x38;
	[tilespmem:$0x1DD00] =	vst v63  }
0x22: {  	_ = 	snop  }
0x23: {  	[spmem:s7] =	stream.linear.scatter [tilespmem:s14], [sflag:$0x5], $0x2000, $0x38;
	[tilespmem:$0x1DD00] =	vst v63  }
0x24: {  	_ = 	snop  }
0x25: {  	[spmem:s8] =	stream.linear.scatter [tilespmem:s14], [sflag:$0x5], $0x2000, $0x38;
	[tilespmem:$0x1DD00] =	vst v63  }
0x26: {  	s29 =	simm.s32 $0x0  }
0x27: {  	[tilespmem:s29], [sflag:$0x6] =	stream.linear.gather [hbm4b:s9+s29], $0x5000, $0x38;
	[tilespmem:$0x1DD00] =	vst v63  }
0x28: {  	_ =	swait.ge [sflag:s15], $0x5000  }
0x29: {  	[sflag:s15] =	ssyncset.done $0x0  }
0x2a: {  	[sflag:s15] =	ssyncadd.s32 $0xFFFFB000  }
0x2b: {  	[tilespmem:s16], [sflag:$0x6] =	stream.linear.gather [hbm4b:s10+s29], $0x5000, $0x38;
	[tilespmem:$0x1DD00] =	vst v63  }
0x2c: {  	_ =	swait.ge [sflag:s15], $0x5000  }
0x2d: {  	[sflag:s15] =	ssyncset.done $0x0  }
0x2e: {  	[sflag:s15] =	ssyncadd.s32 $0xFFFFB000  }
0x2f: {  	[tilespmem:s18], [sflag:$0x1] =	stream.indirect.gather [hbm4b:s11+s17], $0x40, s29, s17, $0xb8;
	[tilespmem:$0x1DD00] =	vst v63  }
0x30: {  	_ = 	snop  }
0x31: {  	[tilespmem:s20], [sflag:$0x2] =	stream.indirect.gather [hbm4b:s11+s17], $0x40, s19, s17, $0xb8;
	[tilespmem:$0x1DD00] =	vst v63  }
0x32: {  	_ =	swait.ge [sflag:s21], $0x2000  }
0x33: {  	[sflag:s21] =	ssyncset.done $0x0  }
0x34: {  	[sflag:s21] =	ssyncadd.s32 $0xFFFFE000  }
0x35: {  	_ =	swait.ge [sflag:s21], $0x2000  }
0x36: {  	[sflag:s21] =	ssyncset.done $0x0  }
0x37: {  	[sflag:s21] =	ssyncadd.s32 $0xFFFFE000  }
0x38: {  	_ =	swait.ge [sflag:s21], $0x2000  }
0x39: {  	[sflag:s21] =	ssyncset.done $0x0  }
0x3a: {  	[sflag:s21] =	ssyncadd.s32 $0xFFFFE000  }
0x3b: {  	_ =	swait.ge [sflag:s21], $0x2000  }
0x3c: {  	[sflag:s21] =	ssyncset.done $0x0  }
0x3d: {  	[sflag:s21] =	ssyncadd.s32 $0xFFFFE000  }
0x3e: {  	_ =	swait.ge [sflag:s21], $0x2000  }
0x3f: {  	[sflag:s21] =	ssyncset.done $0x0  }
0x40: {  	[sflag:s21] =	ssyncadd.s32 $0xFFFFE000  }
0x41: {  	[bflag:$0x0] =	sbarrier.arrive $0xFFFF  }
0x42: {  	_ =	swait.ge [sflag:s22], $0x3E80  }
0x43: {  	[sflag:s22] =	ssyncset.done $0x0  }
0x44: {  	s29 =	simm.s32 $0x5000;
	[sflag:s22] =	ssyncadd.s32 $0xFFFFC180  }
0x45: {  	[spmem:s2] =	stream.indirect.scatter.add.f32 [tilespmem:s18], [sflag:$0x3], $0x40, s29, s17, $0xb8;
	[tilespmem:$0x1DD00] =	vst v63  }
0x46: {  	_ =	swait.ge [sflag:s23], $0x3E80  }
0x47: {  	[sflag:s23] =	ssyncset.done $0x0  }
0x48: {  	s29 =	simm.s32 $0x200;
	[sflag:s23] =	ssyncadd.s32 $0xFFFFC180  }
0x49: {  	[tilespmem:s18], [sflag:$0x1] =	stream.indirect.gather [hbm4b:s11+s17], $0x40, s29, s17, $0xb8;
	[tilespmem:$0x1DD00] =	vst v63  }
0x4a: {  	_ =	swait.ge [sflag:s24], $0x3E80  }
0x4b: {  	[sflag:s24] =	ssyncset.done $0x0  }
0x4c: {  	s29 =	simm.s32 $0x5100;
	[sflag:s24] =	ssyncadd.s32 $0xFFFFC180  }
0x4d: {  	[spmem:s2] =	stream.indirect.scatter.add.f32 [tilespmem:s20], [sflag:$0x4], $0x40, s29, s17, $0xb8;
	[tilespmem:$0x1DD00] =	vst v63  }
0x4e: {  	_ =	swait.ge [sflag:s25], $0x3E80  }
0x4f: {  	[sflag:s25] =	ssyncset.done $0x0  }
0x50: {  	s30 =	simm.s32 $0x300;
	s29 =	simm.s32 $0x800;
	[sflag:s25] =	ssyncadd.s32 $0xFFFFC180  }
.LBB2_4:
0x51: {  	[tilespmem:s20], [sflag:$0x2] =	stream.indirect.gather [hbm4b:s11+s17], $0x40, s30, s17, $0xb8;
	[tilespmem:$0x1DD00] =	vst v63  }
0x52: {  	s30 =	smov.u32 s29  }
0x53: {  	p0 =	sne.s32 s29, $0x13000;
	s29 =	sadd.s32 $0x800, s29;
	_ =	swait.ge [sflag:s22], $0x3E80  }
0x54: {  	s30 =	sshra.s32 s30, $0x2;
	[sflag:s22] =	ssyncset.done $0x0  }
0x55: {  	s31 =	sadd.s32 $0x5000, s30;
	[sflag:s22] =	ssyncadd.s32 $0xFFFFC180  }
0x56: {  	[spmem:s2] =	stream.indirect.scatter.add.f32 [tilespmem:s18], [sflag:$0x3], $0x40, s31, s17, $0xb8;
	[tilespmem:$0x1DD00] =	vst v63  }
0x57: {  	_ =	swait.ge [sflag:s23], $0x3E80  }
0x58: {  	[sflag:s23] =	ssyncset.done $0x0  }
0x59: {  	s31 =	sadd.s32 $0x200, s30;
	[sflag:s23] =	ssyncadd.s32 $0xFFFFC180  }
0x5a: {  	[tilespmem:s18], [sflag:$0x1] =	stream.indirect.gather [hbm4b:s11+s17], $0x40, s31, s17, $0xb8;
	[tilespmem:$0x1DD00] =	vst v63  }
0x5b: {  	_ =	swait.ge [sflag:s24], $0x3E80  }
0x5c: {  	[sflag:s24] =	ssyncset.done $0x0  }
.Ltmp1:
0x5d: {  	s31 =	sadd.s32 $0x5100, s30;
	[sflag:s24] =	ssyncadd.s32 $0xFFFFC180;
	(pc) =	sbr.rel @p0 .LBB2_4-.Ltmp1, $4  }
0x5e: {  	[spmem:s2] =	stream.indirect.scatter.add.f32 [tilespmem:s20], [sflag:$0x4], $0x40, s31, s17, $0xb8;
	[tilespmem:$0x1DD00] =	vst v63  }
0x5f: {  	_ =	swait.ge [sflag:s25], $0x3E80  }
0x60: {  	[sflag:s25] =	ssyncset.done $0x0  }
0x61: {  	s30 =	sadd.s32 $0x300, s30;
	[sflag:s25] =	ssyncadd.s32 $0xFFFFC180  }
0x62: {  	[tilespmem:s20], [sflag:$0x2] =	stream.indirect.gather [hbm4b:s11+s17], $0x40, s30, s17, $0xb8;
	[tilespmem:$0x1DD00] =	vst v63  }
0x63: {  	_ =	swait.ge [sflag:s22], $0x3E80  }
0x64: {  	[sflag:s22] =	ssyncset.done $0x0  }
0x65: {  	[sflag:s22] =	ssyncadd.s32 $0xFFFFC180  }
0x66: {  	[spmem:s2] =	stream.indirect.scatter.add.f32 [tilespmem:s18], [sflag:$0x3], $0x40, s26, s17, $0xb8;
	[tilespmem:$0x1DD00] =	vst v63  }
0x67: {  	_ =	swait.ge [sflag:s23], $0x3E80  }
0x68: {  	[sflag:s23] =	ssyncset.done $0x0  }
0x69: {  	[sflag:s23] =	ssyncadd.s32 $0xFFFFC180  }
0x6a: {  	_ =	swait.ge [sflag:s24], $0x3E80  }
0x6b: {  	[sflag:s24] =	ssyncset.done $0x0  }
0x6c: {  	[sflag:s24] =	ssyncadd.s32 $0xFFFFC180  }
0x6d: {  	[spmem:s2] =	stream.indirect.scatter.add.f32 [tilespmem:s20], [sflag:$0x4], $0x40, s28, s17, $0xb8;
	[tilespmem:$0x1DD00] =	vst v63  }
0x6e: {  	_ =	swait.ge [sflag:s25], $0x3E80  }
0x6f: {  	s29 =	sshll.u32 s1, $0x6;
	s3 =	sadd.s32 $0x1, s3;
	[sflag:s25] =	ssyncset.done $0x0  }
0x70: {  	s31 =	sshrl.u32 s4, $0x3;
	p0 =	sne.s32 s3, s13;
	[sflag:s25] =	ssyncadd.s32 $0xFFFFC180  }
.Ltmp2:
0x71: {  	s29 =	sor.u32 $0x1C06, s29;
	[bflag:$0x0] =	sbarrier.arrive $0xFFFF;
	(pc) =	sbr.rel @p0 .LBB2_1-.Ltmp2, $4  }
0x72: {  	[hbm:s12], [sflag:s29] =	dma.local [spmem:s31], $0x1400  }
0x73: {  	_ =	swait.ge [sflag:s15], $0x1400  }
0x74: {  	[sflag:s15] =	ssyncset.done $0x0  }
0x75: {  	[sflag:s15] =	ssyncadd.s32 $0xFFFFEC00  }
0x76: {  	_ =	sfence.sel $0x180000  }
0x77: {  	[bflag:$0x0] =	sbarrier.arrive $0xFFFF  }
0x78: {  	p0 =	sne.s32 s1, $0x0;
	_ =	strace $0x90000056  }
0x79: {  	s0 =	sadd.s32 @!p0 $0x100000, s0;
	[bflag:$0x2] =	sbarrier.arrive $0xFFFF  }
0x7a: {  	[sflag:s0] =	ssyncadd.tile.s32 @!p0 $0x1;
	_ =	shalt  }
.Lfunc_end2:
_tile_overlayer_lowered:
.L_overlay_start_2:
0x7b: {  	(tag) =	ssettag $0x2  }
0x7c: {  	s0 =	rddreg [dreg:$0x0];
	s2 =	stileid.u32  }
0x7d: {  	s1 =	rddreg [dreg:$0x1];
	p0 =	sne.s32 s2, $0x0  }
0x7e: {  	s3 =	rddreg [dreg:$0x2];
	[bflag:$0x3] =	sbarrier.arrive $0xFFFF;
	s2 =	simm.s32 @!p0 $0x1C06  }
0x7f: {  	[timem:s3], [sflag:s2] =	dma.local @!p0 [hbm:s0], s1  }
0x80: {  	s0 =	simm.s32 @!p0 $0x6  }
0x81: {  	_ =	swait.ge @!p0 [sflag:s0], s1  }
0x82: {  	s1 =	ssub.s32 @!p0 $0x0, s1;
	[sflag:s0] =	ssyncset.done @!p0 $0x0  }
0x83: {  	[sflag:s0] =	ssyncadd.s32 @!p0 s1  }
0x84: {  	[bflag:$0x3] =	sbarrier.arrive $0xFFFF  }
0x85: {  	_ =	shalt  }

// kernel: sc_prop.5.cloned.1.call-start
scs
__scs_entry_jumppad:
0x0: {  	(pc) =	sbr.rel $0x88, $3  }
0x1: {  	(tag) =	ssettag $0x0;
	lr =	simm.s32 $0x1  }
0x2: {  	[smem:$0x3F99] =	sst lr;
	_ =	strace $0xD0000000  }
0x3: {  	_ = 	snop  }
0x4: {  	_ = 	snop  }
0x5: {  	_ = 	snop  }
0x6: {  	_ = 	snop  }
0x7: {  	_ = 	snop  }
__scs_overlays_trampoline_lowered:
0x8: {  	[smem:$0x3FA8] =	sst s0  }
0x9: {  	[smem:$0x3FA9] =	sst s1  }
0xa: {  	[smem:$0x3FAA] =	sst s2  }
0xb: {  	[smem:$0x3FAB] =	sst s3  }
0xc: {  	[smem:$0x3FAC] =	sst s4  }
0xd: {  	[smem:$0x3FAD] =	sst s5  }
0xe: {  	[smem:$0x3FAE] =	sst s6  }
0xf: {  	[smem:$0x3FAF] =	sst s7  }
0x10: {  	[smem:$0x3FB0] =	sst s8  }
0x11: {  	[smem:$0x3FB1] =	sst s9;
	s0 =	simm.s32 @!p0 $0x0  }
0x12: {  	s1 =	sld [smem:$0x3F97];
	s0 =	simm.s32 @p0 $0x1  }
0x13: {  	[smem:$0x3FB2] =	sst s0;
	s0 =	simm.s32 @!p1 $0x0  }
0x14: {  	s2 =	sld [smem:$0x3F96];
	s0 =	simm.s32 @p1 $0x1  }
0x15: {  	[smem:$0x3FB3] =	sst s0;
	s0 =	simm.s32 @!p2 $0x0  }
0x16: {  	s3 =	sld [smem:$0x3FDB];
	s0 =	simm.s32 @p2 $0x1  }
0x17: {  	s4 =	simm.s32 $0x1BF5;
	[smem:$0x3FB5] =	sst s0  }
0x18: {  	s0 =	sld [smem:$0x3F98];
	_ =	swait.ge [sflag:s4], $0x0  }
0x19: {  	s7 =	sld [smem:$0x3F99]  }
0x1a: {  	s8 =	sadd.s32 $0xFFFFE003, lr  }
0x1b: {  	s9 =	sadd.s32 $0xFFFFFEF7, lr;
	s5 =	simm.s32 $0xFFFFFFFF;
	p2 =	slt.u32 s8, $0xFFFFF086  }
0x1c: {  	p1 =	slt.u32 s9, $0xF7A;
	s5 =	simm.s32 @!p2 $0x0  }
0x1d: {  	s5 =	simm.s32 @p1 $0x1;
	p0 =	seq.s32 s7, s2  }
0x1e: {  	s7 =	smul.u32 @!p0 $0xF7A, s2;
	p2 =	seq.s32 @!p0 s5, $0x0  }
0x1f: {  	s9 =	smul.u32 $0xF7A, s1;
	s8 =	simm.s32 @!p0 $0x1BF5;
	p2 =	por !p2, p0  }
0x20: {  	[sflag:s8] =	ssyncset.s32 @!p0 $0xFFFFF086;
	s6 =	sadd.s32 @!p0 s3, s7;
	s7 =	simm.s32 @!p0 $0x108  }
0x21: {  	s3 =	sadd.s32 s3, s9;
	s6 =	sadd.s32 @!p0 $0x88, s6;
	s7 =	simm.s32 @p2 $0x1082  }
0x22: {  	[simem:s7], [sflag:s8] =	dma.local @!p0 [hbm:s6], $0xF7A  }
0x23: {  	s9 =	sor.u32 $0xD0000000, s2;
	s6 =	simm.s32 $0x108;
	_ =	swait.ge @!p0 [sflag:s8], $0x0  }
0x24: {  	s3 =	sadd.s32 $0x88, s3;
	s6 =	simm.s32 @!p1 $0x1082;
	[sflag:s4] =	ssyncset.s32 $0xFFFFF086  }
0x25: {  	[simem:s6], [sflag:s4] =	dma.local [hbm:s3], $0xF7A  }
0x26: {  	[smem:$0x3F99] =	sst s1;
	(tag) =	ssettag s2;
	_ =	strace s9  }
0x27: {  	s1 =	sld [smem:$0x3FA9]  }
0x28: {  	s2 =	sld [smem:$0x3FAA]  }
0x29: {  	s4 =	sld [smem:$0x3FAC]  }
0x2a: {  	p0 =	seq.s32 s5, $0x0;
	s5 =	sld [smem:$0x3FAD]  }
0x2b: {  	s6 =	sld [smem:$0x3FAE]  }
0x2c: {  	s7 =	sld [smem:$0x3FAF]  }
0x2d: {  	s3 =	simm.s32 $0x108;
	s8 =	sld [smem:$0x3FB0]  }
0x2e: {  	s3 =	simm.s32 @!p0 $0x1082;
	s9 =	sld [smem:$0x3FB1]  }
0x2f: {  	lr =	sadd.s32 s0, s3;
	s0 =	sld [smem:$0x3FA8]  }
0x30: {  	s3 =	sld [smem:$0x3FAB]  }
0x31: {  	[smem:$0x3FB4] =	sst s10  }
0x32: {  	s10 =	sld [smem:$0x3FB2];
	_ =	sdelay $0x3  }
0x33: {  	p0 =	seq.s32 s10, $0x1;
	s10 =	sld [smem:$0x3FB4];
	_ =	sdelay $0x3  }
0x34: {  	[smem:$0x3FB4] =	sst s10  }
0x35: {  	s10 =	sld [smem:$0x3FB3];
	_ =	sdelay $0x3  }
0x36: {  	p1 =	seq.s32 s10, $0x1;
	s10 =	sld [smem:$0x3FB4];
	_ =	sdelay $0x3  }
0x37: {  	[smem:$0x3FB4] =	sst s10  }
0x38: {  	s10 =	sld [smem:$0x3FB5]  }
0x39: {  	_ = 	snop;
	(pc) =	sbr.ind lr, $3  }
0x3a: {  	_ = 	snop  }
0x3b: {  	_ = 	snop  }
0x3c: {  	p2 =	seq.s32 s10, $0x1;
	s10 =	sld [smem:$0x3FB4]  }
0x3d: {  	_ =	shalt  }
0x3e: {  	_ =	shalt  }
0x3f: {  	_ =	shalt  }
0x40: {  	_ =	shalt  }
0x41: {  	_ =	shalt  }
0x42: {  	_ =	shalt  }
0x43: {  	_ =	shalt  }
0x44: {  	_ =	shalt  }
0x45: {  	_ =	shalt  }
0x46: {  	_ =	shalt  }
0x47: {  	_ =	shalt  }
0x48: {  	_ =	shalt  }
0x49: {  	_ =	shalt  }
0x4a: {  	_ =	shalt  }
0x4b: {  	_ =	shalt  }
0x4c: {  	_ =	shalt  }
0x4d: {  	_ =	shalt  }
0x4e: {  	_ =	shalt  }
0x4f: {  	_ =	shalt  }
0x50: {  	_ =	shalt  }
0x51: {  	_ =	shalt  }
0x52: {  	_ =	shalt  }
0x53: {  	_ =	shalt  }
0x54: {  	_ =	shalt  }
0x55: {  	_ =	shalt  }
0x56: {  	_ =	shalt  }
0x57: {  	_ =	shalt  }
0x58: {  	_ =	shalt  }
0x59: {  	_ =	shalt  }
0x5a: {  	_ =	shalt  }
0x5b: {  	_ =	shalt  }
0x5c: {  	_ =	shalt  }
0x5d: {  	_ =	shalt  }
0x5e: {  	_ =	shalt  }
0x5f: {  	_ =	shalt  }
0x60: {  	_ =	shalt  }
0x61: {  	_ =	shalt  }
0x62: {  	_ =	shalt  }
0x63: {  	_ =	shalt  }
0x64: {  	_ =	shalt  }
0x65: {  	_ =	shalt  }
0x66: {  	_ =	shalt  }
0x67: {  	_ =	shalt  }
0x68: {  	_ =	shalt  }
0x69: {  	_ =	shalt  }
0x6a: {  	_ =	shalt  }
0x6b: {  	_ =	shalt  }
0x6c: {  	_ =	shalt  }
0x6d: {  	_ =	shalt  }
0x6e: {  	_ =	shalt  }
0x6f: {  	_ =	shalt  }
0x70: {  	_ =	shalt  }
0x71: {  	_ =	shalt  }
0x72: {  	_ =	shalt  }
0x73: {  	_ =	shalt  }
0x74: {  	_ =	shalt  }
0x75: {  	_ =	shalt  }
0x76: {  	_ =	shalt  }
0x77: {  	_ =	shalt  }
0x78: {  	_ =	shalt  }
0x79: {  	_ =	shalt  }
0x7a: {  	_ =	shalt  }
0x7b: {  	_ =	shalt  }
0x7c: {  	_ =	shalt  }
0x7d: {  	_ =	shalt  }
0x7e: {  	_ =	shalt  }
0x7f: {  	_ =	shalt  }
0x80: {  	_ =	shalt  }
0x81: {  	_ =	shalt  }
0x82: {  	_ =	shalt  }
0x83: {  	_ =	shalt  }
0x84: {  	_ =	shalt  }
0x85: {  	_ =	shalt  }
0x86: {  	_ =	shalt  }
0x87: {  	_ =	shalt  }
.Lfunc_end0:
.L_simem_size_0:
called_computation.1_lowered:
.L_overlay_start_0:
0x88: {  	s2 =	sld [smem:$0x3FD9]  }
0x89: {  	s3 =	sld [smem:$0x3FFE];
	_ =	sdelay $0x1  }
0x8a: {  	s1 =	srdreg.scid  }
0x8b: {  	s0 =	sand.u32 $0x1, s1  }
0x8c: {  	s17 =	sshll.u32 s0, $0xA;
	s2 =	sadd.s32 s3, s2  }
0x8d: {  	s2 =	sadd.s32 s2, s17  }
0x8e: {  	[smem:$0x3FC0] =	sst s2  }
0x8f: {  	_ = 	snop  }
0x90: {  	(tm) =	ssettm $0x1  }
0x91: {  	s18 =	sld [smem:$0x3FFB];
	_ =	sdelay $0x3  }
0x92: {  	_ =	strace s18  }
0x93: {  	s2 =	sld [smem:$0x3FFC];
	_ =	sdelay $0x3  }
0x94: {  	_ =	strace s2  }
0x95: {  	s2 =	sld [smem:$0x3FFD];
	_ =	sdelay $0x3  }
0x96: {  	_ =	strace s2  }
0x97: {  	_ =	strace $0x8FFFFFFF  }
0x98: {  	s19 =	sld [smem:$0x3FDB];
	_ =	sdelay $0x1  }
0x99: {  	s20 =	simm.s32 $_scs_section_size  }
0x9a: {  	s4 =	simm.s32 $_size__tile_overlayer_lowered;
	s5 =	simm.s32 $_tile_overlayer_lowered  }
0x9b: {  	s6 =	simm.s32 $0x1BFF;
	s21 =	sshll.u32 s5, $0x1;
	s3 =	sadd.s32 s20, s19  }
0x9c: {  	s22 =	simm.s32 $0x0;
	s4 =	sshll.u32 s4, $0x1;
	s5 =	sadd.s32 s21, s3  }
0x9d: {  	[timem:s22], [sflag:s6] =	dma.local [hbm:s5], s4  }
0x9e: {  	_ =	swait.ge [sflag:s6], s4  }
0x9f: {  	s4 =	ssub.s32 $0x0, s4;
	[sflag:s6] =	ssyncset.done $0x0  }
0xa0: {  	[sflag:s6] =	ssyncadd.s32 s4;
	_ =	sdelay $0x1  }
0xa1: {  	s23 =	simm.s32 $0x1B8B  }
0xa2: {  	_ =	swait.ge [sflag:s23], $0x1  }
0xa3: {  	[sflag:s23] =	ssyncset.done $0x0  }
0xa4: {  	[sflag:s23] =	ssyncadd.s32 $0xFFFFFFFF  }
0xa5: {  	s4 =	sld [smem:$0x0]  }
0xa6: {  	s5 =	sand.u32 $0xFFFFFFFE, s1  }
0xa7: {  	p0 =	sne.s32 s1, s5  }
0xa8: {  	s5 =	sshll.u32 @p0 s5, $0xE  }
0xa9: {  	s5 =	sadd.s32 @p0 $0x11B8D, s5;
	s6 =	sshll.u32 @p0 s4, $0x11  }
0xaa: {  	s5 =	sor.u32 @p0 s6, s5  }
0xab: {  	[sflag:s5] =	ssyncadd.remote.s32 @p0 $0x1;
	_ =	sdelay $0x1  }
0xac: {  	s5 =	simm.s32 @p0 $0x1B8D  }
0xad: {  	_ =	swait.eq @p0 [sflag:s5], $0x1  }
0xae: {  	[sflag:s5] =	ssyncadd.s32 @p0 $0xFFFFFFFF  }
0xaf: {  	s6 =	sshll.u32 @!p0 s1, $0xE  }
0xb0: {  	s6 =	sor.u32 @!p0 $0x4000, s6;
	s5 =	simm.s32 @!p0 $0x1B8D  }
0xb1: {  	s4 =	sshll.u32 @!p0 s4, $0x11;
	s6 =	sadd.s32 @!p0 $0x11B8D, s6;
	_ =	swait.eq @!p0 [sflag:s5], $0x1  }
0xb2: {  	s4 =	sor.u32 @!p0 s4, s6;
	[sflag:s5] =	ssyncadd.s32 @!p0 $0xFFFFFFFF  }
0xb3: {  	s25 =	simm.s32 $0x1B8E;
	s24 =	sld [smem:$0x3FFE];
	[sflag:s4] =	ssyncadd.remote.s32 @!p0 $0x1  }
0xb4: {  	s26 =	simm.s32 $execute0_lowered;
	[smem:$0x3FD2] =	sst s25  }
0xb5: {  	s5 =	sshll.u32 s26, $0x1;
	_ =	strace $0x8000004F;
	[dreg:$0x1] =	wrdreg $0xFFFFFFFF  }
0xb6: {  	s28 =	simm.s32 $_size_execute0_lowered;
	s3 =	sadd.s32 s3, s5;
	[dreg:$0x0] =	wrdreg $0x0  }
0xb7: {  	s5 =	sshll.u32 s28, $0x1;
	[dreg:$0x2] =	wrdreg s3  }
0xb8: {  	[dreg:$0x3] =	wrdreg s5  }
0xb9: {  	[dreg:$0x4] =	wrdreg $0xC0  }
0xba: {  	_ =	task [dreg:s22], $0x5FFFF  }
0xbb: {  	[dreg:$0x1] =	wrdreg $0xFFFFFFFF  }
0xbc: {  	[dreg:$0x0] =	wrdreg $0x60  }
0xbd: {  	[dreg:$0x2] =	wrdreg s24  }
0xbe: {  	[dreg:$0x3] =	wrdreg $0x13D000  }
0xbf: {  	[dreg:$0x4] =	wrdreg $0x9  }
0xc0: {  	_ =	task.clear_ibuf [dreg:s22], $0x5FFFF;
	_ =	strace $0x9000004F  }
0xc1: {  	s29 =	simm.s32 $0x9;
	_ =	strace $0x80000051  }
0xc2: {  	_ =	swait.ge [sflag:s29], $0x1  }
0xc3: {  	[sflag:s29] =	ssyncadd.s32 $0xFFFFFFFF  }
0xc4: {  	_ =	strace $0x90000051  }
0xc5: {  	_ =	sfence  }
0xc6: {  	s30 =	sld [smem:$0x0];
	_ =	sdelay $0x2  }
0xc7: {  	s31 =	sshll.u32 s1, $0xD;
	s1 =	sshrl.u32 s1, $0x2  }
0xc8: {  	s4 =	sand.u32 $0x4000, s31;
	s1 =	sadd.s32 s1, s30  }
0xc9: {  	s0 =	sor.u32 s4, s0;
	s1 =	sshll.u32 s1, $0x11  }
0xca: {  	s0 =	sor.u32 s1, s0  }
0xcb: {  	s0 =	sadd.s32 $0x8F2B, s0  }
0xcc: {  	[sflag:s0] =	ssyncadd.remote.s32 $0x1  }
0xcd: {  	_ =	sfence.sel $0xFFFF  }
0xce: {  	[dreg:$0x0] =	wrdreg $0xFFFFFFFF;
	(pc) =	sbr.abs _section_cstart, $3  }
0xcf: {  	[dreg:$0x1] =	wrdreg $0xFFFFFFFF  }
0xd0: {  	_ =	task.clear_ibuf [dreg:s22], $0x2FFFF;
	_ =	strace $0x9FFFFFFF  }
0xd1: {  	(tm) =	ssettm $0x7FFFFFFF  }
tec
execute0_lowered:
.L_overlay_start_1:
0x0: {  	(tag) =	ssettag $0x1  }
0x1: {  	s4 =	rddreg [dreg:$0x0]  }
0x2: {  	s2 =	rddreg [dreg:$0x1]  }
0x3: {  	s0 =	rddreg [dreg:$0x2]  }
0x4: {  	s1 =	stileid.u32;
	s5 =	srdreg.scid;
	s3 =	simm.s32 $0x0  }
0x5: {  	s14 =	simm.s32 $0x11D00;
	s15 =	simm.s32 $0x6;
	s16 =	simm.s32 $0x5000  }
0x6: {  	s17 =	simm.s32 $0xFA;
	s18 =	simm.s32 $0xA000;
	s19 =	simm.s32 $0x100  }
0x7: {  	s20 =	simm.s32 $0xDE80;
	s21 =	simm.s32 $0x5;
	s22 =	simm.s32 $0x1  }
0x8: {  	s23 =	simm.s32 $0x3;
	s24 =	simm.s32 $0x2;
	s6 =	smul.u32 $0xA00, s1  }
0x9: {  	s25 =	simm.s32 $0x4;
	s26 =	simm.s32 $0x9E00;
	s8 =	smul.u32 $0xA000, s1  }
0xa: {  	s28 =	simm.s32 $0x9F00;
	s5 =	sand.u32 $0x1, s5;
	s9 =	smul.u32 $0x28000, s1  }
0xb: {  	[smem:$0x7FF] =	sst s3;
	s7 =	smul.u32 $0xA0000, s5;
	s5 =	ssub.s32 $0x2, s5  }
0xc: {  	_ =	strace $0x80000050;
	s10 =	sadd.s32 s6, s4;
	s31 =	sshrl.u32 s5, $0x1  }
0xd: {  	s9 =	sshrl.u32 s9, $0x2;
	s29 =	sshrl.u32 s7, $0x3;
	s30 =	sadd.s32 s8, s7  }
0xe: {  	s13 =	ssub.s32 s5, s31;
	s9 =	sadd.s32 s9, s2;
	s11 =	sadd.s32 s29, s4  }
0xf: {  	s6 =	sshrl.u32 s30, $0x3;
	s5 =	sadd.s32 $0x2000, s9;
	s7 =	sadd.s32 $0x6000, s9  }
0x10: {  	s13 =	smax.u32 s13, $0x1;
	s12 =	sadd.s32 s6, s4;
	s4 =	sadd.s32 s8, s2  }
0x11: {  	s6 =	sadd.s32 $0x4000, s9;
	s8 =	sadd.s32 $0x8000, s9;
	s9 =	sadd.s32 $0x51C00, s10  }
0x12: {  	v0 =	vimm.f32 $0.0e+00;
	s10 =	sadd.s32 $0x47C00, s10;
	s11 =	sadd.s32 $0x5C000, s11;
	s12 =	sadd.s32 $0x168400, s12  }
.LBB2_1:
0x13: {  	s30 =	simm.s32 $0x100;
	s29 =	simm.s32 $0x0  }
.LBB2_2:
0x14: {  	p0 =	sne.s32 s30, $0x7F00;
	[tilespmem:s29+$0x11D30] =	vst v0;
	s31 =	smov.u32 s30;
	s30 =	sadd.s32 $0x100, s30  }
.Ltmp0:
0x15: {  	[tilespmem:s29+$0x11D20] =	vst v0;
	(pc) =	sbr.rel @p0 .LBB2_2-.Ltmp0, $3  }
0x16: {  	[tilespmem:s29+$0x11D00] =	vst v0  }
0x17: {  	[tilespmem:s29+$0x11D10] =	vst v0;
	_ =	sdelay $0x1  }
0x18: {  	s29 =	sshra.s32 s31, $0x2  }
0x19: {  	[tilespmem:s29+$0x11D30] =	vst v0  }
0x1a: {  	[tilespmem:s29+$0x11D20] =	vst v0  }
0x1b: {  	[tilespmem:s29+$0x11D00] =	vst v0  }
0x1c: {  	[tilespmem:s29+$0x11D10] =	vst v0  }
0x1d: {  	[spmem:s4] =	stream.linear.scatter [tilespmem:s14], [sflag:$0x5], $0x2000, $0x38;
	[tilespmem:$0x1DD00] =	vst v63  }
0x1e: {  	_ = 	snop  }
0x1f: {  	[spmem:s5] =	stream.linear.scatter [tilespmem:s14], [sflag:$0x5], $0x2000, $0x38;
	[tilespmem:$0x1DD00] =	vst v63  }
0x20: {  	_ = 	snop  }
0x21: {  	[spmem:s6] =	stream.linear.scatter [tilespmem:s14], [sflag:$0x5], $0x2000, $0x38;
	[tilespmem:$0x1DD00] =	vst v63  }
0x22: {  	_ = 	snop  }
0x23: {  	[spmem:s7] =	stream.linear.scatter [tilespmem:s14], [sflag:$0x5], $0x2000, $0x38;
	[tilespmem:$0x1DD00] =	vst v63  }
0x24: {  	_ = 	snop  }
0x25: {  	[spmem:s8] =	stream.linear.scatter [tilespmem:s14], [sflag:$0x5], $0x2000, $0x38;
	[tilespmem:$0x1DD00] =	vst v63  }
0x26: {  	s29 =	simm.s32 $0x0  }
0x27: {  	[tilespmem:s29], [sflag:$0x6] =	stream.linear.gather [hbm4b:s9+s29], $0x5000, $0x38;
	[tilespmem:$0x1DD00] =	vst v63  }
0x28: {  	_ =	swait.ge [sflag:s15], $0x5000  }
0x29: {  	[sflag:s15] =	ssyncset.done $0x0  }
0x2a: {  	[sflag:s15] =	ssyncadd.s32 $0xFFFFB000  }
0x2b: {  	[tilespmem:s16], [sflag:$0x6] =	stream.linear.gather [hbm4b:s10+s29], $0x5000, $0x38;
	[tilespmem:$0x1DD00] =	vst v63  }
0x2c: {  	_ =	swait.ge [sflag:s15], $0x5000  }
0x2d: {  	[sflag:s15] =	ssyncset.done $0x0  }
0x2e: {  	[sflag:s15] =	ssyncadd.s32 $0xFFFFB000  }
0x2f: {  	[tilespmem:s18], [sflag:$0x1] =	stream.indirect.gather [hbm4b:s11+s17], $0x40, s29, s17, $0xb8;
	[tilespmem:$0x1DD00] =	vst v63  }
0x30: {  	_ = 	snop  }
0x31: {  	[tilespmem:s20], [sflag:$0x2] =	stream.indirect.gather [hbm4b:s11+s17], $0x40, s19, s17, $0xb8;
	[tilespmem:$0x1DD00] =	vst v63  }
0x32: {  	_ =	swait.ge [sflag:s21], $0x2000  }
0x33: {  	[sflag:s21] =	ssyncset.done $0x0  }
0x34: {  	[sflag:s21] =	ssyncadd.s32 $0xFFFFE000  }
0x35: {  	_ =	swait.ge [sflag:s21], $0x2000  }
0x36: {  	[sflag:s21] =	ssyncset.done $0x0  }
0x37: {  	[sflag:s21] =	ssyncadd.s32 $0xFFFFE000  }
0x38: {  	_ =	swait.ge [sflag:s21], $0x2000  }
0x39: {  	[sflag:s21] =	ssyncset.done $0x0  }
0x3a: {  	[sflag:s21] =	ssyncadd.s32 $0xFFFFE000  }
0x3b: {  	_ =	swait.ge [sflag:s21], $0x2000  }
0x3c: {  	[sflag:s21] =	ssyncset.done $0x0  }
0x3d: {  	[sflag:s21] =	ssyncadd.s32 $0xFFFFE000  }
0x3e: {  	_ =	swait.ge [sflag:s21], $0x2000  }
0x3f: {  	[sflag:s21] =	ssyncset.done $0x0  }
0x40: {  	[sflag:s21] =	ssyncadd.s32 $0xFFFFE000  }
0x41: {  	[bflag:$0x0] =	sbarrier.arrive $0xFFFF  }
0x42: {  	_ =	swait.ge [sflag:s22], $0x3E80  }
0x43: {  	[sflag:s22] =	ssyncset.done $0x0  }
0x44: {  	s29 =	simm.s32 $0x5000;
	[sflag:s22] =	ssyncadd.s32 $0xFFFFC180  }
0x45: {  	[spmem:s2] =	stream.indirect.scatter.add.f32 [tilespmem:s18], [sflag:$0x3], $0x40, s29, s17, $0xb8;
	[tilespmem:$0x1DD00] =	vst v63  }
0x46: {  	_ =	swait.ge [sflag:s23], $0x3E80  }
0x47: {  	[sflag:s23] =	ssyncset.done $0x0  }
0x48: {  	s29 =	simm.s32 $0x200;
	[sflag:s23] =	ssyncadd.s32 $0xFFFFC180  }
0x49: {  	[tilespmem:s18], [sflag:$0x1] =	stream.indirect.gather [hbm4b:s11+s17], $0x40, s29, s17, $0xb8;
	[tilespmem:$0x1DD00] =	vst v63  }
0x4a: {  	_ =	swait.ge [sflag:s24], $0x3E80  }
0x4b: {  	[sflag:s24] =	ssyncset.done $0x0  }
0x4c: {  	s29 =	simm.s32 $0x5100;
	[sflag:s24] =	ssyncadd.s32 $0xFFFFC180  }
0x4d: {  	[spmem:s2] =	stream.indirect.scatter.add.f32 [tilespmem:s20], [sflag:$0x4], $0x40, s29, s17, $0xb8;
	[tilespmem:$0x1DD00] =	vst v63  }
0x4e: {  	_ =	swait.ge [sflag:s25], $0x3E80  }
0x4f: {  	[sflag:s25] =	ssyncset.done $0x0  }
0x50: {  	s30 =	simm.s32 $0x300;
	s29 =	simm.s32 $0x800;
	[sflag:s25] =	ssyncadd.s32 $0xFFFFC180  }
.LBB2_4:
0x51: {  	[tilespmem:s20], [sflag:$0x2] =	stream.indirect.gather [hbm4b:s11+s17], $0x40, s30, s17, $0xb8;
	[tilespmem:$0x1DD00] =	vst v63  }
0x52: {  	s30 =	smov.u32 s29  }
0x53: {  	p0 =	sne.s32 s29, $0x13000;
	s29 =	sadd.s32 $0x800, s29;
	_ =	swait.ge [sflag:s22], $0x3E80  }
0x54: {  	s30 =	sshra.s32 s30, $0x2;
	[sflag:s22] =	ssyncset.done $0x0  }
0x55: {  	s31 =	sadd.s32 $0x5000, s30;
	[sflag:s22] =	ssyncadd.s32 $0xFFFFC180  }
0x56: {  	[spmem:s2] =	stream.indirect.scatter.add.f32 [tilespmem:s18], [sflag:$0x3], $0x40, s31, s17, $0xb8;
	[tilespmem:$0x1DD00] =	vst v63  }
0x57: {  	_ =	swait.ge [sflag:s23], $0x3E80  }
0x58: {  	[sflag:s23] =	ssyncset.done $0x0  }
0x59: {  	s31 =	sadd.s32 $0x200, s30;
	[sflag:s23] =	ssyncadd.s32 $0xFFFFC180  }
0x5a: {  	[tilespmem:s18], [sflag:$0x1] =	stream.indirect.gather [hbm4b:s11+s17], $0x40, s31, s17, $0xb8;
	[tilespmem:$0x1DD00] =	vst v63  }
0x5b: {  	_ =	swait.ge [sflag:s24], $0x3E80  }
0x5c: {  	[sflag:s24] =	ssyncset.done $0x0  }
.Ltmp1:
0x5d: {  	s31 =	sadd.s32 $0x5100, s30;
	[sflag:s24] =	ssyncadd.s32 $0xFFFFC180;
	(pc) =	sbr.rel @p0 .LBB2_4-.Ltmp1, $4  }
0x5e: {  	[spmem:s2] =	stream.indirect.scatter.add.f32 [tilespmem:s20], [sflag:$0x4], $0x40, s31, s17, $0xb8;
	[tilespmem:$0x1DD00] =	vst v63  }
0x5f: {  	_ =	swait.ge [sflag:s25], $0x3E80  }
0x60: {  	[sflag:s25] =	ssyncset.done $0x0  }
0x61: {  	s30 =	sadd.s32 $0x300, s30;
	[sflag:s25] =	ssyncadd.s32 $0xFFFFC180  }
0x62: {  	[tilespmem:s20], [sflag:$0x2] =	stream.indirect.gather [hbm4b:s11+s17], $0x40, s30, s17, $0xb8;
	[tilespmem:$0x1DD00] =	vst v63  }
0x63: {  	_ =	swait.ge [sflag:s22], $0x3E80  }
0x64: {  	[sflag:s22] =	ssyncset.done $0x0  }
0x65: {  	[sflag:s22] =	ssyncadd.s32 $0xFFFFC180  }
0x66: {  	[spmem:s2] =	stream.indirect.scatter.add.f32 [tilespmem:s18], [sflag:$0x3], $0x40, s26, s17, $0xb8;
	[tilespmem:$0x1DD00] =	vst v63  }
0x67: {  	_ =	swait.ge [sflag:s23], $0x3E80  }
0x68: {  	[sflag:s23] =	ssyncset.done $0x0  }
0x69: {  	[sflag:s23] =	ssyncadd.s32 $0xFFFFC180  }
0x6a: {  	_ =	swait.ge [sflag:s24], $0x3E80  }
0x6b: {  	[sflag:s24] =	ssyncset.done $0x0  }
0x6c: {  	[sflag:s24] =	ssyncadd.s32 $0xFFFFC180  }
0x6d: {  	[spmem:s2] =	stream.indirect.scatter.add.f32 [tilespmem:s20], [sflag:$0x4], $0x40, s28, s17, $0xb8;
	[tilespmem:$0x1DD00] =	vst v63  }
0x6e: {  	_ =	swait.ge [sflag:s25], $0x3E80  }
0x6f: {  	s29 =	sshll.u32 s1, $0x6;
	s3 =	sadd.s32 $0x1, s3;
	[sflag:s25] =	ssyncset.done $0x0  }
0x70: {  	s31 =	sshrl.u32 s4, $0x3;
	p0 =	sne.s32 s3, s13;
	[sflag:s25] =	ssyncadd.s32 $0xFFFFC180  }
.Ltmp2:
0x71: {  	s29 =	sor.u32 $0x1C06, s29;
	[bflag:$0x0] =	sbarrier.arrive $0xFFFF;
	(pc) =	sbr.rel @p0 .LBB2_1-.Ltmp2, $4  }
0x72: {  	[hbm:s12], [sflag:s29] =	dma.local [spmem:s31], $0x1400  }
0x73: {  	_ =	swait.ge [sflag:s15], $0x1400  }
0x74: {  	[sflag:s15] =	ssyncset.done $0x0  }
0x75: {  	[sflag:s15] =	ssyncadd.s32 $0xFFFFEC00  }
0x76: {  	_ =	sfence.sel $0x180000  }
0x77: {  	[bflag:$0x0] =	sbarrier.arrive $0xFFFF  }
0x78: {  	p0 =	sne.s32 s1, $0x0;
	_ =	strace $0x90000050  }
0x79: {  	s0 =	sadd.s32 @!p0 $0x100000, s0;
	[bflag:$0x2] =	sbarrier.arrive $0xFFFF  }
0x7a: {  	[sflag:s0] =	ssyncadd.tile.s32 @!p0 $0x1;
	_ =	shalt  }
.Lfunc_end2:
_tile_overlayer_lowered:
.L_overlay_start_2:
0x7b: {  	(tag) =	ssettag $0x2  }
0x7c: {  	s0 =	rddreg [dreg:$0x0];
	s2 =	stileid.u32  }
0x7d: {  	s1 =	rddreg [dreg:$0x1];
	p0 =	sne.s32 s2, $0x0  }
0x7e: {  	s3 =	rddreg [dreg:$0x2];
	[bflag:$0x3] =	sbarrier.arrive $0xFFFF;
	s2 =	simm.s32 @!p0 $0x1C06  }
0x7f: {  	[timem:s3], [sflag:s2] =	dma.local @!p0 [hbm:s0], s1  }
0x80: {  	s0 =	simm.s32 @!p0 $0x6  }
0x81: {  	_ =	swait.ge @!p0 [sflag:s0], s1  }
0x82: {  	s1 =	ssub.s32 @!p0 $0x0, s1;
	[sflag:s0] =	ssyncset.done @!p0 $0x0  }
0x83: {  	[sflag:s0] =	ssyncadd.s32 @!p0 s1  }
0x84: {  	[bflag:$0x3] =	sbarrier.arrive $0xFFFF  }
0x85: {  	_ =	shalt  }

// kernel: sc_prop.8.cloned.1.call-start
scs
__scs_entry_jumppad:
0x0: {  	(pc) =	sbr.rel $0x88, $3  }
0x1: {  	(tag) =	ssettag $0x0;
	lr =	simm.s32 $0x1  }
0x2: {  	[smem:$0x3F99] =	sst lr;
	_ =	strace $0xD0000000  }
0x3: {  	_ = 	snop  }
0x4: {  	_ = 	snop  }
0x5: {  	_ = 	snop  }
0x6: {  	_ = 	snop  }
0x7: {  	_ = 	snop  }
__scs_overlays_trampoline_lowered:
0x8: {  	[smem:$0x3FA8] =	sst s0  }
0x9: {  	[smem:$0x3FA9] =	sst s1  }
0xa: {  	[smem:$0x3FAA] =	sst s2  }
0xb: {  	[smem:$0x3FAB] =	sst s3  }
0xc: {  	[smem:$0x3FAC] =	sst s4  }
0xd: {  	[smem:$0x3FAD] =	sst s5  }
0xe: {  	[smem:$0x3FAE] =	sst s6  }
0xf: {  	[smem:$0x3FAF] =	sst s7  }
0x10: {  	[smem:$0x3FB0] =	sst s8  }
0x11: {  	[smem:$0x3FB1] =	sst s9;
	s0 =	simm.s32 @!p0 $0x0  }
0x12: {  	s1 =	sld [smem:$0x3F97];
	s0 =	simm.s32 @p0 $0x1  }
0x13: {  	[smem:$0x3FB2] =	sst s0;
	s0 =	simm.s32 @!p1 $0x0  }
0x14: {  	s2 =	sld [smem:$0x3F96];
	s0 =	simm.s32 @p1 $0x1  }
0x15: {  	[smem:$0x3FB3] =	sst s0;
	s0 =	simm.s32 @!p2 $0x0  }
0x16: {  	s3 =	sld [smem:$0x3FDB];
	s0 =	simm.s32 @p2 $0x1  }
0x17: {  	s4 =	simm.s32 $0x1BF5;
	[smem:$0x3FB5] =	sst s0  }
0x18: {  	s0 =	sld [smem:$0x3F98];
	_ =	swait.ge [sflag:s4], $0x0  }
0x19: {  	s7 =	sld [smem:$0x3F99]  }
0x1a: {  	s8 =	sadd.s32 $0xFFFFE003, lr  }
0x1b: {  	s9 =	sadd.s32 $0xFFFFFEF7, lr;
	s5 =	simm.s32 $0xFFFFFFFF;
	p2 =	slt.u32 s8, $0xFFFFF086  }
0x1c: {  	p1 =	slt.u32 s9, $0xF7A;
	s5 =	simm.s32 @!p2 $0x0  }
0x1d: {  	s5 =	simm.s32 @p1 $0x1;
	p0 =	seq.s32 s7, s2  }
0x1e: {  	s7 =	smul.u32 @!p0 $0xF7A, s2;
	p2 =	seq.s32 @!p0 s5, $0x0  }
0x1f: {  	s9 =	smul.u32 $0xF7A, s1;
	s8 =	simm.s32 @!p0 $0x1BF5;
	p2 =	por !p2, p0  }
0x20: {  	[sflag:s8] =	ssyncset.s32 @!p0 $0xFFFFF086;
	s6 =	sadd.s32 @!p0 s3, s7;
	s7 =	simm.s32 @!p0 $0x108  }
0x21: {  	s3 =	sadd.s32 s3, s9;
	s6 =	sadd.s32 @!p0 $0x88, s6;
	s7 =	simm.s32 @p2 $0x1082  }
0x22: {  	[simem:s7], [sflag:s8] =	dma.local @!p0 [hbm:s6], $0xF7A  }
0x23: {  	s9 =	sor.u32 $0xD0000000, s2;
	s6 =	simm.s32 $0x108;
	_ =	swait.ge @!p0 [sflag:s8], $0x0  }
0x24: {  	s3 =	sadd.s32 $0x88, s3;
	s6 =	simm.s32 @!p1 $0x1082;
	[sflag:s4] =	ssyncset.s32 $0xFFFFF086  }
0x25: {  	[simem:s6], [sflag:s4] =	dma.local [hbm:s3], $0xF7A  }
0x26: {  	[smem:$0x3F99] =	sst s1;
	(tag) =	ssettag s2;
	_ =	strace s9  }
0x27: {  	s1 =	sld [smem:$0x3FA9]  }
0x28: {  	s2 =	sld [smem:$0x3FAA]  }
0x29: {  	s4 =	sld [smem:$0x3FAC]  }
0x2a: {  	p0 =	seq.s32 s5, $0x0;
	s5 =	sld [smem:$0x3FAD]  }
0x2b: {  	s6 =	sld [smem:$0x3FAE]  }
0x2c: {  	s7 =	sld [smem:$0x3FAF]  }
0x2d: {  	s3 =	simm.s32 $0x108;
	s8 =	sld [smem:$0x3FB0]  }
0x2e: {  	s3 =	simm.s32 @!p0 $0x1082;
	s9 =	sld [smem:$0x3FB1]  }
0x2f: {  	lr =	sadd.s32 s0, s3;
	s0 =	sld [smem:$0x3FA8]  }
0x30: {  	s3 =	sld [smem:$0x3FAB]  }
0x31: {  	[smem:$0x3FB4] =	sst s10  }
0x32: {  	s10 =	sld [smem:$0x3FB2];
	_ =	sdelay $0x3  }
0x33: {  	p0 =	seq.s32 s10, $0x1;
	s10 =	sld [smem:$0x3FB4];
	_ =	sdelay $0x3  }
0x34: {  	[smem:$0x3FB4] =	sst s10  }
0x35: {  	s10 =	sld [smem:$0x3FB3];
	_ =	sdelay $0x3  }
0x36: {  	p1 =	seq.s32 s10, $0x1;
	s10 =	sld [smem:$0x3FB4];
	_ =	sdelay $0x3  }
0x37: {  	[smem:$0x3FB4] =	sst s10  }
0x38: {  	s10 =	sld [smem:$0x3FB5]  }
0x39: {  	_ = 	snop;
	(pc) =	sbr.ind lr, $3  }
0x3a: {  	_ = 	snop  }
0x3b: {  	_ = 	snop  }
0x3c: {  	p2 =	seq.s32 s10, $0x1;
	s10 =	sld [smem:$0x3FB4]  }
0x3d: {  	_ =	shalt  }
0x3e: {  	_ =	shalt  }
0x3f: {  	_ =	shalt  }
0x40: {  	_ =	shalt  }
0x41: {  	_ =	shalt  }
0x42: {  	_ =	shalt  }
0x43: {  	_ =	shalt  }
0x44: {  	_ =	shalt  }
0x45: {  	_ =	shalt  }
0x46: {  	_ =	shalt  }
0x47: {  	_ =	shalt  }
0x48: {  	_ =	shalt  }
0x49: {  	_ =	shalt  }
0x4a: {  	_ =	shalt  }
0x4b: {  	_ =	shalt  }
0x4c: {  	_ =	shalt  }
0x4d: {  	_ =	shalt  }
0x4e: {  	_ =	shalt  }
0x4f: {  	_ =	shalt  }
0x50: {  	_ =	shalt  }
0x51: {  	_ =	shalt  }
0x52: {  	_ =	shalt  }
0x53: {  	_ =	shalt  }
0x54: {  	_ =	shalt  }
0x55: {  	_ =	shalt  }
0x56: {  	_ =	shalt  }
0x57: {  	_ =	shalt  }
0x58: {  	_ =	shalt  }
0x59: {  	_ =	shalt  }
0x5a: {  	_ =	shalt  }
0x5b: {  	_ =	shalt  }
0x5c: {  	_ =	shalt  }
0x5d: {  	_ =	shalt  }
0x5e: {  	_ =	shalt  }
0x5f: {  	_ =	shalt  }
0x60: {  	_ =	shalt  }
0x61: {  	_ =	shalt  }
0x62: {  	_ =	shalt  }
0x63: {  	_ =	shalt  }
0x64: {  	_ =	shalt  }
0x65: {  	_ =	shalt  }
0x66: {  	_ =	shalt  }
0x67: {  	_ =	shalt  }
0x68: {  	_ =	shalt  }
0x69: {  	_ =	shalt  }
0x6a: {  	_ =	shalt  }
0x6b: {  	_ =	shalt  }
0x6c: {  	_ =	shalt  }
0x6d: {  	_ =	shalt  }
0x6e: {  	_ =	shalt  }
0x6f: {  	_ =	shalt  }
0x70: {  	_ =	shalt  }
0x71: {  	_ =	shalt  }
0x72: {  	_ =	shalt  }
0x73: {  	_ =	shalt  }
0x74: {  	_ =	shalt  }
0x75: {  	_ =	shalt  }
0x76: {  	_ =	shalt  }
0x77: {  	_ =	shalt  }
0x78: {  	_ =	shalt  }
0x79: {  	_ =	shalt  }
0x7a: {  	_ =	shalt  }
0x7b: {  	_ =	shalt  }
0x7c: {  	_ =	shalt  }
0x7d: {  	_ =	shalt  }
0x7e: {  	_ =	shalt  }
0x7f: {  	_ =	shalt  }
0x80: {  	_ =	shalt  }
0x81: {  	_ =	shalt  }
0x82: {  	_ =	shalt  }
0x83: {  	_ =	shalt  }
0x84: {  	_ =	shalt  }
0x85: {  	_ =	shalt  }
0x86: {  	_ =	shalt  }
0x87: {  	_ =	shalt  }
.Lfunc_end0:
.L_simem_size_0:
called_computation.3_lowered:
.L_overlay_start_0:
0x88: {  	s2 =	sld [smem:$0x3FD9]  }
0x89: {  	s3 =	sld [smem:$0x3FFE];
	_ =	sdelay $0x1  }
0x8a: {  	s1 =	srdreg.scid  }
0x8b: {  	s0 =	sand.u32 $0x1, s1  }
0x8c: {  	s17 =	sshll.u32 s0, $0xA;
	s2 =	sadd.s32 s3, s2  }
0x8d: {  	s2 =	sadd.s32 s2, s17  }
0x8e: {  	[smem:$0x3FC0] =	sst s2  }
0x8f: {  	_ = 	snop  }
0x90: {  	(tm) =	ssettm $0x1  }
0x91: {  	s18 =	sld [smem:$0x3FFB];
	_ =	sdelay $0x3  }
0x92: {  	_ =	strace s18  }
0x93: {  	s2 =	sld [smem:$0x3FFC];
	_ =	sdelay $0x3  }
0x94: {  	_ =	strace s2  }
0x95: {  	s2 =	sld [smem:$0x3FFD];
	_ =	sdelay $0x3  }
0x96: {  	_ =	strace s2  }
0x97: {  	_ =	strace $0x8FFFFFFF  }
0x98: {  	s19 =	sld [smem:$0x3FDB];
	_ =	sdelay $0x1  }
0x99: {  	s20 =	simm.s32 $_scs_section_size  }
0x9a: {  	s4 =	simm.s32 $_size__tile_overlayer_lowered;
	s5 =	simm.s32 $_tile_overlayer_lowered  }
0x9b: {  	s6 =	simm.s32 $0x1BFF;
	s21 =	sshll.u32 s5, $0x1;
	s3 =	sadd.s32 s20, s19  }
0x9c: {  	s22 =	simm.s32 $0x0;
	s4 =	sshll.u32 s4, $0x1;
	s5 =	sadd.s32 s21, s3  }
0x9d: {  	[timem:s22], [sflag:s6] =	dma.local [hbm:s5], s4  }
0x9e: {  	_ =	swait.ge [sflag:s6], s4  }
0x9f: {  	s4 =	ssub.s32 $0x0, s4;
	[sflag:s6] =	ssyncset.done $0x0  }
0xa0: {  	[sflag:s6] =	ssyncadd.s32 s4;
	_ =	sdelay $0x1  }
0xa1: {  	s23 =	simm.s32 $0x1B8B  }
0xa2: {  	_ =	swait.ge [sflag:s23], $0x1  }
0xa3: {  	[sflag:s23] =	ssyncset.done $0x0  }
0xa4: {  	[sflag:s23] =	ssyncadd.s32 $0xFFFFFFFF  }
0xa5: {  	s4 =	sld [smem:$0x0]  }
0xa6: {  	s5 =	sand.u32 $0xFFFFFFFE, s1  }
0xa7: {  	p0 =	sne.s32 s1, s5  }
0xa8: {  	s5 =	sshll.u32 @p0 s5, $0xE  }
0xa9: {  	s5 =	sadd.s32 @p0 $0x11B8D, s5;
	s6 =	sshll.u32 @p0 s4, $0x11  }
0xaa: {  	s5 =	sor.u32 @p0 s6, s5  }
0xab: {  	[sflag:s5] =	ssyncadd.remote.s32 @p0 $0x1;
	_ =	sdelay $0x1  }
0xac: {  	s5 =	simm.s32 @p0 $0x1B8D  }
0xad: {  	_ =	swait.eq @p0 [sflag:s5], $0x1  }
0xae: {  	[sflag:s5] =	ssyncadd.s32 @p0 $0xFFFFFFFF  }
0xaf: {  	s6 =	sshll.u32 @!p0 s1, $0xE  }
0xb0: {  	s6 =	sor.u32 @!p0 $0x4000, s6;
	s5 =	simm.s32 @!p0 $0x1B8D  }
0xb1: {  	s4 =	sshll.u32 @!p0 s4, $0x11;
	s6 =	sadd.s32 @!p0 $0x11B8D, s6;
	_ =	swait.eq @!p0 [sflag:s5], $0x1  }
0xb2: {  	s4 =	sor.u32 @!p0 s4, s6;
	[sflag:s5] =	ssyncadd.s32 @!p0 $0xFFFFFFFF  }
0xb3: {  	s25 =	simm.s32 $0x1B8E;
	s24 =	sld [smem:$0x3FFE];
	[sflag:s4] =	ssyncadd.remote.s32 @!p0 $0x1  }
0xb4: {  	s26 =	simm.s32 $execute0_lowered;
	[smem:$0x3FD2] =	sst s25  }
0xb5: {  	s5 =	sshll.u32 s26, $0x1;
	_ =	strace $0x80000052;
	[dreg:$0x1] =	wrdreg $0xFFFFFFFF  }
0xb6: {  	s28 =	simm.s32 $_size_execute0_lowered;
	s3 =	sadd.s32 s3, s5;
	[dreg:$0x0] =	wrdreg $0x0  }
0xb7: {  	s5 =	sshll.u32 s28, $0x1;
	[dreg:$0x2] =	wrdreg s3  }
0xb8: {  	[dreg:$0x3] =	wrdreg s5  }
0xb9: {  	[dreg:$0x4] =	wrdreg $0xC0  }
0xba: {  	_ =	task [dreg:s22], $0x5FFFF  }
0xbb: {  	[dreg:$0x1] =	wrdreg $0xFFFFFFFF  }
0xbc: {  	[dreg:$0x0] =	wrdreg $0x60  }
0xbd: {  	[dreg:$0x2] =	wrdreg s24  }
0xbe: {  	[dreg:$0x3] =	wrdreg $0x13D000  }
0xbf: {  	[dreg:$0x4] =	wrdreg $0xB  }
0xc0: {  	_ =	task.clear_ibuf [dreg:s22], $0x5FFFF;
	_ =	strace $0x90000052  }
0xc1: {  	s29 =	simm.s32 $0xB;
	_ =	strace $0x80000054  }
0xc2: {  	_ =	swait.ge [sflag:s29], $0x1  }
0xc3: {  	[sflag:s29] =	ssyncadd.s32 $0xFFFFFFFF  }
0xc4: {  	_ =	strace $0x90000054  }
0xc5: {  	_ =	sfence  }
0xc6: {  	s30 =	sld [smem:$0x0];
	_ =	sdelay $0x2  }
0xc7: {  	s31 =	sshll.u32 s1, $0xD;
	s1 =	sshrl.u32 s1, $0x2  }
0xc8: {  	s4 =	sand.u32 $0x4000, s31;
	s1 =	sadd.s32 s1, s30  }
0xc9: {  	s0 =	sor.u32 s4, s0;
	s1 =	sshll.u32 s1, $0x11  }
0xca: {  	s0 =	sor.u32 s1, s0  }
0xcb: {  	s0 =	sadd.s32 $0x8F2B, s0  }
0xcc: {  	[sflag:s0] =	ssyncadd.remote.s32 $0x1  }
0xcd: {  	_ =	sfence.sel $0xFFFF  }
0xce: {  	[dreg:$0x0] =	wrdreg $0xFFFFFFFF;
	(pc) =	sbr.abs _section_cstart, $3  }
0xcf: {  	[dreg:$0x1] =	wrdreg $0xFFFFFFFF  }
0xd0: {  	_ =	task.clear_ibuf [dreg:s22], $0x2FFFF;
	_ =	strace $0x9FFFFFFF  }
0xd1: {  	(tm) =	ssettm $0x7FFFFFFF  }
tec
execute0_lowered:
.L_overlay_start_1:
0x0: {  	(tag) =	ssettag $0x1  }
0x1: {  	s4 =	rddreg [dreg:$0x0]  }
0x2: {  	s2 =	rddreg [dreg:$0x1]  }
0x3: {  	s0 =	rddreg [dreg:$0x2]  }
0x4: {  	s1 =	stileid.u32;
	s5 =	srdreg.scid;
	s3 =	simm.s32 $0x0  }
0x5: {  	s14 =	simm.s32 $0x11D00;
	s15 =	simm.s32 $0x6;
	s16 =	simm.s32 $0x5000  }
0x6: {  	s17 =	simm.s32 $0xFA;
	s18 =	simm.s32 $0xA000;
	s19 =	simm.s32 $0x100  }
0x7: {  	s20 =	simm.s32 $0xDE80;
	s21 =	simm.s32 $0x5;
	s22 =	simm.s32 $0x1  }
0x8: {  	s23 =	simm.s32 $0x3;
	s24 =	simm.s32 $0x2;
	s6 =	smul.u32 $0xA00, s1  }
0x9: {  	s25 =	simm.s32 $0x4;
	s26 =	simm.s32 $0x9E00;
	s8 =	smul.u32 $0xA000, s1  }
0xa: {  	s28 =	simm.s32 $0x9F00;
	s5 =	sand.u32 $0x1, s5;
	s9 =	smul.u32 $0x28000, s1  }
0xb: {  	[smem:$0x7FF] =	sst s3;
	s7 =	smul.u32 $0xA0000, s5;
	s5 =	ssub.s32 $0x2, s5  }
0xc: {  	_ =	strace $0x80000053;
	s10 =	sadd.s32 s6, s4;
	s31 =	sshrl.u32 s5, $0x1  }
0xd: {  	s9 =	sshrl.u32 s9, $0x2;
	s29 =	sshrl.u32 s7, $0x3;
	s30 =	sadd.s32 s8, s7  }
0xe: {  	s13 =	ssub.s32 s5, s31;
	s9 =	sadd.s32 s9, s2;
	s11 =	sadd.s32 s29, s4  }
0xf: {  	s6 =	sshrl.u32 s30, $0x3;
	s5 =	sadd.s32 $0x2000, s9;
	s7 =	sadd.s32 $0x6000, s9  }
0x10: {  	s13 =	smax.u32 s13, $0x1;
	s12 =	sadd.s32 s6, s4;
	s4 =	sadd.s32 s8, s2  }
0x11: {  	s6 =	sadd.s32 $0x4000, s9;
	s8 =	sadd.s32 $0x8000, s9;
	s9 =	sadd.s32 $0xBA200, s10  }
0x12: {  	v0 =	vimm.f32 $0.0e+00;
	s10 =	sadd.s32 $0xB0200, s10;
	s11 =	sadd.s32 $0x84000, s11;
	s12 =	sadd.s32 $0x3000, s12  }
.LBB2_1:
0x13: {  	s30 =	simm.s32 $0x100;
	s29 =	simm.s32 $0x0  }
.LBB2_2:
0x14: {  	p0 =	sne.s32 s30, $0x7F00;
	[tilespmem:s29+$0x11D30] =	vst v0;
	s31 =	smov.u32 s30;
	s30 =	sadd.s32 $0x100, s30  }
.Ltmp0:
0x15: {  	[tilespmem:s29+$0x11D20] =	vst v0;
	(pc) =	sbr.rel @p0 .LBB2_2-.Ltmp0, $3  }
0x16: {  	[tilespmem:s29+$0x11D00] =	vst v0  }
0x17: {  	[tilespmem:s29+$0x11D10] =	vst v0;
	_ =	sdelay $0x1  }
0x18: {  	s29 =	sshra.s32 s31, $0x2  }
0x19: {  	[tilespmem:s29+$0x11D30] =	vst v0  }
0x1a: {  	[tilespmem:s29+$0x11D20] =	vst v0  }
0x1b: {  	[tilespmem:s29+$0x11D00] =	vst v0  }
0x1c: {  	[tilespmem:s29+$0x11D10] =	vst v0  }
0x1d: {  	[spmem:s4] =	stream.linear.scatter [tilespmem:s14], [sflag:$0x5], $0x2000, $0x38;
	[tilespmem:$0x1DD00] =	vst v63  }
0x1e: {  	_ = 	snop  }
0x1f: {  	[spmem:s5] =	stream.linear.scatter [tilespmem:s14], [sflag:$0x5], $0x2000, $0x38;
	[tilespmem:$0x1DD00] =	vst v63  }
0x20: {  	_ = 	snop  }
0x21: {  	[spmem:s6] =	stream.linear.scatter [tilespmem:s14], [sflag:$0x5], $0x2000, $0x38;
	[tilespmem:$0x1DD00] =	vst v63  }
0x22: {  	_ = 	snop  }
0x23: {  	[spmem:s7] =	stream.linear.scatter [tilespmem:s14], [sflag:$0x5], $0x2000, $0x38;
	[tilespmem:$0x1DD00] =	vst v63  }
0x24: {  	_ = 	snop  }
0x25: {  	[spmem:s8] =	stream.linear.scatter [tilespmem:s14], [sflag:$0x5], $0x2000, $0x38;
	[tilespmem:$0x1DD00] =	vst v63  }
0x26: {  	s29 =	simm.s32 $0x0  }
0x27: {  	[tilespmem:s29], [sflag:$0x6] =	stream.linear.gather [hbm4b:s9+s29], $0x5000, $0x38;
	[tilespmem:$0x1DD00] =	vst v63  }
0x28: {  	_ =	swait.ge [sflag:s15], $0x5000  }
0x29: {  	[sflag:s15] =	ssyncset.done $0x0  }
0x2a: {  	[sflag:s15] =	ssyncadd.s32 $0xFFFFB000  }
0x2b: {  	[tilespmem:s16], [sflag:$0x6] =	stream.linear.gather [hbm4b:s10+s29], $0x5000, $0x38;
	[tilespmem:$0x1DD00] =	vst v63  }
0x2c: {  	_ =	swait.ge [sflag:s15], $0x5000  }
0x2d: {  	[sflag:s15] =	ssyncset.done $0x0  }
0x2e: {  	[sflag:s15] =	ssyncadd.s32 $0xFFFFB000  }
0x2f: {  	[tilespmem:s18], [sflag:$0x1] =	stream.indirect.gather [hbm4b:s11+s17], $0x40, s29, s17, $0xb8;
	[tilespmem:$0x1DD00] =	vst v63  }
0x30: {  	_ = 	snop  }
0x31: {  	[tilespmem:s20], [sflag:$0x2] =	stream.indirect.gather [hbm4b:s11+s17], $0x40, s19, s17, $0xb8;
	[tilespmem:$0x1DD00] =	vst v63  }
0x32: {  	_ =	swait.ge [sflag:s21], $0x2000  }
0x33: {  	[sflag:s21] =	ssyncset.done $0x0  }
0x34: {  	[sflag:s21] =	ssyncadd.s32 $0xFFFFE000  }
0x35: {  	_ =	swait.ge [sflag:s21], $0x2000  }
0x36: {  	[sflag:s21] =	ssyncset.done $0x0  }
0x37: {  	[sflag:s21] =	ssyncadd.s32 $0xFFFFE000  }
0x38: {  	_ =	swait.ge [sflag:s21], $0x2000  }
0x39: {  	[sflag:s21] =	ssyncset.done $0x0  }
0x3a: {  	[sflag:s21] =	ssyncadd.s32 $0xFFFFE000  }
0x3b: {  	_ =	swait.ge [sflag:s21], $0x2000  }
0x3c: {  	[sflag:s21] =	ssyncset.done $0x0  }
0x3d: {  	[sflag:s21] =	ssyncadd.s32 $0xFFFFE000  }
0x3e: {  	_ =	swait.ge [sflag:s21], $0x2000  }
0x3f: {  	[sflag:s21] =	ssyncset.done $0x0  }
0x40: {  	[sflag:s21] =	ssyncadd.s32 $0xFFFFE000  }
0x41: {  	[bflag:$0x0] =	sbarrier.arrive $0xFFFF  }
0x42: {  	_ =	swait.ge [sflag:s22], $0x3E80  }
0x43: {  	[sflag:s22] =	ssyncset.done $0x0  }
0x44: {  	s29 =	simm.s32 $0x5000;
	[sflag:s22] =	ssyncadd.s32 $0xFFFFC180  }
0x45: {  	[spmem:s2] =	stream.indirect.scatter.add.f32 [tilespmem:s18], [sflag:$0x3], $0x40, s29, s17, $0xb8;
	[tilespmem:$0x1DD00] =	vst v63  }
0x46: {  	_ =	swait.ge [sflag:s23], $0x3E80  }
0x47: {  	[sflag:s23] =	ssyncset.done $0x0  }
0x48: {  	s29 =	simm.s32 $0x200;
	[sflag:s23] =	ssyncadd.s32 $0xFFFFC180  }
0x49: {  	[tilespmem:s18], [sflag:$0x1] =	stream.indirect.gather [hbm4b:s11+s17], $0x40, s29, s17, $0xb8;
	[tilespmem:$0x1DD00] =	vst v63  }
0x4a: {  	_ =	swait.ge [sflag:s24], $0x3E80  }
0x4b: {  	[sflag:s24] =	ssyncset.done $0x0  }
0x4c: {  	s29 =	simm.s32 $0x5100;
	[sflag:s24] =	ssyncadd.s32 $0xFFFFC180  }
0x4d: {  	[spmem:s2] =	stream.indirect.scatter.add.f32 [tilespmem:s20], [sflag:$0x4], $0x40, s29, s17, $0xb8;
	[tilespmem:$0x1DD00] =	vst v63  }
0x4e: {  	_ =	swait.ge [sflag:s25], $0x3E80  }
0x4f: {  	[sflag:s25] =	ssyncset.done $0x0  }
0x50: {  	s30 =	simm.s32 $0x300;
	s29 =	simm.s32 $0x800;
	[sflag:s25] =	ssyncadd.s32 $0xFFFFC180  }
.LBB2_4:
0x51: {  	[tilespmem:s20], [sflag:$0x2] =	stream.indirect.gather [hbm4b:s11+s17], $0x40, s30, s17, $0xb8;
	[tilespmem:$0x1DD00] =	vst v63  }
0x52: {  	s30 =	smov.u32 s29  }
0x53: {  	p0 =	sne.s32 s29, $0x13000;
	s29 =	sadd.s32 $0x800, s29;
	_ =	swait.ge [sflag:s22], $0x3E80  }
0x54: {  	s30 =	sshra.s32 s30, $0x2;
	[sflag:s22] =	ssyncset.done $0x0  }
0x55: {  	s31 =	sadd.s32 $0x5000, s30;
	[sflag:s22] =	ssyncadd.s32 $0xFFFFC180  }
0x56: {  	[spmem:s2] =	stream.indirect.scatter.add.f32 [tilespmem:s18], [sflag:$0x3], $0x40, s31, s17, $0xb8;
	[tilespmem:$0x1DD00] =	vst v63  }
0x57: {  	_ =	swait.ge [sflag:s23], $0x3E80  }
0x58: {  	[sflag:s23] =	ssyncset.done $0x0  }
0x59: {  	s31 =	sadd.s32 $0x200, s30;
	[sflag:s23] =	ssyncadd.s32 $0xFFFFC180  }
0x5a: {  	[tilespmem:s18], [sflag:$0x1] =	stream.indirect.gather [hbm4b:s11+s17], $0x40, s31, s17, $0xb8;
	[tilespmem:$0x1DD00] =	vst v63  }
0x5b: {  	_ =	swait.ge [sflag:s24], $0x3E80  }
0x5c: {  	[sflag:s24] =	ssyncset.done $0x0  }
.Ltmp1:
0x5d: {  	s31 =	sadd.s32 $0x5100, s30;
	[sflag:s24] =	ssyncadd.s32 $0xFFFFC180;
	(pc) =	sbr.rel @p0 .LBB2_4-.Ltmp1, $4  }
0x5e: {  	[spmem:s2] =	stream.indirect.scatter.add.f32 [tilespmem:s20], [sflag:$0x4], $0x40, s31, s17, $0xb8;
	[tilespmem:$0x1DD00] =	vst v63  }
0x5f: {  	_ =	swait.ge [sflag:s25], $0x3E80  }
0x60: {  	[sflag:s25] =	ssyncset.done $0x0  }
0x61: {  	s30 =	sadd.s32 $0x300, s30;
	[sflag:s25] =	ssyncadd.s32 $0xFFFFC180  }
0x62: {  	[tilespmem:s20], [sflag:$0x2] =	stream.indirect.gather [hbm4b:s11+s17], $0x40, s30, s17, $0xb8;
	[tilespmem:$0x1DD00] =	vst v63  }
0x63: {  	_ =	swait.ge [sflag:s22], $0x3E80  }
0x64: {  	[sflag:s22] =	ssyncset.done $0x0  }
0x65: {  	[sflag:s22] =	ssyncadd.s32 $0xFFFFC180  }
0x66: {  	[spmem:s2] =	stream.indirect.scatter.add.f32 [tilespmem:s18], [sflag:$0x3], $0x40, s26, s17, $0xb8;
	[tilespmem:$0x1DD00] =	vst v63  }
0x67: {  	_ =	swait.ge [sflag:s23], $0x3E80  }
0x68: {  	[sflag:s23] =	ssyncset.done $0x0  }
0x69: {  	[sflag:s23] =	ssyncadd.s32 $0xFFFFC180  }
0x6a: {  	_ =	swait.ge [sflag:s24], $0x3E80  }
0x6b: {  	[sflag:s24] =	ssyncset.done $0x0  }
0x6c: {  	[sflag:s24] =	ssyncadd.s32 $0xFFFFC180  }
0x6d: {  	[spmem:s2] =	stream.indirect.scatter.add.f32 [tilespmem:s20], [sflag:$0x4], $0x40, s28, s17, $0xb8;
	[tilespmem:$0x1DD00] =	vst v63  }
0x6e: {  	_ =	swait.ge [sflag:s25], $0x3E80  }
0x6f: {  	s29 =	sshll.u32 s1, $0x6;
	s3 =	sadd.s32 $0x1, s3;
	[sflag:s25] =	ssyncset.done $0x0  }
0x70: {  	s31 =	sshrl.u32 s4, $0x3;
	p0 =	sne.s32 s3, s13;
	[sflag:s25] =	ssyncadd.s32 $0xFFFFC180  }
.Ltmp2:
0x71: {  	s29 =	sor.u32 $0x1C06, s29;
	[bflag:$0x0] =	sbarrier.arrive $0xFFFF;
	(pc) =	sbr.rel @p0 .LBB2_1-.Ltmp2, $4  }
0x72: {  	[hbm:s12], [sflag:s29] =	dma.local [spmem:s31], $0x1400  }
0x73: {  	_ =	swait.ge [sflag:s15], $0x1400  }
0x74: {  	[sflag:s15] =	ssyncset.done $0x0  }
0x75: {  	[sflag:s15] =	ssyncadd.s32 $0xFFFFEC00  }
0x76: {  	_ =	sfence.sel $0x180000  }
0x77: {  	[bflag:$0x0] =	sbarrier.arrive $0xFFFF  }
0x78: {  	p0 =	sne.s32 s1, $0x0;
	_ =	strace $0x90000053  }
0x79: {  	s0 =	sadd.s32 @!p0 $0x100000, s0;
	[bflag:$0x2] =	sbarrier.arrive $0xFFFF  }
0x7a: {  	[sflag:s0] =	ssyncadd.tile.s32 @!p0 $0x1;
	_ =	shalt  }
.Lfunc_end2:
_tile_overlayer_lowered:
.L_overlay_start_2:
0x7b: {  	(tag) =	ssettag $0x2  }
0x7c: {  	s0 =	rddreg [dreg:$0x0];
	s2 =	stileid.u32  }
0x7d: {  	s1 =	rddreg [dreg:$0x1];
	p0 =	sne.s32 s2, $0x0  }
0x7e: {  	s3 =	rddreg [dreg:$0x2];
	[bflag:$0x3] =	sbarrier.arrive $0xFFFF;
	s2 =	simm.s32 @!p0 $0x1C06  }
0x7f: {  	[timem:s3], [sflag:s2] =	dma.local @!p0 [hbm:s0], s1  }
0x80: {  	s0 =	simm.s32 @!p0 $0x6  }
0x81: {  	_ =	swait.ge @!p0 [sflag:s0], s1  }
0x82: {  	s1 =	ssub.s32 @!p0 $0x0, s1;
	[sflag:s0] =	ssyncset.done @!p0 $0x0  }
0x83: {  	[sflag:s0] =	ssyncadd.s32 @!p0 s1  }
0x84: {  	[bflag:$0x3] =	sbarrier.arrive $0xFFFF  }
0x85: {  	_ =	shalt  }

// kernel: sc_prop_deg.11.cloned.1.call-start
scs
__scs_entry_jumppad:
0x0: {  	(pc) =	sbr.rel $0x88, $3  }
0x1: {  	(tag) =	ssettag $0x0;
	lr =	simm.s32 $0x1  }
0x2: {  	[smem:$0x3F99] =	sst lr;
	_ =	strace $0xD0000000  }
0x3: {  	_ = 	snop  }
0x4: {  	_ = 	snop  }
0x5: {  	_ = 	snop  }
0x6: {  	_ = 	snop  }
0x7: {  	_ = 	snop  }
__scs_overlays_trampoline_lowered:
0x8: {  	[smem:$0x3FA8] =	sst s0  }
0x9: {  	[smem:$0x3FA9] =	sst s1  }
0xa: {  	[smem:$0x3FAA] =	sst s2  }
0xb: {  	[smem:$0x3FAB] =	sst s3  }
0xc: {  	[smem:$0x3FAC] =	sst s4  }
0xd: {  	[smem:$0x3FAD] =	sst s5  }
0xe: {  	[smem:$0x3FAE] =	sst s6  }
0xf: {  	[smem:$0x3FAF] =	sst s7  }
0x10: {  	[smem:$0x3FB0] =	sst s8  }
0x11: {  	[smem:$0x3FB1] =	sst s9;
	s0 =	simm.s32 @!p0 $0x0  }
0x12: {  	s1 =	sld [smem:$0x3F97];
	s0 =	simm.s32 @p0 $0x1  }
0x13: {  	[smem:$0x3FB2] =	sst s0;
	s0 =	simm.s32 @!p1 $0x0  }
0x14: {  	s2 =	sld [smem:$0x3F96];
	s0 =	simm.s32 @p1 $0x1  }
0x15: {  	[smem:$0x3FB3] =	sst s0;
	s0 =	simm.s32 @!p2 $0x0  }
0x16: {  	s3 =	sld [smem:$0x3FDB];
	s0 =	simm.s32 @p2 $0x1  }
0x17: {  	s4 =	simm.s32 $0x1BF5;
	[smem:$0x3FB5] =	sst s0  }
0x18: {  	s0 =	sld [smem:$0x3F98];
	_ =	swait.ge [sflag:s4], $0x0  }
0x19: {  	s7 =	sld [smem:$0x3F99]  }
0x1a: {  	s8 =	sadd.s32 $0xFFFFE003, lr  }
0x1b: {  	s9 =	sadd.s32 $0xFFFFFEF7, lr;
	s5 =	simm.s32 $0xFFFFFFFF;
	p2 =	slt.u32 s8, $0xFFFFF086  }
0x1c: {  	p1 =	slt.u32 s9, $0xF7A;
	s5 =	simm.s32 @!p2 $0x0  }
0x1d: {  	s5 =	simm.s32 @p1 $0x1;
	p0 =	seq.s32 s7, s2  }
0x1e: {  	s7 =	smul.u32 @!p0 $0xF7A, s2;
	p2 =	seq.s32 @!p0 s5, $0x0  }
0x1f: {  	s9 =	smul.u32 $0xF7A, s1;
	s8 =	simm.s32 @!p0 $0x1BF5;
	p2 =	por !p2, p0  }
0x20: {  	[sflag:s8] =	ssyncset.s32 @!p0 $0xFFFFF086;
	s6 =	sadd.s32 @!p0 s3, s7;
	s7 =	simm.s32 @!p0 $0x108  }
0x21: {  	s3 =	sadd.s32 s3, s9;
	s6 =	sadd.s32 @!p0 $0x88, s6;
	s7 =	simm.s32 @p2 $0x1082  }
0x22: {  	[simem:s7], [sflag:s8] =	dma.local @!p0 [hbm:s6], $0xF7A  }
0x23: {  	s9 =	sor.u32 $0xD0000000, s2;
	s6 =	simm.s32 $0x108;
	_ =	swait.ge @!p0 [sflag:s8], $0x0  }
0x24: {  	s3 =	sadd.s32 $0x88, s3;
	s6 =	simm.s32 @!p1 $0x1082;
	[sflag:s4] =	ssyncset.s32 $0xFFFFF086  }
0x25: {  	[simem:s6], [sflag:s4] =	dma.local [hbm:s3], $0xF7A  }
0x26: {  	[smem:$0x3F99] =	sst s1;
	(tag) =	ssettag s2;
	_ =	strace s9  }
0x27: {  	s1 =	sld [smem:$0x3FA9]  }
0x28: {  	s2 =	sld [smem:$0x3FAA]  }
0x29: {  	s4 =	sld [smem:$0x3FAC]  }
0x2a: {  	p0 =	seq.s32 s5, $0x0;
	s5 =	sld [smem:$0x3FAD]  }
0x2b: {  	s6 =	sld [smem:$0x3FAE]  }
0x2c: {  	s7 =	sld [smem:$0x3FAF]  }
0x2d: {  	s3 =	simm.s32 $0x108;
	s8 =	sld [smem:$0x3FB0]  }
0x2e: {  	s3 =	simm.s32 @!p0 $0x1082;
	s9 =	sld [smem:$0x3FB1]  }
0x2f: {  	lr =	sadd.s32 s0, s3;
	s0 =	sld [smem:$0x3FA8]  }
0x30: {  	s3 =	sld [smem:$0x3FAB]  }
0x31: {  	[smem:$0x3FB4] =	sst s10  }
0x32: {  	s10 =	sld [smem:$0x3FB2];
	_ =	sdelay $0x3  }
0x33: {  	p0 =	seq.s32 s10, $0x1;
	s10 =	sld [smem:$0x3FB4];
	_ =	sdelay $0x3  }
0x34: {  	[smem:$0x3FB4] =	sst s10  }
0x35: {  	s10 =	sld [smem:$0x3FB3];
	_ =	sdelay $0x3  }
0x36: {  	p1 =	seq.s32 s10, $0x1;
	s10 =	sld [smem:$0x3FB4];
	_ =	sdelay $0x3  }
0x37: {  	[smem:$0x3FB4] =	sst s10  }
0x38: {  	s10 =	sld [smem:$0x3FB5]  }
0x39: {  	_ = 	snop;
	(pc) =	sbr.ind lr, $3  }
0x3a: {  	_ = 	snop  }
0x3b: {  	_ = 	snop  }
0x3c: {  	p2 =	seq.s32 s10, $0x1;
	s10 =	sld [smem:$0x3FB4]  }
0x3d: {  	_ =	shalt  }
0x3e: {  	_ =	shalt  }
0x3f: {  	_ =	shalt  }
0x40: {  	_ =	shalt  }
0x41: {  	_ =	shalt  }
0x42: {  	_ =	shalt  }
0x43: {  	_ =	shalt  }
0x44: {  	_ =	shalt  }
0x45: {  	_ =	shalt  }
0x46: {  	_ =	shalt  }
0x47: {  	_ =	shalt  }
0x48: {  	_ =	shalt  }
0x49: {  	_ =	shalt  }
0x4a: {  	_ =	shalt  }
0x4b: {  	_ =	shalt  }
0x4c: {  	_ =	shalt  }
0x4d: {  	_ =	shalt  }
0x4e: {  	_ =	shalt  }
0x4f: {  	_ =	shalt  }
0x50: {  	_ =	shalt  }
0x51: {  	_ =	shalt  }
0x52: {  	_ =	shalt  }
0x53: {  	_ =	shalt  }
0x54: {  	_ =	shalt  }
0x55: {  	_ =	shalt  }
0x56: {  	_ =	shalt  }
0x57: {  	_ =	shalt  }
0x58: {  	_ =	shalt  }
0x59: {  	_ =	shalt  }
0x5a: {  	_ =	shalt  }
0x5b: {  	_ =	shalt  }
0x5c: {  	_ =	shalt  }
0x5d: {  	_ =	shalt  }
0x5e: {  	_ =	shalt  }
0x5f: {  	_ =	shalt  }
0x60: {  	_ =	shalt  }
0x61: {  	_ =	shalt  }
0x62: {  	_ =	shalt  }
0x63: {  	_ =	shalt  }
0x64: {  	_ =	shalt  }
0x65: {  	_ =	shalt  }
0x66: {  	_ =	shalt  }
0x67: {  	_ =	shalt  }
0x68: {  	_ =	shalt  }
0x69: {  	_ =	shalt  }
0x6a: {  	_ =	shalt  }
0x6b: {  	_ =	shalt  }
0x6c: {  	_ =	shalt  }
0x6d: {  	_ =	shalt  }
0x6e: {  	_ =	shalt  }
0x6f: {  	_ =	shalt  }
0x70: {  	_ =	shalt  }
0x71: {  	_ =	shalt  }
0x72: {  	_ =	shalt  }
0x73: {  	_ =	shalt  }
0x74: {  	_ =	shalt  }
0x75: {  	_ =	shalt  }
0x76: {  	_ =	shalt  }
0x77: {  	_ =	shalt  }
0x78: {  	_ =	shalt  }
0x79: {  	_ =	shalt  }
0x7a: {  	_ =	shalt  }
0x7b: {  	_ =	shalt  }
0x7c: {  	_ =	shalt  }
0x7d: {  	_ =	shalt  }
0x7e: {  	_ =	shalt  }
0x7f: {  	_ =	shalt  }
0x80: {  	_ =	shalt  }
0x81: {  	_ =	shalt  }
0x82: {  	_ =	shalt  }
0x83: {  	_ =	shalt  }
0x84: {  	_ =	shalt  }
0x85: {  	_ =	shalt  }
0x86: {  	_ =	shalt  }
0x87: {  	_ =	shalt  }
.Lfunc_end0:
.L_simem_size_0:
called_computation.4_lowered:
.L_overlay_start_0:
0x88: {  	s2 =	sld [smem:$0x3FD9]  }
0x89: {  	s3 =	sld [smem:$0x3FFE];
	_ =	sdelay $0x1  }
0x8a: {  	s1 =	srdreg.scid  }
0x8b: {  	s0 =	sand.u32 $0x1, s1  }
0x8c: {  	s17 =	sshll.u32 s0, $0xA;
	s2 =	sadd.s32 s3, s2  }
0x8d: {  	s2 =	sadd.s32 s2, s17  }
0x8e: {  	[smem:$0x3FC0] =	sst s2  }
0x8f: {  	_ = 	snop  }
0x90: {  	(tm) =	ssettm $0x1  }
0x91: {  	s18 =	sld [smem:$0x3FFB];
	_ =	sdelay $0x3  }
0x92: {  	_ =	strace s18  }
0x93: {  	s2 =	sld [smem:$0x3FFC];
	_ =	sdelay $0x3  }
0x94: {  	_ =	strace s2  }
0x95: {  	s2 =	sld [smem:$0x3FFD];
	_ =	sdelay $0x3  }
0x96: {  	_ =	strace s2  }
0x97: {  	_ =	strace $0x8FFFFFFF  }
0x98: {  	s19 =	sld [smem:$0x3FDB];
	_ =	sdelay $0x1  }
0x99: {  	s20 =	simm.s32 $_scs_section_size  }
0x9a: {  	s4 =	simm.s32 $_size__tile_overlayer_lowered;
	s5 =	simm.s32 $_tile_overlayer_lowered  }
0x9b: {  	s6 =	simm.s32 $0x1BFF;
	s21 =	sshll.u32 s5, $0x1;
	s3 =	sadd.s32 s20, s19  }
0x9c: {  	s22 =	simm.s32 $0x0;
	s4 =	sshll.u32 s4, $0x1;
	s5 =	sadd.s32 s21, s3  }
0x9d: {  	[timem:s22], [sflag:s6] =	dma.local [hbm:s5], s4  }
0x9e: {  	_ =	swait.ge [sflag:s6], s4  }
0x9f: {  	s4 =	ssub.s32 $0x0, s4;
	[sflag:s6] =	ssyncset.done $0x0  }
0xa0: {  	[sflag:s6] =	ssyncadd.s32 s4;
	_ =	sdelay $0x1  }
0xa1: {  	s23 =	simm.s32 $0x1B8B  }
0xa2: {  	_ =	swait.ge [sflag:s23], $0x1  }
0xa3: {  	[sflag:s23] =	ssyncset.done $0x0  }
0xa4: {  	[sflag:s23] =	ssyncadd.s32 $0xFFFFFFFF  }
0xa5: {  	s4 =	sld [smem:$0x0]  }
0xa6: {  	s5 =	sand.u32 $0xFFFFFFFE, s1  }
0xa7: {  	p0 =	sne.s32 s1, s5  }
0xa8: {  	s5 =	sshll.u32 @p0 s5, $0xE  }
0xa9: {  	s5 =	sadd.s32 @p0 $0x11B8D, s5;
	s6 =	sshll.u32 @p0 s4, $0x11  }
0xaa: {  	s5 =	sor.u32 @p0 s6, s5  }
0xab: {  	[sflag:s5] =	ssyncadd.remote.s32 @p0 $0x1;
	_ =	sdelay $0x1  }
0xac: {  	s5 =	simm.s32 @p0 $0x1B8D  }
0xad: {  	_ =	swait.eq @p0 [sflag:s5], $0x1  }
0xae: {  	[sflag:s5] =	ssyncadd.s32 @p0 $0xFFFFFFFF  }
0xaf: {  	s6 =	sshll.u32 @!p0 s1, $0xE  }
0xb0: {  	s6 =	sor.u32 @!p0 $0x4000, s6;
	s5 =	simm.s32 @!p0 $0x1B8D  }
0xb1: {  	s4 =	sshll.u32 @!p0 s4, $0x11;
	s6 =	sadd.s32 @!p0 $0x11B8D, s6;
	_ =	swait.eq @!p0 [sflag:s5], $0x1  }
0xb2: {  	s4 =	sor.u32 @!p0 s4, s6;
	[sflag:s5] =	ssyncadd.s32 @!p0 $0xFFFFFFFF  }
0xb3: {  	s25 =	simm.s32 $0x1B8E;
	s24 =	sld [smem:$0x3FFE];
	[sflag:s4] =	ssyncadd.remote.s32 @!p0 $0x1  }
0xb4: {  	s26 =	simm.s32 $execute0_lowered;
	[smem:$0x3FD2] =	sst s25  }
0xb5: {  	s5 =	sshll.u32 s26, $0x1;
	_ =	strace $0x8000004C;
	[dreg:$0x1] =	wrdreg $0xFFFFFFFF  }
0xb6: {  	s28 =	simm.s32 $_size_execute0_lowered;
	s3 =	sadd.s32 s3, s5;
	[dreg:$0x0] =	wrdreg $0x0  }
0xb7: {  	s5 =	sshll.u32 s28, $0x1;
	[dreg:$0x2] =	wrdreg s3  }
0xb8: {  	[dreg:$0x3] =	wrdreg s5  }
0xb9: {  	[dreg:$0x4] =	wrdreg $0xC0  }
0xba: {  	_ =	task [dreg:s22], $0x5FFFF  }
0xbb: {  	[dreg:$0x1] =	wrdreg $0xFFFFFFFF  }
0xbc: {  	[dreg:$0x0] =	wrdreg $0x60  }
0xbd: {  	[dreg:$0x2] =	wrdreg s24  }
0xbe: {  	[dreg:$0x3] =	wrdreg $0x144D00  }
0xbf: {  	[dreg:$0x4] =	wrdreg $0x1E4D00  }
0xc0: {  	[dreg:$0x5] =	wrdreg $0xA  }
0xc1: {  	_ =	task.clear_ibuf [dreg:s22], $0x6FFFF;
	_ =	strace $0x9000004C  }
0xc2: {  	s29 =	simm.s32 $0xA;
	_ =	strace $0x8000004E  }
0xc3: {  	_ =	swait.ge [sflag:s29], $0x1  }
0xc4: {  	[sflag:s29] =	ssyncadd.s32 $0xFFFFFFFF  }
0xc5: {  	_ =	strace $0x9000004E  }
0xc6: {  	_ =	sfence  }
0xc7: {  	s30 =	sld [smem:$0x0];
	_ =	sdelay $0x2  }
0xc8: {  	s31 =	sshll.u32 s1, $0xD;
	s1 =	sshrl.u32 s1, $0x2  }
0xc9: {  	s4 =	sand.u32 $0x4000, s31;
	s1 =	sadd.s32 s1, s30  }
0xca: {  	s0 =	sor.u32 s4, s0;
	s1 =	sshll.u32 s1, $0x11  }
0xcb: {  	s0 =	sor.u32 s1, s0  }
0xcc: {  	s0 =	sadd.s32 $0x8F2B, s0  }
0xcd: {  	[sflag:s0] =	ssyncadd.remote.s32 $0x1  }
0xce: {  	_ =	sfence.sel $0xFFFF  }
0xcf: {  	[dreg:$0x0] =	wrdreg $0xFFFFFFFF;
	(pc) =	sbr.abs _section_cstart, $3  }
0xd0: {  	[dreg:$0x1] =	wrdreg $0xFFFFFFFF  }
0xd1: {  	_ =	task.clear_ibuf [dreg:s22], $0x2FFFF;
	_ =	strace $0x9FFFFFFF  }
0xd2: {  	(tm) =	ssettm $0x7FFFFFFF  }
0xd3: {  	_ =	shalt  }
tec
execute0_lowered:
.L_overlay_start_1:
0x0: {  	(tag) =	ssettag $0x1  }
0x1: {  	s14 =	stileid.u32;
	s1 =	rddreg [dreg:$0x0]  }
0x2: {  	s0 =	srdreg.scid;
	s2 =	rddreg [dreg:$0x1]  }
0x3: {  	s3 =	rddreg [dreg:$0x2];
	s5 =	smul.u32 $0xA00, s14  }
0x4: {  	s4 =	simm.s32 $0x0;
	s29 =	simm.s32 $0xFA;
	s7 =	smul.u32 $0xA000, s14  }
0x5: {  	s30 =	simm.s32 $0xA000;
	s28 =	simm.s32 $0x5;
	s9 =	smul.u32 $0x1400, s14  }
0x6: {  	s31 =	simm.s32 $0x1;
	s0 =	sand.u32 $0x1, s0;
	s13 =	smul.u32 $0x280, s14  }
0x7: {  	[smem:$0x7FF] =	sst s4;
	s21 =	sadd.s32 $0x5BC00, s1;
	s6 =	smul.u32 $0x13880, s0  }
0x8: {  	s23 =	sshll.u32 s14, $0x6;
	s8 =	smul.u32 $0xA0000, s0;
	_ =	strace $0x8000004D  }
0x9: {  	s10 =	smul.u32 $0x14000, s0;
	[dreg:$0x4] =	wrdreg s21;
	s12 =	ssub.s32 $0x2, s0  }
0xa: {  	[dreg:$0x5] =	wrdreg s23;
	p0 =	seq.s32 s0, $0x0;
	s0 =	simm.s32 $0x4  }
0xb: {  	s5 =	sadd.s32 s5, s1;
	s22 =	sshrl.u32 s12, $0x1;
	s24 =	sadd.s32 $0x80, s13  }
0xc: {  	s15 =	sadd.s32 $0x100, s13;
	s17 =	sadd.s32 $0x180, s13;
	s13 =	sadd.s32 $0x200, s13  }
0xd: {  	s11 =	sadd.s32 s6, s1;
	s8 =	sadd.s32 s7, s8;
	s6 =	sadd.s32 $0x5BE00, s1  }
0xe: {  	s10 =	sadd.s32 s9, s10;
	s12 =	ssub.s32 s12, s22;
	s7 =	sadd.s32 s7, s2  }
0xf: {  	s9 =	sadd.s32 s9, s3;
	s25 =	sshll.u32 s24, $0x6;
	s26 =	sshll.u32 s15, $0x6  }
0x10: {  	s16 =	sshll.u32 s15, $0x3;
	s18 =	sshll.u32 s17, $0x6;
	s19 =	sshll.u32 s17, $0x3  }
0x11: {  	s20 =	sshll.u32 s13, $0x6;
	s13 =	sshll.u32 s13, $0x3;
	s22 =	sadd.s32 $0x2F200, s5  }
0x12: {  	s5 =	sadd.s32 $0x39200, s5;
	s8 =	sshrl.u32 s8, $0x3;
	s10 =	sshrl.u32 s10, $0x3  }
0x13: {  	[dreg:$0x6] =	wrdreg s9;
	s9 =	sshll.u32 s24, $0x3;
	s14 =	sadd.s32 s25, s2  }
0x14: {  	s24 =	sadd.s32 s19, s3;
	s21 =	sadd.s32 s20, s2;
	[dreg:$0xb] =	wrdreg s22  }
0x15: {  	s13 =	sadd.s32 s13, s3;
	[dreg:$0xc] =	wrdreg s5;
	s17 =	sadd.s32 $0xC4200, s11  }
0x16: {  	s8 =	sadd.s32 s8, s1;
	s1 =	sadd.s32 s10, s1;
	s10 =	sor.u32 $0x1C05, s23  }
0x17: {  	[dreg:$0x7] =	wrdreg s14;
	s9 =	sadd.s32 s9, s3;
	s14 =	sadd.s32 s26, s2  }
0x18: {  	s23 =	sadd.s32 s16, s3;
	[dreg:$0xa] =	wrdreg s21;
	s26 =	smax.u32 s12, $0x1  }
0x19: {  	s21 =	simm.s32 $0x11D00;
	s24 =	sshrl.u32 s24, $0x3;
	[dreg:$0x8] =	wrdreg s14  }
0x1a: {  	s14 =	sadd.s32 s18, s2;
	s25 =	sadd.s32 $0xF0400, s8;
	[dreg:$0xf] =	wrdreg s26  }
0x1b: {  	s1 =	sadd.s32 $0xEB400, s1;
	s22 =	sshrl.u32 s9, $0x3;
	[dreg:$0x9] =	wrdreg s14  }
0x1c: {  	s23 =	sshrl.u32 s23, $0x3;
	s26 =	simm.s32 $0x6;
	[dreg:$0xd] =	wrdreg s25  }
0x1d: {  	v0 =	vimm.f32 $0.0e+00;
	[dreg:$0xe] =	wrdreg s1;
	s25 =	sshrl.u32 s13, $0x3;
	s1 =	simm.s32 $0xDE80  }
.LBB2_1:
0x1e: {  	s8 =	simm.s32 $0x100;
	s5 =	simm.s32 $0x0  }
.LBB2_2:
0x1f: {  	p1 =	sne.s32 s8, $0x7F00;
	[tilespmem:s5+$0x11D30] =	vst v0;
	s9 =	smov.u32 s8;
	s8 =	sadd.s32 $0x100, s8  }
.Ltmp0:
0x20: {  	[tilespmem:s5+$0x11D20] =	vst v0;
	(pc) =	sbr.rel @p1 .LBB2_2-.Ltmp0, $3  }
0x21: {  	[tilespmem:s5+$0x11D00] =	vst v0  }
0x22: {  	[tilespmem:s5+$0x11D10] =	vst v0;
	_ =	sdelay $0x1  }
0x23: {  	s5 =	sshra.s32 s9, $0x2  }
0x24: {  	[tilespmem:s5+$0x11D30] =	vst v0  }
0x25: {  	[tilespmem:s5+$0x11D20] =	vst v0  }
0x26: {  	[tilespmem:s5+$0x11D00] =	vst v0  }
0x27: {  	[tilespmem:s5+$0x11D10] =	vst v0;
	s11 =	rddreg [dreg:$0x6]  }
0x28: {  	[spmem:s7] =	stream.linear.scatter [tilespmem:s21], [sflag:$0x5], $0x2000, $0x38;
	[tilespmem:$0x1F8D0] =	vst v63  }
0x29: {  	s5 =	sshrl.u32 s11, $0x3  }
0x2a: {  	[spmem:s5], [sflag:s10] =	dma.local [hbm:s6], $0x80  }
0x2b: {  	s8 =	rddreg [dreg:$0x7]  }
0x2c: {  	[spmem:s8] =	stream.linear.scatter [tilespmem:s21], [sflag:$0x5], $0x2000, $0x38;
	[tilespmem:$0x1F8D0] =	vst v63  }
0x2d: {  	[spmem:s22], [sflag:s10] =	dma.local [hbm:s6], $0x80  }
0x2e: {  	s12 =	rddreg [dreg:$0x8]  }
0x2f: {  	[spmem:s12] =	stream.linear.scatter [tilespmem:s21], [sflag:$0x5], $0x2000, $0x38;
	[tilespmem:$0x1F8D0] =	vst v63  }
0x30: {  	[spmem:s23], [sflag:s10] =	dma.local [hbm:s6], $0x80  }
0x31: {  	s13 =	rddreg [dreg:$0x9]  }
0x32: {  	[spmem:s13] =	stream.linear.scatter [tilespmem:s21], [sflag:$0x5], $0x2000, $0x38;
	[tilespmem:$0x1F8D0] =	vst v63  }
0x33: {  	[spmem:s24], [sflag:s10] =	dma.local [hbm:s6], $0x80  }
0x34: {  	s14 =	rddreg [dreg:$0xa]  }
0x35: {  	[spmem:s14] =	stream.linear.scatter [tilespmem:s21], [sflag:$0x5], $0x2000, $0x38;
	[tilespmem:$0x1F8D0] =	vst v63  }
0x36: {  	[spmem:s25], [sflag:s10] =	dma.local [hbm:s6], $0x80  }
0x37: {  	s15 =	simm.s32 $0x0;
	s9 =	rddreg [dreg:$0xb]  }
0x38: {  	[tilespmem:s15], [sflag:$0x6] =	stream.linear.gather [hbm4b:s9+s15], $0x5000, $0x38;
	[tilespmem:$0x1F8D0] =	vst v63  }
0x39: {  	_ =	swait.ge [sflag:s26], $0x5000  }
0x3a: {  	[sflag:s26] =	ssyncset.done $0x0  }
0x3b: {  	s11 =	simm.s32 $0x5000;
	s16 =	rddreg [dreg:$0xc];
	[sflag:s26] =	ssyncadd.s32 $0xFFFFB000  }
0x3c: {  	[tilespmem:s11], [sflag:$0x6] =	stream.linear.gather [hbm4b:s16+s15], $0x5000, $0x38;
	[tilespmem:$0x1F8D0] =	vst v63  }
0x3d: {  	_ =	swait.ge [sflag:s26], $0x5000  }
0x3e: {  	[sflag:s26] =	ssyncset.done $0x0  }
0x3f: {  	[sflag:s26] =	ssyncadd.s32 $0xFFFFB000  }
0x40: {  	[tilespmem:s30], [sflag:$0x1] =	stream.indirect.gather [hbm4b:s17+s29], $0x40, s15, s29, $0xb8;
	[tilespmem:$0x1F8D0] =	vst v63  }
0x41: {  	s18 =	simm.s32 $0x100  }
0x42: {  	[tilespmem:s1], [sflag:$0x2] =	stream.indirect.gather [hbm4b:s17+s29], $0x40, s18, s29, $0xb8;
	[tilespmem:$0x1F8D0] =	vst v63  }
0x43: {  	s20 =	simm.s32 $0x13D00;
	s19 =	rddreg [dreg:$0x4]  }
0x44: {  	[tilespmem:s20], [sflag:$0x6] =	stream.linear.gather [hbm4b:s19+s15], $0x7D0, $0x38;
	[tilespmem:$0x1F8D0] =	vst v63  }
0x45: {  	_ =	swait.ge [sflag:s26], $0x7D0  }
0x46: {  	[sflag:s26] =	ssyncset.done $0x0  }
0x47: {  	[sflag:s26] =	ssyncadd.s32 $0xFFFFF830  }
0x48: {  	_ =	swait.ge [sflag:s28], $0x2000  }
0x49: {  	[sflag:s28] =	ssyncset.done $0x0  }
0x4a: {  	[sflag:s28] =	ssyncadd.s32 $0xFFFFE000  }
0x4b: {  	_ =	swait.ge [sflag:s28], $0x80  }
0x4c: {  	[sflag:s28] =	ssyncset.done $0x0  }
0x4d: {  	[sflag:s28] =	ssyncadd.s32 $0xFFFFFF80  }
0x4e: {  	_ =	swait.ge [sflag:s28], $0x2000  }
0x4f: {  	[sflag:s28] =	ssyncset.done $0x0  }
0x50: {  	[sflag:s28] =	ssyncadd.s32 $0xFFFFE000  }
0x51: {  	_ =	swait.ge [sflag:s28], $0x80  }
0x52: {  	[sflag:s28] =	ssyncset.done $0x0  }
0x53: {  	[sflag:s28] =	ssyncadd.s32 $0xFFFFFF80  }
0x54: {  	_ =	swait.ge [sflag:s28], $0x2000  }
0x55: {  	[sflag:s28] =	ssyncset.done $0x0  }
0x56: {  	[sflag:s28] =	ssyncadd.s32 $0xFFFFE000  }
0x57: {  	_ =	swait.ge [sflag:s28], $0x80  }
0x58: {  	[sflag:s28] =	ssyncset.done $0x0  }
0x59: {  	[sflag:s28] =	ssyncadd.s32 $0xFFFFFF80  }
0x5a: {  	_ =	swait.ge [sflag:s28], $0x2000  }
0x5b: {  	[sflag:s28] =	ssyncset.done $0x0  }
0x5c: {  	[sflag:s28] =	ssyncadd.s32 $0xFFFFE000  }
0x5d: {  	_ =	swait.ge [sflag:s28], $0x80  }
0x5e: {  	[sflag:s28] =	ssyncset.done $0x0  }
0x5f: {  	[sflag:s28] =	ssyncadd.s32 $0xFFFFFF80  }
0x60: {  	_ =	swait.ge [sflag:s28], $0x2000  }
0x61: {  	[sflag:s28] =	ssyncset.done $0x0  }
0x62: {  	[sflag:s28] =	ssyncadd.s32 $0xFFFFE000  }
0x63: {  	_ =	swait.ge [sflag:s28], $0x80  }
0x64: {  	[sflag:s28] =	ssyncset.done $0x0  }
0x65: {  	p1 =	por $0x0, $0x0;
	[sflag:s28] =	ssyncadd.s32 $0xFFFFFF80  }
0x66: {  	s8 =	simm.s32 $0x1;
	s9 =	simm.s32 $0x1;
	[bflag:$0x0] =	sbarrier.arrive $0xFFFF  }
0x67: {  	s8 =	simm.s32 @!p1 $0x0;
	s9 =	simm.s32 @!p0 $0x0;
	_ =	swait.ge [sflag:s31], $0x3E80  }
0x68: {  	p1 =	seq.s32 s9, s8;
	[sflag:s31] =	ssyncset.done $0x0  }
0x69: {  	s8 =	simm.s32 $0x5000;
	s11 =	simm.s32 @p1 $0x3;
	[sflag:s31] =	ssyncadd.s32 $0xFFFFC180  }
0x6a: {  	[spmem:s2] =	stream.indirect.scatter.add.f32 [tilespmem:s30], [sflag:$0x3], $0x40, s8, s29, $0xb8;
	[tilespmem:$0x1F8D0] =	vst v63  }
0x6b: {  	_ =	swait.ge @p1 [sflag:s11], $0x3E80  }
0x6c: {  	s12 =	simm.s32 @p1 $0xA000;
	s13 =	simm.s32 @p1 $0x200;
	[sflag:s11] =	ssyncset.done @p1 $0x0  }
0x6d: {  	s14 =	simm.s32 @p1 $0xFA;
	[sflag:s11] =	ssyncadd.s32 @p1 $0xFFFFC180;
	s11 =	simm.s32 @p1 $0x2  }
0x6e: {  	[tilespmem:s12], [sflag:$0x1] =	stream.indirect.gather @p1 [hbm4b:s17+s14], $0x40, s13, s14, $0xb8;
	[tilespmem:$0x1F8D0] =	vst v63  }
0x6f: {  	_ =	swait.ge @p1 [sflag:s11], $0x3E80  }
0x70: {  	[sflag:s11] =	ssyncset.done @p1 $0x0  }
0x71: {  	s12 =	simm.s32 $0x5100;
	s13 =	simm.s32 @p1 $0xDE80;
	[sflag:s11] =	ssyncadd.s32 @p1 $0xFFFFC180  }
0x72: {  	[spmem:s2] =	stream.indirect.scatter.add.f32 @p1 [tilespmem:s13], [sflag:$0x4], $0x40, s12, s14, $0xb8;
	[tilespmem:$0x1F8D0] =	vst v63  }
0x73: {  	s11 =	simm.s32 @!p1 $0xFA;
	s13 =	simm.s32 @!p1 $0x13D00;
	s14 =	simm.s32 @!p1 $0x5  }
0x74: {  	[spmem:s3] =	stream.indirect.scatter.add.f32 @!p1 [tilespmem:s13], [sflag:$0x5], $0x8, s8, s11, $0xb8;
	[tilespmem:$0x1F8D0] =	vst v63  }
0x75: {  	_ =	swait.ge @!p1 [sflag:s14], $0x7D0  }
0x76: {  	[sflag:s14] =	ssyncset.done @!p1 $0x0  }
0x77: {  	s8 =	simm.s32 @!p1 $0x3;
	[sflag:s14] =	ssyncadd.s32 @!p1 $0xFFFFF830  }
0x78: {  	_ =	swait.ge @!p1 [sflag:s8], $0x3E80  }
0x79: {  	[sflag:s8] =	ssyncset.done @!p1 $0x0  }
0x7a: {  	s15 =	simm.s32 @!p1 $0x200;
	[sflag:s8] =	ssyncadd.s32 @!p1 $0xFFFFC180;
	s8 =	simm.s32 @!p1 $0xA000  }
0x7b: {  	[tilespmem:s8], [sflag:$0x1] =	stream.indirect.gather @!p1 [hbm4b:s17+s11], $0x40, s15, s11, $0xb8;
	[tilespmem:$0x1F8D0] =	vst v63  }
0x7c: {  	s8 =	simm.s32 @!p1 $0x2  }
0x7d: {  	_ =	swait.ge @!p1 [sflag:s8], $0x3E80  }
0x7e: {  	[sflag:s8] =	ssyncset.done @!p1 $0x0  }
0x7f: {  	[sflag:s8] =	ssyncadd.s32 @!p1 $0xFFFFC180;
	s8 =	simm.s32 @!p1 $0xDE80  }
0x80: {  	[spmem:s2] =	stream.indirect.scatter.add.f32 @!p1 [tilespmem:s8], [sflag:$0x4], $0x40, s12, s11, $0xb8;
	[tilespmem:$0x1F8D0] =	vst v63  }
0x81: {  	_ = 	snop  }
0x82: {  	[spmem:s3] =	stream.indirect.scatter.add.f32 @!p1 [tilespmem:s13], [sflag:$0x5], $0x8, s12, s11, $0xb8;
	[tilespmem:$0x1F8D0] =	vst v63  }
0x83: {  	_ =	swait.ge @!p1 [sflag:s14], $0x7D0  }
0x84: {  	[sflag:s14] =	ssyncset.done @!p1 $0x0  }
0x85: {  	[sflag:s14] =	ssyncadd.s32 @!p1 $0xFFFFF830  }
0x86: {  	s8 =	simm.s32 $0x5300;
	s13 =	simm.s32 $0x300;
	_ =	swait.ge [sflag:s0], $0x3E80  }
0x87: {  	s11 =	simm.s32 $0x1;
	s12 =	simm.s32 $0x500;
	[sflag:s0] =	ssyncset.done $0x0  }
.LBB2_4:
0x88: {  	p1 =	sgt.u32 s11, $0x13;
	s11 =	sadd.s32 $0x1, s11;
	[sflag:s0] =	ssyncadd.s32 $0xFFFFC180  }
0x89: {  	[tilespmem:s1], [sflag:$0x2] =	stream.indirect.gather [hbm4b:s17+s29], $0x40, s13, s29, $0xb8;
	[tilespmem:$0x1F8D0] =	vst v63  }
0x8a: {  	s13 =	simm.s32 $0x1  }
0x8b: {  	_ =	swait.ge [sflag:s31], $0x3E80;
	s13 =	simm.s32 @!p1 $0x0  }
0x8c: {  	s14 =	sadd.s32 $0xFFFFFF00, s8;
	[sflag:s31] =	ssyncset.done $0x0;
	p2 =	seq.s32 s9, s13  }
0x8d: {  	p1 =	sne.s32 s11, $0x27;
	[sflag:s31] =	ssyncadd.s32 $0xFFFFC180;
	s15 =	simm.s32 @p2 $0x3  }
0x8e: {  	[spmem:s2] =	stream.indirect.scatter.add.f32 [tilespmem:s30], [sflag:$0x3], $0x40, s14, s29, $0xb8;
	[tilespmem:$0x1F8D0] =	vst v63  }
0x8f: {  	s13 =	smov.u32 s12;
	s16 =	simm.s32 @p2 $0xA000;
	_ =	swait.ge @p2 [sflag:s15], $0x3E80  }
0x90: {  	s18 =	sadd.s32 @p2 $0xFFFFFF00, s12;
	s19 =	simm.s32 @p2 $0xFA;
	[sflag:s15] =	ssyncset.done @p2 $0x0  }
0x91: {  	[sflag:s15] =	ssyncadd.s32 @p2 $0xFFFFC180;
	s15 =	simm.s32 @p2 $0x2  }
0x92: {  	[tilespmem:s16], [sflag:$0x1] =	stream.indirect.gather @p2 [hbm4b:s17+s19], $0x40, s18, s19, $0xb8;
	[tilespmem:$0x1F8D0] =	vst v63  }
0x93: {  	_ =	swait.ge @p2 [sflag:s15], $0x3E80  }
0x94: {  	s16 =	simm.s32 @p2 $0xDE80;
	[sflag:s15] =	ssyncset.done @p2 $0x0  }
0x95: {  	s18 =	simm.s32 @!p2 $0x13D00;
	[sflag:s15] =	ssyncadd.s32 @p2 $0xFFFFC180;
	s15 =	simm.s32 @!p2 $0xFA  }
0x96: {  	[spmem:s2] =	stream.indirect.scatter.add.f32 @p2 [tilespmem:s16], [sflag:$0x4], $0x40, s8, s19, $0xb8;
	[tilespmem:$0x1F8D0] =	vst v63  }
0x97: {  	s16 =	simm.s32 @!p2 $0x5  }
0x98: {  	[spmem:s3] =	stream.indirect.scatter.add.f32 @!p2 [tilespmem:s18], [sflag:$0x5], $0x8, s14, s15, $0xb8;
	[tilespmem:$0x1F8D0] =	vst v63  }
0x99: {  	_ =	swait.ge @!p2 [sflag:s16], $0x7D0  }
0x9a: {  	s14 =	simm.s32 @!p2 $0x3;
	[sflag:s16] =	ssyncset.done @!p2 $0x0  }
0x9b: {  	[sflag:s16] =	ssyncadd.s32 @!p2 $0xFFFFF830  }
0x9c: {  	_ =	swait.ge @!p2 [sflag:s14], $0x3E80  }
0x9d: {  	s20 =	simm.s32 @!p2 $0xA000;
	s19 =	sadd.s32 @!p2 $0xFFFFFF00, s12;
	[sflag:s14] =	ssyncset.done @!p2 $0x0  }
0x9e: {  	[sflag:s14] =	ssyncadd.s32 @!p2 $0xFFFFC180;
	s14 =	simm.s32 @!p2 $0x2  }
0x9f: {  	[tilespmem:s20], [sflag:$0x1] =	stream.indirect.gather @!p2 [hbm4b:s17+s15], $0x40, s19, s15, $0xb8;
	[tilespmem:$0x1F8D0] =	vst v63  }
0xa0: {  	_ =	swait.ge @!p2 [sflag:s14], $0x3E80  }
0xa1: {  	s19 =	simm.s32 @!p2 $0xDE80;
	[sflag:s14] =	ssyncset.done @!p2 $0x0  }
0xa2: {  	[sflag:s14] =	ssyncadd.s32 @!p2 $0xFFFFC180  }
0xa3: {  	[spmem:s2] =	stream.indirect.scatter.add.f32 @!p2 [tilespmem:s19], [sflag:$0x4], $0x40, s8, s15, $0xb8;
	[tilespmem:$0x1F8D0] =	vst v63  }
0xa4: {  	_ = 	snop  }
0xa5: {  	[spmem:s3] =	stream.indirect.scatter.add.f32 @!p2 [tilespmem:s18], [sflag:$0x5], $0x8, s8, s15, $0xb8;
	[tilespmem:$0x1F8D0] =	vst v63  }
.Ltmp1:
0xa6: {  	_ =	swait.ge @!p2 [sflag:s16], $0x7D0;
	(pc) =	sbr.rel @p1 .LBB2_4-.Ltmp1, $4  }
0xa7: {  	[sflag:s16] =	ssyncset.done @!p2 $0x0  }
0xa8: {  	[sflag:s16] =	ssyncadd.s32 @!p2 $0xFFFFF830  }
0xa9: {  	_ =	swait.ge [sflag:s0], $0x3E80  }
0xaa: {  	s12 =	sadd.s32 $0x200, s12;
	s8 =	sadd.s32 $0x200, s8;
	[sflag:s0] =	ssyncset.done $0x0  }
0xab: {  	[sflag:s0] =	ssyncadd.s32 $0xFFFFC180  }
0xac: {  	[tilespmem:s1], [sflag:$0x2] =	stream.indirect.gather [hbm4b:s17+s29], $0x40, s13, s29, $0xb8;
	[tilespmem:$0x1F8D0] =	vst v63  }
0xad: {  	_ =	swait.ge [sflag:s31], $0x3E80  }
0xae: {  	[sflag:s31] =	ssyncset.done $0x0  }
0xaf: {  	s8 =	simm.s32 $0x9E00;
	[sflag:s31] =	ssyncadd.s32 $0xFFFFC180  }
0xb0: {  	[spmem:s2] =	stream.indirect.scatter.add.f32 [tilespmem:s30], [sflag:$0x3], $0x40, s8, s29, $0xb8;
	[tilespmem:$0x1F8D0] =	vst v63  }
0xb1: {  	s8 =	simm.s32 @p0 $0x3  }
0xb2: {  	_ =	swait.ge @p0 [sflag:s8], $0x3E80  }
0xb3: {  	[sflag:s8] =	ssyncset.done @p0 $0x0  }
0xb4: {  	[sflag:s8] =	ssyncadd.s32 @p0 $0xFFFFC180;
	s8 =	simm.s32 @p0 $0x2  }
0xb5: {  	_ =	swait.ge @p0 [sflag:s8], $0x3E80  }
0xb6: {  	s9 =	simm.s32 @p0 $0x9F00;
	[sflag:s8] =	ssyncset.done @p0 $0x0  }
0xb7: {  	s11 =	simm.s32 @p0 $0xDE80;
	[sflag:s8] =	ssyncadd.s32 @p0 $0xFFFFC180;
	s8 =	simm.s32 @p0 $0xFA  }
0xb8: {  	[spmem:s2] =	stream.indirect.scatter.add.f32 @p0 [tilespmem:s11], [sflag:$0x4], $0x40, s9, s8, $0xb8;
	[tilespmem:$0x1F8D0] =	vst v63  }
0xb9: {  	s8 =	simm.s32 @!p0 $0xFA;
	s9 =	simm.s32 @!p0 $0x9E00;
	s11 =	simm.s32 @!p0 $0x13D00  }
0xba: {  	[spmem:s3] =	stream.indirect.scatter.add.f32 @!p0 [tilespmem:s11], [sflag:$0x5], $0x8, s9, s8, $0xb8;
	[tilespmem:$0x1F8D0] =	vst v63  }
0xbb: {  	s9 =	simm.s32 @!p0 $0x5  }
0xbc: {  	_ =	swait.ge @!p0 [sflag:s9], $0x7D0  }
0xbd: {  	[sflag:s9] =	ssyncset.done @!p0 $0x0  }
0xbe: {  	s12 =	simm.s32 @!p0 $0x3;
	[sflag:s9] =	ssyncadd.s32 @!p0 $0xFFFFF830  }
0xbf: {  	_ =	swait.ge @!p0 [sflag:s12], $0x3E80  }
0xc0: {  	[sflag:s12] =	ssyncset.done @!p0 $0x0  }
0xc1: {  	[sflag:s12] =	ssyncadd.s32 @!p0 $0xFFFFC180;
	s12 =	simm.s32 @!p0 $0x2  }
0xc2: {  	_ =	swait.ge @!p0 [sflag:s12], $0x3E80  }
0xc3: {  	[sflag:s12] =	ssyncset.done @!p0 $0x0  }
0xc4: {  	s13 =	simm.s32 @!p0 $0xDE80;
	[sflag:s12] =	ssyncadd.s32 @!p0 $0xFFFFC180;
	s12 =	simm.s32 @!p0 $0x9F00  }
0xc5: {  	[spmem:s2] =	stream.indirect.scatter.add.f32 @!p0 [tilespmem:s13], [sflag:$0x4], $0x40, s12, s8, $0xb8;
	[tilespmem:$0x1F8D0] =	vst v63  }
0xc6: {  	_ = 	snop  }
0xc7: {  	[spmem:s3] =	stream.indirect.scatter.add.f32 @!p0 [tilespmem:s11], [sflag:$0x5], $0x8, s12, s8, $0xb8;
	[tilespmem:$0x1F8D0] =	vst v63  }
0xc8: {  	_ =	swait.ge @!p0 [sflag:s9], $0x7D0  }
0xc9: {  	[sflag:s9] =	ssyncset.done @!p0 $0x0  }
0xca: {  	[sflag:s9] =	ssyncadd.s32 @!p0 $0xFFFFF830  }
0xcb: {  	_ =	swait.ge [sflag:s0], $0x3E80  }
0xcc: {  	[sflag:s0] =	ssyncset.done $0x0  }
0xcd: {  	[sflag:s0] =	ssyncadd.s32 $0xFFFFC180  }
0xce: {  	[bflag:$0x0] =	sbarrier.arrive $0xFFFF  }
0xcf: {  	s15 =	rddreg [dreg:$0x5]  }
0xd0: {  	s16 =	sshrl.u32 s7, $0x3;
	s18 =	rddreg [dreg:$0xd];
	s8 =	sor.u32 $0x1C06, s15  }
0xd1: {  	[hbm:s18], [sflag:s8] =	dma.local [spmem:s16], $0x1400  }
0xd2: {  	_ =	swait.ge [sflag:s26], $0x1400  }
0xd3: {  	[sflag:s26] =	ssyncset.done $0x0  }
0xd4: {  	s19 =	rddreg [dreg:$0xe];
	[sflag:s26] =	ssyncadd.s32 $0xFFFFEC00  }
0xd5: {  	[hbm:s19], [sflag:s8] =	dma.local [spmem:s5], $0x280  }
0xd6: {  	_ =	swait.ge [sflag:s26], $0x280  }
0xd7: {  	s4 =	sadd.s32 $0x1, s4;
	s20 =	rddreg [dreg:$0xf]  }
0xd8: {  	p1 =	sne.s32 s4, s20  }
.Ltmp2:
0xd9: {  	_ = 	snop;
	(pc) =	sbr.rel @p1 .LBB2_1-.Ltmp2, $3  }
0xda: {  	_ =	sdelay $0x1  }
0xdb: {  	[sflag:s26] =	ssyncset.done $0x0  }
0xdc: {  	[sflag:s26] =	ssyncadd.s32 $0xFFFFFD80  }
0xdd: {  	_ =	sfence.sel $0x180000  }
0xde: {  	[bflag:$0x0] =	sbarrier.arrive $0xFFFF  }
0xdf: {  	_ =	strace $0x9000004D  }
0xe0: {  	s0 =	stileid.u32;
	[bflag:$0x2] =	sbarrier.arrive $0xFFFF  }
0xe1: {  	p0 =	sne.s32 s0, $0x0;
	s0 =	rddreg [dreg:$0x3]  }
0xe2: {  	s0 =	sadd.s32 @!p0 $0x100000, s0  }
0xe3: {  	[sflag:s0] =	ssyncadd.tile.s32 @!p0 $0x1;
	_ =	shalt  }
.Lfunc_end2:
_tile_overlayer_lowered:
.L_overlay_start_2:
0xe4: {  	(tag) =	ssettag $0x2  }
0xe5: {  	s0 =	rddreg [dreg:$0x0];
	s2 =	stileid.u32  }
0xe6: {  	s1 =	rddreg [dreg:$0x1];
	p0 =	sne.s32 s2, $0x0  }
0xe7: {  	s3 =	rddreg [dreg:$0x2];
	[bflag:$0x3] =	sbarrier.arrive $0xFFFF;
	s2 =	simm.s32 @!p0 $0x1C06  }
0xe8: {  	[timem:s3], [sflag:s2] =	dma.local @!p0 [hbm:s0], s1  }
0xe9: {  	s0 =	simm.s32 @!p0 $0x6  }
0xea: {  	_ =	swait.ge @!p0 [sflag:s0], s1  }
0xeb: {  	s1 =	ssub.s32 @!p0 $0x0, s1;
	[sflag:s0] =	ssyncset.done @!p0 $0x0  }
0xec: {  	[sflag:s0] =	ssyncadd.s32 @!p0 s1  }
0xed: {  	[bflag:$0x3] =	sbarrier.arrive $0xFFFF  }
0xee: {  	_ =	shalt  }

// kernel: sc_prop_deg.5.cloned.1.call-start
scs
__scs_entry_jumppad:
0x0: {  	(pc) =	sbr.rel $0x88, $3  }
0x1: {  	(tag) =	ssettag $0x0;
	lr =	simm.s32 $0x1  }
0x2: {  	[smem:$0x3F99] =	sst lr;
	_ =	strace $0xD0000000  }
0x3: {  	_ = 	snop  }
0x4: {  	_ = 	snop  }
0x5: {  	_ = 	snop  }
0x6: {  	_ = 	snop  }
0x7: {  	_ = 	snop  }
__scs_overlays_trampoline_lowered:
0x8: {  	[smem:$0x3FA8] =	sst s0  }
0x9: {  	[smem:$0x3FA9] =	sst s1  }
0xa: {  	[smem:$0x3FAA] =	sst s2  }
0xb: {  	[smem:$0x3FAB] =	sst s3  }
0xc: {  	[smem:$0x3FAC] =	sst s4  }
0xd: {  	[smem:$0x3FAD] =	sst s5  }
0xe: {  	[smem:$0x3FAE] =	sst s6  }
0xf: {  	[smem:$0x3FAF] =	sst s7  }
0x10: {  	[smem:$0x3FB0] =	sst s8  }
0x11: {  	[smem:$0x3FB1] =	sst s9;
	s0 =	simm.s32 @!p0 $0x0  }
0x12: {  	s1 =	sld [smem:$0x3F97];
	s0 =	simm.s32 @p0 $0x1  }
0x13: {  	[smem:$0x3FB2] =	sst s0;
	s0 =	simm.s32 @!p1 $0x0  }
0x14: {  	s2 =	sld [smem:$0x3F96];
	s0 =	simm.s32 @p1 $0x1  }
0x15: {  	[smem:$0x3FB3] =	sst s0;
	s0 =	simm.s32 @!p2 $0x0  }
0x16: {  	s3 =	sld [smem:$0x3FDB];
	s0 =	simm.s32 @p2 $0x1  }
0x17: {  	s4 =	simm.s32 $0x1BF5;
	[smem:$0x3FB5] =	sst s0  }
0x18: {  	s0 =	sld [smem:$0x3F98];
	_ =	swait.ge [sflag:s4], $0x0  }
0x19: {  	s7 =	sld [smem:$0x3F99]  }
0x1a: {  	s8 =	sadd.s32 $0xFFFFE003, lr  }
0x1b: {  	s9 =	sadd.s32 $0xFFFFFEF7, lr;
	s5 =	simm.s32 $0xFFFFFFFF;
	p2 =	slt.u32 s8, $0xFFFFF086  }
0x1c: {  	p1 =	slt.u32 s9, $0xF7A;
	s5 =	simm.s32 @!p2 $0x0  }
0x1d: {  	s5 =	simm.s32 @p1 $0x1;
	p0 =	seq.s32 s7, s2  }
0x1e: {  	s7 =	smul.u32 @!p0 $0xF7A, s2;
	p2 =	seq.s32 @!p0 s5, $0x0  }
0x1f: {  	s9 =	smul.u32 $0xF7A, s1;
	s8 =	simm.s32 @!p0 $0x1BF5;
	p2 =	por !p2, p0  }
0x20: {  	[sflag:s8] =	ssyncset.s32 @!p0 $0xFFFFF086;
	s6 =	sadd.s32 @!p0 s3, s7;
	s7 =	simm.s32 @!p0 $0x108  }
0x21: {  	s3 =	sadd.s32 s3, s9;
	s6 =	sadd.s32 @!p0 $0x88, s6;
	s7 =	simm.s32 @p2 $0x1082  }
0x22: {  	[simem:s7], [sflag:s8] =	dma.local @!p0 [hbm:s6], $0xF7A  }
0x23: {  	s9 =	sor.u32 $0xD0000000, s2;
	s6 =	simm.s32 $0x108;
	_ =	swait.ge @!p0 [sflag:s8], $0x0  }
0x24: {  	s3 =	sadd.s32 $0x88, s3;
	s6 =	simm.s32 @!p1 $0x1082;
	[sflag:s4] =	ssyncset.s32 $0xFFFFF086  }
0x25: {  	[simem:s6], [sflag:s4] =	dma.local [hbm:s3], $0xF7A  }
0x26: {  	[smem:$0x3F99] =	sst s1;
	(tag) =	ssettag s2;
	_ =	strace s9  }
0x27: {  	s1 =	sld [smem:$0x3FA9]  }
0x28: {  	s2 =	sld [smem:$0x3FAA]  }
0x29: {  	s4 =	sld [smem:$0x3FAC]  }
0x2a: {  	p0 =	seq.s32 s5, $0x0;
	s5 =	sld [smem:$0x3FAD]  }
0x2b: {  	s6 =	sld [smem:$0x3FAE]  }
0x2c: {  	s7 =	sld [smem:$0x3FAF]  }
0x2d: {  	s3 =	simm.s32 $0x108;
	s8 =	sld [smem:$0x3FB0]  }
0x2e: {  	s3 =	simm.s32 @!p0 $0x1082;
	s9 =	sld [smem:$0x3FB1]  }
0x2f: {  	lr =	sadd.s32 s0, s3;
	s0 =	sld [smem:$0x3FA8]  }
0x30: {  	s3 =	sld [smem:$0x3FAB]  }
0x31: {  	[smem:$0x3FB4] =	sst s10  }
0x32: {  	s10 =	sld [smem:$0x3FB2];
	_ =	sdelay $0x3  }
0x33: {  	p0 =	seq.s32 s10, $0x1;
	s10 =	sld [smem:$0x3FB4];
	_ =	sdelay $0x3  }
0x34: {  	[smem:$0x3FB4] =	sst s10  }
0x35: {  	s10 =	sld [smem:$0x3FB3];
	_ =	sdelay $0x3  }
0x36: {  	p1 =	seq.s32 s10, $0x1;
	s10 =	sld [smem:$0x3FB4];
	_ =	sdelay $0x3  }
0x37: {  	[smem:$0x3FB4] =	sst s10  }
0x38: {  	s10 =	sld [smem:$0x3FB5]  }
0x39: {  	_ = 	snop;
	(pc) =	sbr.ind lr, $3  }
0x3a: {  	_ = 	snop  }
0x3b: {  	_ = 	snop  }
0x3c: {  	p2 =	seq.s32 s10, $0x1;
	s10 =	sld [smem:$0x3FB4]  }
0x3d: {  	_ =	shalt  }
0x3e: {  	_ =	shalt  }
0x3f: {  	_ =	shalt  }
0x40: {  	_ =	shalt  }
0x41: {  	_ =	shalt  }
0x42: {  	_ =	shalt  }
0x43: {  	_ =	shalt  }
0x44: {  	_ =	shalt  }
0x45: {  	_ =	shalt  }
0x46: {  	_ =	shalt  }
0x47: {  	_ =	shalt  }
0x48: {  	_ =	shalt  }
0x49: {  	_ =	shalt  }
0x4a: {  	_ =	shalt  }
0x4b: {  	_ =	shalt  }
0x4c: {  	_ =	shalt  }
0x4d: {  	_ =	shalt  }
0x4e: {  	_ =	shalt  }
0x4f: {  	_ =	shalt  }
0x50: {  	_ =	shalt  }
0x51: {  	_ =	shalt  }
0x52: {  	_ =	shalt  }
0x53: {  	_ =	shalt  }
0x54: {  	_ =	shalt  }
0x55: {  	_ =	shalt  }
0x56: {  	_ =	shalt  }
0x57: {  	_ =	shalt  }
0x58: {  	_ =	shalt  }
0x59: {  	_ =	shalt  }
0x5a: {  	_ =	shalt  }
0x5b: {  	_ =	shalt  }
0x5c: {  	_ =	shalt  }
0x5d: {  	_ =	shalt  }
0x5e: {  	_ =	shalt  }
0x5f: {  	_ =	shalt  }
0x60: {  	_ =	shalt  }
0x61: {  	_ =	shalt  }
0x62: {  	_ =	shalt  }
0x63: {  	_ =	shalt  }
0x64: {  	_ =	shalt  }
0x65: {  	_ =	shalt  }
0x66: {  	_ =	shalt  }
0x67: {  	_ =	shalt  }
0x68: {  	_ =	shalt  }
0x69: {  	_ =	shalt  }
0x6a: {  	_ =	shalt  }
0x6b: {  	_ =	shalt  }
0x6c: {  	_ =	shalt  }
0x6d: {  	_ =	shalt  }
0x6e: {  	_ =	shalt  }
0x6f: {  	_ =	shalt  }
0x70: {  	_ =	shalt  }
0x71: {  	_ =	shalt  }
0x72: {  	_ =	shalt  }
0x73: {  	_ =	shalt  }
0x74: {  	_ =	shalt  }
0x75: {  	_ =	shalt  }
0x76: {  	_ =	shalt  }
0x77: {  	_ =	shalt  }
0x78: {  	_ =	shalt  }
0x79: {  	_ =	shalt  }
0x7a: {  	_ =	shalt  }
0x7b: {  	_ =	shalt  }
0x7c: {  	_ =	shalt  }
0x7d: {  	_ =	shalt  }
0x7e: {  	_ =	shalt  }
0x7f: {  	_ =	shalt  }
0x80: {  	_ =	shalt  }
0x81: {  	_ =	shalt  }
0x82: {  	_ =	shalt  }
0x83: {  	_ =	shalt  }
0x84: {  	_ =	shalt  }
0x85: {  	_ =	shalt  }
0x86: {  	_ =	shalt  }
0x87: {  	_ =	shalt  }
.Lfunc_end0:
.L_simem_size_0:
called_computation_lowered:
.L_overlay_start_0:
0x88: {  	s2 =	sld [smem:$0x3FD9]  }
0x89: {  	s3 =	sld [smem:$0x3FFE];
	_ =	sdelay $0x1  }
0x8a: {  	s1 =	srdreg.scid  }
0x8b: {  	s0 =	sand.u32 $0x1, s1  }
0x8c: {  	s16 =	sshll.u32 s0, $0xA;
	s2 =	sadd.s32 s3, s2  }
0x8d: {  	s2 =	sadd.s32 s2, s16  }
0x8e: {  	[smem:$0x3FC0] =	sst s2  }
0x8f: {  	_ = 	snop  }
0x90: {  	(tm) =	ssettm $0x1  }
0x91: {  	s17 =	sld [smem:$0x3FFB];
	_ =	sdelay $0x3  }
0x92: {  	_ =	strace s17  }
0x93: {  	s2 =	sld [smem:$0x3FFC];
	_ =	sdelay $0x3  }
0x94: {  	_ =	strace s2  }
0x95: {  	s2 =	sld [smem:$0x3FFD];
	_ =	sdelay $0x3  }
0x96: {  	_ =	strace s2  }
0x97: {  	_ =	strace $0x8FFFFFFF  }
0x98: {  	s18 =	sld [smem:$0x3FDB];
	_ =	sdelay $0x1  }
0x99: {  	s19 =	simm.s32 $_scs_section_size  }
0x9a: {  	s4 =	simm.s32 $_size__tile_overlayer_lowered;
	s5 =	simm.s32 $_tile_overlayer_lowered  }
0x9b: {  	s22 =	simm.s32 $0x1BFF;
	s21 =	sshll.u32 s5, $0x1;
	s2 =	sadd.s32 s19, s18  }
0x9c: {  	s6 =	simm.s32 $0x0;
	s20 =	sshll.u32 s4, $0x1;
	s4 =	sadd.s32 s21, s2  }
0x9d: {  	[timem:s6], [sflag:s22] =	dma.local [hbm:s4], s20  }
0x9e: {  	_ =	swait.ge [sflag:s22], s20  }
0x9f: {  	s3 =	ssub.s32 $0x0, s20;
	[sflag:s22] =	ssyncset.done $0x0  }
0xa0: {  	[sflag:s22] =	ssyncadd.s32 s3;
	_ =	sdelay $0x1  }
0xa1: {  	s23 =	simm.s32 $0x1B8B  }
0xa2: {  	_ =	swait.ge [sflag:s23], $0x1  }
0xa3: {  	[sflag:s23] =	ssyncset.done $0x0  }
0xa4: {  	s25 =	simm.s32 $0x1B8E;
	s24 =	sld [smem:$0x3FFE];
	[sflag:s23] =	ssyncadd.s32 $0xFFFFFFFF  }
0xa5: {  	s26 =	simm.s32 $execute0_lowered;
	[smem:$0x3FD2] =	sst s25  }
0xa6: {  	s4 =	sshll.u32 s26, $0x1;
	_ =	strace $0x80000046;
	[dreg:$0x1] =	wrdreg $0xFFFFFFFF  }
0xa7: {  	s28 =	simm.s32 $_size_execute0_lowered;
	s2 =	sadd.s32 s2, s4;
	[dreg:$0x0] =	wrdreg $0x0  }
0xa8: {  	s4 =	sshll.u32 s28, $0x1;
	[dreg:$0x2] =	wrdreg s2  }
0xa9: {  	[dreg:$0x3] =	wrdreg s4  }
0xaa: {  	[dreg:$0x4] =	wrdreg $0xC0  }
0xab: {  	_ =	task [dreg:s6], $0x5FFFF  }
0xac: {  	[dreg:$0x1] =	wrdreg $0xFFFFFFFF  }
0xad: {  	[dreg:$0x0] =	wrdreg $0x60  }
0xae: {  	[dreg:$0x2] =	wrdreg s24  }
0xaf: {  	[dreg:$0x3] =	wrdreg $0x144D00  }
0xb0: {  	[dreg:$0x4] =	wrdreg $0x1E4D00  }
0xb1: {  	[dreg:$0x5] =	wrdreg $0x9  }
0xb2: {  	_ =	task.clear_ibuf [dreg:s6], $0x6FFFF;
	_ =	strace $0x90000046  }
0xb3: {  	s29 =	simm.s32 $0x9;
	_ =	strace $0x80000048  }
0xb4: {  	_ =	swait.ge [sflag:s29], $0x1  }
0xb5: {  	[sflag:s29] =	ssyncadd.s32 $0xFFFFFFFF  }
0xb6: {  	_ =	strace $0x90000048  }
0xb7: {  	_ =	sfence  }
0xb8: {  	s30 =	sld [smem:$0x0];
	_ =	sdelay $0x2  }
0xb9: {  	s31 =	sshll.u32 s1, $0xD;
	s1 =	sshrl.u32 s1, $0x2  }
0xba: {  	s3 =	sand.u32 $0x4000, s31;
	s1 =	sadd.s32 s1, s30  }
0xbb: {  	s0 =	sor.u32 s3, s0;
	s1 =	sshll.u32 s1, $0x11  }
0xbc: {  	s0 =	sor.u32 s1, s0  }
0xbd: {  	s0 =	sadd.s32 $0x8F2B, s0  }
0xbe: {  	[sflag:s0] =	ssyncadd.remote.s32 $0x1  }
0xbf: {  	_ =	sfence.sel $0xFFFF  }
0xc0: {  	[dreg:$0x0] =	wrdreg $0xFFFFFFFF;
	(pc) =	sbr.abs _section_cstart, $3  }
0xc1: {  	[dreg:$0x1] =	wrdreg $0xFFFFFFFF  }
0xc2: {  	_ =	task.clear_ibuf [dreg:s6], $0x2FFFF;
	_ =	strace $0x9FFFFFFF  }
0xc3: {  	(tm) =	ssettm $0x7FFFFFFF  }
tec
execute0_lowered:
.L_overlay_start_1:
0x0: {  	(tag) =	ssettag $0x1  }
0x1: {  	s14 =	stileid.u32;
	s1 =	rddreg [dreg:$0x0]  }
0x2: {  	s0 =	srdreg.scid;
	s2 =	rddreg [dreg:$0x1]  }
0x3: {  	s3 =	rddreg [dreg:$0x2];
	s5 =	smul.u32 $0xA00, s14  }
0x4: {  	s4 =	simm.s32 $0x0;
	s29 =	simm.s32 $0xFA;
	s7 =	smul.u32 $0xA000, s14  }
0x5: {  	s30 =	simm.s32 $0xA000;
	s28 =	simm.s32 $0x5;
	s9 =	smul.u32 $0x1400, s14  }
0x6: {  	s31 =	simm.s32 $0x1;
	s0 =	sand.u32 $0x1, s0;
	s13 =	smul.u32 $0x280, s14  }
0x7: {  	[smem:$0x7FF] =	sst s4;
	s21 =	sadd.s32 $0x5BC00, s1;
	s6 =	smul.u32 $0x13880, s0  }
0x8: {  	s23 =	sshll.u32 s14, $0x6;
	s8 =	smul.u32 $0xA0000, s0;
	_ =	strace $0x80000047  }
0x9: {  	s10 =	smul.u32 $0x14000, s0;
	[dreg:$0x4] =	wrdreg s21;
	s12 =	ssub.s32 $0x2, s0  }
0xa: {  	[dreg:$0x5] =	wrdreg s23;
	p0 =	seq.s32 s0, $0x0;
	s0 =	simm.s32 $0x4  }
0xb: {  	s5 =	sadd.s32 s5, s1;
	s22 =	sshrl.u32 s12, $0x1;
	s24 =	sadd.s32 $0x80, s13  }
0xc: {  	s15 =	sadd.s32 $0x100, s13;
	s17 =	sadd.s32 $0x180, s13;
	s13 =	sadd.s32 $0x200, s13  }
0xd: {  	s11 =	sadd.s32 s6, s1;
	s8 =	sadd.s32 s7, s8;
	s6 =	sadd.s32 $0x5BE00, s1  }
0xe: {  	s10 =	sadd.s32 s9, s10;
	s12 =	ssub.s32 s12, s22;
	s7 =	sadd.s32 s7, s2  }
0xf: {  	s9 =	sadd.s32 s9, s3;
	s25 =	sshll.u32 s24, $0x6;
	s26 =	sshll.u32 s15, $0x6  }
0x10: {  	s16 =	sshll.u32 s15, $0x3;
	s18 =	sshll.u32 s17, $0x6;
	s19 =	sshll.u32 s17, $0x3  }
0x11: {  	s20 =	sshll.u32 s13, $0x6;
	s13 =	sshll.u32 s13, $0x3;
	s22 =	sadd.s32 $0x51C00, s5  }
0x12: {  	s5 =	sadd.s32 $0x47C00, s5;
	s8 =	sshrl.u32 s8, $0x3;
	s10 =	sshrl.u32 s10, $0x3  }
0x13: {  	[dreg:$0x6] =	wrdreg s9;
	s9 =	sshll.u32 s24, $0x3;
	s14 =	sadd.s32 s25, s2  }
0x14: {  	s24 =	sadd.s32 s19, s3;
	s21 =	sadd.s32 s20, s2;
	[dreg:$0xb] =	wrdreg s22  }
0x15: {  	s13 =	sadd.s32 s13, s3;
	[dreg:$0xc] =	wrdreg s5;
	s17 =	sadd.s32 $0x3000, s11  }
0x16: {  	s8 =	sadd.s32 s8, s1;
	s1 =	sadd.s32 s10, s1;
	s10 =	sor.u32 $0x1C05, s23  }
0x17: {  	[dreg:$0x7] =	wrdreg s14;
	s9 =	sadd.s32 s9, s3;
	s14 =	sadd.s32 s26, s2  }
0x18: {  	s23 =	sadd.s32 s16, s3;
	[dreg:$0xa] =	wrdreg s21;
	s26 =	smax.u32 s12, $0x1  }
0x19: {  	s21 =	simm.s32 $0x11D00;
	s24 =	sshrl.u32 s24, $0x3;
	[dreg:$0x8] =	wrdreg s14  }
0x1a: {  	s14 =	sadd.s32 s18, s2;
	s25 =	sadd.s32 $0x61000, s8;
	[dreg:$0xf] =	wrdreg s26  }
0x1b: {  	s1 =	sadd.s32 $0x5C000, s1;
	s22 =	sshrl.u32 s9, $0x3;
	[dreg:$0x9] =	wrdreg s14  }
0x1c: {  	s23 =	sshrl.u32 s23, $0x3;
	s26 =	simm.s32 $0x6;
	[dreg:$0xd] =	wrdreg s25  }
0x1d: {  	v0 =	vimm.f32 $0.0e+00;
	[dreg:$0xe] =	wrdreg s1;
	s25 =	sshrl.u32 s13, $0x3;
	s1 =	simm.s32 $0xDE80  }
.LBB2_1:
0x1e: {  	s8 =	simm.s32 $0x100;
	s5 =	simm.s32 $0x0  }
.LBB2_2:
0x1f: {  	p1 =	sne.s32 s8, $0x7F00;
	[tilespmem:s5+$0x11D30] =	vst v0;
	s9 =	smov.u32 s8;
	s8 =	sadd.s32 $0x100, s8  }
.Ltmp0:
0x20: {  	[tilespmem:s5+$0x11D20] =	vst v0;
	(pc) =	sbr.rel @p1 .LBB2_2-.Ltmp0, $3  }
0x21: {  	[tilespmem:s5+$0x11D00] =	vst v0  }
0x22: {  	[tilespmem:s5+$0x11D10] =	vst v0;
	_ =	sdelay $0x1  }
0x23: {  	s5 =	sshra.s32 s9, $0x2  }
0x24: {  	[tilespmem:s5+$0x11D30] =	vst v0  }
0x25: {  	[tilespmem:s5+$0x11D20] =	vst v0  }
0x26: {  	[tilespmem:s5+$0x11D00] =	vst v0  }
0x27: {  	[tilespmem:s5+$0x11D10] =	vst v0;
	s11 =	rddreg [dreg:$0x6]  }
0x28: {  	[spmem:s7] =	stream.linear.scatter [tilespmem:s21], [sflag:$0x5], $0x2000, $0x38;
	[tilespmem:$0x1F8D0] =	vst v63  }
0x29: {  	s5 =	sshrl.u32 s11, $0x3  }
0x2a: {  	[spmem:s5], [sflag:s10] =	dma.local [hbm:s6], $0x80  }
0x2b: {  	s8 =	rddreg [dreg:$0x7]  }
0x2c: {  	[spmem:s8] =	stream.linear.scatter [tilespmem:s21], [sflag:$0x5], $0x2000, $0x38;
	[tilespmem:$0x1F8D0] =	vst v63  }
0x2d: {  	[spmem:s22], [sflag:s10] =	dma.local [hbm:s6], $0x80  }
0x2e: {  	s12 =	rddreg [dreg:$0x8]  }
0x2f: {  	[spmem:s12] =	stream.linear.scatter [tilespmem:s21], [sflag:$0x5], $0x2000, $0x38;
	[tilespmem:$0x1F8D0] =	vst v63  }
0x30: {  	[spmem:s23], [sflag:s10] =	dma.local [hbm:s6], $0x80  }
0x31: {  	s13 =	rddreg [dreg:$0x9]  }
0x32: {  	[spmem:s13] =	stream.linear.scatter [tilespmem:s21], [sflag:$0x5], $0x2000, $0x38;
	[tilespmem:$0x1F8D0] =	vst v63  }
0x33: {  	[spmem:s24], [sflag:s10] =	dma.local [hbm:s6], $0x80  }
0x34: {  	s14 =	rddreg [dreg:$0xa]  }
0x35: {  	[spmem:s14] =	stream.linear.scatter [tilespmem:s21], [sflag:$0x5], $0x2000, $0x38;
	[tilespmem:$0x1F8D0] =	vst v63  }
0x36: {  	[spmem:s25], [sflag:s10] =	dma.local [hbm:s6], $0x80  }
0x37: {  	s15 =	simm.s32 $0x0;
	s9 =	rddreg [dreg:$0xb]  }
0x38: {  	[tilespmem:s15], [sflag:$0x6] =	stream.linear.gather [hbm4b:s9+s15], $0x5000, $0x38;
	[tilespmem:$0x1F8D0] =	vst v63  }
0x39: {  	_ =	swait.ge [sflag:s26], $0x5000  }
0x3a: {  	[sflag:s26] =	ssyncset.done $0x0  }
0x3b: {  	s11 =	simm.s32 $0x5000;
	s16 =	rddreg [dreg:$0xc];
	[sflag:s26] =	ssyncadd.s32 $0xFFFFB000  }
0x3c: {  	[tilespmem:s11], [sflag:$0x6] =	stream.linear.gather [hbm4b:s16+s15], $0x5000, $0x38;
	[tilespmem:$0x1F8D0] =	vst v63  }
0x3d: {  	_ =	swait.ge [sflag:s26], $0x5000  }
0x3e: {  	[sflag:s26] =	ssyncset.done $0x0  }
0x3f: {  	[sflag:s26] =	ssyncadd.s32 $0xFFFFB000  }
0x40: {  	[tilespmem:s30], [sflag:$0x1] =	stream.indirect.gather [hbm4b:s17+s29], $0x40, s15, s29, $0xb8;
	[tilespmem:$0x1F8D0] =	vst v63  }
0x41: {  	s18 =	simm.s32 $0x100  }
0x42: {  	[tilespmem:s1], [sflag:$0x2] =	stream.indirect.gather [hbm4b:s17+s29], $0x40, s18, s29, $0xb8;
	[tilespmem:$0x1F8D0] =	vst v63  }
0x43: {  	s20 =	simm.s32 $0x13D00;
	s19 =	rddreg [dreg:$0x4]  }
0x44: {  	[tilespmem:s20], [sflag:$0x6] =	stream.linear.gather [hbm4b:s19+s15], $0x7D0, $0x38;
	[tilespmem:$0x1F8D0] =	vst v63  }
0x45: {  	_ =	swait.ge [sflag:s26], $0x7D0  }
0x46: {  	[sflag:s26] =	ssyncset.done $0x0  }
0x47: {  	[sflag:s26] =	ssyncadd.s32 $0xFFFFF830  }
0x48: {  	_ =	swait.ge [sflag:s28], $0x2000  }
0x49: {  	[sflag:s28] =	ssyncset.done $0x0  }
0x4a: {  	[sflag:s28] =	ssyncadd.s32 $0xFFFFE000  }
0x4b: {  	_ =	swait.ge [sflag:s28], $0x80  }
0x4c: {  	[sflag:s28] =	ssyncset.done $0x0  }
0x4d: {  	[sflag:s28] =	ssyncadd.s32 $0xFFFFFF80  }
0x4e: {  	_ =	swait.ge [sflag:s28], $0x2000  }
0x4f: {  	[sflag:s28] =	ssyncset.done $0x0  }
0x50: {  	[sflag:s28] =	ssyncadd.s32 $0xFFFFE000  }
0x51: {  	_ =	swait.ge [sflag:s28], $0x80  }
0x52: {  	[sflag:s28] =	ssyncset.done $0x0  }
0x53: {  	[sflag:s28] =	ssyncadd.s32 $0xFFFFFF80  }
0x54: {  	_ =	swait.ge [sflag:s28], $0x2000  }
0x55: {  	[sflag:s28] =	ssyncset.done $0x0  }
0x56: {  	[sflag:s28] =	ssyncadd.s32 $0xFFFFE000  }
0x57: {  	_ =	swait.ge [sflag:s28], $0x80  }
0x58: {  	[sflag:s28] =	ssyncset.done $0x0  }
0x59: {  	[sflag:s28] =	ssyncadd.s32 $0xFFFFFF80  }
0x5a: {  	_ =	swait.ge [sflag:s28], $0x2000  }
0x5b: {  	[sflag:s28] =	ssyncset.done $0x0  }
0x5c: {  	[sflag:s28] =	ssyncadd.s32 $0xFFFFE000  }
0x5d: {  	_ =	swait.ge [sflag:s28], $0x80  }
0x5e: {  	[sflag:s28] =	ssyncset.done $0x0  }
0x5f: {  	[sflag:s28] =	ssyncadd.s32 $0xFFFFFF80  }
0x60: {  	_ =	swait.ge [sflag:s28], $0x2000  }
0x61: {  	[sflag:s28] =	ssyncset.done $0x0  }
0x62: {  	[sflag:s28] =	ssyncadd.s32 $0xFFFFE000  }
0x63: {  	_ =	swait.ge [sflag:s28], $0x80  }
0x64: {  	[sflag:s28] =	ssyncset.done $0x0  }
0x65: {  	p1 =	por $0x0, $0x0;
	[sflag:s28] =	ssyncadd.s32 $0xFFFFFF80  }
0x66: {  	s8 =	simm.s32 $0x1;
	s9 =	simm.s32 $0x1;
	[bflag:$0x0] =	sbarrier.arrive $0xFFFF  }
0x67: {  	s8 =	simm.s32 @!p1 $0x0;
	s9 =	simm.s32 @!p0 $0x0;
	_ =	swait.ge [sflag:s31], $0x3E80  }
0x68: {  	p1 =	seq.s32 s9, s8;
	[sflag:s31] =	ssyncset.done $0x0  }
0x69: {  	s8 =	simm.s32 $0x5000;
	s11 =	simm.s32 @p1 $0x3;
	[sflag:s31] =	ssyncadd.s32 $0xFFFFC180  }
0x6a: {  	[spmem:s2] =	stream.indirect.scatter.add.f32 [tilespmem:s30], [sflag:$0x3], $0x40, s8, s29, $0xb8;
	[tilespmem:$0x1F8D0] =	vst v63  }
0x6b: {  	_ =	swait.ge @p1 [sflag:s11], $0x3E80  }
0x6c: {  	s12 =	simm.s32 @p1 $0xA000;
	s13 =	simm.s32 @p1 $0x200;
	[sflag:s11] =	ssyncset.done @p1 $0x0  }
0x6d: {  	s14 =	simm.s32 @p1 $0xFA;
	[sflag:s11] =	ssyncadd.s32 @p1 $0xFFFFC180;
	s11 =	simm.s32 @p1 $0x2  }
0x6e: {  	[tilespmem:s12], [sflag:$0x1] =	stream.indirect.gather @p1 [hbm4b:s17+s14], $0x40, s13, s14, $0xb8;
	[tilespmem:$0x1F8D0] =	vst v63  }
0x6f: {  	_ =	swait.ge @p1 [sflag:s11], $0x3E80  }
0x70: {  	[sflag:s11] =	ssyncset.done @p1 $0x0  }
0x71: {  	s12 =	simm.s32 $0x5100;
	s13 =	simm.s32 @p1 $0xDE80;
	[sflag:s11] =	ssyncadd.s32 @p1 $0xFFFFC180  }
0x72: {  	[spmem:s2] =	stream.indirect.scatter.add.f32 @p1 [tilespmem:s13], [sflag:$0x4], $0x40, s12, s14, $0xb8;
	[tilespmem:$0x1F8D0] =	vst v63  }
0x73: {  	s11 =	simm.s32 @!p1 $0xFA;
	s13 =	simm.s32 @!p1 $0x13D00;
	s14 =	simm.s32 @!p1 $0x5  }
0x74: {  	[spmem:s3] =	stream.indirect.scatter.add.f32 @!p1 [tilespmem:s13], [sflag:$0x5], $0x8, s8, s11, $0xb8;
	[tilespmem:$0x1F8D0] =	vst v63  }
0x75: {  	_ =	swait.ge @!p1 [sflag:s14], $0x7D0  }
0x76: {  	[sflag:s14] =	ssyncset.done @!p1 $0x0  }
0x77: {  	s8 =	simm.s32 @!p1 $0x3;
	[sflag:s14] =	ssyncadd.s32 @!p1 $0xFFFFF830  }
0x78: {  	_ =	swait.ge @!p1 [sflag:s8], $0x3E80  }
0x79: {  	[sflag:s8] =	ssyncset.done @!p1 $0x0  }
0x7a: {  	s15 =	simm.s32 @!p1 $0x200;
	[sflag:s8] =	ssyncadd.s32 @!p1 $0xFFFFC180;
	s8 =	simm.s32 @!p1 $0xA000  }
0x7b: {  	[tilespmem:s8], [sflag:$0x1] =	stream.indirect.gather @!p1 [hbm4b:s17+s11], $0x40, s15, s11, $0xb8;
	[tilespmem:$0x1F8D0] =	vst v63  }
0x7c: {  	s8 =	simm.s32 @!p1 $0x2  }
0x7d: {  	_ =	swait.ge @!p1 [sflag:s8], $0x3E80  }
0x7e: {  	[sflag:s8] =	ssyncset.done @!p1 $0x0  }
0x7f: {  	[sflag:s8] =	ssyncadd.s32 @!p1 $0xFFFFC180;
	s8 =	simm.s32 @!p1 $0xDE80  }
0x80: {  	[spmem:s2] =	stream.indirect.scatter.add.f32 @!p1 [tilespmem:s8], [sflag:$0x4], $0x40, s12, s11, $0xb8;
	[tilespmem:$0x1F8D0] =	vst v63  }
0x81: {  	_ = 	snop  }
0x82: {  	[spmem:s3] =	stream.indirect.scatter.add.f32 @!p1 [tilespmem:s13], [sflag:$0x5], $0x8, s12, s11, $0xb8;
	[tilespmem:$0x1F8D0] =	vst v63  }
0x83: {  	_ =	swait.ge @!p1 [sflag:s14], $0x7D0  }
0x84: {  	[sflag:s14] =	ssyncset.done @!p1 $0x0  }
0x85: {  	[sflag:s14] =	ssyncadd.s32 @!p1 $0xFFFFF830  }
0x86: {  	s8 =	simm.s32 $0x5300;
	s13 =	simm.s32 $0x300;
	_ =	swait.ge [sflag:s0], $0x3E80  }
0x87: {  	s11 =	simm.s32 $0x1;
	s12 =	simm.s32 $0x500;
	[sflag:s0] =	ssyncset.done $0x0  }
.LBB2_4:
0x88: {  	p1 =	sgt.u32 s11, $0x13;
	s11 =	sadd.s32 $0x1, s11;
	[sflag:s0] =	ssyncadd.s32 $0xFFFFC180  }
0x89: {  	[tilespmem:s1], [sflag:$0x2] =	stream.indirect.gather [hbm4b:s17+s29], $0x40, s13, s29, $0xb8;
	[tilespmem:$0x1F8D0] =	vst v63  }
0x8a: {  	s13 =	simm.s32 $0x1  }
0x8b: {  	_ =	swait.ge [sflag:s31], $0x3E80;
	s13 =	simm.s32 @!p1 $0x0  }
0x8c: {  	s14 =	sadd.s32 $0xFFFFFF00, s8;
	[sflag:s31] =	ssyncset.done $0x0;
	p2 =	seq.s32 s9, s13  }
0x8d: {  	p1 =	sne.s32 s11, $0x27;
	[sflag:s31] =	ssyncadd.s32 $0xFFFFC180;
	s15 =	simm.s32 @p2 $0x3  }
0x8e: {  	[spmem:s2] =	stream.indirect.scatter.add.f32 [tilespmem:s30], [sflag:$0x3], $0x40, s14, s29, $0xb8;
	[tilespmem:$0x1F8D0] =	vst v63  }
0x8f: {  	s13 =	smov.u32 s12;
	s16 =	simm.s32 @p2 $0xA000;
	_ =	swait.ge @p2 [sflag:s15], $0x3E80  }
0x90: {  	s18 =	sadd.s32 @p2 $0xFFFFFF00, s12;
	s19 =	simm.s32 @p2 $0xFA;
	[sflag:s15] =	ssyncset.done @p2 $0x0  }
0x91: {  	[sflag:s15] =	ssyncadd.s32 @p2 $0xFFFFC180;
	s15 =	simm.s32 @p2 $0x2  }
0x92: {  	[tilespmem:s16], [sflag:$0x1] =	stream.indirect.gather @p2 [hbm4b:s17+s19], $0x40, s18, s19, $0xb8;
	[tilespmem:$0x1F8D0] =	vst v63  }
0x93: {  	_ =	swait.ge @p2 [sflag:s15], $0x3E80  }
0x94: {  	s16 =	simm.s32 @p2 $0xDE80;
	[sflag:s15] =	ssyncset.done @p2 $0x0  }
0x95: {  	s18 =	simm.s32 @!p2 $0x13D00;
	[sflag:s15] =	ssyncadd.s32 @p2 $0xFFFFC180;
	s15 =	simm.s32 @!p2 $0xFA  }
0x96: {  	[spmem:s2] =	stream.indirect.scatter.add.f32 @p2 [tilespmem:s16], [sflag:$0x4], $0x40, s8, s19, $0xb8;
	[tilespmem:$0x1F8D0] =	vst v63  }
0x97: {  	s16 =	simm.s32 @!p2 $0x5  }
0x98: {  	[spmem:s3] =	stream.indirect.scatter.add.f32 @!p2 [tilespmem:s18], [sflag:$0x5], $0x8, s14, s15, $0xb8;
	[tilespmem:$0x1F8D0] =	vst v63  }
0x99: {  	_ =	swait.ge @!p2 [sflag:s16], $0x7D0  }
0x9a: {  	s14 =	simm.s32 @!p2 $0x3;
	[sflag:s16] =	ssyncset.done @!p2 $0x0  }
0x9b: {  	[sflag:s16] =	ssyncadd.s32 @!p2 $0xFFFFF830  }
0x9c: {  	_ =	swait.ge @!p2 [sflag:s14], $0x3E80  }
0x9d: {  	s20 =	simm.s32 @!p2 $0xA000;
	s19 =	sadd.s32 @!p2 $0xFFFFFF00, s12;
	[sflag:s14] =	ssyncset.done @!p2 $0x0  }
0x9e: {  	[sflag:s14] =	ssyncadd.s32 @!p2 $0xFFFFC180;
	s14 =	simm.s32 @!p2 $0x2  }
0x9f: {  	[tilespmem:s20], [sflag:$0x1] =	stream.indirect.gather @!p2 [hbm4b:s17+s15], $0x40, s19, s15, $0xb8;
	[tilespmem:$0x1F8D0] =	vst v63  }
0xa0: {  	_ =	swait.ge @!p2 [sflag:s14], $0x3E80  }
0xa1: {  	s19 =	simm.s32 @!p2 $0xDE80;
	[sflag:s14] =	ssyncset.done @!p2 $0x0  }
0xa2: {  	[sflag:s14] =	ssyncadd.s32 @!p2 $0xFFFFC180  }
0xa3: {  	[spmem:s2] =	stream.indirect.scatter.add.f32 @!p2 [tilespmem:s19], [sflag:$0x4], $0x40, s8, s15, $0xb8;
	[tilespmem:$0x1F8D0] =	vst v63  }
0xa4: {  	_ = 	snop  }
0xa5: {  	[spmem:s3] =	stream.indirect.scatter.add.f32 @!p2 [tilespmem:s18], [sflag:$0x5], $0x8, s8, s15, $0xb8;
	[tilespmem:$0x1F8D0] =	vst v63  }
.Ltmp1:
0xa6: {  	_ =	swait.ge @!p2 [sflag:s16], $0x7D0;
	(pc) =	sbr.rel @p1 .LBB2_4-.Ltmp1, $4  }
0xa7: {  	[sflag:s16] =	ssyncset.done @!p2 $0x0  }
0xa8: {  	[sflag:s16] =	ssyncadd.s32 @!p2 $0xFFFFF830  }
0xa9: {  	_ =	swait.ge [sflag:s0], $0x3E80  }
0xaa: {  	s12 =	sadd.s32 $0x200, s12;
	s8 =	sadd.s32 $0x200, s8;
	[sflag:s0] =	ssyncset.done $0x0  }
0xab: {  	[sflag:s0] =	ssyncadd.s32 $0xFFFFC180  }
0xac: {  	[tilespmem:s1], [sflag:$0x2] =	stream.indirect.gather [hbm4b:s17+s29], $0x40, s13, s29, $0xb8;
	[tilespmem:$0x1F8D0] =	vst v63  }
0xad: {  	_ =	swait.ge [sflag:s31], $0x3E80  }
0xae: {  	[sflag:s31] =	ssyncset.done $0x0  }
0xaf: {  	s8 =	simm.s32 $0x9E00;
	[sflag:s31] =	ssyncadd.s32 $0xFFFFC180  }
0xb0: {  	[spmem:s2] =	stream.indirect.scatter.add.f32 [tilespmem:s30], [sflag:$0x3], $0x40, s8, s29, $0xb8;
	[tilespmem:$0x1F8D0] =	vst v63  }
0xb1: {  	s8 =	simm.s32 @p0 $0x3  }
0xb2: {  	_ =	swait.ge @p0 [sflag:s8], $0x3E80  }
0xb3: {  	[sflag:s8] =	ssyncset.done @p0 $0x0  }
0xb4: {  	[sflag:s8] =	ssyncadd.s32 @p0 $0xFFFFC180;
	s8 =	simm.s32 @p0 $0x2  }
0xb5: {  	_ =	swait.ge @p0 [sflag:s8], $0x3E80  }
0xb6: {  	s9 =	simm.s32 @p0 $0x9F00;
	[sflag:s8] =	ssyncset.done @p0 $0x0  }
0xb7: {  	s11 =	simm.s32 @p0 $0xDE80;
	[sflag:s8] =	ssyncadd.s32 @p0 $0xFFFFC180;
	s8 =	simm.s32 @p0 $0xFA  }
0xb8: {  	[spmem:s2] =	stream.indirect.scatter.add.f32 @p0 [tilespmem:s11], [sflag:$0x4], $0x40, s9, s8, $0xb8;
	[tilespmem:$0x1F8D0] =	vst v63  }
0xb9: {  	s8 =	simm.s32 @!p0 $0xFA;
	s9 =	simm.s32 @!p0 $0x9E00;
	s11 =	simm.s32 @!p0 $0x13D00  }
0xba: {  	[spmem:s3] =	stream.indirect.scatter.add.f32 @!p0 [tilespmem:s11], [sflag:$0x5], $0x8, s9, s8, $0xb8;
	[tilespmem:$0x1F8D0] =	vst v63  }
0xbb: {  	s9 =	simm.s32 @!p0 $0x5  }
0xbc: {  	_ =	swait.ge @!p0 [sflag:s9], $0x7D0  }
0xbd: {  	[sflag:s9] =	ssyncset.done @!p0 $0x0  }
0xbe: {  	s12 =	simm.s32 @!p0 $0x3;
	[sflag:s9] =	ssyncadd.s32 @!p0 $0xFFFFF830  }
0xbf: {  	_ =	swait.ge @!p0 [sflag:s12], $0x3E80  }
0xc0: {  	[sflag:s12] =	ssyncset.done @!p0 $0x0  }
0xc1: {  	[sflag:s12] =	ssyncadd.s32 @!p0 $0xFFFFC180;
	s12 =	simm.s32 @!p0 $0x2  }
0xc2: {  	_ =	swait.ge @!p0 [sflag:s12], $0x3E80  }
0xc3: {  	[sflag:s12] =	ssyncset.done @!p0 $0x0  }
0xc4: {  	s13 =	simm.s32 @!p0 $0xDE80;
	[sflag:s12] =	ssyncadd.s32 @!p0 $0xFFFFC180;
	s12 =	simm.s32 @!p0 $0x9F00  }
0xc5: {  	[spmem:s2] =	stream.indirect.scatter.add.f32 @!p0 [tilespmem:s13], [sflag:$0x4], $0x40, s12, s8, $0xb8;
	[tilespmem:$0x1F8D0] =	vst v63  }
0xc6: {  	_ = 	snop  }
0xc7: {  	[spmem:s3] =	stream.indirect.scatter.add.f32 @!p0 [tilespmem:s11], [sflag:$0x5], $0x8, s12, s8, $0xb8;
	[tilespmem:$0x1F8D0] =	vst v63  }
0xc8: {  	_ =	swait.ge @!p0 [sflag:s9], $0x7D0  }
0xc9: {  	[sflag:s9] =	ssyncset.done @!p0 $0x0  }
0xca: {  	[sflag:s9] =	ssyncadd.s32 @!p0 $0xFFFFF830  }
0xcb: {  	_ =	swait.ge [sflag:s0], $0x3E80  }
0xcc: {  	[sflag:s0] =	ssyncset.done $0x0  }
0xcd: {  	[sflag:s0] =	ssyncadd.s32 $0xFFFFC180  }
0xce: {  	[bflag:$0x0] =	sbarrier.arrive $0xFFFF  }
0xcf: {  	s15 =	rddreg [dreg:$0x5]  }
0xd0: {  	s16 =	sshrl.u32 s7, $0x3;
	s18 =	rddreg [dreg:$0xd];
	s8 =	sor.u32 $0x1C06, s15  }
0xd1: {  	[hbm:s18], [sflag:s8] =	dma.local [spmem:s16], $0x1400  }
0xd2: {  	_ =	swait.ge [sflag:s26], $0x1400  }
0xd3: {  	[sflag:s26] =	ssyncset.done $0x0  }
0xd4: {  	s19 =	rddreg [dreg:$0xe];
	[sflag:s26] =	ssyncadd.s32 $0xFFFFEC00  }
0xd5: {  	[hbm:s19], [sflag:s8] =	dma.local [spmem:s5], $0x280  }
0xd6: {  	_ =	swait.ge [sflag:s26], $0x280  }
0xd7: {  	s4 =	sadd.s32 $0x1, s4;
	s20 =	rddreg [dreg:$0xf]  }
0xd8: {  	p1 =	sne.s32 s4, s20  }
.Ltmp2:
0xd9: {  	_ = 	snop;
	(pc) =	sbr.rel @p1 .LBB2_1-.Ltmp2, $3  }
0xda: {  	_ =	sdelay $0x1  }
0xdb: {  	[sflag:s26] =	ssyncset.done $0x0  }
0xdc: {  	[sflag:s26] =	ssyncadd.s32 $0xFFFFFD80  }
0xdd: {  	_ =	sfence.sel $0x180000  }
0xde: {  	[bflag:$0x0] =	sbarrier.arrive $0xFFFF  }
0xdf: {  	_ =	strace $0x90000047  }
0xe0: {  	s0 =	stileid.u32;
	[bflag:$0x2] =	sbarrier.arrive $0xFFFF  }
0xe1: {  	p0 =	sne.s32 s0, $0x0;
	s0 =	rddreg [dreg:$0x3]  }
0xe2: {  	s0 =	sadd.s32 @!p0 $0x100000, s0  }
0xe3: {  	[sflag:s0] =	ssyncadd.tile.s32 @!p0 $0x1;
	_ =	shalt  }
.Lfunc_end2:
_tile_overlayer_lowered:
.L_overlay_start_2:
0xe4: {  	(tag) =	ssettag $0x2  }
0xe5: {  	s0 =	rddreg [dreg:$0x0];
	s2 =	stileid.u32  }
0xe6: {  	s1 =	rddreg [dreg:$0x1];
	p0 =	sne.s32 s2, $0x0  }
0xe7: {  	s3 =	rddreg [dreg:$0x2];
	[bflag:$0x3] =	sbarrier.arrive $0xFFFF;
	s2 =	simm.s32 @!p0 $0x1C06  }
0xe8: {  	[timem:s3], [sflag:s2] =	dma.local @!p0 [hbm:s0], s1  }
0xe9: {  	s0 =	simm.s32 @!p0 $0x6  }
0xea: {  	_ =	swait.ge @!p0 [sflag:s0], s1  }
0xeb: {  	s1 =	ssub.s32 @!p0 $0x0, s1;
	[sflag:s0] =	ssyncset.done @!p0 $0x0  }
0xec: {  	[sflag:s0] =	ssyncadd.s32 @!p0 s1  }
0xed: {  	[bflag:$0x3] =	sbarrier.arrive $0xFFFF  }
0xee: {  	_ =	shalt  }

// kernel: sc_prop_deg.8.cloned.1.call-start
scs
__scs_entry_jumppad:
0x0: {  	(pc) =	sbr.rel $0x88, $3  }
0x1: {  	(tag) =	ssettag $0x0;
	lr =	simm.s32 $0x1  }
0x2: {  	[smem:$0x3F99] =	sst lr;
	_ =	strace $0xD0000000  }
0x3: {  	_ = 	snop  }
0x4: {  	_ = 	snop  }
0x5: {  	_ = 	snop  }
0x6: {  	_ = 	snop  }
0x7: {  	_ = 	snop  }
__scs_overlays_trampoline_lowered:
0x8: {  	[smem:$0x3FA8] =	sst s0  }
0x9: {  	[smem:$0x3FA9] =	sst s1  }
0xa: {  	[smem:$0x3FAA] =	sst s2  }
0xb: {  	[smem:$0x3FAB] =	sst s3  }
0xc: {  	[smem:$0x3FAC] =	sst s4  }
0xd: {  	[smem:$0x3FAD] =	sst s5  }
0xe: {  	[smem:$0x3FAE] =	sst s6  }
0xf: {  	[smem:$0x3FAF] =	sst s7  }
0x10: {  	[smem:$0x3FB0] =	sst s8  }
0x11: {  	[smem:$0x3FB1] =	sst s9;
	s0 =	simm.s32 @!p0 $0x0  }
0x12: {  	s1 =	sld [smem:$0x3F97];
	s0 =	simm.s32 @p0 $0x1  }
0x13: {  	[smem:$0x3FB2] =	sst s0;
	s0 =	simm.s32 @!p1 $0x0  }
0x14: {  	s2 =	sld [smem:$0x3F96];
	s0 =	simm.s32 @p1 $0x1  }
0x15: {  	[smem:$0x3FB3] =	sst s0;
	s0 =	simm.s32 @!p2 $0x0  }
0x16: {  	s3 =	sld [smem:$0x3FDB];
	s0 =	simm.s32 @p2 $0x1  }
0x17: {  	s4 =	simm.s32 $0x1BF5;
	[smem:$0x3FB5] =	sst s0  }
0x18: {  	s0 =	sld [smem:$0x3F98];
	_ =	swait.ge [sflag:s4], $0x0  }
0x19: {  	s7 =	sld [smem:$0x3F99]  }
0x1a: {  	s8 =	sadd.s32 $0xFFFFE003, lr  }
0x1b: {  	s9 =	sadd.s32 $0xFFFFFEF7, lr;
	s5 =	simm.s32 $0xFFFFFFFF;
	p2 =	slt.u32 s8, $0xFFFFF086  }
0x1c: {  	p1 =	slt.u32 s9, $0xF7A;
	s5 =	simm.s32 @!p2 $0x0  }
0x1d: {  	s5 =	simm.s32 @p1 $0x1;
	p0 =	seq.s32 s7, s2  }
0x1e: {  	s7 =	smul.u32 @!p0 $0xF7A, s2;
	p2 =	seq.s32 @!p0 s5, $0x0  }
0x1f: {  	s9 =	smul.u32 $0xF7A, s1;
	s8 =	simm.s32 @!p0 $0x1BF5;
	p2 =	por !p2, p0  }
0x20: {  	[sflag:s8] =	ssyncset.s32 @!p0 $0xFFFFF086;
	s6 =	sadd.s32 @!p0 s3, s7;
	s7 =	simm.s32 @!p0 $0x108  }
0x21: {  	s3 =	sadd.s32 s3, s9;
	s6 =	sadd.s32 @!p0 $0x88, s6;
	s7 =	simm.s32 @p2 $0x1082  }
0x22: {  	[simem:s7], [sflag:s8] =	dma.local @!p0 [hbm:s6], $0xF7A  }
0x23: {  	s9 =	sor.u32 $0xD0000000, s2;
	s6 =	simm.s32 $0x108;
	_ =	swait.ge @!p0 [sflag:s8], $0x0  }
0x24: {  	s3 =	sadd.s32 $0x88, s3;
	s6 =	simm.s32 @!p1 $0x1082;
	[sflag:s4] =	ssyncset.s32 $0xFFFFF086  }
0x25: {  	[simem:s6], [sflag:s4] =	dma.local [hbm:s3], $0xF7A  }
0x26: {  	[smem:$0x3F99] =	sst s1;
	(tag) =	ssettag s2;
	_ =	strace s9  }
0x27: {  	s1 =	sld [smem:$0x3FA9]  }
0x28: {  	s2 =	sld [smem:$0x3FAA]  }
0x29: {  	s4 =	sld [smem:$0x3FAC]  }
0x2a: {  	p0 =	seq.s32 s5, $0x0;
	s5 =	sld [smem:$0x3FAD]  }
0x2b: {  	s6 =	sld [smem:$0x3FAE]  }
0x2c: {  	s7 =	sld [smem:$0x3FAF]  }
0x2d: {  	s3 =	simm.s32 $0x108;
	s8 =	sld [smem:$0x3FB0]  }
0x2e: {  	s3 =	simm.s32 @!p0 $0x1082;
	s9 =	sld [smem:$0x3FB1]  }
0x2f: {  	lr =	sadd.s32 s0, s3;
	s0 =	sld [smem:$0x3FA8]  }
0x30: {  	s3 =	sld [smem:$0x3FAB]  }
0x31: {  	[smem:$0x3FB4] =	sst s10  }
0x32: {  	s10 =	sld [smem:$0x3FB2];
	_ =	sdelay $0x3  }
0x33: {  	p0 =	seq.s32 s10, $0x1;
	s10 =	sld [smem:$0x3FB4];
	_ =	sdelay $0x3  }
0x34: {  	[smem:$0x3FB4] =	sst s10  }
0x35: {  	s10 =	sld [smem:$0x3FB3];
	_ =	sdelay $0x3  }
0x36: {  	p1 =	seq.s32 s10, $0x1;
	s10 =	sld [smem:$0x3FB4];
	_ =	sdelay $0x3  }
0x37: {  	[smem:$0x3FB4] =	sst s10  }
0x38: {  	s10 =	sld [smem:$0x3FB5]  }
0x39: {  	_ = 	snop;
	(pc) =	sbr.ind lr, $3  }
0x3a: {  	_ = 	snop  }
0x3b: {  	_ = 	snop  }
0x3c: {  	p2 =	seq.s32 s10, $0x1;
	s10 =	sld [smem:$0x3FB4]  }
0x3d: {  	_ =	shalt  }
0x3e: {  	_ =	shalt  }
0x3f: {  	_ =	shalt  }
0x40: {  	_ =	shalt  }
0x41: {  	_ =	shalt  }
0x42: {  	_ =	shalt  }
0x43: {  	_ =	shalt  }
0x44: {  	_ =	shalt  }
0x45: {  	_ =	shalt  }
0x46: {  	_ =	shalt  }
0x47: {  	_ =	shalt  }
0x48: {  	_ =	shalt  }
0x49: {  	_ =	shalt  }
0x4a: {  	_ =	shalt  }
0x4b: {  	_ =	shalt  }
0x4c: {  	_ =	shalt  }
0x4d: {  	_ =	shalt  }
0x4e: {  	_ =	shalt  }
0x4f: {  	_ =	shalt  }
0x50: {  	_ =	shalt  }
0x51: {  	_ =	shalt  }
0x52: {  	_ =	shalt  }
0x53: {  	_ =	shalt  }
0x54: {  	_ =	shalt  }
0x55: {  	_ =	shalt  }
0x56: {  	_ =	shalt  }
0x57: {  	_ =	shalt  }
0x58: {  	_ =	shalt  }
0x59: {  	_ =	shalt  }
0x5a: {  	_ =	shalt  }
0x5b: {  	_ =	shalt  }
0x5c: {  	_ =	shalt  }
0x5d: {  	_ =	shalt  }
0x5e: {  	_ =	shalt  }
0x5f: {  	_ =	shalt  }
0x60: {  	_ =	shalt  }
0x61: {  	_ =	shalt  }
0x62: {  	_ =	shalt  }
0x63: {  	_ =	shalt  }
0x64: {  	_ =	shalt  }
0x65: {  	_ =	shalt  }
0x66: {  	_ =	shalt  }
0x67: {  	_ =	shalt  }
0x68: {  	_ =	shalt  }
0x69: {  	_ =	shalt  }
0x6a: {  	_ =	shalt  }
0x6b: {  	_ =	shalt  }
0x6c: {  	_ =	shalt  }
0x6d: {  	_ =	shalt  }
0x6e: {  	_ =	shalt  }
0x6f: {  	_ =	shalt  }
0x70: {  	_ =	shalt  }
0x71: {  	_ =	shalt  }
0x72: {  	_ =	shalt  }
0x73: {  	_ =	shalt  }
0x74: {  	_ =	shalt  }
0x75: {  	_ =	shalt  }
0x76: {  	_ =	shalt  }
0x77: {  	_ =	shalt  }
0x78: {  	_ =	shalt  }
0x79: {  	_ =	shalt  }
0x7a: {  	_ =	shalt  }
0x7b: {  	_ =	shalt  }
0x7c: {  	_ =	shalt  }
0x7d: {  	_ =	shalt  }
0x7e: {  	_ =	shalt  }
0x7f: {  	_ =	shalt  }
0x80: {  	_ =	shalt  }
0x81: {  	_ =	shalt  }
0x82: {  	_ =	shalt  }
0x83: {  	_ =	shalt  }
0x84: {  	_ =	shalt  }
0x85: {  	_ =	shalt  }
0x86: {  	_ =	shalt  }
0x87: {  	_ =	shalt  }
.Lfunc_end0:
.L_simem_size_0:
called_computation.2_lowered:
.L_overlay_start_0:
0x88: {  	s2 =	sld [smem:$0x3FD9]  }
0x89: {  	s3 =	sld [smem:$0x3FFE];
	_ =	sdelay $0x1  }
0x8a: {  	s1 =	srdreg.scid  }
0x8b: {  	s0 =	sand.u32 $0x1, s1  }
0x8c: {  	s17 =	sshll.u32 s0, $0xA;
	s2 =	sadd.s32 s3, s2  }
0x8d: {  	s2 =	sadd.s32 s2, s17  }
0x8e: {  	[smem:$0x3FC0] =	sst s2  }
0x8f: {  	_ = 	snop  }
0x90: {  	s18 =	sld [smem:$0x3FD0];
	(tm) =	ssettm $0x1  }
0x91: {  	s19 =	sld [smem:$0x3FFB];
	_ =	sdelay $0x3  }
0x92: {  	_ =	strace s19  }
0x93: {  	s2 =	sld [smem:$0x3FFC];
	_ =	sdelay $0x3  }
0x94: {  	_ =	strace s2  }
0x95: {  	s2 =	sld [smem:$0x3FFD];
	_ =	sdelay $0x3  }
0x96: {  	_ =	strace s2  }
0x97: {  	_ =	strace $0x8FFFFFFF  }
0x98: {  	s20 =	sld [smem:$0x3FDB];
	_ =	sdelay $0x1  }
0x99: {  	s4 =	simm.s32 $_scs_section_size  }
0x9a: {  	s5 =	simm.s32 $_size__tile_overlayer_lowered;
	s6 =	simm.s32 $_tile_overlayer_lowered  }
0x9b: {  	s7 =	simm.s32 $0x1BFF;
	s21 =	sshll.u32 s6, $0x1;
	s4 =	sadd.s32 s4, s20  }
0x9c: {  	s22 =	simm.s32 $0x0;
	s5 =	sshll.u32 s5, $0x1;
	s6 =	sadd.s32 s21, s4  }
0x9d: {  	[timem:s22], [sflag:s7] =	dma.local [hbm:s6], s5  }
0x9e: {  	_ =	swait.ge [sflag:s7], s5  }
0x9f: {  	s5 =	ssub.s32 $0x0, s5;
	[sflag:s7] =	ssyncset.done $0x0  }
0xa0: {  	[sflag:s7] =	ssyncadd.s32 s5;
	_ =	sdelay $0x1  }
0xa1: {  	s23 =	simm.s32 $0x1B8B  }
0xa2: {  	_ =	swait.ge [sflag:s23], $0x1  }
0xa3: {  	[sflag:s23] =	ssyncset.done $0x0  }
0xa4: {  	[sflag:s23] =	ssyncadd.s32 $0xFFFFFFFF  }
0xa5: {  	s5 =	sld [smem:$0x0]  }
0xa6: {  	s6 =	sand.u32 $0xFFFFFFFE, s1  }
0xa7: {  	p0 =	sne.s32 s1, s6  }
0xa8: {  	s6 =	sshll.u32 @p0 s6, $0xE  }
0xa9: {  	s6 =	sadd.s32 @p0 $0x11B8D, s6;
	s7 =	sshll.u32 @p0 s5, $0x11  }
0xaa: {  	s6 =	sor.u32 @p0 s7, s6  }
0xab: {  	[sflag:s6] =	ssyncadd.remote.s32 @p0 $0x1;
	_ =	sdelay $0x1  }
0xac: {  	s6 =	simm.s32 @p0 $0x1B8D  }
0xad: {  	_ =	swait.eq @p0 [sflag:s6], $0x1  }
0xae: {  	[sflag:s6] =	ssyncadd.s32 @p0 $0xFFFFFFFF  }
0xaf: {  	s7 =	sshll.u32 @!p0 s1, $0xE  }
0xb0: {  	s7 =	sor.u32 @!p0 $0x4000, s7;
	s6 =	simm.s32 @!p0 $0x1B8D  }
0xb1: {  	s5 =	sshll.u32 @!p0 s5, $0x11;
	s7 =	sadd.s32 @!p0 $0x11B8D, s7;
	_ =	swait.eq @!p0 [sflag:s6], $0x1  }
0xb2: {  	s5 =	sor.u32 @!p0 s5, s7;
	[sflag:s6] =	ssyncadd.s32 @!p0 $0xFFFFFFFF  }
0xb3: {  	s25 =	simm.s32 $0x1B8E;
	s24 =	sld [smem:$0x3FFE];
	[sflag:s5] =	ssyncadd.remote.s32 @!p0 $0x1  }
0xb4: {  	s26 =	simm.s32 $execute0_lowered;
	[smem:$0x3FD2] =	sst s25  }
0xb5: {  	s6 =	sshll.u32 s26, $0x1;
	_ =	strace $0x80000049;
	[dreg:$0x1] =	wrdreg $0xFFFFFFFF  }
0xb6: {  	s28 =	simm.s32 $_size_execute0_lowered;
	s4 =	sadd.s32 s4, s6;
	[dreg:$0x0] =	wrdreg $0x0  }
0xb7: {  	s6 =	sshll.u32 s28, $0x1;
	[dreg:$0x2] =	wrdreg s4  }
0xb8: {  	[dreg:$0x3] =	wrdreg s6  }
0xb9: {  	[dreg:$0x4] =	wrdreg $0xC0  }
0xba: {  	_ =	task [dreg:s22], $0x5FFFF  }
0xbb: {  	[dreg:$0x1] =	wrdreg $0xFFFFFFFF  }
0xbc: {  	[dreg:$0x0] =	wrdreg $0x60  }
0xbd: {  	[dreg:$0x2] =	wrdreg s24  }
0xbe: {  	[dreg:$0x3] =	wrdreg s18  }
0xbf: {  	[dreg:$0x4] =	wrdreg $0x144D00  }
0xc0: {  	[dreg:$0x5] =	wrdreg $0x1E4D00  }
0xc1: {  	[dreg:$0x6] =	wrdreg $0xB  }
0xc2: {  	_ =	task.clear_ibuf [dreg:s22], $0x7FFFF;
	_ =	strace $0x90000049  }
0xc3: {  	s29 =	simm.s32 $0xB;
	_ =	strace $0x8000004B  }
0xc4: {  	_ =	swait.ge [sflag:s29], $0x1  }
0xc5: {  	[sflag:s29] =	ssyncadd.s32 $0xFFFFFFFF  }
0xc6: {  	_ =	strace $0x9000004B  }
0xc7: {  	_ =	sfence  }
0xc8: {  	s30 =	sld [smem:$0x0];
	_ =	sdelay $0x2  }
0xc9: {  	s31 =	sshll.u32 s1, $0xD;
	s1 =	sshrl.u32 s1, $0x2  }
0xca: {  	s4 =	sand.u32 $0x4000, s31;
	s1 =	sadd.s32 s1, s30  }
0xcb: {  	s0 =	sor.u32 s4, s0;
	s1 =	sshll.u32 s1, $0x11  }
0xcc: {  	s0 =	sor.u32 s1, s0  }
0xcd: {  	s0 =	sadd.s32 $0x8F2B, s0  }
0xce: {  	[sflag:s0] =	ssyncadd.remote.s32 $0x1  }
0xcf: {  	_ =	sfence.sel $0xFFFF  }
0xd0: {  	[dreg:$0x0] =	wrdreg $0xFFFFFFFF;
	(pc) =	sbr.abs _section_cstart, $3  }
0xd1: {  	[dreg:$0x1] =	wrdreg $0xFFFFFFFF  }
0xd2: {  	_ =	task.clear_ibuf [dreg:s22], $0x2FFFF;
	_ =	strace $0x9FFFFFFF  }
0xd3: {  	(tm) =	ssettm $0x7FFFFFFF  }
tec
execute0_lowered:
.L_overlay_start_1:
0x0: {  	(tag) =	ssettag $0x1  }
0x1: {  	s0 =	rddreg [dreg:$0x0]  }
0x2: {  	s1 =	rddreg [dreg:$0x1]  }
0x3: {  	s14 =	stileid.u32;
	s3 =	srdreg.scid  }
0x4: {  	s2 =	rddreg [dreg:$0x2];
	s5 =	smul.u32 $0xA00, s14  }
0x5: {  	s4 =	simm.s32 $0x0;
	s29 =	simm.s32 $0xFA;
	s9 =	smul.u32 $0x1400, s14  }
0x6: {  	s30 =	simm.s32 $0xA000;
	s28 =	simm.s32 $0x5;
	s12 =	smul.u32 $0xA000, s14  }
0x7: {  	s8 =	sand.u32 $0x1, s3;
	s3 =	rddreg [dreg:$0x3];
	s13 =	smul.u32 $0x280, s14  }
0x8: {  	s31 =	simm.s32 $0x1;
	[smem:$0x7FF] =	sst s4;
	s6 =	smul.u32 $0x13880, s8  }
0x9: {  	s21 =	sadd.s32 $0x5BC00, s0;
	s23 =	sshll.u32 s14, $0x6;
	s7 =	smul.u32 $0x14000, s8  }
0xa: {  	_ =	strace $0x8000004A;
	[dreg:$0x5] =	wrdreg s21;
	s10 =	ssub.s32 $0x2, s8  }
0xb: {  	[dreg:$0x6] =	wrdreg s23;
	p0 =	seq.s32 s8, $0x0;
	s5 =	sadd.s32 s5, s0  }
0xc: {  	s22 =	sshrl.u32 s10, $0x1;
	s24 =	sadd.s32 $0x80, s13;
	s15 =	sadd.s32 $0x100, s13  }
0xd: {  	s17 =	sadd.s32 $0x180, s13;
	s13 =	sadd.s32 $0x200, s13;
	s11 =	sadd.s32 s6, s0  }
0xe: {  	s6 =	sadd.s32 $0x5BE00, s0;
	s7 =	sadd.s32 s9, s7;
	s20 =	ssub.s32 s10, s22  }
0xf: {  	s9 =	sadd.s32 s9, s3;
	s10 =	sor.u32 $0x1C05, s23;
	s25 =	sshll.u32 s24, $0x6  }
0x10: {  	s26 =	sshll.u32 s15, $0x6;
	s16 =	sshll.u32 s15, $0x3;
	s18 =	sshll.u32 s17, $0x6  }
0x11: {  	s19 =	sshll.u32 s17, $0x3;
	s21 =	sshll.u32 s13, $0x6;
	s13 =	sshll.u32 s13, $0x3  }
0x12: {  	s22 =	sadd.s32 $0xBA200, s5;
	s7 =	sshrl.u32 s7, $0x3;
	[dreg:$0x7] =	wrdreg s9  }
0x13: {  	s9 =	sshll.u32 s24, $0x3;
	s14 =	sadd.s32 s25, s2;
	s23 =	sadd.s32 s16, s3  }
0x14: {  	s16 =	smul.u32 $0xA0000, s8;
	s24 =	sadd.s32 s19, s3;
	s13 =	sadd.s32 s13, s3  }
0x15: {  	[dreg:$0xd] =	wrdreg s22;
	s25 =	sadd.s32 $0xB0200, s5;
	s0 =	sadd.s32 s7, s0  }
0x16: {  	s7 =	sadd.s32 s12, s2;
	[dreg:$0x8] =	wrdreg s14;
	s9 =	sadd.s32 s9, s3  }
0x17: {  	s14 =	sadd.s32 s26, s2;
	[dreg:$0xe] =	wrdreg s25;
	s26 =	smax.u32 s20, $0x1  }
0x18: {  	s23 =	sshrl.u32 s23, $0x3;
	s24 =	sshrl.u32 s24, $0x3;
	s25 =	sshrl.u32 s13, $0x3  }
0x19: {  	[dreg:$0x9] =	wrdreg s14;
	s14 =	sadd.s32 s18, s2;
	s12 =	sadd.s32 s12, s16  }
0x1a: {  	s18 =	sadd.s32 $0x89000, s11;
	s0 =	sadd.s32 $0x2A200, s0;
	[dreg:$0x10] =	wrdreg s26  }
0x1b: {  	s22 =	sshrl.u32 s9, $0x3;
	s26 =	simm.s32 $0x6;
	[dreg:$0xa] =	wrdreg s14  }
0x1c: {  	s14 =	sadd.s32 s21, s2;
	s12 =	sshrl.u32 s12, $0x3;
	[dreg:$0xf] =	wrdreg s0  }
0x1d: {  	s21 =	simm.s32 $0x11D00;
	[dreg:$0xb] =	wrdreg s14;
	s1 =	sadd.s32 s1, s12  }
0x1e: {  	v0 =	vimm.f32 $0.0e+00;
	s0 =	simm.s32 $0x4;
	[dreg:$0xc] =	wrdreg s1;
	s1 =	simm.s32 $0xDE80  }
.LBB2_1:
0x1f: {  	s8 =	simm.s32 $0x100;
	s5 =	simm.s32 $0x0  }
.LBB2_2:
0x20: {  	p1 =	sne.s32 s8, $0x7F00;
	[tilespmem:s5+$0x11D30] =	vst v0;
	s9 =	smov.u32 s8;
	s8 =	sadd.s32 $0x100, s8  }
.Ltmp0:
0x21: {  	[tilespmem:s5+$0x11D20] =	vst v0;
	(pc) =	sbr.rel @p1 .LBB2_2-.Ltmp0, $3  }
0x22: {  	[tilespmem:s5+$0x11D00] =	vst v0  }
0x23: {  	[tilespmem:s5+$0x11D10] =	vst v0;
	_ =	sdelay $0x1  }
0x24: {  	s5 =	sshra.s32 s9, $0x2  }
0x25: {  	[tilespmem:s5+$0x11D30] =	vst v0  }
0x26: {  	[tilespmem:s5+$0x11D20] =	vst v0  }
0x27: {  	[tilespmem:s5+$0x11D00] =	vst v0  }
0x28: {  	[tilespmem:s5+$0x11D10] =	vst v0;
	s11 =	rddreg [dreg:$0x7]  }
0x29: {  	[spmem:s7] =	stream.linear.scatter [tilespmem:s21], [sflag:$0x5], $0x2000, $0x38;
	[tilespmem:$0x1F8D0] =	vst v63  }
0x2a: {  	s5 =	sshrl.u32 s11, $0x3  }
0x2b: {  	[spmem:s5], [sflag:s10] =	dma.local [hbm:s6], $0x80  }
0x2c: {  	s8 =	rddreg [dreg:$0x8]  }
0x2d: {  	[spmem:s8] =	stream.linear.scatter [tilespmem:s21], [sflag:$0x5], $0x2000, $0x38;
	[tilespmem:$0x1F8D0] =	vst v63  }
0x2e: {  	[spmem:s22], [sflag:s10] =	dma.local [hbm:s6], $0x80  }
0x2f: {  	s12 =	rddreg [dreg:$0x9]  }
0x30: {  	[spmem:s12] =	stream.linear.scatter [tilespmem:s21], [sflag:$0x5], $0x2000, $0x38;
	[tilespmem:$0x1F8D0] =	vst v63  }
0x31: {  	[spmem:s23], [sflag:s10] =	dma.local [hbm:s6], $0x80  }
0x32: {  	s13 =	rddreg [dreg:$0xa]  }
0x33: {  	[spmem:s13] =	stream.linear.scatter [tilespmem:s21], [sflag:$0x5], $0x2000, $0x38;
	[tilespmem:$0x1F8D0] =	vst v63  }
0x34: {  	[spmem:s24], [sflag:s10] =	dma.local [hbm:s6], $0x80  }
0x35: {  	s14 =	rddreg [dreg:$0xb]  }
0x36: {  	[spmem:s14] =	stream.linear.scatter [tilespmem:s21], [sflag:$0x5], $0x2000, $0x38;
	[tilespmem:$0x1F8D0] =	vst v63  }
0x37: {  	[spmem:s25], [sflag:s10] =	dma.local [hbm:s6], $0x80  }
0x38: {  	s15 =	simm.s32 $0x0;
	s9 =	rddreg [dreg:$0xd]  }
0x39: {  	[tilespmem:s15], [sflag:$0x6] =	stream.linear.gather [hbm4b:s9+s15], $0x5000, $0x38;
	[tilespmem:$0x1F8D0] =	vst v63  }
0x3a: {  	_ =	swait.ge [sflag:s26], $0x5000  }
0x3b: {  	[sflag:s26] =	ssyncset.done $0x0  }
0x3c: {  	s11 =	simm.s32 $0x5000;
	s16 =	rddreg [dreg:$0xe];
	[sflag:s26] =	ssyncadd.s32 $0xFFFFB000  }
0x3d: {  	[tilespmem:s11], [sflag:$0x6] =	stream.linear.gather [hbm4b:s16+s15], $0x5000, $0x38;
	[tilespmem:$0x1F8D0] =	vst v63  }
0x3e: {  	_ =	swait.ge [sflag:s26], $0x5000  }
0x3f: {  	[sflag:s26] =	ssyncset.done $0x0  }
0x40: {  	[sflag:s26] =	ssyncadd.s32 $0xFFFFB000  }
0x41: {  	[tilespmem:s30], [sflag:$0x1] =	stream.indirect.gather [hbm4b:s18+s29], $0x40, s15, s29, $0xb8;
	[tilespmem:$0x1F8D0] =	vst v63  }
0x42: {  	s17 =	simm.s32 $0x100  }
0x43: {  	[tilespmem:s1], [sflag:$0x2] =	stream.indirect.gather [hbm4b:s18+s29], $0x40, s17, s29, $0xb8;
	[tilespmem:$0x1F8D0] =	vst v63  }
0x44: {  	s20 =	simm.s32 $0x13D00;
	s19 =	rddreg [dreg:$0x5]  }
0x45: {  	[tilespmem:s20], [sflag:$0x6] =	stream.linear.gather [hbm4b:s19+s15], $0x7D0, $0x38;
	[tilespmem:$0x1F8D0] =	vst v63  }
0x46: {  	_ =	swait.ge [sflag:s26], $0x7D0  }
0x47: {  	[sflag:s26] =	ssyncset.done $0x0  }
0x48: {  	[sflag:s26] =	ssyncadd.s32 $0xFFFFF830  }
0x49: {  	_ =	swait.ge [sflag:s28], $0x2000  }
0x4a: {  	[sflag:s28] =	ssyncset.done $0x0  }
0x4b: {  	[sflag:s28] =	ssyncadd.s32 $0xFFFFE000  }
0x4c: {  	_ =	swait.ge [sflag:s28], $0x80  }
0x4d: {  	[sflag:s28] =	ssyncset.done $0x0  }
0x4e: {  	[sflag:s28] =	ssyncadd.s32 $0xFFFFFF80  }
0x4f: {  	_ =	swait.ge [sflag:s28], $0x2000  }
0x50: {  	[sflag:s28] =	ssyncset.done $0x0  }
0x51: {  	[sflag:s28] =	ssyncadd.s32 $0xFFFFE000  }
0x52: {  	_ =	swait.ge [sflag:s28], $0x80  }
0x53: {  	[sflag:s28] =	ssyncset.done $0x0  }
0x54: {  	[sflag:s28] =	ssyncadd.s32 $0xFFFFFF80  }
0x55: {  	_ =	swait.ge [sflag:s28], $0x2000  }
0x56: {  	[sflag:s28] =	ssyncset.done $0x0  }
0x57: {  	[sflag:s28] =	ssyncadd.s32 $0xFFFFE000  }
0x58: {  	_ =	swait.ge [sflag:s28], $0x80  }
0x59: {  	[sflag:s28] =	ssyncset.done $0x0  }
0x5a: {  	[sflag:s28] =	ssyncadd.s32 $0xFFFFFF80  }
0x5b: {  	_ =	swait.ge [sflag:s28], $0x2000  }
0x5c: {  	[sflag:s28] =	ssyncset.done $0x0  }
0x5d: {  	[sflag:s28] =	ssyncadd.s32 $0xFFFFE000  }
0x5e: {  	_ =	swait.ge [sflag:s28], $0x80  }
0x5f: {  	[sflag:s28] =	ssyncset.done $0x0  }
0x60: {  	[sflag:s28] =	ssyncadd.s32 $0xFFFFFF80  }
0x61: {  	_ =	swait.ge [sflag:s28], $0x2000  }
0x62: {  	[sflag:s28] =	ssyncset.done $0x0  }
0x63: {  	[sflag:s28] =	ssyncadd.s32 $0xFFFFE000  }
0x64: {  	_ =	swait.ge [sflag:s28], $0x80  }
0x65: {  	[sflag:s28] =	ssyncset.done $0x0  }
0x66: {  	p1 =	por $0x0, $0x0;
	[sflag:s28] =	ssyncadd.s32 $0xFFFFFF80  }
0x67: {  	s8 =	simm.s32 $0x1;
	s9 =	simm.s32 $0x1;
	[bflag:$0x0] =	sbarrier.arrive $0xFFFF  }
0x68: {  	s8 =	simm.s32 @!p1 $0x0;
	s9 =	simm.s32 @!p0 $0x0;
	_ =	swait.ge [sflag:s31], $0x3E80  }
0x69: {  	p1 =	seq.s32 s9, s8;
	[sflag:s31] =	ssyncset.done $0x0  }
0x6a: {  	s8 =	simm.s32 $0x5000;
	s11 =	simm.s32 @p1 $0x3;
	[sflag:s31] =	ssyncadd.s32 $0xFFFFC180  }
0x6b: {  	[spmem:s2] =	stream.indirect.scatter.add.f32 [tilespmem:s30], [sflag:$0x3], $0x40, s8, s29, $0xb8;
	[tilespmem:$0x1F8D0] =	vst v63  }
0x6c: {  	_ =	swait.ge @p1 [sflag:s11], $0x3E80  }
0x6d: {  	s12 =	simm.s32 @p1 $0xA000;
	s13 =	simm.s32 @p1 $0x200;
	[sflag:s11] =	ssyncset.done @p1 $0x0  }
0x6e: {  	s14 =	simm.s32 @p1 $0xFA;
	[sflag:s11] =	ssyncadd.s32 @p1 $0xFFFFC180;
	s11 =	simm.s32 @p1 $0x2  }
0x6f: {  	[tilespmem:s12], [sflag:$0x1] =	stream.indirect.gather @p1 [hbm4b:s18+s14], $0x40, s13, s14, $0xb8;
	[tilespmem:$0x1F8D0] =	vst v63  }
0x70: {  	_ =	swait.ge @p1 [sflag:s11], $0x3E80  }
0x71: {  	[sflag:s11] =	ssyncset.done @p1 $0x0  }
0x72: {  	s12 =	simm.s32 $0x5100;
	s13 =	simm.s32 @p1 $0xDE80;
	[sflag:s11] =	ssyncadd.s32 @p1 $0xFFFFC180  }
0x73: {  	[spmem:s2] =	stream.indirect.scatter.add.f32 @p1 [tilespmem:s13], [sflag:$0x4], $0x40, s12, s14, $0xb8;
	[tilespmem:$0x1F8D0] =	vst v63  }
0x74: {  	s11 =	simm.s32 @!p1 $0xFA;
	s13 =	simm.s32 @!p1 $0x13D00;
	s14 =	simm.s32 @!p1 $0x5  }
0x75: {  	[spmem:s3] =	stream.indirect.scatter.add.f32 @!p1 [tilespmem:s13], [sflag:$0x5], $0x8, s8, s11, $0xb8;
	[tilespmem:$0x1F8D0] =	vst v63  }
0x76: {  	_ =	swait.ge @!p1 [sflag:s14], $0x7D0  }
0x77: {  	[sflag:s14] =	ssyncset.done @!p1 $0x0  }
0x78: {  	s8 =	simm.s32 @!p1 $0x3;
	[sflag:s14] =	ssyncadd.s32 @!p1 $0xFFFFF830  }
0x79: {  	_ =	swait.ge @!p1 [sflag:s8], $0x3E80  }
0x7a: {  	[sflag:s8] =	ssyncset.done @!p1 $0x0  }
0x7b: {  	s15 =	simm.s32 @!p1 $0x200;
	[sflag:s8] =	ssyncadd.s32 @!p1 $0xFFFFC180;
	s8 =	simm.s32 @!p1 $0xA000  }
0x7c: {  	[tilespmem:s8], [sflag:$0x1] =	stream.indirect.gather @!p1 [hbm4b:s18+s11], $0x40, s15, s11, $0xb8;
	[tilespmem:$0x1F8D0] =	vst v63  }
0x7d: {  	s8 =	simm.s32 @!p1 $0x2  }
0x7e: {  	_ =	swait.ge @!p1 [sflag:s8], $0x3E80  }
0x7f: {  	[sflag:s8] =	ssyncset.done @!p1 $0x0  }
0x80: {  	[sflag:s8] =	ssyncadd.s32 @!p1 $0xFFFFC180;
	s8 =	simm.s32 @!p1 $0xDE80  }
0x81: {  	[spmem:s2] =	stream.indirect.scatter.add.f32 @!p1 [tilespmem:s8], [sflag:$0x4], $0x40, s12, s11, $0xb8;
	[tilespmem:$0x1F8D0] =	vst v63  }
0x82: {  	_ = 	snop  }
0x83: {  	[spmem:s3] =	stream.indirect.scatter.add.f32 @!p1 [tilespmem:s13], [sflag:$0x5], $0x8, s12, s11, $0xb8;
	[tilespmem:$0x1F8D0] =	vst v63  }
0x84: {  	_ =	swait.ge @!p1 [sflag:s14], $0x7D0  }
0x85: {  	[sflag:s14] =	ssyncset.done @!p1 $0x0  }
0x86: {  	[sflag:s14] =	ssyncadd.s32 @!p1 $0xFFFFF830  }
0x87: {  	s8 =	simm.s32 $0x5300;
	s13 =	simm.s32 $0x300;
	_ =	swait.ge [sflag:s0], $0x3E80  }
0x88: {  	s11 =	simm.s32 $0x1;
	s12 =	simm.s32 $0x500;
	[sflag:s0] =	ssyncset.done $0x0  }
.LBB2_4:
0x89: {  	p1 =	sgt.u32 s11, $0x13;
	s11 =	sadd.s32 $0x1, s11;
	[sflag:s0] =	ssyncadd.s32 $0xFFFFC180  }
0x8a: {  	[tilespmem:s1], [sflag:$0x2] =	stream.indirect.gather [hbm4b:s18+s29], $0x40, s13, s29, $0xb8;
	[tilespmem:$0x1F8D0] =	vst v63  }
0x8b: {  	s13 =	simm.s32 $0x1  }
0x8c: {  	_ =	swait.ge [sflag:s31], $0x3E80;
	s13 =	simm.s32 @!p1 $0x0  }
0x8d: {  	s14 =	sadd.s32 $0xFFFFFF00, s8;
	[sflag:s31] =	ssyncset.done $0x0;
	p2 =	seq.s32 s9, s13  }
0x8e: {  	p1 =	sne.s32 s11, $0x27;
	[sflag:s31] =	ssyncadd.s32 $0xFFFFC180;
	s15 =	simm.s32 @p2 $0x3  }
0x8f: {  	[spmem:s2] =	stream.indirect.scatter.add.f32 [tilespmem:s30], [sflag:$0x3], $0x40, s14, s29, $0xb8;
	[tilespmem:$0x1F8D0] =	vst v63  }
0x90: {  	s13 =	smov.u32 s12;
	s16 =	simm.s32 @p2 $0xA000;
	_ =	swait.ge @p2 [sflag:s15], $0x3E80  }
0x91: {  	s17 =	sadd.s32 @p2 $0xFFFFFF00, s12;
	s19 =	simm.s32 @p2 $0xFA;
	[sflag:s15] =	ssyncset.done @p2 $0x0  }
0x92: {  	[sflag:s15] =	ssyncadd.s32 @p2 $0xFFFFC180;
	s15 =	simm.s32 @p2 $0x2  }
0x93: {  	[tilespmem:s16], [sflag:$0x1] =	stream.indirect.gather @p2 [hbm4b:s18+s19], $0x40, s17, s19, $0xb8;
	[tilespmem:$0x1F8D0] =	vst v63  }
0x94: {  	_ =	swait.ge @p2 [sflag:s15], $0x3E80  }
0x95: {  	s16 =	simm.s32 @p2 $0xDE80;
	[sflag:s15] =	ssyncset.done @p2 $0x0  }
0x96: {  	s17 =	simm.s32 @!p2 $0x13D00;
	[sflag:s15] =	ssyncadd.s32 @p2 $0xFFFFC180;
	s15 =	simm.s32 @!p2 $0xFA  }
0x97: {  	[spmem:s2] =	stream.indirect.scatter.add.f32 @p2 [tilespmem:s16], [sflag:$0x4], $0x40, s8, s19, $0xb8;
	[tilespmem:$0x1F8D0] =	vst v63  }
0x98: {  	s16 =	simm.s32 @!p2 $0x5  }
0x99: {  	[spmem:s3] =	stream.indirect.scatter.add.f32 @!p2 [tilespmem:s17], [sflag:$0x5], $0x8, s14, s15, $0xb8;
	[tilespmem:$0x1F8D0] =	vst v63  }
0x9a: {  	_ =	swait.ge @!p2 [sflag:s16], $0x7D0  }
0x9b: {  	s14 =	simm.s32 @!p2 $0x3;
	[sflag:s16] =	ssyncset.done @!p2 $0x0  }
0x9c: {  	[sflag:s16] =	ssyncadd.s32 @!p2 $0xFFFFF830  }
0x9d: {  	_ =	swait.ge @!p2 [sflag:s14], $0x3E80  }
0x9e: {  	s20 =	simm.s32 @!p2 $0xA000;
	s19 =	sadd.s32 @!p2 $0xFFFFFF00, s12;
	[sflag:s14] =	ssyncset.done @!p2 $0x0  }
0x9f: {  	[sflag:s14] =	ssyncadd.s32 @!p2 $0xFFFFC180;
	s14 =	simm.s32 @!p2 $0x2  }
0xa0: {  	[tilespmem:s20], [sflag:$0x1] =	stream.indirect.gather @!p2 [hbm4b:s18+s15], $0x40, s19, s15, $0xb8;
	[tilespmem:$0x1F8D0] =	vst v63  }
0xa1: {  	_ =	swait.ge @!p2 [sflag:s14], $0x3E80  }
0xa2: {  	s19 =	simm.s32 @!p2 $0xDE80;
	[sflag:s14] =	ssyncset.done @!p2 $0x0  }
0xa3: {  	[sflag:s14] =	ssyncadd.s32 @!p2 $0xFFFFC180  }
0xa4: {  	[spmem:s2] =	stream.indirect.scatter.add.f32 @!p2 [tilespmem:s19], [sflag:$0x4], $0x40, s8, s15, $0xb8;
	[tilespmem:$0x1F8D0] =	vst v63  }
0xa5: {  	_ = 	snop  }
0xa6: {  	[spmem:s3] =	stream.indirect.scatter.add.f32 @!p2 [tilespmem:s17], [sflag:$0x5], $0x8, s8, s15, $0xb8;
	[tilespmem:$0x1F8D0] =	vst v63  }
.Ltmp1:
0xa7: {  	_ =	swait.ge @!p2 [sflag:s16], $0x7D0;
	(pc) =	sbr.rel @p1 .LBB2_4-.Ltmp1, $4  }
0xa8: {  	[sflag:s16] =	ssyncset.done @!p2 $0x0  }
0xa9: {  	[sflag:s16] =	ssyncadd.s32 @!p2 $0xFFFFF830  }
0xaa: {  	_ =	swait.ge [sflag:s0], $0x3E80  }
0xab: {  	s12 =	sadd.s32 $0x200, s12;
	s8 =	sadd.s32 $0x200, s8;
	[sflag:s0] =	ssyncset.done $0x0  }
0xac: {  	[sflag:s0] =	ssyncadd.s32 $0xFFFFC180  }
0xad: {  	[tilespmem:s1], [sflag:$0x2] =	stream.indirect.gather [hbm4b:s18+s29], $0x40, s13, s29, $0xb8;
	[tilespmem:$0x1F8D0] =	vst v63  }
0xae: {  	_ =	swait.ge [sflag:s31], $0x3E80  }
0xaf: {  	[sflag:s31] =	ssyncset.done $0x0  }
0xb0: {  	s8 =	simm.s32 $0x9E00;
	[sflag:s31] =	ssyncadd.s32 $0xFFFFC180  }
0xb1: {  	[spmem:s2] =	stream.indirect.scatter.add.f32 [tilespmem:s30], [sflag:$0x3], $0x40, s8, s29, $0xb8;
	[tilespmem:$0x1F8D0] =	vst v63  }
0xb2: {  	s8 =	simm.s32 @p0 $0x3  }
0xb3: {  	_ =	swait.ge @p0 [sflag:s8], $0x3E80  }
0xb4: {  	[sflag:s8] =	ssyncset.done @p0 $0x0  }
0xb5: {  	[sflag:s8] =	ssyncadd.s32 @p0 $0xFFFFC180;
	s8 =	simm.s32 @p0 $0x2  }
0xb6: {  	_ =	swait.ge @p0 [sflag:s8], $0x3E80  }
0xb7: {  	s9 =	simm.s32 @p0 $0x9F00;
	[sflag:s8] =	ssyncset.done @p0 $0x0  }
0xb8: {  	s11 =	simm.s32 @p0 $0xDE80;
	[sflag:s8] =	ssyncadd.s32 @p0 $0xFFFFC180;
	s8 =	simm.s32 @p0 $0xFA  }
0xb9: {  	[spmem:s2] =	stream.indirect.scatter.add.f32 @p0 [tilespmem:s11], [sflag:$0x4], $0x40, s9, s8, $0xb8;
	[tilespmem:$0x1F8D0] =	vst v63  }
0xba: {  	s8 =	simm.s32 @!p0 $0xFA;
	s9 =	simm.s32 @!p0 $0x9E00;
	s11 =	simm.s32 @!p0 $0x13D00  }
0xbb: {  	[spmem:s3] =	stream.indirect.scatter.add.f32 @!p0 [tilespmem:s11], [sflag:$0x5], $0x8, s9, s8, $0xb8;
	[tilespmem:$0x1F8D0] =	vst v63  }
0xbc: {  	s9 =	simm.s32 @!p0 $0x5  }
0xbd: {  	_ =	swait.ge @!p0 [sflag:s9], $0x7D0  }
0xbe: {  	[sflag:s9] =	ssyncset.done @!p0 $0x0  }
0xbf: {  	s12 =	simm.s32 @!p0 $0x3;
	[sflag:s9] =	ssyncadd.s32 @!p0 $0xFFFFF830  }
0xc0: {  	_ =	swait.ge @!p0 [sflag:s12], $0x3E80  }
0xc1: {  	[sflag:s12] =	ssyncset.done @!p0 $0x0  }
0xc2: {  	[sflag:s12] =	ssyncadd.s32 @!p0 $0xFFFFC180;
	s12 =	simm.s32 @!p0 $0x2  }
0xc3: {  	_ =	swait.ge @!p0 [sflag:s12], $0x3E80  }
0xc4: {  	[sflag:s12] =	ssyncset.done @!p0 $0x0  }
0xc5: {  	s13 =	simm.s32 @!p0 $0xDE80;
	[sflag:s12] =	ssyncadd.s32 @!p0 $0xFFFFC180;
	s12 =	simm.s32 @!p0 $0x9F00  }
0xc6: {  	[spmem:s2] =	stream.indirect.scatter.add.f32 @!p0 [tilespmem:s13], [sflag:$0x4], $0x40, s12, s8, $0xb8;
	[tilespmem:$0x1F8D0] =	vst v63  }
0xc7: {  	_ = 	snop  }
0xc8: {  	[spmem:s3] =	stream.indirect.scatter.add.f32 @!p0 [tilespmem:s11], [sflag:$0x5], $0x8, s12, s8, $0xb8;
	[tilespmem:$0x1F8D0] =	vst v63  }
0xc9: {  	_ =	swait.ge @!p0 [sflag:s9], $0x7D0  }
0xca: {  	[sflag:s9] =	ssyncset.done @!p0 $0x0  }
0xcb: {  	[sflag:s9] =	ssyncadd.s32 @!p0 $0xFFFFF830  }
0xcc: {  	_ =	swait.ge [sflag:s0], $0x3E80  }
0xcd: {  	[sflag:s0] =	ssyncset.done $0x0  }
0xce: {  	[sflag:s0] =	ssyncadd.s32 $0xFFFFC180  }
0xcf: {  	[bflag:$0x0] =	sbarrier.arrive $0xFFFF  }
0xd0: {  	s15 =	rddreg [dreg:$0x6]  }
0xd1: {  	s16 =	sshrl.u32 s7, $0x3;
	s17 =	rddreg [dreg:$0xc];
	s8 =	sor.u32 $0x1C06, s15  }
0xd2: {  	[hbm:s17], [sflag:s8] =	dma.local [spmem:s16], $0x1400  }
0xd3: {  	_ =	swait.ge [sflag:s26], $0x1400  }
0xd4: {  	[sflag:s26] =	ssyncset.done $0x0  }
0xd5: {  	s19 =	rddreg [dreg:$0xf];
	[sflag:s26] =	ssyncadd.s32 $0xFFFFEC00  }
0xd6: {  	[hbm:s19], [sflag:s8] =	dma.local [spmem:s5], $0x280  }
0xd7: {  	_ =	swait.ge [sflag:s26], $0x280  }
0xd8: {  	s4 =	sadd.s32 $0x1, s4;
	s20 =	rddreg [dreg:$0x10]  }
0xd9: {  	p1 =	sne.s32 s4, s20  }
.Ltmp2:
0xda: {  	_ = 	snop;
	(pc) =	sbr.rel @p1 .LBB2_1-.Ltmp2, $3  }
0xdb: {  	_ =	sdelay $0x1  }
0xdc: {  	[sflag:s26] =	ssyncset.done $0x0  }
0xdd: {  	[sflag:s26] =	ssyncadd.s32 $0xFFFFFD80  }
0xde: {  	_ =	sfence.sel $0x180000  }
0xdf: {  	[bflag:$0x0] =	sbarrier.arrive $0xFFFF  }
0xe0: {  	_ =	strace $0x9000004A  }
0xe1: {  	s0 =	stileid.u32;
	[bflag:$0x2] =	sbarrier.arrive $0xFFFF  }
0xe2: {  	p0 =	sne.s32 s0, $0x0;
	s0 =	rddreg [dreg:$0x4]  }
0xe3: {  	s0 =	sadd.s32 @!p0 $0x100000, s0  }
0xe4: {  	[sflag:s0] =	ssyncadd.tile.s32 @!p0 $0x1;
	_ =	shalt  }
.Lfunc_end2:
_tile_overlayer_lowered:
.L_overlay_start_2:
0xe5: {  	(tag) =	ssettag $0x2  }
0xe6: {  	s0 =	rddreg [dreg:$0x0];
	s2 =	stileid.u32  }
0xe7: {  	s1 =	rddreg [dreg:$0x1];
	p0 =	sne.s32 s2, $0x0  }
0xe8: {  	s3 =	rddreg [dreg:$0x2];
	[bflag:$0x3] =	sbarrier.arrive $0xFFFF;
	s2 =	simm.s32 @!p0 $0x1C06  }
0xe9: {  	[timem:s3], [sflag:s2] =	dma.local @!p0 [hbm:s0], s1  }
0xea: {  	s0 =	simm.s32 @!p0 $0x6  }
0xeb: {  	_ =	swait.ge @!p0 [sflag:s0], s1  }
0xec: {  	s1 =	ssub.s32 @!p0 $0x0, s1;
	[sflag:s0] =	ssyncset.done @!p0 $0x0  }
0xed: {  	[sflag:s0] =	ssyncadd.s32 @!p0 s1  }
0xee: {  	[bflag:$0x3] =	sbarrier.arrive $0xFFFF  }
0xef: {  	_ =	shalt  }

</sc_bundles>
